<compile_context>
chip_gen: v7x
topology: tpu7x:2x2x1
jax: 0.10.2.dev20260603
libtpu: 0.0.44.dev20260713+nightly
codegen_flags: <defaults>
</compile_context>

<pallas_src>
import functools

import jax
import jax.numpy as jnp
from jax import lax
from jax.experimental import pallas as pl
from jax.experimental.pallas import tpu as pltpu
from jax.experimental.pallas import tpu_sc as plsc

BATCH = 16384
EMB_DIM = 4096
NUM_CORES = 2
NUM_SUBCORES = 16
NUM_WORKERS = NUM_CORES * NUM_SUBCORES
BPW = BATCH // NUM_WORKERS
K = 8
CHW = K * EMB_DIM
UNROLL = 8
ADD_ITERS = EMB_DIM // 16 // UNROLL


def kernel(condition, image_emb, emb_table):
    mesh = plsc.VectorSubcoreMesh(core_axis_name="c", subcore_axis_name="s")

    @functools.partial(
        pl.kernel,
        mesh=mesh,
        out_type=jax.ShapeDtypeStruct((BATCH, EMB_DIM), jnp.float32),
        scratch_types=[
            pltpu.VMEM((BPW,), jnp.int32),
            pltpu.VMEM((K, EMB_DIM), jnp.float32),
            pltpu.VMEM((K, EMB_DIM), jnp.float32),
            pltpu.VMEM((K, EMB_DIM), jnp.float32),
            pltpu.SemaphoreType.DMA,
            pltpu.SemaphoreType.DMA,
            pltpu.SemaphoreType.DMA,
            pltpu.SemaphoreType.DMA,
        ],
    )
    def run(cond_hbm, img_hbm, table_hbm, out_hbm,
            idx_v, rows0, rows1, img_v, sem_g, sem_i, sem_o0, sem_o1):
        wid = lax.axis_index("s") * NUM_CORES + lax.axis_index("c")
        base = wid * BPW
        pltpu.sync_copy(cond_hbm.at[pl.ds(base, BPW)], idx_v)

        rows_bufs = (rows0, rows1)
        out_sems = (sem_o0, sem_o1)

        def drain(sem, buf):
            pltpu.make_async_copy(table_hbm.at[pl.ds(0, K)], buf, sem).wait()

        def group_body(g, carry):
            for half in range(2):
                j = g * 2 + half
                rows_b = rows_bufs[half]
                sem_o = out_sems[half]
                start = base + j * K

                @pl.when(g > 0)
                def _(rows_b=rows_b, sem_o=sem_o):
                    drain(sem_o, rows_b)

                gth = pltpu.async_copy(
                    table_hbm.at[idx_v.at[pl.ds(j * K, K)]], rows_b, sem_g
                )
                im = pltpu.async_copy(
                    img_hbm.at[pl.ds(start, K)], img_v, sem_i
                )
                gth.wait()
                im.wait()

                for r in range(K):
                    def add_body(t, c2, r=r, rows_b=rows_b):
                        for uu in range(UNROLL):
                            sl = pl.ds((t * UNROLL + uu) * 16, 16)
                            rows_b[r, sl] = rows_b[r, sl] + img_v[r, sl]
                        return c2

                    lax.fori_loop(0, ADD_ITERS, add_body, 0)

                pltpu.async_copy(rows_b, out_hbm.at[pl.ds(start, K)], sem_o)
            return carry

        lax.fori_loop(0, BPW // 16, group_body, 0)
        drain(sem_o0, rows0)
        drain(sem_o1, rows1)

    return run(condition, image_emb, emb_table)

# --- scband reference (transcript-rebuilt; emitter-appended) ---
"""Pipeline reference for scband-fusion-model-83038897701117 (READ-ONLY COPY).

The authoritative reference and input builder live on the scoring server;
editing this copy changes nothing except your own understanding.
"""

import jax, jax.numpy as jnp
import numpy as np

BATCH = 16384
NUM_CLASSES = 1000
EMB_DIM = 4096

def setup_inputs(seed: int = 0) -> dict:
    key = jax.random.key(seed)
    k1, k2, k3 = jax.random.split(key, 3)
    condition = jax.random.randint(k1, (BATCH,), 0, NUM_CLASSES, dtype=jnp.int64 if jax.config.jax_enable_x64 else jnp.int32)
    image_emb = jax.random.normal(k2, (BATCH, EMB_DIM), dtype=jnp.float32)
    # learned parameter: embedding table (nn.Embedding(num_classes, emb_dim))
    emb_table = jax.random.normal(k3, (NUM_CLASSES, EMB_DIM), dtype=jnp.float32)
    return {"condition": condition, "image_emb": image_emb, "emb_table": emb_table}

def reference(condition, image_emb, emb_table):
    # cond_emb = self.embedding(condition)
    cond_emb = jnp.take(emb_table, condition, axis=0)
    # return cond_emb + image_emb
    return cond_emb + image_emb

if __name__ == "__main__":
    import jax
    _d = setup_inputs()
    print(jax.jit(kernel)(*tuple(_d.values())))

</pallas_src>

<mosaic_0001>
#map = affine_map<(d0, d1) -> (0)>
#map1 = affine_map<(d0, d1) -> (0, 0)>
module attributes {stable_mosaic.version = 14 : i64} {
  func.func @run(%arg0: i32, %arg1: i32, %arg2: memref<16384xi32, #tpu.memory_space<hbm>>, %arg3: memref<16384x4096xf32, #tpu.memory_space<hbm>>, %arg4: memref<1000x4096xf32, #tpu.memory_space<hbm>>, %arg5: memref<16384x4096xf32, #tpu.memory_space<hbm>>, %arg6: memref<512xi32, #tpu.memory_space<vmem>>, %arg7: memref<8x4096xf32, #tpu.memory_space<vmem>>, %arg8: memref<8x4096xf32, #tpu.memory_space<vmem>>, %arg9: memref<8x4096xf32, #tpu.memory_space<vmem>>, %arg10: memref<!tpu.dma_semaphore, #tpu.memory_space<semaphore_mem>>, %arg11: memref<!tpu.dma_semaphore, #tpu.memory_space<semaphore_mem>>, %arg12: memref<!tpu.dma_semaphore, #tpu.memory_space<semaphore_mem>>, %arg13: memref<!tpu.dma_semaphore, #tpu.memory_space<semaphore_mem>>) attributes {dimension_semantics = [#tpu.dimension_semantics<core_parallel>, #tpu.dimension_semantics<subcore_parallel>], iteration_bounds = array<i64: 2, 16>, scalar_prefetch = 0 : i64, scratch_operands = 8 : i64, tpu.core_type = #tpu.core_type<sc_vector_subcore>, window_params = [{transform_indices = #map}, {transform_indices = #map1}, {transform_indices = #map1}, {transform_indices = #map1}]} {
    %mul3A = arith.constant 2 : i32
    %mul3A_0 = arith.muli %arg1, %mul3A : i32
    %add3A = arith.addi %mul3A_0, %arg0 : i32
    %mul3A_1 = arith.constant 512 : i32
    %mul3A_2 = arith.muli %add3A, %mul3A_1 : i32
    "tpu.region"() ({
      %run_scoped3A = tpu.sem_alloc : memref<!tpu.dma_semaphore, #tpu.memory_space<semaphore_mem>>
      %dma_start3A = tpu.memref_slice %arg2[%mul3A_2] : memref<16384xi32, #tpu.memory_space<hbm>> -> memref<512xi32, #tpu.memory_space<hbm>>
      %dma_start3A_19 = tpu.memref_slice %arg2[%mul3A_2] : memref<16384xi32, #tpu.memory_space<hbm>> -> memref<512xi32, #tpu.memory_space<hbm>>
      tpu.enqueue_dma source(%dma_start3A_19 : memref<512xi32, #tpu.memory_space<hbm>>) target(%arg6 : memref<512xi32, #tpu.memory_space<vmem>>) target_semaphore(%run_scoped3A : memref<!tpu.dma_semaphore, #tpu.memory_space<semaphore_mem>>)
      %dma_wait3A_20 = tpu.memref_slice %arg2[%mul3A_2] : memref<16384xi32, #tpu.memory_space<hbm>> -> memref<512xi32, #tpu.memory_space<hbm>>
      %dma_wait3A_21 = tpu.memref_slice %arg2[%mul3A_2] : memref<16384xi32, #tpu.memory_space<hbm>> -> memref<512xi32, #tpu.memory_space<hbm>>
      tpu.wait_dma2 semaphore(%run_scoped3A : memref<!tpu.dma_semaphore, #tpu.memory_space<semaphore_mem>>) src(%dma_wait3A_21 : memref<512xi32, #tpu.memory_space<hbm>>) dst(%arg6 : memref<512xi32, #tpu.memory_space<vmem>>)
      tpu.yield
    }) : () -> ()
    %scan3A = arith.constant 0 : i32
    %scan3A_3 = arith.constant 0 : i32
    %scan3A_4 = arith.constant 32 : i32
    %scan3A_5 = arith.addi %scan3A_3, %scan3A_4 : i32
    %scan3A_6 = arith.constant 1 : i32
    scf.for %scan3A_19 = %scan3A_3 to %scan3A_5 step %scan3A_6  : i32 {
      %mul3A_20 = arith.constant 2 : i32
      %mul3A_21 = arith.muli %scan3A_19, %mul3A_20 : i32
      %add3A_22 = arith.constant 0 : i32
      %add3A_23 = arith.addi %mul3A_21, %add3A_22 : i32
      %mul3A_24 = arith.constant 8 : i32
      %mul3A_25 = arith.muli %add3A_23, %mul3A_24 : i32
      %add3A_26 = arith.addi %mul3A_2, %mul3A_25 : i32
      %gt3A = arith.constant 0 : i32
      %gt3A_27 = arith.cmpi sgt, %scan3A_19, %gt3A : i32
      %convert_element_type3A = arith.extui %gt3A_27 : i1 to i32
      %cond3A = arith.constant 0 : i32
      %cond3A_28 = arith.cmpi ne, %convert_element_type3A, %cond3A : i32
      scf.if %cond3A_28 {
        %dma_wait3A_180 = arith.constant 0 : i32
        %dma_wait3A_181 = arith.constant 0 : i32
        %dma_wait3A_182 = tpu.memref_slice %arg4[%dma_wait3A_180, %dma_wait3A_181] : memref<1000x4096xf32, #tpu.memory_space<hbm>> -> memref<8x4096xf32, #tpu.memory_space<hbm>>
        %dma_wait3A_183 = arith.constant 0 : i32
        %dma_wait3A_184 = arith.constant 0 : i32
        %dma_wait3A_185 = tpu.memref_slice %arg4[%dma_wait3A_183, %dma_wait3A_184] : memref<1000x4096xf32, #tpu.memory_space<hbm>> -> memref<8x4096xf32, #tpu.memory_space<hbm>>
        tpu.wait_dma2 semaphore(%arg12 : memref<!tpu.dma_semaphore, #tpu.memory_space<semaphore_mem>>) src(%dma_wait3A_185 : memref<8x4096xf32, #tpu.memory_space<hbm>>) dst(%arg7 : memref<8x4096xf32, #tpu.memory_space<vmem>>)
      } else {
      }
      %mul3A_29 = arith.constant 8 : i32
      %mul3A_30 = arith.muli %add3A_23, %mul3A_29 : i32
      %dma_start3A = tpu.memref_slice %arg6[%mul3A_30] : memref<512xi32, #tpu.memory_space<vmem>> -> memref<8xi32, #tpu.memory_space<vmem>>
      %dma_start3A_31 = arith.constant 0 : i32
      %dma_start3A_32 = arith.constant 0 : i32
      %dma_start3A_33 = tpu.memref_slice %arg4[%dma_start3A_31, %dma_start3A_32] : memref<1000x4096xf32, #tpu.memory_space<hbm>> -> memref<1000x4096xf32, #tpu.memory_space<hbm>>
      tpu.enqueue_indirect_dma source(%dma_start3A_33 : memref<1000x4096xf32, #tpu.memory_space<hbm>>) target(%arg7 : memref<8x4096xf32, #tpu.memory_space<vmem>>) offsets(%dma_start3A : memref<8xi32, #tpu.memory_space<vmem>>) semaphore(%arg10 : memref<!tpu.dma_semaphore, #tpu.memory_space<semaphore_mem>>)
      %dma_start3A_34 = arith.constant 0 : i32
      %dma_start3A_35 = tpu.memref_slice %arg3[%add3A_26, %dma_start3A_34] : memref<16384x4096xf32, #tpu.memory_space<hbm>> -> memref<8x4096xf32, #tpu.memory_space<hbm>>
      %dma_start3A_36 = arith.constant 0 : i32
      %dma_start3A_37 = tpu.memref_slice %arg3[%add3A_26, %dma_start3A_36] : memref<16384x4096xf32, #tpu.memory_space<hbm>> -> memref<8x4096xf32, #tpu.memory_space<hbm>>
      tpu.enqueue_dma source(%dma_start3A_37 : memref<8x4096xf32, #tpu.memory_space<hbm>>) target(%arg9 : memref<8x4096xf32, #tpu.memory_space<vmem>>) target_semaphore(%arg11 : memref<!tpu.dma_semaphore, #tpu.memory_space<semaphore_mem>>)
      %dma_wait3A_38 = tpu.memref_slice %arg6[%mul3A_30] : memref<512xi32, #tpu.memory_space<vmem>> -> memref<8xi32, #tpu.memory_space<vmem>>
      %dma_wait3A_39 = arith.constant 0 : i32
      %dma_wait3A_40 = arith.constant 0 : i32
      %dma_wait3A_41 = tpu.memref_slice %arg4[%dma_wait3A_39, %dma_wait3A_40] : memref<1000x4096xf32, #tpu.memory_space<hbm>> -> memref<1000x4096xf32, #tpu.memory_space<hbm>>
      tpu.wait_indirect_dma semaphore(%arg10 : memref<!tpu.dma_semaphore, #tpu.memory_space<semaphore_mem>>) src(%dma_wait3A_41 : memref<1000x4096xf32, #tpu.memory_space<hbm>>) dst(%arg7 : memref<8x4096xf32, #tpu.memory_space<vmem>>)
      %dma_wait3A_42 = arith.constant 0 : i32
      %dma_wait3A_43 = tpu.memref_slice %arg3[%add3A_26, %dma_wait3A_42] : memref<16384x4096xf32, #tpu.memory_space<hbm>> -> memref<8x4096xf32, #tpu.memory_space<hbm>>
      %dma_wait3A_44 = arith.constant 0 : i32
      %dma_wait3A_45 = tpu.memref_slice %arg3[%add3A_26, %dma_wait3A_44] : memref<16384x4096xf32, #tpu.memory_space<hbm>> -> memref<8x4096xf32, #tpu.memory_space<hbm>>
      tpu.wait_dma2 semaphore(%arg11 : memref<!tpu.dma_semaphore, #tpu.memory_space<semaphore_mem>>) src(%dma_wait3A_45 : memref<8x4096xf32, #tpu.memory_space<hbm>>) dst(%arg9 : memref<8x4096xf32, #tpu.memory_space<vmem>>)
      %scan3A_46 = arith.constant 0 : i32
      %scan3A_47 = arith.constant 0 : i32
      %scan3A_48 = arith.constant 32 : i32
      %scan3A_49 = arith.addi %scan3A_47, %scan3A_48 : i32
      %scan3A_50 = arith.constant 1 : i32
      scf.for %scan3A_180 = %scan3A_47 to %scan3A_49 step %scan3A_50  : i32 {
        %mul3A_181 = arith.constant 8 : i32
        %mul3A_182 = arith.muli %scan3A_180, %mul3A_181 : i32
        %add3A_183 = arith.constant 0 : i32
        %add3A_184 = arith.addi %mul3A_182, %add3A_183 : i32
        %mul3A_185 = arith.constant 16 : i32
        %mul3A_186 = arith.muli %add3A_184, %mul3A_185 : i32
        %get3A = arith.constant 0 : i32
        %get3A_187 = arith.index_cast %get3A : i32 to index
        %get3A_188 = arith.index_cast %mul3A_186 : i32 to index
        %get3A_189 = tpu.vector_load %arg7[%get3A_187, %get3A_188] {strides = array<i32>} : memref<8x4096xf32, #tpu.memory_space<vmem>>, vector<1x16xf32>,
        %get3A_190 = vector.shape_cast %get3A_189 : vector<1x16xf32> to vector<16xf32>
        %get3A_191 = arith.constant 0 : i32
        %get3A_192 = arith.index_cast %get3A_191 : i32 to index
        %get3A_193 = arith.index_cast %mul3A_186 : i32 to index
        %get3A_194 = tpu.vector_load %arg9[%get3A_192, %get3A_193] {strides = array<i32>} : memref<8x4096xf32, #tpu.memory_space<vmem>>, vector<1x16xf32>,
        %get3A_195 = vector.shape_cast %get3A_194 : vector<1x16xf32> to vector<16xf32>
        %add3A_196 = arith.addf %get3A_190, %get3A_195 : vector<16xf32>
        %swap3A = arith.constant 0 : i32
        %swap3A_197 = arith.index_cast %swap3A : i32 to index
        %swap3A_198 = arith.index_cast %mul3A_186 : i32 to index
        %swap3A_199 = tpu.vector_load %arg7[%swap3A_197, %swap3A_198] {strides = array<i32>} : memref<8x4096xf32, #tpu.memory_space<vmem>>, vector<1x16xf32>,
        %swap3A_200 = vector.shape_cast %swap3A_199 : vector<1x16xf32> to vector<16xf32>
        %swap3A_201 = vector.shape_cast %add3A_196 : vector<16xf32> to vector<1x16xf32>
        tpu.vector_store %arg7[%swap3A_197, %swap3A_198], %swap3A_201 {strides = array<i32>} : memref<8x4096xf32, #tpu.memory_space<vmem>>, vector<1x16xf32>,
        %mul3A_202 = arith.constant 8 : i32
        %mul3A_203 = arith.muli %scan3A_180, %mul3A_202 : i32
        %add3A_204 = arith.constant 1 : i32
        %add3A_205 = arith.addi %mul3A_203, %add3A_204 : i32
        %mul3A_206 = arith.constant 16 : i32
        %mul3A_207 = arith.muli %add3A_205, %mul3A_206 : i32
        %get3A_208 = arith.constant 0 : i32
        %get3A_209 = arith.index_cast %get3A_208 : i32 to index
        %get3A_210 = arith.index_cast %mul3A_207 : i32 to index
        %get3A_211 = tpu.vector_load %arg7[%get3A_209, %get3A_210] {strides = array<i32>} : memref<8x4096xf32, #tpu.memory_space<vmem>>, vector<1x16xf32>,
        %get3A_212 = vector.shape_cast %get3A_211 : vector<1x16xf32> to vector<16xf32>
        %get3A_213 = arith.constant 0 : i32
        %get3A_214 = arith.index_cast %get3A_213 : i32 to index
        %get3A_215 = arith.index_cast %mul3A_207 : i32 to index
        %get3A_216 = tpu.vector_load %arg9[%get3A_214, %get3A_215] {strides = array<i32>} : memref<8x4096xf32, #tpu.memory_space<vmem>>, vector<1x16xf32>,
        %get3A_217 = vector.shape_cast %get3A_216 : vector<1x16xf32> to vector<16xf32>
        %add3A_218 = arith.addf %get3A_212, %get3A_217 : vector<16xf32>
        %swap3A_219 = arith.constant 0 : i32
        %swap3A_220 = arith.index_cast %swap3A_219 : i32 to index
        %swap3A_221 = arith.index_cast %mul3A_207 : i32 to index
        %swap3A_222 = tpu.vector_load %arg7[%swap3A_220, %swap3A_221] {strides = array<i32>} : memref<8x4096xf32, #tpu.memory_space<vmem>>, vector<1x16xf32>,
        %swap3A_223 = vector.shape_cast %swap3A_222 : vector<1x16xf32> to vector<16xf32>
        %swap3A_224 = vector.shape_cast %add3A_218 : vector<16xf32> to vector<1x16xf32>
        tpu.vector_store %arg7[%swap3A_220, %swap3A_221], %swap3A_224 {strides = array<i32>} : memref<8x4096xf32, #tpu.memory_space<vmem>>, vector<1x16xf32>,
        %mul3A_225 = arith.constant 8 : i32
        %mul3A_226 = arith.muli %scan3A_180, %mul3A_225 : i32
        %add3A_227 = arith.constant 2 : i32
        %add3A_228 = arith.addi %mul3A_226, %add3A_227 : i32
        %mul3A_229 = arith.constant 16 : i32
        %mul3A_230 = arith.muli %add3A_228, %mul3A_229 : i32
        %get3A_231 = arith.constant 0 : i32
        %get3A_232 = arith.index_cast %get3A_231 : i32 to index
        %get3A_233 = arith.index_cast %mul3A_230 : i32 to index
        %get3A_234 = tpu.vector_load %arg7[%get3A_232, %get3A_233] {strides = array<i32>} : memref<8x4096xf32, #tpu.memory_space<vmem>>, vector<1x16xf32>,
        %get3A_235 = vector.shape_cast %get3A_234 : vector<1x16xf32> to vector<16xf32>
        %get3A_236 = arith.constant 0 : i32
        %get3A_237 = arith.index_cast %get3A_236 : i32 to index
        %get3A_238 = arith.index_cast %mul3A_230 : i32 to index
        %get3A_239 = tpu.vector_load %arg9[%get3A_237, %get3A_238] {strides = array<i32>} : memref<8x4096xf32, #tpu.memory_space<vmem>>, vector<1x16xf32>,
        %get3A_240 = vector.shape_cast %get3A_239 : vector<1x16xf32> to vector<16xf32>
        %add3A_241 = arith.addf %get3A_235, %get3A_240 : vector<16xf32>
        %swap3A_242 = arith.constant 0 : i32
        %swap3A_243 = arith.index_cast %swap3A_242 : i32 to index
        %swap3A_244 = arith.index_cast %mul3A_230 : i32 to index
        %swap3A_245 = tpu.vector_load %arg7[%swap3A_243, %swap3A_244] {strides = array<i32>} : memref<8x4096xf32, #tpu.memory_space<vmem>>, vector<1x16xf32>,
        %swap3A_246 = vector.shape_cast %swap3A_245 : vector<1x16xf32> to vector<16xf32>
        %swap3A_247 = vector.shape_cast %add3A_241 : vector<16xf32> to vector<1x16xf32>
        tpu.vector_store %arg7[%swap3A_243, %swap3A_244], %swap3A_247 {strides = array<i32>} : memref<8x4096xf32, #tpu.memory_space<vmem>>, vector<1x16xf32>,
        %mul3A_248 = arith.constant 8 : i32
        %mul3A_249 = arith.muli %scan3A_180, %mul3A_248 : i32
        %add3A_250 = arith.constant 3 : i32
        %add3A_251 = arith.addi %mul3A_249, %add3A_250 : i32
        %mul3A_252 = arith.constant 16 : i32
        %mul3A_253 = arith.muli %add3A_251, %mul3A_252 : i32
        %get3A_254 = arith.constant 0 : i32
        %get3A_255 = arith.index_cast %get3A_254 : i32 to index
        %get3A_256 = arith.index_cast %mul3A_253 : i32 to index
        %get3A_257 = tpu.vector_load %arg7[%get3A_255, %get3A_256] {strides = array<i32>} : memref<8x4096xf32, #tpu.memory_space<vmem>>, vector<1x16xf32>,
        %get3A_258 = vector.shape_cast %get3A_257 : vector<1x16xf32> to vector<16xf32>
        %get3A_259 = arith.constant 0 : i32
        %get3A_260 = arith.index_cast %get3A_259 : i32 to index
        %get3A_261 = arith.index_cast %mul3A_253 : i32 to index
        %get3A_262 = tpu.vector_load %arg9[%get3A_260, %get3A_261] {strides = array<i32>} : memref<8x4096xf32, #tpu.memory_space<vmem>>, vector<1x16xf32>,
        %get3A_263 = vector.shape_cast %get3A_262 : vector<1x16xf32> to vector<16xf32>
        %add3A_264 = arith.addf %get3A_258, %get3A_263 : vector<16xf32>
        %swap3A_265 = arith.constant 0 : i32
        %swap3A_266 = arith.index_cast %swap3A_265 : i32 to index
        %swap3A_267 = arith.index_cast %mul3A_253 : i32 to index
        %swap3A_268 = tpu.vector_load %arg7[%swap3A_266, %swap3A_267] {strides = array<i32>} : memref<8x4096xf32, #tpu.memory_space<vmem>>, vector<1x16xf32>,
        %swap3A_269 = vector.shape_cast %swap3A_268 : vector<1x16xf32> to vector<16xf32>
        %swap3A_270 = vector.shape_cast %add3A_264 : vector<16xf32> to vector<1x16xf32>
        tpu.vector_store %arg7[%swap3A_266, %swap3A_267], %swap3A_270 {strides = array<i32>} : memref<8x4096xf32, #tpu.memory_space<vmem>>, vector<1x16xf32>,
        %mul3A_271 = arith.constant 8 : i32
        %mul3A_272 = arith.muli %scan3A_180, %mul3A_271 : i32
        %add3A_273 = arith.constant 4 : i32
        %add3A_274 = arith.addi %mul3A_272, %add3A_273 : i32
        %mul3A_275 = arith.constant 16 : i32
        %mul3A_276 = arith.muli %add3A_274, %mul3A_275 : i32
        %get3A_277 = arith.constant 0 : i32
        %get3A_278 = arith.index_cast %get3A_277 : i32 to index
        %get3A_279 = arith.index_cast %mul3A_276 : i32 to index
        %get3A_280 = tpu.vector_load %arg7[%get3A_278, %get3A_279] {strides = array<i32>} : memref<8x4096xf32, #tpu.memory_space<vmem>>, vector<1x16xf32>,
        %get3A_281 = vector.shape_cast %get3A_280 : vector<1x16xf32> to vector<16xf32>
        %get3A_282 = arith.constant 0 : i32
        %get3A_283 = arith.index_cast %get3A_282 : i32 to index
        %get3A_284 = arith.index_cast %mul3A_276 : i32 to index
        %get3A_285 = tpu.vector_load %arg9[%get3A_283, %get3A_284] {strides = array<i32>} : memref<8x4096xf32, #tpu.memory_space<vmem>>, vector<1x16xf32>,
        %get3A_286 = vector.shape_cast %get3A_285 : vector<1x16xf32> to vector<16xf32>
        %add3A_287 = arith.addf %get3A_281, %get3A_286 : vector<16xf32>
        %swap3A_288 = arith.constant 0 : i32
        %swap3A_289 = arith.index_cast %swap3A_288 : i32 to index
        %swap3A_290 = arith.index_cast %mul3A_276 : i32 to index
        %swap3A_291 = tpu.vector_load %arg7[%swap3A_289, %swap3A_290] {strides = array<i32>} : memref<8x4096xf32, #tpu.memory_space<vmem>>, vector<1x16xf32>,
        %swap3A_292 = vector.shape_cast %swap3A_291 : vector<1x16xf32> to vector<16xf32>
        %swap3A_293 = vector.shape_cast %add3A_287 : vector<16xf32> to vector<1x16xf32>
        tpu.vector_store %arg7[%swap3A_289, %swap3A_290], %swap3A_293 {strides = array<i32>} : memref<8x4096xf32, #tpu.memory_space<vmem>>, vector<1x16xf32>,
        %mul3A_294 = arith.constant 8 : i32
        %mul3A_295 = arith.muli %scan3A_180, %mul3A_294 : i32
        %add3A_296 = arith.constant 5 : i32
        %add3A_297 = arith.addi %mul3A_295, %add3A_296 : i32
        %mul3A_298 = arith.constant 16 : i32
        %mul3A_299 = arith.muli %add3A_297, %mul3A_298 : i32
        %get3A_300 = arith.constant 0 : i32
        %get3A_301 = arith.index_cast %get3A_300 : i32 to index
        %get3A_302 = arith.index_cast %mul3A_299 : i32 to index
        %get3A_303 = tpu.vector_load %arg7[%get3A_301, %get3A_302] {strides = array<i32>} : memref<8x4096xf32, #tpu.memory_space<vmem>>, vector<1x16xf32>,
        %get3A_304 = vector.shape_cast %get3A_303 : vector<1x16xf32> to vector<16xf32>
        %get3A_305 = arith.constant 0 : i32
        %get3A_306 = arith.index_cast %get3A_305 : i32 to index
        %get3A_307 = arith.index_cast %mul3A_299 : i32 to index
        %get3A_308 = tpu.vector_load %arg9[%get3A_306, %get3A_307] {strides = array<i32>} : memref<8x4096xf32, #tpu.memory_space<vmem>>, vector<1x16xf32>,
        %get3A_309 = vector.shape_cast %get3A_308 : vector<1x16xf32> to vector<16xf32>
        %add3A_310 = arith.addf %get3A_304, %get3A_309 : vector<16xf32>
        %swap3A_311 = arith.constant 0 : i32
        %swap3A_312 = arith.index_cast %swap3A_311 : i32 to index
        %swap3A_313 = arith.index_cast %mul3A_299 : i32 to index
        %swap3A_314 = tpu.vector_load %arg7[%swap3A_312, %swap3A_313] {strides = array<i32>} : memref<8x4096xf32, #tpu.memory_space<vmem>>, vector<1x16xf32>,
        %swap3A_315 = vector.shape_cast %swap3A_314 : vector<1x16xf32> to vector<16xf32>
        %swap3A_316 = vector.shape_cast %add3A_310 : vector<16xf32> to vector<1x16xf32>
        tpu.vector_store %arg7[%swap3A_312, %swap3A_313], %swap3A_316 {strides = array<i32>} : memref<8x4096xf32, #tpu.memory_space<vmem>>, vector<1x16xf32>,
        %mul3A_317 = arith.constant 8 : i32
        %mul3A_318 = arith.muli %scan3A_180, %mul3A_317 : i32
        %add3A_319 = arith.constant 6 : i32
        %add3A_320 = arith.addi %mul3A_318, %add3A_319 : i32
        %mul3A_321 = arith.constant 16 : i32
        %mul3A_322 = arith.muli %add3A_320, %mul3A_321 : i32
        %get3A_323 = arith.constant 0 : i32
        %get3A_324 = arith.index_cast %get3A_323 : i32 to index
        %get3A_325 = arith.index_cast %mul3A_322 : i32 to index
        %get3A_326 = tpu.vector_load %arg7[%get3A_324, %get3A_325] {strides = array<i32>} : memref<8x4096xf32, #tpu.memory_space<vmem>>, vector<1x16xf32>,
        %get3A_327 = vector.shape_cast %get3A_326 : vector<1x16xf32> to vector<16xf32>
        %get3A_328 = arith.constant 0 : i32
        %get3A_329 = arith.index_cast %get3A_328 : i32 to index
        %get3A_330 = arith.index_cast %mul3A_322 : i32 to index
        %get3A_331 = tpu.vector_load %arg9[%get3A_329, %get3A_330] {strides = array<i32>} : memref<8x4096xf32, #tpu.memory_space<vmem>>, vector<1x16xf32>,
        %get3A_332 = vector.shape_cast %get3A_331 : vector<1x16xf32> to vector<16xf32>
        %add3A_333 = arith.addf %get3A_327, %get3A_332 : vector<16xf32>
        %swap3A_334 = arith.constant 0 : i32
        %swap3A_335 = arith.index_cast %swap3A_334 : i32 to index
        %swap3A_336 = arith.index_cast %mul3A_322 : i32 to index
        %swap3A_337 = tpu.vector_load %arg7[%swap3A_335, %swap3A_336] {strides = array<i32>} : memref<8x4096xf32, #tpu.memory_space<vmem>>, vector<1x16xf32>,
        %swap3A_338 = vector.shape_cast %swap3A_337 : vector<1x16xf32> to vector<16xf32>
        %swap3A_339 = vector.shape_cast %add3A_333 : vector<16xf32> to vector<1x16xf32>
        tpu.vector_store %arg7[%swap3A_335, %swap3A_336], %swap3A_339 {strides = array<i32>} : memref<8x4096xf32, #tpu.memory_space<vmem>>, vector<1x16xf32>,
        %mul3A_340 = arith.constant 8 : i32
        %mul3A_341 = arith.muli %scan3A_180, %mul3A_340 : i32
        %add3A_342 = arith.constant 7 : i32
        %add3A_343 = arith.addi %mul3A_341, %add3A_342 : i32
        %mul3A_344 = arith.constant 16 : i32
        %mul3A_345 = arith.muli %add3A_343, %mul3A_344 : i32
        %get3A_346 = arith.constant 0 : i32
        %get3A_347 = arith.index_cast %get3A_346 : i32 to index
        %get3A_348 = arith.index_cast %mul3A_345 : i32 to index
        %get3A_349 = tpu.vector_load %arg7[%get3A_347, %get3A_348] {strides = array<i32>} : memref<8x4096xf32, #tpu.memory_space<vmem>>, vector<1x16xf32>,
        %get3A_350 = vector.shape_cast %get3A_349 : vector<1x16xf32> to vector<16xf32>
        %get3A_351 = arith.constant 0 : i32
        %get3A_352 = arith.index_cast %get3A_351 : i32 to index
        %get3A_353 = arith.index_cast %mul3A_345 : i32 to index
        %get3A_354 = tpu.vector_load %arg9[%get3A_352, %get3A_353] {strides = array<i32>} : memref<8x4096xf32, #tpu.memory_space<vmem>>, vector<1x16xf32>,
        %get3A_355 = vector.shape_cast %get3A_354 : vector<1x16xf32> to vector<16xf32>
        %add3A_356 = arith.addf %get3A_350, %get3A_355 : vector<16xf32>
        %swap3A_357 = arith.constant 0 : i32
        %swap3A_358 = arith.index_cast %swap3A_357 : i32 to index
        %swap3A_359 = arith.index_cast %mul3A_345 : i32 to index
        %swap3A_360 = tpu.vector_load %arg7[%swap3A_358, %swap3A_359] {strides = array<i32>} : memref<8x4096xf32, #tpu.memory_space<vmem>>, vector<1x16xf32>,
        %swap3A_361 = vector.shape_cast %swap3A_360 : vector<1x16xf32> to vector<16xf32>
        %swap3A_362 = vector.shape_cast %add3A_356 : vector<16xf32> to vector<1x16xf32>
        tpu.vector_store %arg7[%swap3A_358, %swap3A_359], %swap3A_362 {strides = array<i32>} : memref<8x4096xf32, #tpu.memory_space<vmem>>, vector<1x16xf32>,
      }
      %scan3A_51 = arith.constant 32 : i32
      %scan3A_52 = arith.constant 0 : i32
      %scan3A_53 = arith.constant 0 : i32
      %scan3A_54 = arith.constant 32 : i32
      %scan3A_55 = arith.addi %scan3A_53, %scan3A_54 : i32
      %scan3A_56 = arith.constant 1 : i32
      scf.for %scan3A_180 = %scan3A_53 to %scan3A_55 step %scan3A_56  : i32 {
        %mul3A_181 = arith.constant 8 : i32
        %mul3A_182 = arith.muli %scan3A_180, %mul3A_181 : i32
        %add3A_183 = arith.constant 0 : i32
        %add3A_184 = arith.addi %mul3A_182, %add3A_183 : i32
        %mul3A_185 = arith.constant 16 : i32
        %mul3A_186 = arith.muli %add3A_184, %mul3A_185 : i32
        %get3A = arith.constant 1 : i32
        %get3A_187 = arith.index_cast %get3A : i32 to index
        %get3A_188 = arith.index_cast %mul3A_186 : i32 to index
        %get3A_189 = tpu.vector_load %arg7[%get3A_187, %get3A_188] {strides = array<i32>} : memref<8x4096xf32, #tpu.memory_space<vmem>>, vector<1x16xf32>,
        %get3A_190 = vector.shape_cast %get3A_189 : vector<1x16xf32> to vector<16xf32>
        %get3A_191 = arith.constant 1 : i32
        %get3A_192 = arith.index_cast %get3A_191 : i32 to index
        %get3A_193 = arith.index_cast %mul3A_186 : i32 to index
        %get3A_194 = tpu.vector_load %arg9[%get3A_192, %get3A_193] {strides = array<i32>} : memref<8x4096xf32, #tpu.memory_space<vmem>>, vector<1x16xf32>,
        %get3A_195 = vector.shape_cast %get3A_194 : vector<1x16xf32> to vector<16xf32>
        %add3A_196 = arith.addf %get3A_190, %get3A_195 : vector<16xf32>
        %swap3A = arith.constant 1 : i32
        %swap3A_197 = arith.index_cast %swap3A : i32 to index
        %swap3A_198 = arith.index_cast %mul3A_186 : i32 to index
        %swap3A_199 = tpu.vector_load %arg7[%swap3A_197, %swap3A_198] {strides = array<i32>} : memref<8x4096xf32, #tpu.memory_space<vmem>>, vector<1x16xf32>,
        %swap3A_200 = vector.shape_cast %swap3A_199 : vector<1x16xf32> to vector<16xf32>
        %swap3A_201 = vector.shape_cast %add3A_196 : vector<16xf32> to vector<1x16xf32>
        tpu.vector_store %arg7[%swap3A_197, %swap3A_198], %swap3A_201 {strides = array<i32>} : memref<8x4096xf32, #tpu.memory_space<vmem>>, vector<1x16xf32>,
        %mul3A_202 = arith.constant 8 : i32
        %mul3A_203 = arith.muli %scan3A_180, %mul3A_202 : i32
        %add3A_204 = arith.constant 1 : i32
        %add3A_205 = arith.addi %mul3A_203, %add3A_204 : i32
        %mul3A_206 = arith.constant 16 : i32
        %mul3A_207 = arith.muli %add3A_205, %mul3A_206 : i32
        %get3A_208 = arith.constant 1 : i32
        %get3A_209 = arith.index_cast %get3A_208 : i32 to index
        %get3A_210 = arith.index_cast %mul3A_207 : i32 to index
        %get3A_211 = tpu.vector_load %arg7[%get3A_209, %get3A_210] {strides = array<i32>} : memref<8x4096xf32, #tpu.memory_space<vmem>>, vector<1x16xf32>,
        %get3A_212 = vector.shape_cast %get3A_211 : vector<1x16xf32> to vector<16xf32>
        %get3A_213 = arith.constant 1 : i32
        %get3A_214 = arith.index_cast %get3A_213 : i32 to index
        %get3A_215 = arith.index_cast %mul3A_207 : i32 to index
        %get3A_216 = tpu.vector_load %arg9[%get3A_214, %get3A_215] {strides = array<i32>} : memref<8x4096xf32, #tpu.memory_space<vmem>>, vector<1x16xf32>,
        %get3A_217 = vector.shape_cast %get3A_216 : vector<1x16xf32> to vector<16xf32>
        %add3A_218 = arith.addf %get3A_212, %get3A_217 : vector<16xf32>
        %swap3A_219 = arith.constant 1 : i32
        %swap3A_220 = arith.index_cast %swap3A_219 : i32 to index
        %swap3A_221 = arith.index_cast %mul3A_207 : i32 to index
        %swap3A_222 = tpu.vector_load %arg7[%swap3A_220, %swap3A_221] {strides = array<i32>} : memref<8x4096xf32, #tpu.memory_space<vmem>>, vector<1x16xf32>,
        %swap3A_223 = vector.shape_cast %swap3A_222 : vector<1x16xf32> to vector<16xf32>
        %swap3A_224 = vector.shape_cast %add3A_218 : vector<16xf32> to vector<1x16xf32>
        tpu.vector_store %arg7[%swap3A_220, %swap3A_221], %swap3A_224 {strides = array<i32>} : memref<8x4096xf32, #tpu.memory_space<vmem>>, vector<1x16xf32>,
        %mul3A_225 = arith.constant 8 : i32
        %mul3A_226 = arith.muli %scan3A_180, %mul3A_225 : i32
        %add3A_227 = arith.constant 2 : i32
        %add3A_228 = arith.addi %mul3A_226, %add3A_227 : i32
        %mul3A_229 = arith.constant 16 : i32
        %mul3A_230 = arith.muli %add3A_228, %mul3A_229 : i32
        %get3A_231 = arith.constant 1 : i32
        %get3A_232 = arith.index_cast %get3A_231 : i32 to index
        %get3A_233 = arith.index_cast %mul3A_230 : i32 to index
        %get3A_234 = tpu.vector_load %arg7[%get3A_232, %get3A_233] {strides = array<i32>} : memref<8x4096xf32, #tpu.memory_space<vmem>>, vector<1x16xf32>,
        %get3A_235 = vector.shape_cast %get3A_234 : vector<1x16xf32> to vector<16xf32>
        %get3A_236 = arith.constant 1 : i32
        %get3A_237 = arith.index_cast %get3A_236 : i32 to index
        %get3A_238 = arith.index_cast %mul3A_230 : i32 to index
        %get3A_239 = tpu.vector_load %arg9[%get3A_237, %get3A_238] {strides = array<i32>} : memref<8x4096xf32, #tpu.memory_space<vmem>>, vector<1x16xf32>,
        %get3A_240 = vector.shape_cast %get3A_239 : vector<1x16xf32> to vector<16xf32>
        %add3A_241 = arith.addf %get3A_235, %get3A_240 : vector<16xf32>
        %swap3A_242 = arith.constant 1 : i32
        %swap3A_243 = arith.index_cast %swap3A_242 : i32 to index
        %swap3A_244 = arith.index_cast %mul3A_230 : i32 to index
        %swap3A_245 = tpu.vector_load %arg7[%swap3A_243, %swap3A_244] {strides = array<i32>} : memref<8x4096xf32, #tpu.memory_space<vmem>>, vector<1x16xf32>,
        %swap3A_246 = vector.shape_cast %swap3A_245 : vector<1x16xf32> to vector<16xf32>
        %swap3A_247 = vector.shape_cast %add3A_241 : vector<16xf32> to vector<1x16xf32>
        tpu.vector_store %arg7[%swap3A_243, %swap3A_244], %swap3A_247 {strides = array<i32>} : memref<8x4096xf32, #tpu.memory_space<vmem>>, vector<1x16xf32>,
        %mul3A_248 = arith.constant 8 : i32
        %mul3A_249 = arith.muli %scan3A_180, %mul3A_248 : i32
        %add3A_250 = arith.constant 3 : i32
        %add3A_251 = arith.addi %mul3A_249, %add3A_250 : i32
        %mul3A_252 = arith.constant 16 : i32
        %mul3A_253 = arith.muli %add3A_251, %mul3A_252 : i32
        %get3A_254 = arith.constant 1 : i32
        %get3A_255 = arith.index_cast %get3A_254 : i32 to index
        %get3A_256 = arith.index_cast %mul3A_253 : i32 to index
        %get3A_257 = tpu.vector_load %arg7[%get3A_255, %get3A_256] {strides = array<i32>} : memref<8x4096xf32, #tpu.memory_space<vmem>>, vector<1x16xf32>,
        %get3A_258 = vector.shape_cast %get3A_257 : vector<1x16xf32> to vector<16xf32>
        %get3A_259 = arith.constant 1 : i32
        %get3A_260 = arith.index_cast %get3A_259 : i32 to index
        %get3A_261 = arith.index_cast %mul3A_253 : i32 to index
        %get3A_262 = tpu.vector_load %arg9[%get3A_260, %get3A_261] {strides = array<i32>} : memref<8x4096xf32, #tpu.memory_space<vmem>>, vector<1x16xf32>,
        %get3A_263 = vector.shape_cast %get3A_262 : vector<1x16xf32> to vector<16xf32>
        %add3A_264 = arith.addf %get3A_258, %get3A_263 : vector<16xf32>
        %swap3A_265 = arith.constant 1 : i32
        %swap3A_266 = arith.index_cast %swap3A_265 : i32 to index
        %swap3A_267 = arith.index_cast %mul3A_253 : i32 to index
        %swap3A_268 = tpu.vector_load %arg7[%swap3A_266, %swap3A_267] {strides = array<i32>} : memref<8x4096xf32, #tpu.memory_space<vmem>>, vector<1x16xf32>,
        %swap3A_269 = vector.shape_cast %swap3A_268 : vector<1x16xf32> to vector<16xf32>
        %swap3A_270 = vector.shape_cast %add3A_264 : vector<16xf32> to vector<1x16xf32>
        tpu.vector_store %arg7[%swap3A_266, %swap3A_267], %swap3A_270 {strides = array<i32>} : memref<8x4096xf32, #tpu.memory_space<vmem>>, vector<1x16xf32>,
        %mul3A_271 = arith.constant 8 : i32
        %mul3A_272 = arith.muli %scan3A_180, %mul3A_271 : i32
        %add3A_273 = arith.constant 4 : i32
        %add3A_274 = arith.addi %mul3A_272, %add3A_273 : i32
        %mul3A_275 = arith.constant 16 : i32
        %mul3A_276 = arith.muli %add3A_274, %mul3A_275 : i32
        %get3A_277 = arith.constant 1 : i32
        %get3A_278 = arith.index_cast %get3A_277 : i32 to index
        %get3A_279 = arith.index_cast %mul3A_276 : i32 to index
        %get3A_280 = tpu.vector_load %arg7[%get3A_278, %get3A_279] {strides = array<i32>} : memref<8x4096xf32, #tpu.memory_space<vmem>>, vector<1x16xf32>,
        %get3A_281 = vector.shape_cast %get3A_280 : vector<1x16xf32> to vector<16xf32>
        %get3A_282 = arith.constant 1 : i32
        %get3A_283 = arith.index_cast %get3A_282 : i32 to index
        %get3A_284 = arith.index_cast %mul3A_276 : i32 to index
        %get3A_285 = tpu.vector_load %arg9[%get3A_283, %get3A_284] {strides = array<i32>} : memref<8x4096xf32, #tpu.memory_space<vmem>>, vector<1x16xf32>,
        %get3A_286 = vector.shape_cast %get3A_285 : vector<1x16xf32> to vector<16xf32>
        %add3A_287 = arith.addf %get3A_281, %get3A_286 : vector<16xf32>
        %swap3A_288 = arith.constant 1 : i32
        %swap3A_289 = arith.index_cast %swap3A_288 : i32 to index
        %swap3A_290 = arith.index_cast %mul3A_276 : i32 to index
        %swap3A_291 = tpu.vector_load %arg7[%swap3A_289, %swap3A_290] {strides = array<i32>} : memref<8x4096xf32, #tpu.memory_space<vmem>>, vector<1x16xf32>,
        %swap3A_292 = vector.shape_cast %swap3A_291 : vector<1x16xf32> to vector<16xf32>
        %swap3A_293 = vector.shape_cast %add3A_287 : vector<16xf32> to vector<1x16xf32>
        tpu.vector_store %arg7[%swap3A_289, %swap3A_290], %swap3A_293 {strides = array<i32>} : memref<8x4096xf32, #tpu.memory_space<vmem>>, vector<1x16xf32>,
        %mul3A_294 = arith.constant 8 : i32
        %mul3A_295 = arith.muli %scan3A_180, %mul3A_294 : i32
        %add3A_296 = arith.constant 5 : i32
        %add3A_297 = arith.addi %mul3A_295, %add3A_296 : i32
        %mul3A_298 = arith.constant 16 : i32
        %mul3A_299 = arith.muli %add3A_297, %mul3A_298 : i32
        %get3A_300 = arith.constant 1 : i32
        %get3A_301 = arith.index_cast %get3A_300 : i32 to index
        %get3A_302 = arith.index_cast %mul3A_299 : i32 to index
        %get3A_303 = tpu.vector_load %arg7[%get3A_301, %get3A_302] {strides = array<i32>} : memref<8x4096xf32, #tpu.memory_space<vmem>>, vector<1x16xf32>,
        %get3A_304 = vector.shape_cast %get3A_303 : vector<1x16xf32> to vector<16xf32>
        %get3A_305 = arith.constant 1 : i32
        %get3A_306 = arith.index_cast %get3A_305 : i32 to index
        %get3A_307 = arith.index_cast %mul3A_299 : i32 to index
        %get3A_308 = tpu.vector_load %arg9[%get3A_306, %get3A_307] {strides = array<i32>} : memref<8x4096xf32, #tpu.memory_space<vmem>>, vector<1x16xf32>,
        %get3A_309 = vector.shape_cast %get3A_308 : vector<1x16xf32> to vector<16xf32>
        %add3A_310 = arith.addf %get3A_304, %get3A_309 : vector<16xf32>
        %swap3A_311 = arith.constant 1 : i32
        %swap3A_312 = arith.index_cast %swap3A_311 : i32 to index
        %swap3A_313 = arith.index_cast %mul3A_299 : i32 to index
        %swap3A_314 = tpu.vector_load %arg7[%swap3A_312, %swap3A_313] {strides = array<i32>} : memref<8x4096xf32, #tpu.memory_space<vmem>>, vector<1x16xf32>,
        %swap3A_315 = vector.shape_cast %swap3A_314 : vector<1x16xf32> to vector<16xf32>
        %swap3A_316 = vector.shape_cast %add3A_310 : vector<16xf32> to vector<1x16xf32>
        tpu.vector_store %arg7[%swap3A_312, %swap3A_313], %swap3A_316 {strides = array<i32>} : memref<8x4096xf32, #tpu.memory_space<vmem>>, vector<1x16xf32>,
        %mul3A_317 = arith.constant 8 : i32
        %mul3A_318 = arith.muli %scan3A_180, %mul3A_317 : i32
        %add3A_319 = arith.constant 6 : i32
        %add3A_320 = arith.addi %mul3A_318, %add3A_319 : i32
        %mul3A_321 = arith.constant 16 : i32
        %mul3A_322 = arith.muli %add3A_320, %mul3A_321 : i32
        %get3A_323 = arith.constant 1 : i32
        %get3A_324 = arith.index_cast %get3A_323 : i32 to index
        %get3A_325 = arith.index_cast %mul3A_322 : i32 to index
        %get3A_326 = tpu.vector_load %arg7[%get3A_324, %get3A_325] {strides = array<i32>} : memref<8x4096xf32, #tpu.memory_space<vmem>>, vector<1x16xf32>,
        %get3A_327 = vector.shape_cast %get3A_326 : vector<1x16xf32> to vector<16xf32>
        %get3A_328 = arith.constant 1 : i32
        %get3A_329 = arith.index_cast %get3A_328 : i32 to index
        %get3A_330 = arith.index_cast %mul3A_322 : i32 to index
        %get3A_331 = tpu.vector_load %arg9[%get3A_329, %get3A_330] {strides = array<i32>} : memref<8x4096xf32, #tpu.memory_space<vmem>>, vector<1x16xf32>,
        %get3A_332 = vector.shape_cast %get3A_331 : vector<1x16xf32> to vector<16xf32>
        %add3A_333 = arith.addf %get3A_327, %get3A_332 : vector<16xf32>
        %swap3A_334 = arith.constant 1 : i32
        %swap3A_335 = arith.index_cast %swap3A_334 : i32 to index
        %swap3A_336 = arith.index_cast %mul3A_322 : i32 to index
        %swap3A_337 = tpu.vector_load %arg7[%swap3A_335, %swap3A_336] {strides = array<i32>} : memref<8x4096xf32, #tpu.memory_space<vmem>>, vector<1x16xf32>,
        %swap3A_338 = vector.shape_cast %swap3A_337 : vector<1x16xf32> to vector<16xf32>
        %swap3A_339 = vector.shape_cast %add3A_333 : vector<16xf32> to vector<1x16xf32>
        tpu.vector_store %arg7[%swap3A_335, %swap3A_336], %swap3A_339 {strides = array<i32>} : memref<8x4096xf32, #tpu.memory_space<vmem>>, vector<1x16xf32>,
        %mul3A_340 = arith.constant 8 : i32
        %mul3A_341 = arith.muli %scan3A_180, %mul3A_340 : i32
        %add3A_342 = arith.constant 7 : i32
        %add3A_343 = arith.addi %mul3A_341, %add3A_342 : i32
        %mul3A_344 = arith.constant 16 : i32
        %mul3A_345 = arith.muli %add3A_343, %mul3A_344 : i32
        %get3A_346 = arith.constant 1 : i32
        %get3A_347 = arith.index_cast %get3A_346 : i32 to index
        %get3A_348 = arith.index_cast %mul3A_345 : i32 to index
        %get3A_349 = tpu.vector_load %arg7[%get3A_347, %get3A_348] {strides = array<i32>} : memref<8x4096xf32, #tpu.memory_space<vmem>>, vector<1x16xf32>,
        %get3A_350 = vector.shape_cast %get3A_349 : vector<1x16xf32> to vector<16xf32>
        %get3A_351 = arith.constant 1 : i32
        %get3A_352 = arith.index_cast %get3A_351 : i32 to index
        %get3A_353 = arith.index_cast %mul3A_345 : i32 to index
        %get3A_354 = tpu.vector_load %arg9[%get3A_352, %get3A_353] {strides = array<i32>} : memref<8x4096xf32, #tpu.memory_space<vmem>>, vector<1x16xf32>,
        %get3A_355 = vector.shape_cast %get3A_354 : vector<1x16xf32> to vector<16xf32>
        %add3A_356 = arith.addf %get3A_350, %get3A_355 : vector<16xf32>
        %swap3A_357 = arith.constant 1 : i32
        %swap3A_358 = arith.index_cast %swap3A_357 : i32 to index
        %swap3A_359 = arith.index_cast %mul3A_345 : i32 to index
        %swap3A_360 = tpu.vector_load %arg7[%swap3A_358, %swap3A_359] {strides = array<i32>} : memref<8x4096xf32, #tpu.memory_space<vmem>>, vector<1x16xf32>,
        %swap3A_361 = vector.shape_cast %swap3A_360 : vector<1x16xf32> to vector<16xf32>
        %swap3A_362 = vector.shape_cast %add3A_356 : vector<16xf32> to vector<1x16xf32>
        tpu.vector_store %arg7[%swap3A_358, %swap3A_359], %swap3A_362 {strides = array<i32>} : memref<8x4096xf32, #tpu.memory_space<vmem>>, vector<1x16xf32>,
      }
      %scan3A_57 = arith.constant 32 : i32
      %scan3A_58 = arith.constant 0 : i32
      %scan3A_59 = arith.constant 0 : i32
      %scan3A_60 = arith.constant 32 : i32
      %scan3A_61 = arith.addi %scan3A_59, %scan3A_60 : i32
      %scan3A_62 = arith.constant 1 : i32
      scf.for %scan3A_180 = %scan3A_59 to %scan3A_61 step %scan3A_62  : i32 {
        %mul3A_181 = arith.constant 8 : i32
        %mul3A_182 = arith.muli %scan3A_180, %mul3A_181 : i32
        %add3A_183 = arith.constant 0 : i32
        %add3A_184 = arith.addi %mul3A_182, %add3A_183 : i32
        %mul3A_185 = arith.constant 16 : i32
        %mul3A_186 = arith.muli %add3A_184, %mul3A_185 : i32
        %get3A = arith.constant 2 : i32
        %get3A_187 = arith.index_cast %get3A : i32 to index
        %get3A_188 = arith.index_cast %mul3A_186 : i32 to index
        %get3A_189 = tpu.vector_load %arg7[%get3A_187, %get3A_188] {strides = array<i32>} : memref<8x4096xf32, #tpu.memory_space<vmem>>, vector<1x16xf32>,
        %get3A_190 = vector.shape_cast %get3A_189 : vector<1x16xf32> to vector<16xf32>
        %get3A_191 = arith.constant 2 : i32
        %get3A_192 = arith.index_cast %get3A_191 : i32 to index
        %get3A_193 = arith.index_cast %mul3A_186 : i32 to index
        %get3A_194 = tpu.vector_load %arg9[%get3A_192, %get3A_193] {strides = array<i32>} : memref<8x4096xf32, #tpu.memory_space<vmem>>, vector<1x16xf32>,
        %get3A_195 = vector.shape_cast %get3A_194 : vector<1x16xf32> to vector<16xf32>
        %add3A_196 = arith.addf %get3A_190, %get3A_195 : vector<16xf32>
        %swap3A = arith.constant 2 : i32
        %swap3A_197 = arith.index_cast %swap3A : i32 to index
        %swap3A_198 = arith.index_cast %mul3A_186 : i32 to index
        %swap3A_199 = tpu.vector_load %arg7[%swap3A_197, %swap3A_198] {strides = array<i32>} : memref<8x4096xf32, #tpu.memory_space<vmem>>, vector<1x16xf32>,
        %swap3A_200 = vector.shape_cast %swap3A_199 : vector<1x16xf32> to vector<16xf32>
        %swap3A_201 = vector.shape_cast %add3A_196 : vector<16xf32> to vector<1x16xf32>
        tpu.vector_store %arg7[%swap3A_197, %swap3A_198], %swap3A_201 {strides = array<i32>} : memref<8x4096xf32, #tpu.memory_space<vmem>>, vector<1x16xf32>,
        %mul3A_202 = arith.constant 8 : i32
        %mul3A_203 = arith.muli %scan3A_180, %mul3A_202 : i32
        %add3A_204 = arith.constant 1 : i32
        %add3A_205 = arith.addi %mul3A_203, %add3A_204 : i32
        %mul3A_206 = arith.constant 16 : i32
        %mul3A_207 = arith.muli %add3A_205, %mul3A_206 : i32
        %get3A_208 = arith.constant 2 : i32
        %get3A_209 = arith.index_cast %get3A_208 : i32 to index
        %get3A_210 = arith.index_cast %mul3A_207 : i32 to index
        %get3A_211 = tpu.vector_load %arg7[%get3A_209, %get3A_210] {strides = array<i32>} : memref<8x4096xf32, #tpu.memory_space<vmem>>, vector<1x16xf32>,
        %get3A_212 = vector.shape_cast %get3A_211 : vector<1x16xf32> to vector<16xf32>
        %get3A_213 = arith.constant 2 : i32
        %get3A_214 = arith.index_cast %get3A_213 : i32 to index
        %get3A_215 = arith.index_cast %mul3A_207 : i32 to index
        %get3A_216 = tpu.vector_load %arg9[%get3A_214, %get3A_215] {strides = array<i32>} : memref<8x4096xf32, #tpu.memory_space<vmem>>, vector<1x16xf32>,
        %get3A_217 = vector.shape_cast %get3A_216 : vector<1x16xf32> to vector<16xf32>
        %add3A_218 = arith.addf %get3A_212, %get3A_217 : vector<16xf32>
        %swap3A_219 = arith.constant 2 : i32
        %swap3A_220 = arith.index_cast %swap3A_219 : i32 to index
        %swap3A_221 = arith.index_cast %mul3A_207 : i32 to index
        %swap3A_222 = tpu.vector_load %arg7[%swap3A_220, %swap3A_221] {strides = array<i32>} : memref<8x4096xf32, #tpu.memory_space<vmem>>, vector<1x16xf32>,
        %swap3A_223 = vector.shape_cast %swap3A_222 : vector<1x16xf32> to vector<16xf32>
        %swap3A_224 = vector.shape_cast %add3A_218 : vector<16xf32> to vector<1x16xf32>
        tpu.vector_store %arg7[%swap3A_220, %swap3A_221], %swap3A_224 {strides = array<i32>} : memref<8x4096xf32, #tpu.memory_space<vmem>>, vector<1x16xf32>,
        %mul3A_225 = arith.constant 8 : i32
        %mul3A_226 = arith.muli %scan3A_180, %mul3A_225 : i32
        %add3A_227 = arith.constant 2 : i32
        %add3A_228 = arith.addi %mul3A_226, %add3A_227 : i32
        %mul3A_229 = arith.constant 16 : i32
        %mul3A_230 = arith.muli %add3A_228, %mul3A_229 : i32
        %get3A_231 = arith.constant 2 : i32
        %get3A_232 = arith.index_cast %get3A_231 : i32 to index
        %get3A_233 = arith.index_cast %mul3A_230 : i32 to index
        %get3A_234 = tpu.vector_load %arg7[%get3A_232, %get3A_233] {strides = array<i32>} : memref<8x4096xf32, #tpu.memory_space<vmem>>, vector<1x16xf32>,
        %get3A_235 = vector.shape_cast %get3A_234 : vector<1x16xf32> to vector<16xf32>
        %get3A_236 = arith.constant 2 : i32
        %get3A_237 = arith.index_cast %get3A_236 : i32 to index
        %get3A_238 = arith.index_cast %mul3A_230 : i32 to index
        %get3A_239 = tpu.vector_load %arg9[%get3A_237, %get3A_238] {strides = array<i32>} : memref<8x4096xf32, #tpu.memory_space<vmem>>, vector<1x16xf32>,
        %get3A_240 = vector.shape_cast %get3A_239 : vector<1x16xf32> to vector<16xf32>
        %add3A_241 = arith.addf %get3A_235, %get3A_240 : vector<16xf32>
        %swap3A_242 = arith.constant 2 : i32
        %swap3A_243 = arith.index_cast %swap3A_242 : i32 to index
        %swap3A_244 = arith.index_cast %mul3A_230 : i32 to index
        %swap3A_245 = tpu.vector_load %arg7[%swap3A_243, %swap3A_244] {strides = array<i32>} : memref<8x4096xf32, #tpu.memory_space<vmem>>, vector<1x16xf32>,
        %swap3A_246 = vector.shape_cast %swap3A_245 : vector<1x16xf32> to vector<16xf32>
        %swap3A_247 = vector.shape_cast %add3A_241 : vector<16xf32> to vector<1x16xf32>
        tpu.vector_store %arg7[%swap3A_243, %swap3A_244], %swap3A_247 {strides = array<i32>} : memref<8x4096xf32, #tpu.memory_space<vmem>>, vector<1x16xf32>,
        %mul3A_248 = arith.constant 8 : i32
        %mul3A_249 = arith.muli %scan3A_180, %mul3A_248 : i32
        %add3A_250 = arith.constant 3 : i32
        %add3A_251 = arith.addi %mul3A_249, %add3A_250 : i32
        %mul3A_252 = arith.constant 16 : i32
        %mul3A_253 = arith.muli %add3A_251, %mul3A_252 : i32
        %get3A_254 = arith.constant 2 : i32
        %get3A_255 = arith.index_cast %get3A_254 : i32 to index
        %get3A_256 = arith.index_cast %mul3A_253 : i32 to index
        %get3A_257 = tpu.vector_load %arg7[%get3A_255, %get3A_256] {strides = array<i32>} : memref<8x4096xf32, #tpu.memory_space<vmem>>, vector<1x16xf32>,
        %get3A_258 = vector.shape_cast %get3A_257 : vector<1x16xf32> to vector<16xf32>
        %get3A_259 = arith.constant 2 : i32
        %get3A_260 = arith.index_cast %get3A_259 : i32 to index
        %get3A_261 = arith.index_cast %mul3A_253 : i32 to index
        %get3A_262 = tpu.vector_load %arg9[%get3A_260, %get3A_261] {strides = array<i32>} : memref<8x4096xf32, #tpu.memory_space<vmem>>, vector<1x16xf32>,
        %get3A_263 = vector.shape_cast %get3A_262 : vector<1x16xf32> to vector<16xf32>
        %add3A_264 = arith.addf %get3A_258, %get3A_263 : vector<16xf32>
        %swap3A_265 = arith.constant 2 : i32
        %swap3A_266 = arith.index_cast %swap3A_265 : i32 to index
        %swap3A_267 = arith.index_cast %mul3A_253 : i32 to index
        %swap3A_268 = tpu.vector_load %arg7[%swap3A_266, %swap3A_267] {strides = array<i32>} : memref<8x4096xf32, #tpu.memory_space<vmem>>, vector<1x16xf32>,
        %swap3A_269 = vector.shape_cast %swap3A_268 : vector<1x16xf32> to vector<16xf32>
        %swap3A_270 = vector.shape_cast %add3A_264 : vector<16xf32> to vector<1x16xf32>
        tpu.vector_store %arg7[%swap3A_266, %swap3A_267], %swap3A_270 {strides = array<i32>} : memref<8x4096xf32, #tpu.memory_space<vmem>>, vector<1x16xf32>,
        %mul3A_271 = arith.constant 8 : i32
        %mul3A_272 = arith.muli %scan3A_180, %mul3A_271 : i32
        %add3A_273 = arith.constant 4 : i32
        %add3A_274 = arith.addi %mul3A_272, %add3A_273 : i32
        %mul3A_275 = arith.constant 16 : i32
        %mul3A_276 = arith.muli %add3A_274, %mul3A_275 : i32
        %get3A_277 = arith.constant 2 : i32
        %get3A_278 = arith.index_cast %get3A_277 : i32 to index
        %get3A_279 = arith.index_cast %mul3A_276 : i32 to index
        %get3A_280 = tpu.vector_load %arg7[%get3A_278, %get3A_279] {strides = array<i32>} : memref<8x4096xf32, #tpu.memory_space<vmem>>, vector<1x16xf32>,
        %get3A_281 = vector.shape_cast %get3A_280 : vector<1x16xf32> to vector<16xf32>
        %get3A_282 = arith.constant 2 : i32
        %get3A_283 = arith.index_cast %get3A_282 : i32 to index
        %get3A_284 = arith.index_cast %mul3A_276 : i32 to index
        %get3A_285 = tpu.vector_load %arg9[%get3A_283, %get3A_284] {strides = array<i32>} : memref<8x4096xf32, #tpu.memory_space<vmem>>, vector<1x16xf32>,
        %get3A_286 = vector.shape_cast %get3A_285 : vector<1x16xf32> to vector<16xf32>
        %add3A_287 = arith.addf %get3A_281, %get3A_286 : vector<16xf32>
        %swap3A_288 = arith.constant 2 : i32
        %swap3A_289 = arith.index_cast %swap3A_288 : i32 to index
        %swap3A_290 = arith.index_cast %mul3A_276 : i32 to index
        %swap3A_291 = tpu.vector_load %arg7[%swap3A_289, %swap3A_290] {strides = array<i32>} : memref<8x4096xf32, #tpu.memory_space<vmem>>, vector<1x16xf32>,
        %swap3A_292 = vector.shape_cast %swap3A_291 : vector<1x16xf32> to vector<16xf32>
        %swap3A_293 = vector.shape_cast %add3A_287 : vector<16xf32> to vector<1x16xf32>
        tpu.vector_store %arg7[%swap3A_289, %swap3A_290], %swap3A_293 {strides = array<i32>} : memref<8x4096xf32, #tpu.memory_space<vmem>>, vector<1x16xf32>,
        %mul3A_294 = arith.constant 8 : i32
        %mul3A_295 = arith.muli %scan3A_180, %mul3A_294 : i32
        %add3A_296 = arith.constant 5 : i32
        %add3A_297 = arith.addi %mul3A_295, %add3A_296 : i32
        %mul3A_298 = arith.constant 16 : i32
        %mul3A_299 = arith.muli %add3A_297, %mul3A_298 : i32
        %get3A_300 = arith.constant 2 : i32
        %get3A_301 = arith.index_cast %get3A_300 : i32 to index
        %get3A_302 = arith.index_cast %mul3A_299 : i32 to index
        %get3A_303 = tpu.vector_load %arg7[%get3A_301, %get3A_302] {strides = array<i32>} : memref<8x4096xf32, #tpu.memory_space<vmem>>, vector<1x16xf32>,
        %get3A_304 = vector.shape_cast %get3A_303 : vector<1x16xf32> to vector<16xf32>
        %get3A_305 = arith.constant 2 : i32
        %get3A_306 = arith.index_cast %get3A_305 : i32 to index
        %get3A_307 = arith.index_cast %mul3A_299 : i32 to index
        %get3A_308 = tpu.vector_load %arg9[%get3A_306, %get3A_307] {strides = array<i32>} : memref<8x4096xf32, #tpu.memory_space<vmem>>, vector<1x16xf32>,
        %get3A_309 = vector.shape_cast %get3A_308 : vector<1x16xf32> to vector<16xf32>
        %add3A_310 = arith.addf %get3A_304, %get3A_309 : vector<16xf32>
        %swap3A_311 = arith.constant 2 : i32
        %swap3A_312 = arith.index_cast %swap3A_311 : i32 to index
        %swap3A_313 = arith.index_cast %mul3A_299 : i32 to index
        %swap3A_314 = tpu.vector_load %arg7[%swap3A_312, %swap3A_313] {strides = array<i32>} : memref<8x4096xf32, #tpu.memory_space<vmem>>, vector<1x16xf32>,
        %swap3A_315 = vector.shape_cast %swap3A_314 : vector<1x16xf32> to vector<16xf32>
        %swap3A_316 = vector.shape_cast %add3A_310 : vector<16xf32> to vector<1x16xf32>
        tpu.vector_store %arg7[%swap3A_312, %swap3A_313], %swap3A_316 {strides = array<i32>} : memref<8x4096xf32, #tpu.memory_space<vmem>>, vector<1x16xf32>,
        %mul3A_317 = arith.constant 8 : i32
        %mul3A_318 = arith.muli %scan3A_180, %mul3A_317 : i32
        %add3A_319 = arith.constant 6 : i32
        %add3A_320 = arith.addi %mul3A_318, %add3A_319 : i32
        %mul3A_321 = arith.constant 16 : i32
        %mul3A_322 = arith.muli %add3A_320, %mul3A_321 : i32
        %get3A_323 = arith.constant 2 : i32
        %get3A_324 = arith.index_cast %get3A_323 : i32 to index
        %get3A_325 = arith.index_cast %mul3A_322 : i32 to index
        %get3A_326 = tpu.vector_load %arg7[%get3A_324, %get3A_325] {strides = array<i32>} : memref<8x4096xf32, #tpu.memory_space<vmem>>, vector<1x16xf32>,
        %get3A_327 = vector.shape_cast %get3A_326 : vector<1x16xf32> to vector<16xf32>
        %get3A_328 = arith.constant 2 : i32
        %get3A_329 = arith.index_cast %get3A_328 : i32 to index
        %get3A_330 = arith.index_cast %mul3A_322 : i32 to index
        %get3A_331 = tpu.vector_load %arg9[%get3A_329, %get3A_330] {strides = array<i32>} : memref<8x4096xf32, #tpu.memory_space<vmem>>, vector<1x16xf32>,
        %get3A_332 = vector.shape_cast %get3A_331 : vector<1x16xf32> to vector<16xf32>
        %add3A_333 = arith.addf %get3A_327, %get3A_332 : vector<16xf32>
        %swap3A_334 = arith.constant 2 : i32
        %swap3A_335 = arith.index_cast %swap3A_334 : i32 to index
        %swap3A_336 = arith.index_cast %mul3A_322 : i32 to index
        %swap3A_337 = tpu.vector_load %arg7[%swap3A_335, %swap3A_336] {strides = array<i32>} : memref<8x4096xf32, #tpu.memory_space<vmem>>, vector<1x16xf32>,
        %swap3A_338 = vector.shape_cast %swap3A_337 : vector<1x16xf32> to vector<16xf32>
        %swap3A_339 = vector.shape_cast %add3A_333 : vector<16xf32> to vector<1x16xf32>
        tpu.vector_store %arg7[%swap3A_335, %swap3A_336], %swap3A_339 {strides = array<i32>} : memref<8x4096xf32, #tpu.memory_space<vmem>>, vector<1x16xf32>,
        %mul3A_340 = arith.constant 8 : i32
        %mul3A_341 = arith.muli %scan3A_180, %mul3A_340 : i32
        %add3A_342 = arith.constant 7 : i32
        %add3A_343 = arith.addi %mul3A_341, %add3A_342 : i32
        %mul3A_344 = arith.constant 16 : i32
        %mul3A_345 = arith.muli %add3A_343, %mul3A_344 : i32
        %get3A_346 = arith.constant 2 : i32
        %get3A_347 = arith.index_cast %get3A_346 : i32 to index
        %get3A_348 = arith.index_cast %mul3A_345 : i32 to index
        %get3A_349 = tpu.vector_load %arg7[%get3A_347, %get3A_348] {strides = array<i32>} : memref<8x4096xf32, #tpu.memory_space<vmem>>, vector<1x16xf32>,
        %get3A_350 = vector.shape_cast %get3A_349 : vector<1x16xf32> to vector<16xf32>
        %get3A_351 = arith.constant 2 : i32
        %get3A_352 = arith.index_cast %get3A_351 : i32 to index
        %get3A_353 = arith.index_cast %mul3A_345 : i32 to index
        %get3A_354 = tpu.vector_load %arg9[%get3A_352, %get3A_353] {strides = array<i32>} : memref<8x4096xf32, #tpu.memory_space<vmem>>, vector<1x16xf32>,
        %get3A_355 = vector.shape_cast %get3A_354 : vector<1x16xf32> to vector<16xf32>
        %add3A_356 = arith.addf %get3A_350, %get3A_355 : vector<16xf32>
        %swap3A_357 = arith.constant 2 : i32
        %swap3A_358 = arith.index_cast %swap3A_357 : i32 to index
        %swap3A_359 = arith.index_cast %mul3A_345 : i32 to index
        %swap3A_360 = tpu.vector_load %arg7[%swap3A_358, %swap3A_359] {strides = array<i32>} : memref<8x4096xf32, #tpu.memory_space<vmem>>, vector<1x16xf32>,
        %swap3A_361 = vector.shape_cast %swap3A_360 : vector<1x16xf32> to vector<16xf32>
        %swap3A_362 = vector.shape_cast %add3A_356 : vector<16xf32> to vector<1x16xf32>
        tpu.vector_store %arg7[%swap3A_358, %swap3A_359], %swap3A_362 {strides = array<i32>} : memref<8x4096xf32, #tpu.memory_space<vmem>>, vector<1x16xf32>,
      }
      %scan3A_63 = arith.constant 32 : i32
      %scan3A_64 = arith.constant 0 : i32
      %scan3A_65 = arith.constant 0 : i32
      %scan3A_66 = arith.constant 32 : i32
      %scan3A_67 = arith.addi %scan3A_65, %scan3A_66 : i32
      %scan3A_68 = arith.constant 1 : i32
      scf.for %scan3A_180 = %scan3A_65 to %scan3A_67 step %scan3A_68  : i32 {
        %mul3A_181 = arith.constant 8 : i32
        %mul3A_182 = arith.muli %scan3A_180, %mul3A_181 : i32
        %add3A_183 = arith.constant 0 : i32
        %add3A_184 = arith.addi %mul3A_182, %add3A_183 : i32
        %mul3A_185 = arith.constant 16 : i32
        %mul3A_186 = arith.muli %add3A_184, %mul3A_185 : i32
        %get3A = arith.constant 3 : i32
        %get3A_187 = arith.index_cast %get3A : i32 to index
        %get3A_188 = arith.index_cast %mul3A_186 : i32 to index
        %get3A_189 = tpu.vector_load %arg7[%get3A_187, %get3A_188] {strides = array<i32>} : memref<8x4096xf32, #tpu.memory_space<vmem>>, vector<1x16xf32>,
        %get3A_190 = vector.shape_cast %get3A_189 : vector<1x16xf32> to vector<16xf32>
        %get3A_191 = arith.constant 3 : i32
        %get3A_192 = arith.index_cast %get3A_191 : i32 to index
        %get3A_193 = arith.index_cast %mul3A_186 : i32 to index
        %get3A_194 = tpu.vector_load %arg9[%get3A_192, %get3A_193] {strides = array<i32>} : memref<8x4096xf32, #tpu.memory_space<vmem>>, vector<1x16xf32>,
        %get3A_195 = vector.shape_cast %get3A_194 : vector<1x16xf32> to vector<16xf32>
        %add3A_196 = arith.addf %get3A_190, %get3A_195 : vector<16xf32>
        %swap3A = arith.constant 3 : i32
        %swap3A_197 = arith.index_cast %swap3A : i32 to index
        %swap3A_198 = arith.index_cast %mul3A_186 : i32 to index
        %swap3A_199 = tpu.vector_load %arg7[%swap3A_197, %swap3A_198] {strides = array<i32>} : memref<8x4096xf32, #tpu.memory_space<vmem>>, vector<1x16xf32>,
        %swap3A_200 = vector.shape_cast %swap3A_199 : vector<1x16xf32> to vector<16xf32>
        %swap3A_201 = vector.shape_cast %add3A_196 : vector<16xf32> to vector<1x16xf32>
        tpu.vector_store %arg7[%swap3A_197, %swap3A_198], %swap3A_201 {strides = array<i32>} : memref<8x4096xf32, #tpu.memory_space<vmem>>, vector<1x16xf32>,
        %mul3A_202 = arith.constant 8 : i32
        %mul3A_203 = arith.muli %scan3A_180, %mul3A_202 : i32
        %add3A_204 = arith.constant 1 : i32
        %add3A_205 = arith.addi %mul3A_203, %add3A_204 : i32
        %mul3A_206 = arith.constant 16 : i32
        %mul3A_207 = arith.muli %add3A_205, %mul3A_206 : i32
        %get3A_208 = arith.constant 3 : i32
        %get3A_209 = arith.index_cast %get3A_208 : i32 to index
        %get3A_210 = arith.index_cast %mul3A_207 : i32 to index
        %get3A_211 = tpu.vector_load %arg7[%get3A_209, %get3A_210] {strides = array<i32>} : memref<8x4096xf32, #tpu.memory_space<vmem>>, vector<1x16xf32>,
        %get3A_212 = vector.shape_cast %get3A_211 : vector<1x16xf32> to vector<16xf32>
        %get3A_213 = arith.constant 3 : i32
        %get3A_214 = arith.index_cast %get3A_213 : i32 to index
        %get3A_215 = arith.index_cast %mul3A_207 : i32 to index
        %get3A_216 = tpu.vector_load %arg9[%get3A_214, %get3A_215] {strides = array<i32>} : memref<8x4096xf32, #tpu.memory_space<vmem>>, vector<1x16xf32>,
        %get3A_217 = vector.shape_cast %get3A_216 : vector<1x16xf32> to vector<16xf32>
        %add3A_218 = arith.addf %get3A_212, %get3A_217 : vector<16xf32>
        %swap3A_219 = arith.constant 3 : i32
        %swap3A_220 = arith.index_cast %swap3A_219 : i32 to index
        %swap3A_221 = arith.index_cast %mul3A_207 : i32 to index
        %swap3A_222 = tpu.vector_load %arg7[%swap3A_220, %swap3A_221] {strides = array<i32>} : memref<8x4096xf32, #tpu.memory_space<vmem>>, vector<1x16xf32>,
        %swap3A_223 = vector.shape_cast %swap3A_222 : vector<1x16xf32> to vector<16xf32>
        %swap3A_224 = vector.shape_cast %add3A_218 : vector<16xf32> to vector<1x16xf32>
        tpu.vector_store %arg7[%swap3A_220, %swap3A_221], %swap3A_224 {strides = array<i32>} : memref<8x4096xf32, #tpu.memory_space<vmem>>, vector<1x16xf32>,
        %mul3A_225 = arith.constant 8 : i32
        %mul3A_226 = arith.muli %scan3A_180, %mul3A_225 : i32
        %add3A_227 = arith.constant 2 : i32
        %add3A_228 = arith.addi %mul3A_226, %add3A_227 : i32
        %mul3A_229 = arith.constant 16 : i32
        %mul3A_230 = arith.muli %add3A_228, %mul3A_229 : i32
        %get3A_231 = arith.constant 3 : i32
        %get3A_232 = arith.index_cast %get3A_231 : i32 to index
        %get3A_233 = arith.index_cast %mul3A_230 : i32 to index
        %get3A_234 = tpu.vector_load %arg7[%get3A_232, %get3A_233] {strides = array<i32>} : memref<8x4096xf32, #tpu.memory_space<vmem>>, vector<1x16xf32>,
        %get3A_235 = vector.shape_cast %get3A_234 : vector<1x16xf32> to vector<16xf32>
        %get3A_236 = arith.constant 3 : i32
        %get3A_237 = arith.index_cast %get3A_236 : i32 to index
        %get3A_238 = arith.index_cast %mul3A_230 : i32 to index
        %get3A_239 = tpu.vector_load %arg9[%get3A_237, %get3A_238] {strides = array<i32>} : memref<8x4096xf32, #tpu.memory_space<vmem>>, vector<1x16xf32>,
        %get3A_240 = vector.shape_cast %get3A_239 : vector<1x16xf32> to vector<16xf32>
        %add3A_241 = arith.addf %get3A_235, %get3A_240 : vector<16xf32>
        %swap3A_242 = arith.constant 3 : i32
        %swap3A_243 = arith.index_cast %swap3A_242 : i32 to index
        %swap3A_244 = arith.index_cast %mul3A_230 : i32 to index
        %swap3A_245 = tpu.vector_load %arg7[%swap3A_243, %swap3A_244] {strides = array<i32>} : memref<8x4096xf32, #tpu.memory_space<vmem>>, vector<1x16xf32>,
        %swap3A_246 = vector.shape_cast %swap3A_245 : vector<1x16xf32> to vector<16xf32>
        %swap3A_247 = vector.shape_cast %add3A_241 : vector<16xf32> to vector<1x16xf32>
        tpu.vector_store %arg7[%swap3A_243, %swap3A_244], %swap3A_247 {strides = array<i32>} : memref<8x4096xf32, #tpu.memory_space<vmem>>, vector<1x16xf32>,
        %mul3A_248 = arith.constant 8 : i32
        %mul3A_249 = arith.muli %scan3A_180, %mul3A_248 : i32
        %add3A_250 = arith.constant 3 : i32
        %add3A_251 = arith.addi %mul3A_249, %add3A_250 : i32
        %mul3A_252 = arith.constant 16 : i32
        %mul3A_253 = arith.muli %add3A_251, %mul3A_252 : i32
        %get3A_254 = arith.constant 3 : i32
        %get3A_255 = arith.index_cast %get3A_254 : i32 to index
        %get3A_256 = arith.index_cast %mul3A_253 : i32 to index
        %get3A_257 = tpu.vector_load %arg7[%get3A_255, %get3A_256] {strides = array<i32>} : memref<8x4096xf32, #tpu.memory_space<vmem>>, vector<1x16xf32>,
        %get3A_258 = vector.shape_cast %get3A_257 : vector<1x16xf32> to vector<16xf32>
        %get3A_259 = arith.constant 3 : i32
        %get3A_260 = arith.index_cast %get3A_259 : i32 to index
        %get3A_261 = arith.index_cast %mul3A_253 : i32 to index
        %get3A_262 = tpu.vector_load %arg9[%get3A_260, %get3A_261] {strides = array<i32>} : memref<8x4096xf32, #tpu.memory_space<vmem>>, vector<1x16xf32>,
        %get3A_263 = vector.shape_cast %get3A_262 : vector<1x16xf32> to vector<16xf32>
        %add3A_264 = arith.addf %get3A_258, %get3A_263 : vector<16xf32>
        %swap3A_265 = arith.constant 3 : i32
        %swap3A_266 = arith.index_cast %swap3A_265 : i32 to index
        %swap3A_267 = arith.index_cast %mul3A_253 : i32 to index
        %swap3A_268 = tpu.vector_load %arg7[%swap3A_266, %swap3A_267] {strides = array<i32>} : memref<8x4096xf32, #tpu.memory_space<vmem>>, vector<1x16xf32>,
        %swap3A_269 = vector.shape_cast %swap3A_268 : vector<1x16xf32> to vector<16xf32>
        %swap3A_270 = vector.shape_cast %add3A_264 : vector<16xf32> to vector<1x16xf32>
        tpu.vector_store %arg7[%swap3A_266, %swap3A_267], %swap3A_270 {strides = array<i32>} : memref<8x4096xf32, #tpu.memory_space<vmem>>, vector<1x16xf32>,
        %mul3A_271 = arith.constant 8 : i32
        %mul3A_272 = arith.muli %scan3A_180, %mul3A_271 : i32
        %add3A_273 = arith.constant 4 : i32
        %add3A_274 = arith.addi %mul3A_272, %add3A_273 : i32
        %mul3A_275 = arith.constant 16 : i32
        %mul3A_276 = arith.muli %add3A_274, %mul3A_275 : i32
        %get3A_277 = arith.constant 3 : i32
        %get3A_278 = arith.index_cast %get3A_277 : i32 to index
        %get3A_279 = arith.index_cast %mul3A_276 : i32 to index
        %get3A_280 = tpu.vector_load %arg7[%get3A_278, %get3A_279] {strides = array<i32>} : memref<8x4096xf32, #tpu.memory_space<vmem>>, vector<1x16xf32>,
        %get3A_281 = vector.shape_cast %get3A_280 : vector<1x16xf32> to vector<16xf32>
        %get3A_282 = arith.constant 3 : i32
        %get3A_283 = arith.index_cast %get3A_282 : i32 to index
        %get3A_284 = arith.index_cast %mul3A_276 : i32 to index
        %get3A_285 = tpu.vector_load %arg9[%get3A_283, %get3A_284] {strides = array<i32>} : memref<8x4096xf32, #tpu.memory_space<vmem>>, vector<1x16xf32>,
        %get3A_286 = vector.shape_cast %get3A_285 : vector<1x16xf32> to vector<16xf32>
        %add3A_287 = arith.addf %get3A_281, %get3A_286 : vector<16xf32>
        %swap3A_288 = arith.constant 3 : i32
        %swap3A_289 = arith.index_cast %swap3A_288 : i32 to index
        %swap3A_290 = arith.index_cast %mul3A_276 : i32 to index
        %swap3A_291 = tpu.vector_load %arg7[%swap3A_289, %swap3A_290] {strides = array<i32>} : memref<8x4096xf32, #tpu.memory_space<vmem>>, vector<1x16xf32>,
        %swap3A_292 = vector.shape_cast %swap3A_291 : vector<1x16xf32> to vector<16xf32>
        %swap3A_293 = vector.shape_cast %add3A_287 : vector<16xf32> to vector<1x16xf32>
        tpu.vector_store %arg7[%swap3A_289, %swap3A_290], %swap3A_293 {strides = array<i32>} : memref<8x4096xf32, #tpu.memory_space<vmem>>, vector<1x16xf32>,
        %mul3A_294 = arith.constant 8 : i32
        %mul3A_295 = arith.muli %scan3A_180, %mul3A_294 : i32
        %add3A_296 = arith.constant 5 : i32
        %add3A_297 = arith.addi %mul3A_295, %add3A_296 : i32
        %mul3A_298 = arith.constant 16 : i32
        %mul3A_299 = arith.muli %add3A_297, %mul3A_298 : i32
        %get3A_300 = arith.constant 3 : i32
        %get3A_301 = arith.index_cast %get3A_300 : i32 to index
        %get3A_302 = arith.index_cast %mul3A_299 : i32 to index
        %get3A_303 = tpu.vector_load %arg7[%get3A_301, %get3A_302] {strides = array<i32>} : memref<8x4096xf32, #tpu.memory_space<vmem>>, vector<1x16xf32>,
        %get3A_304 = vector.shape_cast %get3A_303 : vector<1x16xf32> to vector<16xf32>
        %get3A_305 = arith.constant 3 : i32
        %get3A_306 = arith.index_cast %get3A_305 : i32 to index
        %get3A_307 = arith.index_cast %mul3A_299 : i32 to index
        %get3A_308 = tpu.vector_load %arg9[%get3A_306, %get3A_307] {strides = array<i32>} : memref<8x4096xf32, #tpu.memory_space<vmem>>, vector<1x16xf32>,
        %get3A_309 = vector.shape_cast %get3A_308 : vector<1x16xf32> to vector<16xf32>
        %add3A_310 = arith.addf %get3A_304, %get3A_309 : vector<16xf32>
        %swap3A_311 = arith.constant 3 : i32
        %swap3A_312 = arith.index_cast %swap3A_311 : i32 to index
        %swap3A_313 = arith.index_cast %mul3A_299 : i32 to index
        %swap3A_314 = tpu.vector_load %arg7[%swap3A_312, %swap3A_313] {strides = array<i32>} : memref<8x4096xf32, #tpu.memory_space<vmem>>, vector<1x16xf32>,
        %swap3A_315 = vector.shape_cast %swap3A_314 : vector<1x16xf32> to vector<16xf32>
        %swap3A_316 = vector.shape_cast %add3A_310 : vector<16xf32> to vector<1x16xf32>
        tpu.vector_store %arg7[%swap3A_312, %swap3A_313], %swap3A_316 {strides = array<i32>} : memref<8x4096xf32, #tpu.memory_space<vmem>>, vector<1x16xf32>,
        %mul3A_317 = arith.constant 8 : i32
        %mul3A_318 = arith.muli %scan3A_180, %mul3A_317 : i32
        %add3A_319 = arith.constant 6 : i32
        %add3A_320 = arith.addi %mul3A_318, %add3A_319 : i32
        %mul3A_321 = arith.constant 16 : i32
        %mul3A_322 = arith.muli %add3A_320, %mul3A_321 : i32
        %get3A_323 = arith.constant 3 : i32
        %get3A_324 = arith.index_cast %get3A_323 : i32 to index
        %get3A_325 = arith.index_cast %mul3A_322 : i32 to index
        %get3A_326 = tpu.vector_load %arg7[%get3A_324, %get3A_325] {strides = array<i32>} : memref<8x4096xf32, #tpu.memory_space<vmem>>, vector<1x16xf32>,
        %get3A_327 = vector.shape_cast %get3A_326 : vector<1x16xf32> to vector<16xf32>
        %get3A_328 = arith.constant 3 : i32
        %get3A_329 = arith.index_cast %get3A_328 : i32 to index
        %get3A_330 = arith.index_cast %mul3A_322 : i32 to index
        %get3A_331 = tpu.vector_load %arg9[%get3A_329, %get3A_330] {strides = array<i32>} : memref<8x4096xf32, #tpu.memory_space<vmem>>, vector<1x16xf32>,
        %get3A_332 = vector.shape_cast %get3A_331 : vector<1x16xf32> to vector<16xf32>
        %add3A_333 = arith.addf %get3A_327, %get3A_332 : vector<16xf32>
        %swap3A_334 = arith.constant 3 : i32
        %swap3A_335 = arith.index_cast %swap3A_334 : i32 to index
        %swap3A_336 = arith.index_cast %mul3A_322 : i32 to index
        %swap3A_337 = tpu.vector_load %arg7[%swap3A_335, %swap3A_336] {strides = array<i32>} : memref<8x4096xf32, #tpu.memory_space<vmem>>, vector<1x16xf32>,
        %swap3A_338 = vector.shape_cast %swap3A_337 : vector<1x16xf32> to vector<16xf32>
        %swap3A_339 = vector.shape_cast %add3A_333 : vector<16xf32> to vector<1x16xf32>
        tpu.vector_store %arg7[%swap3A_335, %swap3A_336], %swap3A_339 {strides = array<i32>} : memref<8x4096xf32, #tpu.memory_space<vmem>>, vector<1x16xf32>,
        %mul3A_340 = arith.constant 8 : i32
        %mul3A_341 = arith.muli %scan3A_180, %mul3A_340 : i32
        %add3A_342 = arith.constant 7 : i32
        %add3A_343 = arith.addi %mul3A_341, %add3A_342 : i32
        %mul3A_344 = arith.constant 16 : i32
        %mul3A_345 = arith.muli %add3A_343, %mul3A_344 : i32
        %get3A_346 = arith.constant 3 : i32
        %get3A_347 = arith.index_cast %get3A_346 : i32 to index
        %get3A_348 = arith.index_cast %mul3A_345 : i32 to index
        %get3A_349 = tpu.vector_load %arg7[%get3A_347, %get3A_348] {strides = array<i32>} : memref<8x4096xf32, #tpu.memory_space<vmem>>, vector<1x16xf32>,
        %get3A_350 = vector.shape_cast %get3A_349 : vector<1x16xf32> to vector<16xf32>
        %get3A_351 = arith.constant 3 : i32
        %get3A_352 = arith.index_cast %get3A_351 : i32 to index
        %get3A_353 = arith.index_cast %mul3A_345 : i32 to index
        %get3A_354 = tpu.vector_load %arg9[%get3A_352, %get3A_353] {strides = array<i32>} : memref<8x4096xf32, #tpu.memory_space<vmem>>, vector<1x16xf32>,
        %get3A_355 = vector.shape_cast %get3A_354 : vector<1x16xf32> to vector<16xf32>
        %add3A_356 = arith.addf %get3A_350, %get3A_355 : vector<16xf32>
        %swap3A_357 = arith.constant 3 : i32
        %swap3A_358 = arith.index_cast %swap3A_357 : i32 to index
        %swap3A_359 = arith.index_cast %mul3A_345 : i32 to index
        %swap3A_360 = tpu.vector_load %arg7[%swap3A_358, %swap3A_359] {strides = array<i32>} : memref<8x4096xf32, #tpu.memory_space<vmem>>, vector<1x16xf32>,
        %swap3A_361 = vector.shape_cast %swap3A_360 : vector<1x16xf32> to vector<16xf32>
        %swap3A_362 = vector.shape_cast %add3A_356 : vector<16xf32> to vector<1x16xf32>
        tpu.vector_store %arg7[%swap3A_358, %swap3A_359], %swap3A_362 {strides = array<i32>} : memref<8x4096xf32, #tpu.memory_space<vmem>>, vector<1x16xf32>,
      }
      %scan3A_69 = arith.constant 32 : i32
      %scan3A_70 = arith.constant 0 : i32
      %scan3A_71 = arith.constant 0 : i32
      %scan3A_72 = arith.constant 32 : i32
      %scan3A_73 = arith.addi %scan3A_71, %scan3A_72 : i32
      %scan3A_74 = arith.constant 1 : i32
      scf.for %scan3A_180 = %scan3A_71 to %scan3A_73 step %scan3A_74  : i32 {
        %mul3A_181 = arith.constant 8 : i32
        %mul3A_182 = arith.muli %scan3A_180, %mul3A_181 : i32
        %add3A_183 = arith.constant 0 : i32
        %add3A_184 = arith.addi %mul3A_182, %add3A_183 : i32
        %mul3A_185 = arith.constant 16 : i32
        %mul3A_186 = arith.muli %add3A_184, %mul3A_185 : i32
        %get3A = arith.constant 4 : i32
        %get3A_187 = arith.index_cast %get3A : i32 to index
        %get3A_188 = arith.index_cast %mul3A_186 : i32 to index
        %get3A_189 = tpu.vector_load %arg7[%get3A_187, %get3A_188] {strides = array<i32>} : memref<8x4096xf32, #tpu.memory_space<vmem>>, vector<1x16xf32>,
        %get3A_190 = vector.shape_cast %get3A_189 : vector<1x16xf32> to vector<16xf32>
        %get3A_191 = arith.constant 4 : i32
        %get3A_192 = arith.index_cast %get3A_191 : i32 to index
        %get3A_193 = arith.index_cast %mul3A_186 : i32 to index
        %get3A_194 = tpu.vector_load %arg9[%get3A_192, %get3A_193] {strides = array<i32>} : memref<8x4096xf32, #tpu.memory_space<vmem>>, vector<1x16xf32>,
        %get3A_195 = vector.shape_cast %get3A_194 : vector<1x16xf32> to vector<16xf32>
        %add3A_196 = arith.addf %get3A_190, %get3A_195 : vector<16xf32>
        %swap3A = arith.constant 4 : i32
        %swap3A_197 = arith.index_cast %swap3A : i32 to index
        %swap3A_198 = arith.index_cast %mul3A_186 : i32 to index
        %swap3A_199 = tpu.vector_load %arg7[%swap3A_197, %swap3A_198] {strides = array<i32>} : memref<8x4096xf32, #tpu.memory_space<vmem>>, vector<1x16xf32>,
        %swap3A_200 = vector.shape_cast %swap3A_199 : vector<1x16xf32> to vector<16xf32>
        %swap3A_201 = vector.shape_cast %add3A_196 : vector<16xf32> to vector<1x16xf32>
        tpu.vector_store %arg7[%swap3A_197, %swap3A_198], %swap3A_201 {strides = array<i32>} : memref<8x4096xf32, #tpu.memory_space<vmem>>, vector<1x16xf32>,
        %mul3A_202 = arith.constant 8 : i32
        %mul3A_203 = arith.muli %scan3A_180, %mul3A_202 : i32
        %add3A_204 = arith.constant 1 : i32
        %add3A_205 = arith.addi %mul3A_203, %add3A_204 : i32
        %mul3A_206 = arith.constant 16 : i32
        %mul3A_207 = arith.muli %add3A_205, %mul3A_206 : i32
        %get3A_208 = arith.constant 4 : i32
        %get3A_209 = arith.index_cast %get3A_208 : i32 to index
        %get3A_210 = arith.index_cast %mul3A_207 : i32 to index
        %get3A_211 = tpu.vector_load %arg7[%get3A_209, %get3A_210] {strides = array<i32>} : memref<8x4096xf32, #tpu.memory_space<vmem>>, vector<1x16xf32>,
        %get3A_212 = vector.shape_cast %get3A_211 : vector<1x16xf32> to vector<16xf32>
        %get3A_213 = arith.constant 4 : i32
        %get3A_214 = arith.index_cast %get3A_213 : i32 to index
        %get3A_215 = arith.index_cast %mul3A_207 : i32 to index
        %get3A_216 = tpu.vector_load %arg9[%get3A_214, %get3A_215] {strides = array<i32>} : memref<8x4096xf32, #tpu.memory_space<vmem>>, vector<1x16xf32>,
        %get3A_217 = vector.shape_cast %get3A_216 : vector<1x16xf32> to vector<16xf32>
        %add3A_218 = arith.addf %get3A_212, %get3A_217 : vector<16xf32>
        %swap3A_219 = arith.constant 4 : i32
        %swap3A_220 = arith.index_cast %swap3A_219 : i32 to index
        %swap3A_221 = arith.index_cast %mul3A_207 : i32 to index
        %swap3A_222 = tpu.vector_load %arg7[%swap3A_220, %swap3A_221] {strides = array<i32>} : memref<8x4096xf32, #tpu.memory_space<vmem>>, vector<1x16xf32>,
        %swap3A_223 = vector.shape_cast %swap3A_222 : vector<1x16xf32> to vector<16xf32>
        %swap3A_224 = vector.shape_cast %add3A_218 : vector<16xf32> to vector<1x16xf32>
        tpu.vector_store %arg7[%swap3A_220, %swap3A_221], %swap3A_224 {strides = array<i32>} : memref<8x4096xf32, #tpu.memory_space<vmem>>, vector<1x16xf32>,
        %mul3A_225 = arith.constant 8 : i32
        %mul3A_226 = arith.muli %scan3A_180, %mul3A_225 : i32
        %add3A_227 = arith.constant 2 : i32
        %add3A_228 = arith.addi %mul3A_226, %add3A_227 : i32
        %mul3A_229 = arith.constant 16 : i32
        %mul3A_230 = arith.muli %add3A_228, %mul3A_229 : i32
        %get3A_231 = arith.constant 4 : i32
        %get3A_232 = arith.index_cast %get3A_231 : i32 to index
        %get3A_233 = arith.index_cast %mul3A_230 : i32 to index
        %get3A_234 = tpu.vector_load %arg7[%get3A_232, %get3A_233] {strides = array<i32>} : memref<8x4096xf32, #tpu.memory_space<vmem>>, vector<1x16xf32>,
        %get3A_235 = vector.shape_cast %get3A_234 : vector<1x16xf32> to vector<16xf32>
        %get3A_236 = arith.constant 4 : i32
        %get3A_237 = arith.index_cast %get3A_236 : i32 to index
        %get3A_238 = arith.index_cast %mul3A_230 : i32 to index
        %get3A_239 = tpu.vector_load %arg9[%get3A_237, %get3A_238] {strides = array<i32>} : memref<8x4096xf32, #tpu.memory_space<vmem>>, vector<1x16xf32>,
        %get3A_240 = vector.shape_cast %get3A_239 : vector<1x16xf32> to vector<16xf32>
        %add3A_241 = arith.addf %get3A_235, %get3A_240 : vector<16xf32>
        %swap3A_242 = arith.constant 4 : i32
        %swap3A_243 = arith.index_cast %swap3A_242 : i32 to index
        %swap3A_244 = arith.index_cast %mul3A_230 : i32 to index
        %swap3A_245 = tpu.vector_load %arg7[%swap3A_243, %swap3A_244] {strides = array<i32>} : memref<8x4096xf32, #tpu.memory_space<vmem>>, vector<1x16xf32>,
        %swap3A_246 = vector.shape_cast %swap3A_245 : vector<1x16xf32> to vector<16xf32>
        %swap3A_247 = vector.shape_cast %add3A_241 : vector<16xf32> to vector<1x16xf32>
        tpu.vector_store %arg7[%swap3A_243, %swap3A_244], %swap3A_247 {strides = array<i32>} : memref<8x4096xf32, #tpu.memory_space<vmem>>, vector<1x16xf32>,
        %mul3A_248 = arith.constant 8 : i32
        %mul3A_249 = arith.muli %scan3A_180, %mul3A_248 : i32
        %add3A_250 = arith.constant 3 : i32
        %add3A_251 = arith.addi %mul3A_249, %add3A_250 : i32
        %mul3A_252 = arith.constant 16 : i32
        %mul3A_253 = arith.muli %add3A_251, %mul3A_252 : i32
        %get3A_254 = arith.constant 4 : i32
        %get3A_255 = arith.index_cast %get3A_254 : i32 to index
        %get3A_256 = arith.index_cast %mul3A_253 : i32 to index
        %get3A_257 = tpu.vector_load %arg7[%get3A_255, %get3A_256] {strides = array<i32>} : memref<8x4096xf32, #tpu.memory_space<vmem>>, vector<1x16xf32>,
        %get3A_258 = vector.shape_cast %get3A_257 : vector<1x16xf32> to vector<16xf32>
        %get3A_259 = arith.constant 4 : i32
        %get3A_260 = arith.index_cast %get3A_259 : i32 to index
        %get3A_261 = arith.index_cast %mul3A_253 : i32 to index
        %get3A_262 = tpu.vector_load %arg9[%get3A_260, %get3A_261] {strides = array<i32>} : memref<8x4096xf32, #tpu.memory_space<vmem>>, vector<1x16xf32>,
        %get3A_263 = vector.shape_cast %get3A_262 : vector<1x16xf32> to vector<16xf32>
        %add3A_264 = arith.addf %get3A_258, %get3A_263 : vector<16xf32>
        %swap3A_265 = arith.constant 4 : i32
        %swap3A_266 = arith.index_cast %swap3A_265 : i32 to index
        %swap3A_267 = arith.index_cast %mul3A_253 : i32 to index
        %swap3A_268 = tpu.vector_load %arg7[%swap3A_266, %swap3A_267] {strides = array<i32>} : memref<8x4096xf32, #tpu.memory_space<vmem>>, vector<1x16xf32>,
        %swap3A_269 = vector.shape_cast %swap3A_268 : vector<1x16xf32> to vector<16xf32>
        %swap3A_270 = vector.shape_cast %add3A_264 : vector<16xf32> to vector<1x16xf32>
        tpu.vector_store %arg7[%swap3A_266, %swap3A_267], %swap3A_270 {strides = array<i32>} : memref<8x4096xf32, #tpu.memory_space<vmem>>, vector<1x16xf32>,
        %mul3A_271 = arith.constant 8 : i32
        %mul3A_272 = arith.muli %scan3A_180, %mul3A_271 : i32
        %add3A_273 = arith.constant 4 : i32
        %add3A_274 = arith.addi %mul3A_272, %add3A_273 : i32
        %mul3A_275 = arith.constant 16 : i32
        %mul3A_276 = arith.muli %add3A_274, %mul3A_275 : i32
        %get3A_277 = arith.constant 4 : i32
        %get3A_278 = arith.index_cast %get3A_277 : i32 to index
        %get3A_279 = arith.index_cast %mul3A_276 : i32 to index
        %get3A_280 = tpu.vector_load %arg7[%get3A_278, %get3A_279] {strides = array<i32>} : memref<8x4096xf32, #tpu.memory_space<vmem>>, vector<1x16xf32>,
        %get3A_281 = vector.shape_cast %get3A_280 : vector<1x16xf32> to vector<16xf32>
        %get3A_282 = arith.constant 4 : i32
        %get3A_283 = arith.index_cast %get3A_282 : i32 to index
        %get3A_284 = arith.index_cast %mul3A_276 : i32 to index
        %get3A_285 = tpu.vector_load %arg9[%get3A_283, %get3A_284] {strides = array<i32>} : memref<8x4096xf32, #tpu.memory_space<vmem>>, vector<1x16xf32>,
        %get3A_286 = vector.shape_cast %get3A_285 : vector<1x16xf32> to vector<16xf32>
        %add3A_287 = arith.addf %get3A_281, %get3A_286 : vector<16xf32>
        %swap3A_288 = arith.constant 4 : i32
        %swap3A_289 = arith.index_cast %swap3A_288 : i32 to index
        %swap3A_290 = arith.index_cast %mul3A_276 : i32 to index
        %swap3A_291 = tpu.vector_load %arg7[%swap3A_289, %swap3A_290] {strides = array<i32>} : memref<8x4096xf32, #tpu.memory_space<vmem>>, vector<1x16xf32>,
        %swap3A_292 = vector.shape_cast %swap3A_291 : vector<1x16xf32> to vector<16xf32>
        %swap3A_293 = vector.shape_cast %add3A_287 : vector<16xf32> to vector<1x16xf32>
        tpu.vector_store %arg7[%swap3A_289, %swap3A_290], %swap3A_293 {strides = array<i32>} : memref<8x4096xf32, #tpu.memory_space<vmem>>, vector<1x16xf32>,
        %mul3A_294 = arith.constant 8 : i32
        %mul3A_295 = arith.muli %scan3A_180, %mul3A_294 : i32
        %add3A_296 = arith.constant 5 : i32
        %add3A_297 = arith.addi %mul3A_295, %add3A_296 : i32
        %mul3A_298 = arith.constant 16 : i32
        %mul3A_299 = arith.muli %add3A_297, %mul3A_298 : i32
        %get3A_300 = arith.constant 4 : i32
        %get3A_301 = arith.index_cast %get3A_300 : i32 to index
        %get3A_302 = arith.index_cast %mul3A_299 : i32 to index
        %get3A_303 = tpu.vector_load %arg7[%get3A_301, %get3A_302] {strides = array<i32>} : memref<8x4096xf32, #tpu.memory_space<vmem>>, vector<1x16xf32>,
        %get3A_304 = vector.shape_cast %get3A_303 : vector<1x16xf32> to vector<16xf32>
        %get3A_305 = arith.constant 4 : i32
        %get3A_306 = arith.index_cast %get3A_305 : i32 to index
        %get3A_307 = arith.index_cast %mul3A_299 : i32 to index
        %get3A_308 = tpu.vector_load %arg9[%get3A_306, %get3A_307] {strides = array<i32>} : memref<8x4096xf32, #tpu.memory_space<vmem>>, vector<1x16xf32>,
        %get3A_309 = vector.shape_cast %get3A_308 : vector<1x16xf32> to vector<16xf32>
        %add3A_310 = arith.addf %get3A_304, %get3A_309 : vector<16xf32>
        %swap3A_311 = arith.constant 4 : i32
        %swap3A_312 = arith.index_cast %swap3A_311 : i32 to index
        %swap3A_313 = arith.index_cast %mul3A_299 : i32 to index
        %swap3A_314 = tpu.vector_load %arg7[%swap3A_312, %swap3A_313] {strides = array<i32>} : memref<8x4096xf32, #tpu.memory_space<vmem>>, vector<1x16xf32>,
        %swap3A_315 = vector.shape_cast %swap3A_314 : vector<1x16xf32> to vector<16xf32>
        %swap3A_316 = vector.shape_cast %add3A_310 : vector<16xf32> to vector<1x16xf32>
        tpu.vector_store %arg7[%swap3A_312, %swap3A_313], %swap3A_316 {strides = array<i32>} : memref<8x4096xf32, #tpu.memory_space<vmem>>, vector<1x16xf32>,
        %mul3A_317 = arith.constant 8 : i32
        %mul3A_318 = arith.muli %scan3A_180, %mul3A_317 : i32
        %add3A_319 = arith.constant 6 : i32
        %add3A_320 = arith.addi %mul3A_318, %add3A_319 : i32
        %mul3A_321 = arith.constant 16 : i32
        %mul3A_322 = arith.muli %add3A_320, %mul3A_321 : i32
        %get3A_323 = arith.constant 4 : i32
        %get3A_324 = arith.index_cast %get3A_323 : i32 to index
        %get3A_325 = arith.index_cast %mul3A_322 : i32 to index
        %get3A_326 = tpu.vector_load %arg7[%get3A_324, %get3A_325] {strides = array<i32>} : memref<8x4096xf32, #tpu.memory_space<vmem>>, vector<1x16xf32>,
        %get3A_327 = vector.shape_cast %get3A_326 : vector<1x16xf32> to vector<16xf32>
        %get3A_328 = arith.constant 4 : i32
        %get3A_329 = arith.index_cast %get3A_328 : i32 to index
        %get3A_330 = arith.index_cast %mul3A_322 : i32 to index
        %get3A_331 = tpu.vector_load %arg9[%get3A_329, %get3A_330] {strides = array<i32>} : memref<8x4096xf32, #tpu.memory_space<vmem>>, vector<1x16xf32>,
        %get3A_332 = vector.shape_cast %get3A_331 : vector<1x16xf32> to vector<16xf32>
        %add3A_333 = arith.addf %get3A_327, %get3A_332 : vector<16xf32>
        %swap3A_334 = arith.constant 4 : i32
        %swap3A_335 = arith.index_cast %swap3A_334 : i32 to index
        %swap3A_336 = arith.index_cast %mul3A_322 : i32 to index
        %swap3A_337 = tpu.vector_load %arg7[%swap3A_335, %swap3A_336] {strides = array<i32>} : memref<8x4096xf32, #tpu.memory_space<vmem>>, vector<1x16xf32>,
        %swap3A_338 = vector.shape_cast %swap3A_337 : vector<1x16xf32> to vector<16xf32>
        %swap3A_339 = vector.shape_cast %add3A_333 : vector<16xf32> to vector<1x16xf32>
        tpu.vector_store %arg7[%swap3A_335, %swap3A_336], %swap3A_339 {strides = array<i32>} : memref<8x4096xf32, #tpu.memory_space<vmem>>, vector<1x16xf32>,
        %mul3A_340 = arith.constant 8 : i32
        %mul3A_341 = arith.muli %scan3A_180, %mul3A_340 : i32
        %add3A_342 = arith.constant 7 : i32
        %add3A_343 = arith.addi %mul3A_341, %add3A_342 : i32
        %mul3A_344 = arith.constant 16 : i32
        %mul3A_345 = arith.muli %add3A_343, %mul3A_344 : i32
        %get3A_346 = arith.constant 4 : i32
        %get3A_347 = arith.index_cast %get3A_346 : i32 to index
        %get3A_348 = arith.index_cast %mul3A_345 : i32 to index
        %get3A_349 = tpu.vector_load %arg7[%get3A_347, %get3A_348] {strides = array<i32>} : memref<8x4096xf32, #tpu.memory_space<vmem>>, vector<1x16xf32>,
        %get3A_350 = vector.shape_cast %get3A_349 : vector<1x16xf32> to vector<16xf32>
        %get3A_351 = arith.constant 4 : i32
        %get3A_352 = arith.index_cast %get3A_351 : i32 to index
        %get3A_353 = arith.index_cast %mul3A_345 : i32 to index
        %get3A_354 = tpu.vector_load %arg9[%get3A_352, %get3A_353] {strides = array<i32>} : memref<8x4096xf32, #tpu.memory_space<vmem>>, vector<1x16xf32>,
        %get3A_355 = vector.shape_cast %get3A_354 : vector<1x16xf32> to vector<16xf32>
        %add3A_356 = arith.addf %get3A_350, %get3A_355 : vector<16xf32>
        %swap3A_357 = arith.constant 4 : i32
        %swap3A_358 = arith.index_cast %swap3A_357 : i32 to index
        %swap3A_359 = arith.index_cast %mul3A_345 : i32 to index
        %swap3A_360 = tpu.vector_load %arg7[%swap3A_358, %swap3A_359] {strides = array<i32>} : memref<8x4096xf32, #tpu.memory_space<vmem>>, vector<1x16xf32>,
        %swap3A_361 = vector.shape_cast %swap3A_360 : vector<1x16xf32> to vector<16xf32>
        %swap3A_362 = vector.shape_cast %add3A_356 : vector<16xf32> to vector<1x16xf32>
        tpu.vector_store %arg7[%swap3A_358, %swap3A_359], %swap3A_362 {strides = array<i32>} : memref<8x4096xf32, #tpu.memory_space<vmem>>, vector<1x16xf32>,
      }
      %scan3A_75 = arith.constant 32 : i32
      %scan3A_76 = arith.constant 0 : i32
      %scan3A_77 = arith.constant 0 : i32
      %scan3A_78 = arith.constant 32 : i32
      %scan3A_79 = arith.addi %scan3A_77, %scan3A_78 : i32
      %scan3A_80 = arith.constant 1 : i32
      scf.for %scan3A_180 = %scan3A_77 to %scan3A_79 step %scan3A_80  : i32 {
        %mul3A_181 = arith.constant 8 : i32
        %mul3A_182 = arith.muli %scan3A_180, %mul3A_181 : i32
        %add3A_183 = arith.constant 0 : i32
        %add3A_184 = arith.addi %mul3A_182, %add3A_183 : i32
        %mul3A_185 = arith.constant 16 : i32
        %mul3A_186 = arith.muli %add3A_184, %mul3A_185 : i32
        %get3A = arith.constant 5 : i32
        %get3A_187 = arith.index_cast %get3A : i32 to index
        %get3A_188 = arith.index_cast %mul3A_186 : i32 to index
        %get3A_189 = tpu.vector_load %arg7[%get3A_187, %get3A_188] {strides = array<i32>} : memref<8x4096xf32, #tpu.memory_space<vmem>>, vector<1x16xf32>,
        %get3A_190 = vector.shape_cast %get3A_189 : vector<1x16xf32> to vector<16xf32>
        %get3A_191 = arith.constant 5 : i32
        %get3A_192 = arith.index_cast %get3A_191 : i32 to index
        %get3A_193 = arith.index_cast %mul3A_186 : i32 to index
        %get3A_194 = tpu.vector_load %arg9[%get3A_192, %get3A_193] {strides = array<i32>} : memref<8x4096xf32, #tpu.memory_space<vmem>>, vector<1x16xf32>,
        %get3A_195 = vector.shape_cast %get3A_194 : vector<1x16xf32> to vector<16xf32>
        %add3A_196 = arith.addf %get3A_190, %get3A_195 : vector<16xf32>
        %swap3A = arith.constant 5 : i32
        %swap3A_197 = arith.index_cast %swap3A : i32 to index
        %swap3A_198 = arith.index_cast %mul3A_186 : i32 to index
        %swap3A_199 = tpu.vector_load %arg7[%swap3A_197, %swap3A_198] {strides = array<i32>} : memref<8x4096xf32, #tpu.memory_space<vmem>>, vector<1x16xf32>,
        %swap3A_200 = vector.shape_cast %swap3A_199 : vector<1x16xf32> to vector<16xf32>
        %swap3A_201 = vector.shape_cast %add3A_196 : vector<16xf32> to vector<1x16xf32>
        tpu.vector_store %arg7[%swap3A_197, %swap3A_198], %swap3A_201 {strides = array<i32>} : memref<8x4096xf32, #tpu.memory_space<vmem>>, vector<1x16xf32>,
        %mul3A_202 = arith.constant 8 : i32
        %mul3A_203 = arith.muli %scan3A_180, %mul3A_202 : i32
        %add3A_204 = arith.constant 1 : i32
        %add3A_205 = arith.addi %mul3A_203, %add3A_204 : i32
        %mul3A_206 = arith.constant 16 : i32
        %mul3A_207 = arith.muli %add3A_205, %mul3A_206 : i32
        %get3A_208 = arith.constant 5 : i32
        %get3A_209 = arith.index_cast %get3A_208 : i32 to index
        %get3A_210 = arith.index_cast %mul3A_207 : i32 to index
        %get3A_211 = tpu.vector_load %arg7[%get3A_209, %get3A_210] {strides = array<i32>} : memref<8x4096xf32, #tpu.memory_space<vmem>>, vector<1x16xf32>,
        %get3A_212 = vector.shape_cast %get3A_211 : vector<1x16xf32> to vector<16xf32>
        %get3A_213 = arith.constant 5 : i32
        %get3A_214 = arith.index_cast %get3A_213 : i32 to index
        %get3A_215 = arith.index_cast %mul3A_207 : i32 to index
        %get3A_216 = tpu.vector_load %arg9[%get3A_214, %get3A_215] {strides = array<i32>} : memref<8x4096xf32, #tpu.memory_space<vmem>>, vector<1x16xf32>,
        %get3A_217 = vector.shape_cast %get3A_216 : vector<1x16xf32> to vector<16xf32>
        %add3A_218 = arith.addf %get3A_212, %get3A_217 : vector<16xf32>
        %swap3A_219 = arith.constant 5 : i32
        %swap3A_220 = arith.index_cast %swap3A_219 : i32 to index
        %swap3A_221 = arith.index_cast %mul3A_207 : i32 to index
        %swap3A_222 = tpu.vector_load %arg7[%swap3A_220, %swap3A_221] {strides = array<i32>} : memref<8x4096xf32, #tpu.memory_space<vmem>>, vector<1x16xf32>,
        %swap3A_223 = vector.shape_cast %swap3A_222 : vector<1x16xf32> to vector<16xf32>
        %swap3A_224 = vector.shape_cast %add3A_218 : vector<16xf32> to vector<1x16xf32>
        tpu.vector_store %arg7[%swap3A_220, %swap3A_221], %swap3A_224 {strides = array<i32>} : memref<8x4096xf32, #tpu.memory_space<vmem>>, vector<1x16xf32>,
        %mul3A_225 = arith.constant 8 : i32
        %mul3A_226 = arith.muli %scan3A_180, %mul3A_225 : i32
        %add3A_227 = arith.constant 2 : i32
        %add3A_228 = arith.addi %mul3A_226, %add3A_227 : i32
        %mul3A_229 = arith.constant 16 : i32
        %mul3A_230 = arith.muli %add3A_228, %mul3A_229 : i32
        %get3A_231 = arith.constant 5 : i32
        %get3A_232 = arith.index_cast %get3A_231 : i32 to index
        %get3A_233 = arith.index_cast %mul3A_230 : i32 to index
        %get3A_234 = tpu.vector_load %arg7[%get3A_232, %get3A_233] {strides = array<i32>} : memref<8x4096xf32, #tpu.memory_space<vmem>>, vector<1x16xf32>,
        %get3A_235 = vector.shape_cast %get3A_234 : vector<1x16xf32> to vector<16xf32>
        %get3A_236 = arith.constant 5 : i32
        %get3A_237 = arith.index_cast %get3A_236 : i32 to index
        %get3A_238 = arith.index_cast %mul3A_230 : i32 to index
        %get3A_239 = tpu.vector_load %arg9[%get3A_237, %get3A_238] {strides = array<i32>} : memref<8x4096xf32, #tpu.memory_space<vmem>>, vector<1x16xf32>,
        %get3A_240 = vector.shape_cast %get3A_239 : vector<1x16xf32> to vector<16xf32>
        %add3A_241 = arith.addf %get3A_235, %get3A_240 : vector<16xf32>
        %swap3A_242 = arith.constant 5 : i32
        %swap3A_243 = arith.index_cast %swap3A_242 : i32 to index
        %swap3A_244 = arith.index_cast %mul3A_230 : i32 to index
        %swap3A_245 = tpu.vector_load %arg7[%swap3A_243, %swap3A_244] {strides = array<i32>} : memref<8x4096xf32, #tpu.memory_space<vmem>>, vector<1x16xf32>,
        %swap3A_246 = vector.shape_cast %swap3A_245 : vector<1x16xf32> to vector<16xf32>
        %swap3A_247 = vector.shape_cast %add3A_241 : vector<16xf32> to vector<1x16xf32>
        tpu.vector_store %arg7[%swap3A_243, %swap3A_244], %swap3A_247 {strides = array<i32>} : memref<8x4096xf32, #tpu.memory_space<vmem>>, vector<1x16xf32>,
        %mul3A_248 = arith.constant 8 : i32
        %mul3A_249 = arith.muli %scan3A_180, %mul3A_248 : i32
        %add3A_250 = arith.constant 3 : i32
        %add3A_251 = arith.addi %mul3A_249, %add3A_250 : i32
        %mul3A_252 = arith.constant 16 : i32
        %mul3A_253 = arith.muli %add3A_251, %mul3A_252 : i32
        %get3A_254 = arith.constant 5 : i32
        %get3A_255 = arith.index_cast %get3A_254 : i32 to index
        %get3A_256 = arith.index_cast %mul3A_253 : i32 to index
        %get3A_257 = tpu.vector_load %arg7[%get3A_255, %get3A_256] {strides = array<i32>} : memref<8x4096xf32, #tpu.memory_space<vmem>>, vector<1x16xf32>,
        %get3A_258 = vector.shape_cast %get3A_257 : vector<1x16xf32> to vector<16xf32>
        %get3A_259 = arith.constant 5 : i32
        %get3A_260 = arith.index_cast %get3A_259 : i32 to index
        %get3A_261 = arith.index_cast %mul3A_253 : i32 to index
        %get3A_262 = tpu.vector_load %arg9[%get3A_260, %get3A_261] {strides = array<i32>} : memref<8x4096xf32, #tpu.memory_space<vmem>>, vector<1x16xf32>,
        %get3A_263 = vector.shape_cast %get3A_262 : vector<1x16xf32> to vector<16xf32>
        %add3A_264 = arith.addf %get3A_258, %get3A_263 : vector<16xf32>
        %swap3A_265 = arith.constant 5 : i32
        %swap3A_266 = arith.index_cast %swap3A_265 : i32 to index
        %swap3A_267 = arith.index_cast %mul3A_253 : i32 to index
        %swap3A_268 = tpu.vector_load %arg7[%swap3A_266, %swap3A_267] {strides = array<i32>} : memref<8x4096xf32, #tpu.memory_space<vmem>>, vector<1x16xf32>,
        %swap3A_269 = vector.shape_cast %swap3A_268 : vector<1x16xf32> to vector<16xf32>
        %swap3A_270 = vector.shape_cast %add3A_264 : vector<16xf32> to vector<1x16xf32>
        tpu.vector_store %arg7[%swap3A_266, %swap3A_267], %swap3A_270 {strides = array<i32>} : memref<8x4096xf32, #tpu.memory_space<vmem>>, vector<1x16xf32>,
        %mul3A_271 = arith.constant 8 : i32
        %mul3A_272 = arith.muli %scan3A_180, %mul3A_271 : i32
        %add3A_273 = arith.constant 4 : i32
        %add3A_274 = arith.addi %mul3A_272, %add3A_273 : i32
        %mul3A_275 = arith.constant 16 : i32
        %mul3A_276 = arith.muli %add3A_274, %mul3A_275 : i32
        %get3A_277 = arith.constant 5 : i32
        %get3A_278 = arith.index_cast %get3A_277 : i32 to index
        %get3A_279 = arith.index_cast %mul3A_276 : i32 to index
        %get3A_280 = tpu.vector_load %arg7[%get3A_278, %get3A_279] {strides = array<i32>} : memref<8x4096xf32, #tpu.memory_space<vmem>>, vector<1x16xf32>,
        %get3A_281 = vector.shape_cast %get3A_280 : vector<1x16xf32> to vector<16xf32>
        %get3A_282 = arith.constant 5 : i32
        %get3A_283 = arith.index_cast %get3A_282 : i32 to index
        %get3A_284 = arith.index_cast %mul3A_276 : i32 to index
        %get3A_285 = tpu.vector_load %arg9[%get3A_283, %get3A_284] {strides = array<i32>} : memref<8x4096xf32, #tpu.memory_space<vmem>>, vector<1x16xf32>,
        %get3A_286 = vector.shape_cast %get3A_285 : vector<1x16xf32> to vector<16xf32>
        %add3A_287 = arith.addf %get3A_281, %get3A_286 : vector<16xf32>
        %swap3A_288 = arith.constant 5 : i32
        %swap3A_289 = arith.index_cast %swap3A_288 : i32 to index
        %swap3A_290 = arith.index_cast %mul3A_276 : i32 to index
        %swap3A_291 = tpu.vector_load %arg7[%swap3A_289, %swap3A_290] {strides = array<i32>} : memref<8x4096xf32, #tpu.memory_space<vmem>>, vector<1x16xf32>,
        %swap3A_292 = vector.shape_cast %swap3A_291 : vector<1x16xf32> to vector<16xf32>
        %swap3A_293 = vector.shape_cast %add3A_287 : vector<16xf32> to vector<1x16xf32>
        tpu.vector_store %arg7[%swap3A_289, %swap3A_290], %swap3A_293 {strides = array<i32>} : memref<8x4096xf32, #tpu.memory_space<vmem>>, vector<1x16xf32>,
        %mul3A_294 = arith.constant 8 : i32
        %mul3A_295 = arith.muli %scan3A_180, %mul3A_294 : i32
        %add3A_296 = arith.constant 5 : i32
        %add3A_297 = arith.addi %mul3A_295, %add3A_296 : i32
        %mul3A_298 = arith.constant 16 : i32
        %mul3A_299 = arith.muli %add3A_297, %mul3A_298 : i32
        %get3A_300 = arith.constant 5 : i32
        %get3A_301 = arith.index_cast %get3A_300 : i32 to index
        %get3A_302 = arith.index_cast %mul3A_299 : i32 to index
        %get3A_303 = tpu.vector_load %arg7[%get3A_301, %get3A_302] {strides = array<i32>} : memref<8x4096xf32, #tpu.memory_space<vmem>>, vector<1x16xf32>,
        %get3A_304 = vector.shape_cast %get3A_303 : vector<1x16xf32> to vector<16xf32>
        %get3A_305 = arith.constant 5 : i32
        %get3A_306 = arith.index_cast %get3A_305 : i32 to index
        %get3A_307 = arith.index_cast %mul3A_299 : i32 to index
        %get3A_308 = tpu.vector_load %arg9[%get3A_306, %get3A_307] {strides = array<i32>} : memref<8x4096xf32, #tpu.memory_space<vmem>>, vector<1x16xf32>,
        %get3A_309 = vector.shape_cast %get3A_308 : vector<1x16xf32> to vector<16xf32>
        %add3A_310 = arith.addf %get3A_304, %get3A_309 : vector<16xf32>
        %swap3A_311 = arith.constant 5 : i32
        %swap3A_312 = arith.index_cast %swap3A_311 : i32 to index
        %swap3A_313 = arith.index_cast %mul3A_299 : i32 to index
        %swap3A_314 = tpu.vector_load %arg7[%swap3A_312, %swap3A_313] {strides = array<i32>} : memref<8x4096xf32, #tpu.memory_space<vmem>>, vector<1x16xf32>,
        %swap3A_315 = vector.shape_cast %swap3A_314 : vector<1x16xf32> to vector<16xf32>
        %swap3A_316 = vector.shape_cast %add3A_310 : vector<16xf32> to vector<1x16xf32>
        tpu.vector_store %arg7[%swap3A_312, %swap3A_313], %swap3A_316 {strides = array<i32>} : memref<8x4096xf32, #tpu.memory_space<vmem>>, vector<1x16xf32>,
        %mul3A_317 = arith.constant 8 : i32
        %mul3A_318 = arith.muli %scan3A_180, %mul3A_317 : i32
        %add3A_319 = arith.constant 6 : i32
        %add3A_320 = arith.addi %mul3A_318, %add3A_319 : i32
        %mul3A_321 = arith.constant 16 : i32
        %mul3A_322 = arith.muli %add3A_320, %mul3A_321 : i32
        %get3A_323 = arith.constant 5 : i32
        %get3A_324 = arith.index_cast %get3A_323 : i32 to index
        %get3A_325 = arith.index_cast %mul3A_322 : i32 to index
        %get3A_326 = tpu.vector_load %arg7[%get3A_324, %get3A_325] {strides = array<i32>} : memref<8x4096xf32, #tpu.memory_space<vmem>>, vector<1x16xf32>,
        %get3A_327 = vector.shape_cast %get3A_326 : vector<1x16xf32> to vector<16xf32>
        %get3A_328 = arith.constant 5 : i32
        %get3A_329 = arith.index_cast %get3A_328 : i32 to index
        %get3A_330 = arith.index_cast %mul3A_322 : i32 to index
        %get3A_331 = tpu.vector_load %arg9[%get3A_329, %get3A_330] {strides = array<i32>} : memref<8x4096xf32, #tpu.memory_space<vmem>>, vector<1x16xf32>,
        %get3A_332 = vector.shape_cast %get3A_331 : vector<1x16xf32> to vector<16xf32>
        %add3A_333 = arith.addf %get3A_327, %get3A_332 : vector<16xf32>
        %swap3A_334 = arith.constant 5 : i32
        %swap3A_335 = arith.index_cast %swap3A_334 : i32 to index
        %swap3A_336 = arith.index_cast %mul3A_322 : i32 to index
        %swap3A_337 = tpu.vector_load %arg7[%swap3A_335, %swap3A_336] {strides = array<i32>} : memref<8x4096xf32, #tpu.memory_space<vmem>>, vector<1x16xf32>,
        %swap3A_338 = vector.shape_cast %swap3A_337 : vector<1x16xf32> to vector<16xf32>
        %swap3A_339 = vector.shape_cast %add3A_333 : vector<16xf32> to vector<1x16xf32>
        tpu.vector_store %arg7[%swap3A_335, %swap3A_336], %swap3A_339 {strides = array<i32>} : memref<8x4096xf32, #tpu.memory_space<vmem>>, vector<1x16xf32>,
        %mul3A_340 = arith.constant 8 : i32
        %mul3A_341 = arith.muli %scan3A_180, %mul3A_340 : i32
        %add3A_342 = arith.constant 7 : i32
        %add3A_343 = arith.addi %mul3A_341, %add3A_342 : i32
        %mul3A_344 = arith.constant 16 : i32
        %mul3A_345 = arith.muli %add3A_343, %mul3A_344 : i32
        %get3A_346 = arith.constant 5 : i32
        %get3A_347 = arith.index_cast %get3A_346 : i32 to index
        %get3A_348 = arith.index_cast %mul3A_345 : i32 to index
        %get3A_349 = tpu.vector_load %arg7[%get3A_347, %get3A_348] {strides = array<i32>} : memref<8x4096xf32, #tpu.memory_space<vmem>>, vector<1x16xf32>,
        %get3A_350 = vector.shape_cast %get3A_349 : vector<1x16xf32> to vector<16xf32>
        %get3A_351 = arith.constant 5 : i32
        %get3A_352 = arith.index_cast %get3A_351 : i32 to index
        %get3A_353 = arith.index_cast %mul3A_345 : i32 to index
        %get3A_354 = tpu.vector_load %arg9[%get3A_352, %get3A_353] {strides = array<i32>} : memref<8x4096xf32, #tpu.memory_space<vmem>>, vector<1x16xf32>,
        %get3A_355 = vector.shape_cast %get3A_354 : vector<1x16xf32> to vector<16xf32>
        %add3A_356 = arith.addf %get3A_350, %get3A_355 : vector<16xf32>
        %swap3A_357 = arith.constant 5 : i32
        %swap3A_358 = arith.index_cast %swap3A_357 : i32 to index
        %swap3A_359 = arith.index_cast %mul3A_345 : i32 to index
        %swap3A_360 = tpu.vector_load %arg7[%swap3A_358, %swap3A_359] {strides = array<i32>} : memref<8x4096xf32, #tpu.memory_space<vmem>>, vector<1x16xf32>,
        %swap3A_361 = vector.shape_cast %swap3A_360 : vector<1x16xf32> to vector<16xf32>
        %swap3A_362 = vector.shape_cast %add3A_356 : vector<16xf32> to vector<1x16xf32>
        tpu.vector_store %arg7[%swap3A_358, %swap3A_359], %swap3A_362 {strides = array<i32>} : memref<8x4096xf32, #tpu.memory_space<vmem>>, vector<1x16xf32>,
      }
      %scan3A_81 = arith.constant 32 : i32
      %scan3A_82 = arith.constant 0 : i32
      %scan3A_83 = arith.constant 0 : i32
      %scan3A_84 = arith.constant 32 : i32
      %scan3A_85 = arith.addi %scan3A_83, %scan3A_84 : i32
      %scan3A_86 = arith.constant 1 : i32
      scf.for %scan3A_180 = %scan3A_83 to %scan3A_85 step %scan3A_86  : i32 {
        %mul3A_181 = arith.constant 8 : i32
        %mul3A_182 = arith.muli %scan3A_180, %mul3A_181 : i32
        %add3A_183 = arith.constant 0 : i32
        %add3A_184 = arith.addi %mul3A_182, %add3A_183 : i32
        %mul3A_185 = arith.constant 16 : i32
        %mul3A_186 = arith.muli %add3A_184, %mul3A_185 : i32
        %get3A = arith.constant 6 : i32
        %get3A_187 = arith.index_cast %get3A : i32 to index
        %get3A_188 = arith.index_cast %mul3A_186 : i32 to index
        %get3A_189 = tpu.vector_load %arg7[%get3A_187, %get3A_188] {strides = array<i32>} : memref<8x4096xf32, #tpu.memory_space<vmem>>, vector<1x16xf32>,
        %get3A_190 = vector.shape_cast %get3A_189 : vector<1x16xf32> to vector<16xf32>
        %get3A_191 = arith.constant 6 : i32
        %get3A_192 = arith.index_cast %get3A_191 : i32 to index
        %get3A_193 = arith.index_cast %mul3A_186 : i32 to index
        %get3A_194 = tpu.vector_load %arg9[%get3A_192, %get3A_193] {strides = array<i32>} : memref<8x4096xf32, #tpu.memory_space<vmem>>, vector<1x16xf32>,
        %get3A_195 = vector.shape_cast %get3A_194 : vector<1x16xf32> to vector<16xf32>
        %add3A_196 = arith.addf %get3A_190, %get3A_195 : vector<16xf32>
        %swap3A = arith.constant 6 : i32
        %swap3A_197 = arith.index_cast %swap3A : i32 to index
        %swap3A_198 = arith.index_cast %mul3A_186 : i32 to index
        %swap3A_199 = tpu.vector_load %arg7[%swap3A_197, %swap3A_198] {strides = array<i32>} : memref<8x4096xf32, #tpu.memory_space<vmem>>, vector<1x16xf32>,
        %swap3A_200 = vector.shape_cast %swap3A_199 : vector<1x16xf32> to vector<16xf32>
        %swap3A_201 = vector.shape_cast %add3A_196 : vector<16xf32> to vector<1x16xf32>
        tpu.vector_store %arg7[%swap3A_197, %swap3A_198], %swap3A_201 {strides = array<i32>} : memref<8x4096xf32, #tpu.memory_space<vmem>>, vector<1x16xf32>,
        %mul3A_202 = arith.constant 8 : i32
        %mul3A_203 = arith.muli %scan3A_180, %mul3A_202 : i32
        %add3A_204 = arith.constant 1 : i32
        %add3A_205 = arith.addi %mul3A_203, %add3A_204 : i32
        %mul3A_206 = arith.constant 16 : i32
        %mul3A_207 = arith.muli %add3A_205, %mul3A_206 : i32
        %get3A_208 = arith.constant 6 : i32
        %get3A_209 = arith.index_cast %get3A_208 : i32 to index
        %get3A_210 = arith.index_cast %mul3A_207 : i32 to index
        %get3A_211 = tpu.vector_load %arg7[%get3A_209, %get3A_210] {strides = array<i32>} : memref<8x4096xf32, #tpu.memory_space<vmem>>, vector<1x16xf32>,
        %get3A_212 = vector.shape_cast %get3A_211 : vector<1x16xf32> to vector<16xf32>
        %get3A_213 = arith.constant 6 : i32
        %get3A_214 = arith.index_cast %get3A_213 : i32 to index
        %get3A_215 = arith.index_cast %mul3A_207 : i32 to index
        %get3A_216 = tpu.vector_load %arg9[%get3A_214, %get3A_215] {strides = array<i32>} : memref<8x4096xf32, #tpu.memory_space<vmem>>, vector<1x16xf32>,
        %get3A_217 = vector.shape_cast %get3A_216 : vector<1x16xf32> to vector<16xf32>
        %add3A_218 = arith.addf %get3A_212, %get3A_217 : vector<16xf32>
        %swap3A_219 = arith.constant 6 : i32
        %swap3A_220 = arith.index_cast %swap3A_219 : i32 to index
        %swap3A_221 = arith.index_cast %mul3A_207 : i32 to index
        %swap3A_222 = tpu.vector_load %arg7[%swap3A_220, %swap3A_221] {strides = array<i32>} : memref<8x4096xf32, #tpu.memory_space<vmem>>, vector<1x16xf32>,
        %swap3A_223 = vector.shape_cast %swap3A_222 : vector<1x16xf32> to vector<16xf32>
        %swap3A_224 = vector.shape_cast %add3A_218 : vector<16xf32> to vector<1x16xf32>
        tpu.vector_store %arg7[%swap3A_220, %swap3A_221], %swap3A_224 {strides = array<i32>} : memref<8x4096xf32, #tpu.memory_space<vmem>>, vector<1x16xf32>,
        %mul3A_225 = arith.constant 8 : i32
        %mul3A_226 = arith.muli %scan3A_180, %mul3A_225 : i32
        %add3A_227 = arith.constant 2 : i32
        %add3A_228 = arith.addi %mul3A_226, %add3A_227 : i32
        %mul3A_229 = arith.constant 16 : i32
        %mul3A_230 = arith.muli %add3A_228, %mul3A_229 : i32
        %get3A_231 = arith.constant 6 : i32
        %get3A_232 = arith.index_cast %get3A_231 : i32 to index
        %get3A_233 = arith.index_cast %mul3A_230 : i32 to index
        %get3A_234 = tpu.vector_load %arg7[%get3A_232, %get3A_233] {strides = array<i32>} : memref<8x4096xf32, #tpu.memory_space<vmem>>, vector<1x16xf32>,
        %get3A_235 = vector.shape_cast %get3A_234 : vector<1x16xf32> to vector<16xf32>
        %get3A_236 = arith.constant 6 : i32
        %get3A_237 = arith.index_cast %get3A_236 : i32 to index
        %get3A_238 = arith.index_cast %mul3A_230 : i32 to index
        %get3A_239 = tpu.vector_load %arg9[%get3A_237, %get3A_238] {strides = array<i32>} : memref<8x4096xf32, #tpu.memory_space<vmem>>, vector<1x16xf32>,
        %get3A_240 = vector.shape_cast %get3A_239 : vector<1x16xf32> to vector<16xf32>
        %add3A_241 = arith.addf %get3A_235, %get3A_240 : vector<16xf32>
        %swap3A_242 = arith.constant 6 : i32
        %swap3A_243 = arith.index_cast %swap3A_242 : i32 to index
        %swap3A_244 = arith.index_cast %mul3A_230 : i32 to index
        %swap3A_245 = tpu.vector_load %arg7[%swap3A_243, %swap3A_244] {strides = array<i32>} : memref<8x4096xf32, #tpu.memory_space<vmem>>, vector<1x16xf32>,
        %swap3A_246 = vector.shape_cast %swap3A_245 : vector<1x16xf32> to vector<16xf32>
        %swap3A_247 = vector.shape_cast %add3A_241 : vector<16xf32> to vector<1x16xf32>
        tpu.vector_store %arg7[%swap3A_243, %swap3A_244], %swap3A_247 {strides = array<i32>} : memref<8x4096xf32, #tpu.memory_space<vmem>>, vector<1x16xf32>,
        %mul3A_248 = arith.constant 8 : i32
        %mul3A_249 = arith.muli %scan3A_180, %mul3A_248 : i32
        %add3A_250 = arith.constant 3 : i32
        %add3A_251 = arith.addi %mul3A_249, %add3A_250 : i32
        %mul3A_252 = arith.constant 16 : i32
        %mul3A_253 = arith.muli %add3A_251, %mul3A_252 : i32
        %get3A_254 = arith.constant 6 : i32
        %get3A_255 = arith.index_cast %get3A_254 : i32 to index
        %get3A_256 = arith.index_cast %mul3A_253 : i32 to index
        %get3A_257 = tpu.vector_load %arg7[%get3A_255, %get3A_256] {strides = array<i32>} : memref<8x4096xf32, #tpu.memory_space<vmem>>, vector<1x16xf32>,
        %get3A_258 = vector.shape_cast %get3A_257 : vector<1x16xf32> to vector<16xf32>
        %get3A_259 = arith.constant 6 : i32
        %get3A_260 = arith.index_cast %get3A_259 : i32 to index
        %get3A_261 = arith.index_cast %mul3A_253 : i32 to index
        %get3A_262 = tpu.vector_load %arg9[%get3A_260, %get3A_261] {strides = array<i32>} : memref<8x4096xf32, #tpu.memory_space<vmem>>, vector<1x16xf32>,
        %get3A_263 = vector.shape_cast %get3A_262 : vector<1x16xf32> to vector<16xf32>
        %add3A_264 = arith.addf %get3A_258, %get3A_263 : vector<16xf32>
        %swap3A_265 = arith.constant 6 : i32
        %swap3A_266 = arith.index_cast %swap3A_265 : i32 to index
        %swap3A_267 = arith.index_cast %mul3A_253 : i32 to index
        %swap3A_268 = tpu.vector_load %arg7[%swap3A_266, %swap3A_267] {strides = array<i32>} : memref<8x4096xf32, #tpu.memory_space<vmem>>, vector<1x16xf32>,
        %swap3A_269 = vector.shape_cast %swap3A_268 : vector<1x16xf32> to vector<16xf32>
        %swap3A_270 = vector.shape_cast %add3A_264 : vector<16xf32> to vector<1x16xf32>
        tpu.vector_store %arg7[%swap3A_266, %swap3A_267], %swap3A_270 {strides = array<i32>} : memref<8x4096xf32, #tpu.memory_space<vmem>>, vector<1x16xf32>,
        %mul3A_271 = arith.constant 8 : i32
        %mul3A_272 = arith.muli %scan3A_180, %mul3A_271 : i32
        %add3A_273 = arith.constant 4 : i32
        %add3A_274 = arith.addi %mul3A_272, %add3A_273 : i32
        %mul3A_275 = arith.constant 16 : i32
        %mul3A_276 = arith.muli %add3A_274, %mul3A_275 : i32
        %get3A_277 = arith.constant 6 : i32
        %get3A_278 = arith.index_cast %get3A_277 : i32 to index
        %get3A_279 = arith.index_cast %mul3A_276 : i32 to index
        %get3A_280 = tpu.vector_load %arg7[%get3A_278, %get3A_279] {strides = array<i32>} : memref<8x4096xf32, #tpu.memory_space<vmem>>, vector<1x16xf32>,
        %get3A_281 = vector.shape_cast %get3A_280 : vector<1x16xf32> to vector<16xf32>
        %get3A_282 = arith.constant 6 : i32
        %get3A_283 = arith.index_cast %get3A_282 : i32 to index
        %get3A_284 = arith.index_cast %mul3A_276 : i32 to index
        %get3A_285 = tpu.vector_load %arg9[%get3A_283, %get3A_284] {strides = array<i32>} : memref<8x4096xf32, #tpu.memory_space<vmem>>, vector<1x16xf32>,
        %get3A_286 = vector.shape_cast %get3A_285 : vector<1x16xf32> to vector<16xf32>
        %add3A_287 = arith.addf %get3A_281, %get3A_286 : vector<16xf32>
        %swap3A_288 = arith.constant 6 : i32
        %swap3A_289 = arith.index_cast %swap3A_288 : i32 to index
        %swap3A_290 = arith.index_cast %mul3A_276 : i32 to index
        %swap3A_291 = tpu.vector_load %arg7[%swap3A_289, %swap3A_290] {strides = array<i32>} : memref<8x4096xf32, #tpu.memory_space<vmem>>, vector<1x16xf32>,
        %swap3A_292 = vector.shape_cast %swap3A_291 : vector<1x16xf32> to vector<16xf32>
        %swap3A_293 = vector.shape_cast %add3A_287 : vector<16xf32> to vector<1x16xf32>
        tpu.vector_store %arg7[%swap3A_289, %swap3A_290], %swap3A_293 {strides = array<i32>} : memref<8x4096xf32, #tpu.memory_space<vmem>>, vector<1x16xf32>,
        %mul3A_294 = arith.constant 8 : i32
        %mul3A_295 = arith.muli %scan3A_180, %mul3A_294 : i32
        %add3A_296 = arith.constant 5 : i32
        %add3A_297 = arith.addi %mul3A_295, %add3A_296 : i32
        %mul3A_298 = arith.constant 16 : i32
        %mul3A_299 = arith.muli %add3A_297, %mul3A_298 : i32
        %get3A_300 = arith.constant 6 : i32
        %get3A_301 = arith.index_cast %get3A_300 : i32 to index
        %get3A_302 = arith.index_cast %mul3A_299 : i32 to index
        %get3A_303 = tpu.vector_load %arg7[%get3A_301, %get3A_302] {strides = array<i32>} : memref<8x4096xf32, #tpu.memory_space<vmem>>, vector<1x16xf32>,
        %get3A_304 = vector.shape_cast %get3A_303 : vector<1x16xf32> to vector<16xf32>
        %get3A_305 = arith.constant 6 : i32
        %get3A_306 = arith.index_cast %get3A_305 : i32 to index
        %get3A_307 = arith.index_cast %mul3A_299 : i32 to index
        %get3A_308 = tpu.vector_load %arg9[%get3A_306, %get3A_307] {strides = array<i32>} : memref<8x4096xf32, #tpu.memory_space<vmem>>, vector<1x16xf32>,
        %get3A_309 = vector.shape_cast %get3A_308 : vector<1x16xf32> to vector<16xf32>
        %add3A_310 = arith.addf %get3A_304, %get3A_309 : vector<16xf32>
        %swap3A_311 = arith.constant 6 : i32
        %swap3A_312 = arith.index_cast %swap3A_311 : i32 to index
        %swap3A_313 = arith.index_cast %mul3A_299 : i32 to index
        %swap3A_314 = tpu.vector_load %arg7[%swap3A_312, %swap3A_313] {strides = array<i32>} : memref<8x4096xf32, #tpu.memory_space<vmem>>, vector<1x16xf32>,
        %swap3A_315 = vector.shape_cast %swap3A_314 : vector<1x16xf32> to vector<16xf32>
        %swap3A_316 = vector.shape_cast %add3A_310 : vector<16xf32> to vector<1x16xf32>
        tpu.vector_store %arg7[%swap3A_312, %swap3A_313], %swap3A_316 {strides = array<i32>} : memref<8x4096xf32, #tpu.memory_space<vmem>>, vector<1x16xf32>,
        %mul3A_317 = arith.constant 8 : i32
        %mul3A_318 = arith.muli %scan3A_180, %mul3A_317 : i32
        %add3A_319 = arith.constant 6 : i32
        %add3A_320 = arith.addi %mul3A_318, %add3A_319 : i32
        %mul3A_321 = arith.constant 16 : i32
        %mul3A_322 = arith.muli %add3A_320, %mul3A_321 : i32
        %get3A_323 = arith.constant 6 : i32
        %get3A_324 = arith.index_cast %get3A_323 : i32 to index
        %get3A_325 = arith.index_cast %mul3A_322 : i32 to index
        %get3A_326 = tpu.vector_load %arg7[%get3A_324, %get3A_325] {strides = array<i32>} : memref<8x4096xf32, #tpu.memory_space<vmem>>, vector<1x16xf32>,
        %get3A_327 = vector.shape_cast %get3A_326 : vector<1x16xf32> to vector<16xf32>
        %get3A_328 = arith.constant 6 : i32
        %get3A_329 = arith.index_cast %get3A_328 : i32 to index
        %get3A_330 = arith.index_cast %mul3A_322 : i32 to index
        %get3A_331 = tpu.vector_load %arg9[%get3A_329, %get3A_330] {strides = array<i32>} : memref<8x4096xf32, #tpu.memory_space<vmem>>, vector<1x16xf32>,
        %get3A_332 = vector.shape_cast %get3A_331 : vector<1x16xf32> to vector<16xf32>
        %add3A_333 = arith.addf %get3A_327, %get3A_332 : vector<16xf32>
        %swap3A_334 = arith.constant 6 : i32
        %swap3A_335 = arith.index_cast %swap3A_334 : i32 to index
        %swap3A_336 = arith.index_cast %mul3A_322 : i32 to index
        %swap3A_337 = tpu.vector_load %arg7[%swap3A_335, %swap3A_336] {strides = array<i32>} : memref<8x4096xf32, #tpu.memory_space<vmem>>, vector<1x16xf32>,
        %swap3A_338 = vector.shape_cast %swap3A_337 : vector<1x16xf32> to vector<16xf32>
        %swap3A_339 = vector.shape_cast %add3A_333 : vector<16xf32> to vector<1x16xf32>
        tpu.vector_store %arg7[%swap3A_335, %swap3A_336], %swap3A_339 {strides = array<i32>} : memref<8x4096xf32, #tpu.memory_space<vmem>>, vector<1x16xf32>,
        %mul3A_340 = arith.constant 8 : i32
        %mul3A_341 = arith.muli %scan3A_180, %mul3A_340 : i32
        %add3A_342 = arith.constant 7 : i32
        %add3A_343 = arith.addi %mul3A_341, %add3A_342 : i32
        %mul3A_344 = arith.constant 16 : i32
        %mul3A_345 = arith.muli %add3A_343, %mul3A_344 : i32
        %get3A_346 = arith.constant 6 : i32
        %get3A_347 = arith.index_cast %get3A_346 : i32 to index
        %get3A_348 = arith.index_cast %mul3A_345 : i32 to index
        %get3A_349 = tpu.vector_load %arg7[%get3A_347, %get3A_348] {strides = array<i32>} : memref<8x4096xf32, #tpu.memory_space<vmem>>, vector<1x16xf32>,
        %get3A_350 = vector.shape_cast %get3A_349 : vector<1x16xf32> to vector<16xf32>
        %get3A_351 = arith.constant 6 : i32
        %get3A_352 = arith.index_cast %get3A_351 : i32 to index
        %get3A_353 = arith.index_cast %mul3A_345 : i32 to index
        %get3A_354 = tpu.vector_load %arg9[%get3A_352, %get3A_353] {strides = array<i32>} : memref<8x4096xf32, #tpu.memory_space<vmem>>, vector<1x16xf32>,
        %get3A_355 = vector.shape_cast %get3A_354 : vector<1x16xf32> to vector<16xf32>
        %add3A_356 = arith.addf %get3A_350, %get3A_355 : vector<16xf32>
        %swap3A_357 = arith.constant 6 : i32
        %swap3A_358 = arith.index_cast %swap3A_357 : i32 to index
        %swap3A_359 = arith.index_cast %mul3A_345 : i32 to index
        %swap3A_360 = tpu.vector_load %arg7[%swap3A_358, %swap3A_359] {strides = array<i32>} : memref<8x4096xf32, #tpu.memory_space<vmem>>, vector<1x16xf32>,
        %swap3A_361 = vector.shape_cast %swap3A_360 : vector<1x16xf32> to vector<16xf32>
        %swap3A_362 = vector.shape_cast %add3A_356 : vector<16xf32> to vector<1x16xf32>
        tpu.vector_store %arg7[%swap3A_358, %swap3A_359], %swap3A_362 {strides = array<i32>} : memref<8x4096xf32, #tpu.memory_space<vmem>>, vector<1x16xf32>,
      }
      %scan3A_87 = arith.constant 32 : i32
      %scan3A_88 = arith.constant 0 : i32
      %scan3A_89 = arith.constant 0 : i32
      %scan3A_90 = arith.constant 32 : i32
      %scan3A_91 = arith.addi %scan3A_89, %scan3A_90 : i32
      %scan3A_92 = arith.constant 1 : i32
      scf.for %scan3A_180 = %scan3A_89 to %scan3A_91 step %scan3A_92  : i32 {
        %mul3A_181 = arith.constant 8 : i32
        %mul3A_182 = arith.muli %scan3A_180, %mul3A_181 : i32
        %add3A_183 = arith.constant 0 : i32
        %add3A_184 = arith.addi %mul3A_182, %add3A_183 : i32
        %mul3A_185 = arith.constant 16 : i32
        %mul3A_186 = arith.muli %add3A_184, %mul3A_185 : i32
        %get3A = arith.constant 7 : i32
        %get3A_187 = arith.index_cast %get3A : i32 to index
        %get3A_188 = arith.index_cast %mul3A_186 : i32 to index
        %get3A_189 = tpu.vector_load %arg7[%get3A_187, %get3A_188] {strides = array<i32>} : memref<8x4096xf32, #tpu.memory_space<vmem>>, vector<1x16xf32>,
        %get3A_190 = vector.shape_cast %get3A_189 : vector<1x16xf32> to vector<16xf32>
        %get3A_191 = arith.constant 7 : i32
        %get3A_192 = arith.index_cast %get3A_191 : i32 to index
        %get3A_193 = arith.index_cast %mul3A_186 : i32 to index
        %get3A_194 = tpu.vector_load %arg9[%get3A_192, %get3A_193] {strides = array<i32>} : memref<8x4096xf32, #tpu.memory_space<vmem>>, vector<1x16xf32>,
        %get3A_195 = vector.shape_cast %get3A_194 : vector<1x16xf32> to vector<16xf32>
        %add3A_196 = arith.addf %get3A_190, %get3A_195 : vector<16xf32>
        %swap3A = arith.constant 7 : i32
        %swap3A_197 = arith.index_cast %swap3A : i32 to index
        %swap3A_198 = arith.index_cast %mul3A_186 : i32 to index
        %swap3A_199 = tpu.vector_load %arg7[%swap3A_197, %swap3A_198] {strides = array<i32>} : memref<8x4096xf32, #tpu.memory_space<vmem>>, vector<1x16xf32>,
        %swap3A_200 = vector.shape_cast %swap3A_199 : vector<1x16xf32> to vector<16xf32>
        %swap3A_201 = vector.shape_cast %add3A_196 : vector<16xf32> to vector<1x16xf32>
        tpu.vector_store %arg7[%swap3A_197, %swap3A_198], %swap3A_201 {strides = array<i32>} : memref<8x4096xf32, #tpu.memory_space<vmem>>, vector<1x16xf32>,
        %mul3A_202 = arith.constant 8 : i32
        %mul3A_203 = arith.muli %scan3A_180, %mul3A_202 : i32
        %add3A_204 = arith.constant 1 : i32
        %add3A_205 = arith.addi %mul3A_203, %add3A_204 : i32
        %mul3A_206 = arith.constant 16 : i32
        %mul3A_207 = arith.muli %add3A_205, %mul3A_206 : i32
        %get3A_208 = arith.constant 7 : i32
        %get3A_209 = arith.index_cast %get3A_208 : i32 to index
        %get3A_210 = arith.index_cast %mul3A_207 : i32 to index
        %get3A_211 = tpu.vector_load %arg7[%get3A_209, %get3A_210] {strides = array<i32>} : memref<8x4096xf32, #tpu.memory_space<vmem>>, vector<1x16xf32>,
        %get3A_212 = vector.shape_cast %get3A_211 : vector<1x16xf32> to vector<16xf32>
        %get3A_213 = arith.constant 7 : i32
        %get3A_214 = arith.index_cast %get3A_213 : i32 to index
        %get3A_215 = arith.index_cast %mul3A_207 : i32 to index
        %get3A_216 = tpu.vector_load %arg9[%get3A_214, %get3A_215] {strides = array<i32>} : memref<8x4096xf32, #tpu.memory_space<vmem>>, vector<1x16xf32>,
        %get3A_217 = vector.shape_cast %get3A_216 : vector<1x16xf32> to vector<16xf32>
        %add3A_218 = arith.addf %get3A_212, %get3A_217 : vector<16xf32>
        %swap3A_219 = arith.constant 7 : i32
        %swap3A_220 = arith.index_cast %swap3A_219 : i32 to index
        %swap3A_221 = arith.index_cast %mul3A_207 : i32 to index
        %swap3A_222 = tpu.vector_load %arg7[%swap3A_220, %swap3A_221] {strides = array<i32>} : memref<8x4096xf32, #tpu.memory_space<vmem>>, vector<1x16xf32>,
        %swap3A_223 = vector.shape_cast %swap3A_222 : vector<1x16xf32> to vector<16xf32>
        %swap3A_224 = vector.shape_cast %add3A_218 : vector<16xf32> to vector<1x16xf32>
        tpu.vector_store %arg7[%swap3A_220, %swap3A_221], %swap3A_224 {strides = array<i32>} : memref<8x4096xf32, #tpu.memory_space<vmem>>, vector<1x16xf32>,
        %mul3A_225 = arith.constant 8 : i32
        %mul3A_226 = arith.muli %scan3A_180, %mul3A_225 : i32
        %add3A_227 = arith.constant 2 : i32
        %add3A_228 = arith.addi %mul3A_226, %add3A_227 : i32
        %mul3A_229 = arith.constant 16 : i32
        %mul3A_230 = arith.muli %add3A_228, %mul3A_229 : i32
        %get3A_231 = arith.constant 7 : i32
        %get3A_232 = arith.index_cast %get3A_231 : i32 to index
        %get3A_233 = arith.index_cast %mul3A_230 : i32 to index
        %get3A_234 = tpu.vector_load %arg7[%get3A_232, %get3A_233] {strides = array<i32>} : memref<8x4096xf32, #tpu.memory_space<vmem>>, vector<1x16xf32>,
        %get3A_235 = vector.shape_cast %get3A_234 : vector<1x16xf32> to vector<16xf32>
        %get3A_236 = arith.constant 7 : i32
        %get3A_237 = arith.index_cast %get3A_236 : i32 to index
        %get3A_238 = arith.index_cast %mul3A_230 : i32 to index
        %get3A_239 = tpu.vector_load %arg9[%get3A_237, %get3A_238] {strides = array<i32>} : memref<8x4096xf32, #tpu.memory_space<vmem>>, vector<1x16xf32>,
        %get3A_240 = vector.shape_cast %get3A_239 : vector<1x16xf32> to vector<16xf32>
        %add3A_241 = arith.addf %get3A_235, %get3A_240 : vector<16xf32>
        %swap3A_242 = arith.constant 7 : i32
        %swap3A_243 = arith.index_cast %swap3A_242 : i32 to index
        %swap3A_244 = arith.index_cast %mul3A_230 : i32 to index
        %swap3A_245 = tpu.vector_load %arg7[%swap3A_243, %swap3A_244] {strides = array<i32>} : memref<8x4096xf32, #tpu.memory_space<vmem>>, vector<1x16xf32>,
        %swap3A_246 = vector.shape_cast %swap3A_245 : vector<1x16xf32> to vector<16xf32>
        %swap3A_247 = vector.shape_cast %add3A_241 : vector<16xf32> to vector<1x16xf32>
        tpu.vector_store %arg7[%swap3A_243, %swap3A_244], %swap3A_247 {strides = array<i32>} : memref<8x4096xf32, #tpu.memory_space<vmem>>, vector<1x16xf32>,
        %mul3A_248 = arith.constant 8 : i32
        %mul3A_249 = arith.muli %scan3A_180, %mul3A_248 : i32
        %add3A_250 = arith.constant 3 : i32
        %add3A_251 = arith.addi %mul3A_249, %add3A_250 : i32
        %mul3A_252 = arith.constant 16 : i32
        %mul3A_253 = arith.muli %add3A_251, %mul3A_252 : i32
        %get3A_254 = arith.constant 7 : i32
        %get3A_255 = arith.index_cast %get3A_254 : i32 to index
        %get3A_256 = arith.index_cast %mul3A_253 : i32 to index
        %get3A_257 = tpu.vector_load %arg7[%get3A_255, %get3A_256] {strides = array<i32>} : memref<8x4096xf32, #tpu.memory_space<vmem>>, vector<1x16xf32>,
        %get3A_258 = vector.shape_cast %get3A_257 : vector<1x16xf32> to vector<16xf32>
        %get3A_259 = arith.constant 7 : i32
        %get3A_260 = arith.index_cast %get3A_259 : i32 to index
        %get3A_261 = arith.index_cast %mul3A_253 : i32 to index
        %get3A_262 = tpu.vector_load %arg9[%get3A_260, %get3A_261] {strides = array<i32>} : memref<8x4096xf32, #tpu.memory_space<vmem>>, vector<1x16xf32>,
        %get3A_263 = vector.shape_cast %get3A_262 : vector<1x16xf32> to vector<16xf32>
        %add3A_264 = arith.addf %get3A_258, %get3A_263 : vector<16xf32>
        %swap3A_265 = arith.constant 7 : i32
        %swap3A_266 = arith.index_cast %swap3A_265 : i32 to index
        %swap3A_267 = arith.index_cast %mul3A_253 : i32 to index
        %swap3A_268 = tpu.vector_load %arg7[%swap3A_266, %swap3A_267] {strides = array<i32>} : memref<8x4096xf32, #tpu.memory_space<vmem>>, vector<1x16xf32>,
        %swap3A_269 = vector.shape_cast %swap3A_268 : vector<1x16xf32> to vector<16xf32>
        %swap3A_270 = vector.shape_cast %add3A_264 : vector<16xf32> to vector<1x16xf32>
        tpu.vector_store %arg7[%swap3A_266, %swap3A_267], %swap3A_270 {strides = array<i32>} : memref<8x4096xf32, #tpu.memory_space<vmem>>, vector<1x16xf32>,
        %mul3A_271 = arith.constant 8 : i32
        %mul3A_272 = arith.muli %scan3A_180, %mul3A_271 : i32
        %add3A_273 = arith.constant 4 : i32
        %add3A_274 = arith.addi %mul3A_272, %add3A_273 : i32
        %mul3A_275 = arith.constant 16 : i32
        %mul3A_276 = arith.muli %add3A_274, %mul3A_275 : i32
        %get3A_277 = arith.constant 7 : i32
        %get3A_278 = arith.index_cast %get3A_277 : i32 to index
        %get3A_279 = arith.index_cast %mul3A_276 : i32 to index
        %get3A_280 = tpu.vector_load %arg7[%get3A_278, %get3A_279] {strides = array<i32>} : memref<8x4096xf32, #tpu.memory_space<vmem>>, vector<1x16xf32>,
        %get3A_281 = vector.shape_cast %get3A_280 : vector<1x16xf32> to vector<16xf32>
        %get3A_282 = arith.constant 7 : i32
        %get3A_283 = arith.index_cast %get3A_282 : i32 to index
        %get3A_284 = arith.index_cast %mul3A_276 : i32 to index
        %get3A_285 = tpu.vector_load %arg9[%get3A_283, %get3A_284] {strides = array<i32>} : memref<8x4096xf32, #tpu.memory_space<vmem>>, vector<1x16xf32>,
        %get3A_286 = vector.shape_cast %get3A_285 : vector<1x16xf32> to vector<16xf32>
        %add3A_287 = arith.addf %get3A_281, %get3A_286 : vector<16xf32>
        %swap3A_288 = arith.constant 7 : i32
        %swap3A_289 = arith.index_cast %swap3A_288 : i32 to index
        %swap3A_290 = arith.index_cast %mul3A_276 : i32 to index
        %swap3A_291 = tpu.vector_load %arg7[%swap3A_289, %swap3A_290] {strides = array<i32>} : memref<8x4096xf32, #tpu.memory_space<vmem>>, vector<1x16xf32>,
        %swap3A_292 = vector.shape_cast %swap3A_291 : vector<1x16xf32> to vector<16xf32>
        %swap3A_293 = vector.shape_cast %add3A_287 : vector<16xf32> to vector<1x16xf32>
        tpu.vector_store %arg7[%swap3A_289, %swap3A_290], %swap3A_293 {strides = array<i32>} : memref<8x4096xf32, #tpu.memory_space<vmem>>, vector<1x16xf32>,
        %mul3A_294 = arith.constant 8 : i32
        %mul3A_295 = arith.muli %scan3A_180, %mul3A_294 : i32
        %add3A_296 = arith.constant 5 : i32
        %add3A_297 = arith.addi %mul3A_295, %add3A_296 : i32
        %mul3A_298 = arith.constant 16 : i32
        %mul3A_299 = arith.muli %add3A_297, %mul3A_298 : i32
        %get3A_300 = arith.constant 7 : i32
        %get3A_301 = arith.index_cast %get3A_300 : i32 to index
        %get3A_302 = arith.index_cast %mul3A_299 : i32 to index
        %get3A_303 = tpu.vector_load %arg7[%get3A_301, %get3A_302] {strides = array<i32>} : memref<8x4096xf32, #tpu.memory_space<vmem>>, vector<1x16xf32>,
        %get3A_304 = vector.shape_cast %get3A_303 : vector<1x16xf32> to vector<16xf32>
        %get3A_305 = arith.constant 7 : i32
        %get3A_306 = arith.index_cast %get3A_305 : i32 to index
        %get3A_307 = arith.index_cast %mul3A_299 : i32 to index
        %get3A_308 = tpu.vector_load %arg9[%get3A_306, %get3A_307] {strides = array<i32>} : memref<8x4096xf32, #tpu.memory_space<vmem>>, vector<1x16xf32>,
        %get3A_309 = vector.shape_cast %get3A_308 : vector<1x16xf32> to vector<16xf32>
        %add3A_310 = arith.addf %get3A_304, %get3A_309 : vector<16xf32>
        %swap3A_311 = arith.constant 7 : i32
        %swap3A_312 = arith.index_cast %swap3A_311 : i32 to index
        %swap3A_313 = arith.index_cast %mul3A_299 : i32 to index
        %swap3A_314 = tpu.vector_load %arg7[%swap3A_312, %swap3A_313] {strides = array<i32>} : memref<8x4096xf32, #tpu.memory_space<vmem>>, vector<1x16xf32>,
        %swap3A_315 = vector.shape_cast %swap3A_314 : vector<1x16xf32> to vector<16xf32>
        %swap3A_316 = vector.shape_cast %add3A_310 : vector<16xf32> to vector<1x16xf32>
        tpu.vector_store %arg7[%swap3A_312, %swap3A_313], %swap3A_316 {strides = array<i32>} : memref<8x4096xf32, #tpu.memory_space<vmem>>, vector<1x16xf32>,
        %mul3A_317 = arith.constant 8 : i32
        %mul3A_318 = arith.muli %scan3A_180, %mul3A_317 : i32
        %add3A_319 = arith.constant 6 : i32
        %add3A_320 = arith.addi %mul3A_318, %add3A_319 : i32
        %mul3A_321 = arith.constant 16 : i32
        %mul3A_322 = arith.muli %add3A_320, %mul3A_321 : i32
        %get3A_323 = arith.constant 7 : i32
        %get3A_324 = arith.index_cast %get3A_323 : i32 to index
        %get3A_325 = arith.index_cast %mul3A_322 : i32 to index
        %get3A_326 = tpu.vector_load %arg7[%get3A_324, %get3A_325] {strides = array<i32>} : memref<8x4096xf32, #tpu.memory_space<vmem>>, vector<1x16xf32>,
        %get3A_327 = vector.shape_cast %get3A_326 : vector<1x16xf32> to vector<16xf32>
        %get3A_328 = arith.constant 7 : i32
        %get3A_329 = arith.index_cast %get3A_328 : i32 to index
        %get3A_330 = arith.index_cast %mul3A_322 : i32 to index
        %get3A_331 = tpu.vector_load %arg9[%get3A_329, %get3A_330] {strides = array<i32>} : memref<8x4096xf32, #tpu.memory_space<vmem>>, vector<1x16xf32>,
        %get3A_332 = vector.shape_cast %get3A_331 : vector<1x16xf32> to vector<16xf32>
        %add3A_333 = arith.addf %get3A_327, %get3A_332 : vector<16xf32>
        %swap3A_334 = arith.constant 7 : i32
        %swap3A_335 = arith.index_cast %swap3A_334 : i32 to index
        %swap3A_336 = arith.index_cast %mul3A_322 : i32 to index
        %swap3A_337 = tpu.vector_load %arg7[%swap3A_335, %swap3A_336] {strides = array<i32>} : memref<8x4096xf32, #tpu.memory_space<vmem>>, vector<1x16xf32>,
        %swap3A_338 = vector.shape_cast %swap3A_337 : vector<1x16xf32> to vector<16xf32>
        %swap3A_339 = vector.shape_cast %add3A_333 : vector<16xf32> to vector<1x16xf32>
        tpu.vector_store %arg7[%swap3A_335, %swap3A_336], %swap3A_339 {strides = array<i32>} : memref<8x4096xf32, #tpu.memory_space<vmem>>, vector<1x16xf32>,
        %mul3A_340 = arith.constant 8 : i32
        %mul3A_341 = arith.muli %scan3A_180, %mul3A_340 : i32
        %add3A_342 = arith.constant 7 : i32
        %add3A_343 = arith.addi %mul3A_341, %add3A_342 : i32
        %mul3A_344 = arith.constant 16 : i32
        %mul3A_345 = arith.muli %add3A_343, %mul3A_344 : i32
        %get3A_346 = arith.constant 7 : i32
        %get3A_347 = arith.index_cast %get3A_346 : i32 to index
        %get3A_348 = arith.index_cast %mul3A_345 : i32 to index
        %get3A_349 = tpu.vector_load %arg7[%get3A_347, %get3A_348] {strides = array<i32>} : memref<8x4096xf32, #tpu.memory_space<vmem>>, vector<1x16xf32>,
        %get3A_350 = vector.shape_cast %get3A_349 : vector<1x16xf32> to vector<16xf32>
        %get3A_351 = arith.constant 7 : i32
        %get3A_352 = arith.index_cast %get3A_351 : i32 to index
        %get3A_353 = arith.index_cast %mul3A_345 : i32 to index
        %get3A_354 = tpu.vector_load %arg9[%get3A_352, %get3A_353] {strides = array<i32>} : memref<8x4096xf32, #tpu.memory_space<vmem>>, vector<1x16xf32>,
        %get3A_355 = vector.shape_cast %get3A_354 : vector<1x16xf32> to vector<16xf32>
        %add3A_356 = arith.addf %get3A_350, %get3A_355 : vector<16xf32>
        %swap3A_357 = arith.constant 7 : i32
        %swap3A_358 = arith.index_cast %swap3A_357 : i32 to index
        %swap3A_359 = arith.index_cast %mul3A_345 : i32 to index
        %swap3A_360 = tpu.vector_load %arg7[%swap3A_358, %swap3A_359] {strides = array<i32>} : memref<8x4096xf32, #tpu.memory_space<vmem>>, vector<1x16xf32>,
        %swap3A_361 = vector.shape_cast %swap3A_360 : vector<1x16xf32> to vector<16xf32>
        %swap3A_362 = vector.shape_cast %add3A_356 : vector<16xf32> to vector<1x16xf32>
        tpu.vector_store %arg7[%swap3A_358, %swap3A_359], %swap3A_362 {strides = array<i32>} : memref<8x4096xf32, #tpu.memory_space<vmem>>, vector<1x16xf32>,
      }
      %scan3A_93 = arith.constant 32 : i32
      %dma_start3A_94 = arith.constant 0 : i32
      %dma_start3A_95 = tpu.memref_slice %arg5[%add3A_26, %dma_start3A_94] : memref<16384x4096xf32, #tpu.memory_space<hbm>> -> memref<8x4096xf32, #tpu.memory_space<hbm>>
      %dma_start3A_96 = arith.constant 0 : i32
      %dma_start3A_97 = tpu.memref_slice %arg5[%add3A_26, %dma_start3A_96] : memref<16384x4096xf32, #tpu.memory_space<hbm>> -> memref<8x4096xf32, #tpu.memory_space<hbm>>
      tpu.enqueue_dma source(%arg7 : memref<8x4096xf32, #tpu.memory_space<vmem>>) target(%dma_start3A_97 : memref<8x4096xf32, #tpu.memory_space<hbm>>) target_semaphore(%arg12 : memref<!tpu.dma_semaphore, #tpu.memory_space<semaphore_mem>>)
      %mul3A_98 = arith.constant 2 : i32
      %mul3A_99 = arith.muli %scan3A_19, %mul3A_98 : i32
      %add3A_100 = arith.constant 1 : i32
      %add3A_101 = arith.addi %mul3A_99, %add3A_100 : i32
      %mul3A_102 = arith.constant 8 : i32
      %mul3A_103 = arith.muli %add3A_101, %mul3A_102 : i32
      %add3A_104 = arith.addi %mul3A_2, %mul3A_103 : i32
      %gt3A_105 = arith.constant 0 : i32
      %gt3A_106 = arith.cmpi sgt, %scan3A_19, %gt3A_105 : i32
      %convert_element_type3A_107 = arith.extui %gt3A_106 : i1 to i32
      %cond3A_108 = arith.constant 0 : i32
      %cond3A_109 = arith.cmpi ne, %convert_element_type3A_107, %cond3A_108 : i32
      scf.if %cond3A_109 {
        %dma_wait3A_180 = arith.constant 0 : i32
        %dma_wait3A_181 = arith.constant 0 : i32
        %dma_wait3A_182 = tpu.memref_slice %arg4[%dma_wait3A_180, %dma_wait3A_181] : memref<1000x4096xf32, #tpu.memory_space<hbm>> -> memref<8x4096xf32, #tpu.memory_space<hbm>>
        %dma_wait3A_183 = arith.constant 0 : i32
        %dma_wait3A_184 = arith.constant 0 : i32
        %dma_wait3A_185 = tpu.memref_slice %arg4[%dma_wait3A_183, %dma_wait3A_184] : memref<1000x4096xf32, #tpu.memory_space<hbm>> -> memref<8x4096xf32, #tpu.memory_space<hbm>>
        tpu.wait_dma2 semaphore(%arg13 : memref<!tpu.dma_semaphore, #tpu.memory_space<semaphore_mem>>) src(%dma_wait3A_185 : memref<8x4096xf32, #tpu.memory_space<hbm>>) dst(%arg8 : memref<8x4096xf32, #tpu.memory_space<vmem>>)
      } else {
      }
      %mul3A_110 = arith.constant 8 : i32
      %mul3A_111 = arith.muli %add3A_101, %mul3A_110 : i32
      %dma_start3A_112 = tpu.memref_slice %arg6[%mul3A_111] : memref<512xi32, #tpu.memory_space<vmem>> -> memref<8xi32, #tpu.memory_space<vmem>>
      %dma_start3A_113 = arith.constant 0 : i32
      %dma_start3A_114 = arith.constant 0 : i32
      %dma_start3A_115 = tpu.memref_slice %arg4[%dma_start3A_113, %dma_start3A_114] : memref<1000x4096xf32, #tpu.memory_space<hbm>> -> memref<1000x4096xf32, #tpu.memory_space<hbm>>
      tpu.enqueue_indirect_dma source(%dma_start3A_115 : memref<1000x4096xf32, #tpu.memory_space<hbm>>) target(%arg8 : memref<8x4096xf32, #tpu.memory_space<vmem>>) offsets(%dma_start3A_112 : memref<8xi32, #tpu.memory_space<vmem>>) semaphore(%arg10 : memref<!tpu.dma_semaphore, #tpu.memory_space<semaphore_mem>>)
      %dma_start3A_116 = arith.constant 0 : i32
      %dma_start3A_117 = tpu.memref_slice %arg3[%add3A_104, %dma_start3A_116] : memref<16384x4096xf32, #tpu.memory_space<hbm>> -> memref<8x4096xf32, #tpu.memory_space<hbm>>
      %dma_start3A_118 = arith.constant 0 : i32
      %dma_start3A_119 = tpu.memref_slice %arg3[%add3A_104, %dma_start3A_118] : memref<16384x4096xf32, #tpu.memory_space<hbm>> -> memref<8x4096xf32, #tpu.memory_space<hbm>>
      tpu.enqueue_dma source(%dma_start3A_119 : memref<8x4096xf32, #tpu.memory_space<hbm>>) target(%arg9 : memref<8x4096xf32, #tpu.memory_space<vmem>>) target_semaphore(%arg11 : memref<!tpu.dma_semaphore, #tpu.memory_space<semaphore_mem>>)
      %dma_wait3A_120 = tpu.memref_slice %arg6[%mul3A_111] : memref<512xi32, #tpu.memory_space<vmem>> -> memref<8xi32, #tpu.memory_space<vmem>>
      %dma_wait3A_121 = arith.constant 0 : i32
      %dma_wait3A_122 = arith.constant 0 : i32
      %dma_wait3A_123 = tpu.memref_slice %arg4[%dma_wait3A_121, %dma_wait3A_122] : memref<1000x4096xf32, #tpu.memory_space<hbm>> -> memref<1000x4096xf32, #tpu.memory_space<hbm>>
      tpu.wait_indirect_dma semaphore(%arg10 : memref<!tpu.dma_semaphore, #tpu.memory_space<semaphore_mem>>) src(%dma_wait3A_123 : memref<1000x4096xf32, #tpu.memory_space<hbm>>) dst(%arg8 : memref<8x4096xf32, #tpu.memory_space<vmem>>)
      %dma_wait3A_124 = arith.constant 0 : i32
      %dma_wait3A_125 = tpu.memref_slice %arg3[%add3A_104, %dma_wait3A_124] : memref<16384x4096xf32, #tpu.memory_space<hbm>> -> memref<8x4096xf32, #tpu.memory_space<hbm>>
      %dma_wait3A_126 = arith.constant 0 : i32
      %dma_wait3A_127 = tpu.memref_slice %arg3[%add3A_104, %dma_wait3A_126] : memref<16384x4096xf32, #tpu.memory_space<hbm>> -> memref<8x4096xf32, #tpu.memory_space<hbm>>
      tpu.wait_dma2 semaphore(%arg11 : memref<!tpu.dma_semaphore, #tpu.memory_space<semaphore_mem>>) src(%dma_wait3A_127 : memref<8x4096xf32, #tpu.memory_space<hbm>>) dst(%arg9 : memref<8x4096xf32, #tpu.memory_space<vmem>>)
      %scan3A_128 = arith.constant 0 : i32
      %scan3A_129 = arith.constant 0 : i32
      %scan3A_130 = arith.constant 32 : i32
      %scan3A_131 = arith.addi %scan3A_129, %scan3A_130 : i32
      %scan3A_132 = arith.constant 1 : i32
      scf.for %scan3A_180 = %scan3A_129 to %scan3A_131 step %scan3A_132  : i32 {
        %mul3A_181 = arith.constant 8 : i32
        %mul3A_182 = arith.muli %scan3A_180, %mul3A_181 : i32
        %add3A_183 = arith.constant 0 : i32
        %add3A_184 = arith.addi %mul3A_182, %add3A_183 : i32
        %mul3A_185 = arith.constant 16 : i32
        %mul3A_186 = arith.muli %add3A_184, %mul3A_185 : i32
        %get3A = arith.constant 0 : i32
        %get3A_187 = arith.index_cast %get3A : i32 to index
        %get3A_188 = arith.index_cast %mul3A_186 : i32 to index
        %get3A_189 = tpu.vector_load %arg8[%get3A_187, %get3A_188] {strides = array<i32>} : memref<8x4096xf32, #tpu.memory_space<vmem>>, vector<1x16xf32>,
        %get3A_190 = vector.shape_cast %get3A_189 : vector<1x16xf32> to vector<16xf32>
        %get3A_191 = arith.constant 0 : i32
        %get3A_192 = arith.index_cast %get3A_191 : i32 to index
        %get3A_193 = arith.index_cast %mul3A_186 : i32 to index
        %get3A_194 = tpu.vector_load %arg9[%get3A_192, %get3A_193] {strides = array<i32>} : memref<8x4096xf32, #tpu.memory_space<vmem>>, vector<1x16xf32>,
        %get3A_195 = vector.shape_cast %get3A_194 : vector<1x16xf32> to vector<16xf32>
        %add3A_196 = arith.addf %get3A_190, %get3A_195 : vector<16xf32>
        %swap3A = arith.constant 0 : i32
        %swap3A_197 = arith.index_cast %swap3A : i32 to index
        %swap3A_198 = arith.index_cast %mul3A_186 : i32 to index
        %swap3A_199 = tpu.vector_load %arg8[%swap3A_197, %swap3A_198] {strides = array<i32>} : memref<8x4096xf32, #tpu.memory_space<vmem>>, vector<1x16xf32>,
        %swap3A_200 = vector.shape_cast %swap3A_199 : vector<1x16xf32> to vector<16xf32>
        %swap3A_201 = vector.shape_cast %add3A_196 : vector<16xf32> to vector<1x16xf32>
        tpu.vector_store %arg8[%swap3A_197, %swap3A_198], %swap3A_201 {strides = array<i32>} : memref<8x4096xf32, #tpu.memory_space<vmem>>, vector<1x16xf32>,
        %mul3A_202 = arith.constant 8 : i32
        %mul3A_203 = arith.muli %scan3A_180, %mul3A_202 : i32
        %add3A_204 = arith.constant 1 : i32
        %add3A_205 = arith.addi %mul3A_203, %add3A_204 : i32
        %mul3A_206 = arith.constant 16 : i32
        %mul3A_207 = arith.muli %add3A_205, %mul3A_206 : i32
        %get3A_208 = arith.constant 0 : i32
        %get3A_209 = arith.index_cast %get3A_208 : i32 to index
        %get3A_210 = arith.index_cast %mul3A_207 : i32 to index
        %get3A_211 = tpu.vector_load %arg8[%get3A_209, %get3A_210] {strides = array<i32>} : memref<8x4096xf32, #tpu.memory_space<vmem>>, vector<1x16xf32>,
        %get3A_212 = vector.shape_cast %get3A_211 : vector<1x16xf32> to vector<16xf32>
        %get3A_213 = arith.constant 0 : i32
        %get3A_214 = arith.index_cast %get3A_213 : i32 to index
        %get3A_215 = arith.index_cast %mul3A_207 : i32 to index
        %get3A_216 = tpu.vector_load %arg9[%get3A_214, %get3A_215] {strides = array<i32>} : memref<8x4096xf32, #tpu.memory_space<vmem>>, vector<1x16xf32>,
        %get3A_217 = vector.shape_cast %get3A_216 : vector<1x16xf32> to vector<16xf32>
        %add3A_218 = arith.addf %get3A_212, %get3A_217 : vector<16xf32>
        %swap3A_219 = arith.constant 0 : i32
        %swap3A_220 = arith.index_cast %swap3A_219 : i32 to index
        %swap3A_221 = arith.index_cast %mul3A_207 : i32 to index
        %swap3A_222 = tpu.vector_load %arg8[%swap3A_220, %swap3A_221] {strides = array<i32>} : memref<8x4096xf32, #tpu.memory_space<vmem>>, vector<1x16xf32>,
        %swap3A_223 = vector.shape_cast %swap3A_222 : vector<1x16xf32> to vector<16xf32>
        %swap3A_224 = vector.shape_cast %add3A_218 : vector<16xf32> to vector<1x16xf32>
        tpu.vector_store %arg8[%swap3A_220, %swap3A_221], %swap3A_224 {strides = array<i32>} : memref<8x4096xf32, #tpu.memory_space<vmem>>, vector<1x16xf32>,
        %mul3A_225 = arith.constant 8 : i32
        %mul3A_226 = arith.muli %scan3A_180, %mul3A_225 : i32
        %add3A_227 = arith.constant 2 : i32
        %add3A_228 = arith.addi %mul3A_226, %add3A_227 : i32
        %mul3A_229 = arith.constant 16 : i32
        %mul3A_230 = arith.muli %add3A_228, %mul3A_229 : i32
        %get3A_231 = arith.constant 0 : i32
        %get3A_232 = arith.index_cast %get3A_231 : i32 to index
        %get3A_233 = arith.index_cast %mul3A_230 : i32 to index
        %get3A_234 = tpu.vector_load %arg8[%get3A_232, %get3A_233] {strides = array<i32>} : memref<8x4096xf32, #tpu.memory_space<vmem>>, vector<1x16xf32>,
        %get3A_235 = vector.shape_cast %get3A_234 : vector<1x16xf32> to vector<16xf32>
        %get3A_236 = arith.constant 0 : i32
        %get3A_237 = arith.index_cast %get3A_236 : i32 to index
        %get3A_238 = arith.index_cast %mul3A_230 : i32 to index
        %get3A_239 = tpu.vector_load %arg9[%get3A_237, %get3A_238] {strides = array<i32>} : memref<8x4096xf32, #tpu.memory_space<vmem>>, vector<1x16xf32>,
        %get3A_240 = vector.shape_cast %get3A_239 : vector<1x16xf32> to vector<16xf32>
        %add3A_241 = arith.addf %get3A_235, %get3A_240 : vector<16xf32>
        %swap3A_242 = arith.constant 0 : i32
        %swap3A_243 = arith.index_cast %swap3A_242 : i32 to index
        %swap3A_244 = arith.index_cast %mul3A_230 : i32 to index
        %swap3A_245 = tpu.vector_load %arg8[%swap3A_243, %swap3A_244] {strides = array<i32>} : memref<8x4096xf32, #tpu.memory_space<vmem>>, vector<1x16xf32>,
        %swap3A_246 = vector.shape_cast %swap3A_245 : vector<1x16xf32> to vector<16xf32>
        %swap3A_247 = vector.shape_cast %add3A_241 : vector<16xf32> to vector<1x16xf32>
        tpu.vector_store %arg8[%swap3A_243, %swap3A_244], %swap3A_247 {strides = array<i32>} : memref<8x4096xf32, #tpu.memory_space<vmem>>, vector<1x16xf32>,
        %mul3A_248 = arith.constant 8 : i32
        %mul3A_249 = arith.muli %scan3A_180, %mul3A_248 : i32
        %add3A_250 = arith.constant 3 : i32
        %add3A_251 = arith.addi %mul3A_249, %add3A_250 : i32
        %mul3A_252 = arith.constant 16 : i32
        %mul3A_253 = arith.muli %add3A_251, %mul3A_252 : i32
        %get3A_254 = arith.constant 0 : i32
        %get3A_255 = arith.index_cast %get3A_254 : i32 to index
        %get3A_256 = arith.index_cast %mul3A_253 : i32 to index
        %get3A_257 = tpu.vector_load %arg8[%get3A_255, %get3A_256] {strides = array<i32>} : memref<8x4096xf32, #tpu.memory_space<vmem>>, vector<1x16xf32>,
        %get3A_258 = vector.shape_cast %get3A_257 : vector<1x16xf32> to vector<16xf32>
        %get3A_259 = arith.constant 0 : i32
        %get3A_260 = arith.index_cast %get3A_259 : i32 to index
        %get3A_261 = arith.index_cast %mul3A_253 : i32 to index
        %get3A_262 = tpu.vector_load %arg9[%get3A_260, %get3A_261] {strides = array<i32>} : memref<8x4096xf32, #tpu.memory_space<vmem>>, vector<1x16xf32>,
        %get3A_263 = vector.shape_cast %get3A_262 : vector<1x16xf32> to vector<16xf32>
        %add3A_264 = arith.addf %get3A_258, %get3A_263 : vector<16xf32>
        %swap3A_265 = arith.constant 0 : i32
        %swap3A_266 = arith.index_cast %swap3A_265 : i32 to index
        %swap3A_267 = arith.index_cast %mul3A_253 : i32 to index
        %swap3A_268 = tpu.vector_load %arg8[%swap3A_266, %swap3A_267] {strides = array<i32>} : memref<8x4096xf32, #tpu.memory_space<vmem>>, vector<1x16xf32>,
        %swap3A_269 = vector.shape_cast %swap3A_268 : vector<1x16xf32> to vector<16xf32>
        %swap3A_270 = vector.shape_cast %add3A_264 : vector<16xf32> to vector<1x16xf32>
        tpu.vector_store %arg8[%swap3A_266, %swap3A_267], %swap3A_270 {strides = array<i32>} : memref<8x4096xf32, #tpu.memory_space<vmem>>, vector<1x16xf32>,
        %mul3A_271 = arith.constant 8 : i32
        %mul3A_272 = arith.muli %scan3A_180, %mul3A_271 : i32
        %add3A_273 = arith.constant 4 : i32
        %add3A_274 = arith.addi %mul3A_272, %add3A_273 : i32
        %mul3A_275 = arith.constant 16 : i32
        %mul3A_276 = arith.muli %add3A_274, %mul3A_275 : i32
        %get3A_277 = arith.constant 0 : i32
        %get3A_278 = arith.index_cast %get3A_277 : i32 to index
        %get3A_279 = arith.index_cast %mul3A_276 : i32 to index
        %get3A_280 = tpu.vector_load %arg8[%get3A_278, %get3A_279] {strides = array<i32>} : memref<8x4096xf32, #tpu.memory_space<vmem>>, vector<1x16xf32>,
        %get3A_281 = vector.shape_cast %get3A_280 : vector<1x16xf32> to vector<16xf32>
        %get3A_282 = arith.constant 0 : i32
        %get3A_283 = arith.index_cast %get3A_282 : i32 to index
        %get3A_284 = arith.index_cast %mul3A_276 : i32 to index
        %get3A_285 = tpu.vector_load %arg9[%get3A_283, %get3A_284] {strides = array<i32>} : memref<8x4096xf32, #tpu.memory_space<vmem>>, vector<1x16xf32>,
        %get3A_286 = vector.shape_cast %get3A_285 : vector<1x16xf32> to vector<16xf32>
        %add3A_287 = arith.addf %get3A_281, %get3A_286 : vector<16xf32>
        %swap3A_288 = arith.constant 0 : i32
        %swap3A_289 = arith.index_cast %swap3A_288 : i32 to index
        %swap3A_290 = arith.index_cast %mul3A_276 : i32 to index
        %swap3A_291 = tpu.vector_load %arg8[%swap3A_289, %swap3A_290] {strides = array<i32>} : memref<8x4096xf32, #tpu.memory_space<vmem>>, vector<1x16xf32>,
        %swap3A_292 = vector.shape_cast %swap3A_291 : vector<1x16xf32> to vector<16xf32>
        %swap3A_293 = vector.shape_cast %add3A_287 : vector<16xf32> to vector<1x16xf32>
        tpu.vector_store %arg8[%swap3A_289, %swap3A_290], %swap3A_293 {strides = array<i32>} : memref<8x4096xf32, #tpu.memory_space<vmem>>, vector<1x16xf32>,
        %mul3A_294 = arith.constant 8 : i32
        %mul3A_295 = arith.muli %scan3A_180, %mul3A_294 : i32
        %add3A_296 = arith.constant 5 : i32
        %add3A_297 = arith.addi %mul3A_295, %add3A_296 : i32
        %mul3A_298 = arith.constant 16 : i32
        %mul3A_299 = arith.muli %add3A_297, %mul3A_298 : i32
        %get3A_300 = arith.constant 0 : i32
        %get3A_301 = arith.index_cast %get3A_300 : i32 to index
        %get3A_302 = arith.index_cast %mul3A_299 : i32 to index
        %get3A_303 = tpu.vector_load %arg8[%get3A_301, %get3A_302] {strides = array<i32>} : memref<8x4096xf32, #tpu.memory_space<vmem>>, vector<1x16xf32>,
        %get3A_304 = vector.shape_cast %get3A_303 : vector<1x16xf32> to vector<16xf32>
        %get3A_305 = arith.constant 0 : i32
        %get3A_306 = arith.index_cast %get3A_305 : i32 to index
        %get3A_307 = arith.index_cast %mul3A_299 : i32 to index
        %get3A_308 = tpu.vector_load %arg9[%get3A_306, %get3A_307] {strides = array<i32>} : memref<8x4096xf32, #tpu.memory_space<vmem>>, vector<1x16xf32>,
        %get3A_309 = vector.shape_cast %get3A_308 : vector<1x16xf32> to vector<16xf32>
        %add3A_310 = arith.addf %get3A_304, %get3A_309 : vector<16xf32>
        %swap3A_311 = arith.constant 0 : i32
        %swap3A_312 = arith.index_cast %swap3A_311 : i32 to index
        %swap3A_313 = arith.index_cast %mul3A_299 : i32 to index
        %swap3A_314 = tpu.vector_load %arg8[%swap3A_312, %swap3A_313] {strides = array<i32>} : memref<8x4096xf32, #tpu.memory_space<vmem>>, vector<1x16xf32>,
        %swap3A_315 = vector.shape_cast %swap3A_314 : vector<1x16xf32> to vector<16xf32>
        %swap3A_316 = vector.shape_cast %add3A_310 : vector<16xf32> to vector<1x16xf32>
        tpu.vector_store %arg8[%swap3A_312, %swap3A_313], %swap3A_316 {strides = array<i32>} : memref<8x4096xf32, #tpu.memory_space<vmem>>, vector<1x16xf32>,
        %mul3A_317 = arith.constant 8 : i32
        %mul3A_318 = arith.muli %scan3A_180, %mul3A_317 : i32
        %add3A_319 = arith.constant 6 : i32
        %add3A_320 = arith.addi %mul3A_318, %add3A_319 : i32
        %mul3A_321 = arith.constant 16 : i32
        %mul3A_322 = arith.muli %add3A_320, %mul3A_321 : i32
        %get3A_323 = arith.constant 0 : i32
        %get3A_324 = arith.index_cast %get3A_323 : i32 to index
        %get3A_325 = arith.index_cast %mul3A_322 : i32 to index
        %get3A_326 = tpu.vector_load %arg8[%get3A_324, %get3A_325] {strides = array<i32>} : memref<8x4096xf32, #tpu.memory_space<vmem>>, vector<1x16xf32>,
        %get3A_327 = vector.shape_cast %get3A_326 : vector<1x16xf32> to vector<16xf32>
        %get3A_328 = arith.constant 0 : i32
        %get3A_329 = arith.index_cast %get3A_328 : i32 to index
        %get3A_330 = arith.index_cast %mul3A_322 : i32 to index
        %get3A_331 = tpu.vector_load %arg9[%get3A_329, %get3A_330] {strides = array<i32>} : memref<8x4096xf32, #tpu.memory_space<vmem>>, vector<1x16xf32>,
        %get3A_332 = vector.shape_cast %get3A_331 : vector<1x16xf32> to vector<16xf32>
        %add3A_333 = arith.addf %get3A_327, %get3A_332 : vector<16xf32>
        %swap3A_334 = arith.constant 0 : i32
        %swap3A_335 = arith.index_cast %swap3A_334 : i32 to index
        %swap3A_336 = arith.index_cast %mul3A_322 : i32 to index
        %swap3A_337 = tpu.vector_load %arg8[%swap3A_335, %swap3A_336] {strides = array<i32>} : memref<8x4096xf32, #tpu.memory_space<vmem>>, vector<1x16xf32>,
        %swap3A_338 = vector.shape_cast %swap3A_337 : vector<1x16xf32> to vector<16xf32>
        %swap3A_339 = vector.shape_cast %add3A_333 : vector<16xf32> to vector<1x16xf32>
        tpu.vector_store %arg8[%swap3A_335, %swap3A_336], %swap3A_339 {strides = array<i32>} : memref<8x4096xf32, #tpu.memory_space<vmem>>, vector<1x16xf32>,
        %mul3A_340 = arith.constant 8 : i32
        %mul3A_341 = arith.muli %scan3A_180, %mul3A_340 : i32
        %add3A_342 = arith.constant 7 : i32
        %add3A_343 = arith.addi %mul3A_341, %add3A_342 : i32
        %mul3A_344 = arith.constant 16 : i32
        %mul3A_345 = arith.muli %add3A_343, %mul3A_344 : i32
        %get3A_346 = arith.constant 0 : i32
        %get3A_347 = arith.index_cast %get3A_346 : i32 to index
        %get3A_348 = arith.index_cast %mul3A_345 : i32 to index
        %get3A_349 = tpu.vector_load %arg8[%get3A_347, %get3A_348] {strides = array<i32>} : memref<8x4096xf32, #tpu.memory_space<vmem>>, vector<1x16xf32>,
        %get3A_350 = vector.shape_cast %get3A_349 : vector<1x16xf32> to vector<16xf32>
        %get3A_351 = arith.constant 0 : i32
        %get3A_352 = arith.index_cast %get3A_351 : i32 to index
        %get3A_353 = arith.index_cast %mul3A_345 : i32 to index
        %get3A_354 = tpu.vector_load %arg9[%get3A_352, %get3A_353] {strides = array<i32>} : memref<8x4096xf32, #tpu.memory_space<vmem>>, vector<1x16xf32>,
        %get3A_355 = vector.shape_cast %get3A_354 : vector<1x16xf32> to vector<16xf32>
        %add3A_356 = arith.addf %get3A_350, %get3A_355 : vector<16xf32>
        %swap3A_357 = arith.constant 0 : i32
        %swap3A_358 = arith.index_cast %swap3A_357 : i32 to index
        %swap3A_359 = arith.index_cast %mul3A_345 : i32 to index
        %swap3A_360 = tpu.vector_load %arg8[%swap3A_358, %swap3A_359] {strides = array<i32>} : memref<8x4096xf32, #tpu.memory_space<vmem>>, vector<1x16xf32>,
        %swap3A_361 = vector.shape_cast %swap3A_360 : vector<1x16xf32> to vector<16xf32>
        %swap3A_362 = vector.shape_cast %add3A_356 : vector<16xf32> to vector<1x16xf32>
        tpu.vector_store %arg8[%swap3A_358, %swap3A_359], %swap3A_362 {strides = array<i32>} : memref<8x4096xf32, #tpu.memory_space<vmem>>, vector<1x16xf32>,
      }
      %scan3A_133 = arith.constant 32 : i32
      %scan3A_134 = arith.constant 0 : i32
      %scan3A_135 = arith.constant 0 : i32
      %scan3A_136 = arith.constant 32 : i32
      %scan3A_137 = arith.addi %scan3A_135, %scan3A_136 : i32
      %scan3A_138 = arith.constant 1 : i32
      scf.for %scan3A_180 = %scan3A_135 to %scan3A_137 step %scan3A_138  : i32 {
        %mul3A_181 = arith.constant 8 : i32
        %mul3A_182 = arith.muli %scan3A_180, %mul3A_181 : i32
        %add3A_183 = arith.constant 0 : i32
        %add3A_184 = arith.addi %mul3A_182, %add3A_183 : i32
        %mul3A_185 = arith.constant 16 : i32
        %mul3A_186 = arith.muli %add3A_184, %mul3A_185 : i32
        %get3A = arith.constant 1 : i32
        %get3A_187 = arith.index_cast %get3A : i32 to index
        %get3A_188 = arith.index_cast %mul3A_186 : i32 to index
        %get3A_189 = tpu.vector_load %arg8[%get3A_187, %get3A_188] {strides = array<i32>} : memref<8x4096xf32, #tpu.memory_space<vmem>>, vector<1x16xf32>,
        %get3A_190 = vector.shape_cast %get3A_189 : vector<1x16xf32> to vector<16xf32>
        %get3A_191 = arith.constant 1 : i32
        %get3A_192 = arith.index_cast %get3A_191 : i32 to index
        %get3A_193 = arith.index_cast %mul3A_186 : i32 to index
        %get3A_194 = tpu.vector_load %arg9[%get3A_192, %get3A_193] {strides = array<i32>} : memref<8x4096xf32, #tpu.memory_space<vmem>>, vector<1x16xf32>,
        %get3A_195 = vector.shape_cast %get3A_194 : vector<1x16xf32> to vector<16xf32>
        %add3A_196 = arith.addf %get3A_190, %get3A_195 : vector<16xf32>
        %swap3A = arith.constant 1 : i32
        %swap3A_197 = arith.index_cast %swap3A : i32 to index
        %swap3A_198 = arith.index_cast %mul3A_186 : i32 to index
        %swap3A_199 = tpu.vector_load %arg8[%swap3A_197, %swap3A_198] {strides = array<i32>} : memref<8x4096xf32, #tpu.memory_space<vmem>>, vector<1x16xf32>,
        %swap3A_200 = vector.shape_cast %swap3A_199 : vector<1x16xf32> to vector<16xf32>
        %swap3A_201 = vector.shape_cast %add3A_196 : vector<16xf32> to vector<1x16xf32>
        tpu.vector_store %arg8[%swap3A_197, %swap3A_198], %swap3A_201 {strides = array<i32>} : memref<8x4096xf32, #tpu.memory_space<vmem>>, vector<1x16xf32>,
        %mul3A_202 = arith.constant 8 : i32
        %mul3A_203 = arith.muli %scan3A_180, %mul3A_202 : i32
        %add3A_204 = arith.constant 1 : i32
        %add3A_205 = arith.addi %mul3A_203, %add3A_204 : i32
        %mul3A_206 = arith.constant 16 : i32
        %mul3A_207 = arith.muli %add3A_205, %mul3A_206 : i32
        %get3A_208 = arith.constant 1 : i32
        %get3A_209 = arith.index_cast %get3A_208 : i32 to index
        %get3A_210 = arith.index_cast %mul3A_207 : i32 to index
        %get3A_211 = tpu.vector_load %arg8[%get3A_209, %get3A_210] {strides = array<i32>} : memref<8x4096xf32, #tpu.memory_space<vmem>>, vector<1x16xf32>,
        %get3A_212 = vector.shape_cast %get3A_211 : vector<1x16xf32> to vector<16xf32>
        %get3A_213 = arith.constant 1 : i32
        %get3A_214 = arith.index_cast %get3A_213 : i32 to index
        %get3A_215 = arith.index_cast %mul3A_207 : i32 to index
        %get3A_216 = tpu.vector_load %arg9[%get3A_214, %get3A_215] {strides = array<i32>} : memref<8x4096xf32, #tpu.memory_space<vmem>>, vector<1x16xf32>,
        %get3A_217 = vector.shape_cast %get3A_216 : vector<1x16xf32> to vector<16xf32>
        %add3A_218 = arith.addf %get3A_212, %get3A_217 : vector<16xf32>
        %swap3A_219 = arith.constant 1 : i32
        %swap3A_220 = arith.index_cast %swap3A_219 : i32 to index
        %swap3A_221 = arith.index_cast %mul3A_207 : i32 to index
        %swap3A_222 = tpu.vector_load %arg8[%swap3A_220, %swap3A_221] {strides = array<i32>} : memref<8x4096xf32, #tpu.memory_space<vmem>>, vector<1x16xf32>,
        %swap3A_223 = vector.shape_cast %swap3A_222 : vector<1x16xf32> to vector<16xf32>
        %swap3A_224 = vector.shape_cast %add3A_218 : vector<16xf32> to vector<1x16xf32>
        tpu.vector_store %arg8[%swap3A_220, %swap3A_221], %swap3A_224 {strides = array<i32>} : memref<8x4096xf32, #tpu.memory_space<vmem>>, vector<1x16xf32>,
        %mul3A_225 = arith.constant 8 : i32
        %mul3A_226 = arith.muli %scan3A_180, %mul3A_225 : i32
        %add3A_227 = arith.constant 2 : i32
        %add3A_228 = arith.addi %mul3A_226, %add3A_227 : i32
        %mul3A_229 = arith.constant 16 : i32
        %mul3A_230 = arith.muli %add3A_228, %mul3A_229 : i32
        %get3A_231 = arith.constant 1 : i32
        %get3A_232 = arith.index_cast %get3A_231 : i32 to index
        %get3A_233 = arith.index_cast %mul3A_230 : i32 to index
        %get3A_234 = tpu.vector_load %arg8[%get3A_232, %get3A_233] {strides = array<i32>} : memref<8x4096xf32, #tpu.memory_space<vmem>>, vector<1x16xf32>,
        %get3A_235 = vector.shape_cast %get3A_234 : vector<1x16xf32> to vector<16xf32>
        %get3A_236 = arith.constant 1 : i32
        %get3A_237 = arith.index_cast %get3A_236 : i32 to index
        %get3A_238 = arith.index_cast %mul3A_230 : i32 to index
        %get3A_239 = tpu.vector_load %arg9[%get3A_237, %get3A_238] {strides = array<i32>} : memref<8x4096xf32, #tpu.memory_space<vmem>>, vector<1x16xf32>,
        %get3A_240 = vector.shape_cast %get3A_239 : vector<1x16xf32> to vector<16xf32>
        %add3A_241 = arith.addf %get3A_235, %get3A_240 : vector<16xf32>
        %swap3A_242 = arith.constant 1 : i32
        %swap3A_243 = arith.index_cast %swap3A_242 : i32 to index
        %swap3A_244 = arith.index_cast %mul3A_230 : i32 to index
        %swap3A_245 = tpu.vector_load %arg8[%swap3A_243, %swap3A_244] {strides = array<i32>} : memref<8x4096xf32, #tpu.memory_space<vmem>>, vector<1x16xf32>,
        %swap3A_246 = vector.shape_cast %swap3A_245 : vector<1x16xf32> to vector<16xf32>
        %swap3A_247 = vector.shape_cast %add3A_241 : vector<16xf32> to vector<1x16xf32>
        tpu.vector_store %arg8[%swap3A_243, %swap3A_244], %swap3A_247 {strides = array<i32>} : memref<8x4096xf32, #tpu.memory_space<vmem>>, vector<1x16xf32>,
        %mul3A_248 = arith.constant 8 : i32
        %mul3A_249 = arith.muli %scan3A_180, %mul3A_248 : i32
        %add3A_250 = arith.constant 3 : i32
        %add3A_251 = arith.addi %mul3A_249, %add3A_250 : i32
        %mul3A_252 = arith.constant 16 : i32
        %mul3A_253 = arith.muli %add3A_251, %mul3A_252 : i32
        %get3A_254 = arith.constant 1 : i32
        %get3A_255 = arith.index_cast %get3A_254 : i32 to index
        %get3A_256 = arith.index_cast %mul3A_253 : i32 to index
        %get3A_257 = tpu.vector_load %arg8[%get3A_255, %get3A_256] {strides = array<i32>} : memref<8x4096xf32, #tpu.memory_space<vmem>>, vector<1x16xf32>,
        %get3A_258 = vector.shape_cast %get3A_257 : vector<1x16xf32> to vector<16xf32>
        %get3A_259 = arith.constant 1 : i32
        %get3A_260 = arith.index_cast %get3A_259 : i32 to index
        %get3A_261 = arith.index_cast %mul3A_253 : i32 to index
        %get3A_262 = tpu.vector_load %arg9[%get3A_260, %get3A_261] {strides = array<i32>} : memref<8x4096xf32, #tpu.memory_space<vmem>>, vector<1x16xf32>,
        %get3A_263 = vector.shape_cast %get3A_262 : vector<1x16xf32> to vector<16xf32>
        %add3A_264 = arith.addf %get3A_258, %get3A_263 : vector<16xf32>
        %swap3A_265 = arith.constant 1 : i32
        %swap3A_266 = arith.index_cast %swap3A_265 : i32 to index
        %swap3A_267 = arith.index_cast %mul3A_253 : i32 to index
        %swap3A_268 = tpu.vector_load %arg8[%swap3A_266, %swap3A_267] {strides = array<i32>} : memref<8x4096xf32, #tpu.memory_space<vmem>>, vector<1x16xf32>,
        %swap3A_269 = vector.shape_cast %swap3A_268 : vector<1x16xf32> to vector<16xf32>
        %swap3A_270 = vector.shape_cast %add3A_264 : vector<16xf32> to vector<1x16xf32>
        tpu.vector_store %arg8[%swap3A_266, %swap3A_267], %swap3A_270 {strides = array<i32>} : memref<8x4096xf32, #tpu.memory_space<vmem>>, vector<1x16xf32>,
        %mul3A_271 = arith.constant 8 : i32
        %mul3A_272 = arith.muli %scan3A_180, %mul3A_271 : i32
        %add3A_273 = arith.constant 4 : i32
        %add3A_274 = arith.addi %mul3A_272, %add3A_273 : i32
        %mul3A_275 = arith.constant 16 : i32
        %mul3A_276 = arith.muli %add3A_274, %mul3A_275 : i32
        %get3A_277 = arith.constant 1 : i32
        %get3A_278 = arith.index_cast %get3A_277 : i32 to index
        %get3A_279 = arith.index_cast %mul3A_276 : i32 to index
        %get3A_280 = tpu.vector_load %arg8[%get3A_278, %get3A_279] {strides = array<i32>} : memref<8x4096xf32, #tpu.memory_space<vmem>>, vector<1x16xf32>,
        %get3A_281 = vector.shape_cast %get3A_280 : vector<1x16xf32> to vector<16xf32>
        %get3A_282 = arith.constant 1 : i32
        %get3A_283 = arith.index_cast %get3A_282 : i32 to index
        %get3A_284 = arith.index_cast %mul3A_276 : i32 to index
        %get3A_285 = tpu.vector_load %arg9[%get3A_283, %get3A_284] {strides = array<i32>} : memref<8x4096xf32, #tpu.memory_space<vmem>>, vector<1x16xf32>,
        %get3A_286 = vector.shape_cast %get3A_285 : vector<1x16xf32> to vector<16xf32>
        %add3A_287 = arith.addf %get3A_281, %get3A_286 : vector<16xf32>
        %swap3A_288 = arith.constant 1 : i32
        %swap3A_289 = arith.index_cast %swap3A_288 : i32 to index
        %swap3A_290 = arith.index_cast %mul3A_276 : i32 to index
        %swap3A_291 = tpu.vector_load %arg8[%swap3A_289, %swap3A_290] {strides = array<i32>} : memref<8x4096xf32, #tpu.memory_space<vmem>>, vector<1x16xf32>,
        %swap3A_292 = vector.shape_cast %swap3A_291 : vector<1x16xf32> to vector<16xf32>
        %swap3A_293 = vector.shape_cast %add3A_287 : vector<16xf32> to vector<1x16xf32>
        tpu.vector_store %arg8[%swap3A_289, %swap3A_290], %swap3A_293 {strides = array<i32>} : memref<8x4096xf32, #tpu.memory_space<vmem>>, vector<1x16xf32>,
        %mul3A_294 = arith.constant 8 : i32
        %mul3A_295 = arith.muli %scan3A_180, %mul3A_294 : i32
        %add3A_296 = arith.constant 5 : i32
        %add3A_297 = arith.addi %mul3A_295, %add3A_296 : i32
        %mul3A_298 = arith.constant 16 : i32
        %mul3A_299 = arith.muli %add3A_297, %mul3A_298 : i32
        %get3A_300 = arith.constant 1 : i32
        %get3A_301 = arith.index_cast %get3A_300 : i32 to index
        %get3A_302 = arith.index_cast %mul3A_299 : i32 to index
        %get3A_303 = tpu.vector_load %arg8[%get3A_301, %get3A_302] {strides = array<i32>} : memref<8x4096xf32, #tpu.memory_space<vmem>>, vector<1x16xf32>,
        %get3A_304 = vector.shape_cast %get3A_303 : vector<1x16xf32> to vector<16xf32>
        %get3A_305 = arith.constant 1 : i32
        %get3A_306 = arith.index_cast %get3A_305 : i32 to index
        %get3A_307 = arith.index_cast %mul3A_299 : i32 to index
        %get3A_308 = tpu.vector_load %arg9[%get3A_306, %get3A_307] {strides = array<i32>} : memref<8x4096xf32, #tpu.memory_space<vmem>>, vector<1x16xf32>,
        %get3A_309 = vector.shape_cast %get3A_308 : vector<1x16xf32> to vector<16xf32>
        %add3A_310 = arith.addf %get3A_304, %get3A_309 : vector<16xf32>
        %swap3A_311 = arith.constant 1 : i32
        %swap3A_312 = arith.index_cast %swap3A_311 : i32 to index
        %swap3A_313 = arith.index_cast %mul3A_299 : i32 to index
        %swap3A_314 = tpu.vector_load %arg8[%swap3A_312, %swap3A_313] {strides = array<i32>} : memref<8x4096xf32, #tpu.memory_space<vmem>>, vector<1x16xf32>,
        %swap3A_315 = vector.shape_cast %swap3A_314 : vector<1x16xf32> to vector<16xf32>
        %swap3A_316 = vector.shape_cast %add3A_310 : vector<16xf32> to vector<1x16xf32>
        tpu.vector_store %arg8[%swap3A_312, %swap3A_313], %swap3A_316 {strides = array<i32>} : memref<8x4096xf32, #tpu.memory_space<vmem>>, vector<1x16xf32>,
        %mul3A_317 = arith.constant 8 : i32
        %mul3A_318 = arith.muli %scan3A_180, %mul3A_317 : i32
        %add3A_319 = arith.constant 6 : i32
        %add3A_320 = arith.addi %mul3A_318, %add3A_319 : i32
        %mul3A_321 = arith.constant 16 : i32
        %mul3A_322 = arith.muli %add3A_320, %mul3A_321 : i32
        %get3A_323 = arith.constant 1 : i32
        %get3A_324 = arith.index_cast %get3A_323 : i32 to index
        %get3A_325 = arith.index_cast %mul3A_322 : i32 to index
        %get3A_326 = tpu.vector_load %arg8[%get3A_324, %get3A_325] {strides = array<i32>} : memref<8x4096xf32, #tpu.memory_space<vmem>>, vector<1x16xf32>,
        %get3A_327 = vector.shape_cast %get3A_326 : vector<1x16xf32> to vector<16xf32>
        %get3A_328 = arith.constant 1 : i32
        %get3A_329 = arith.index_cast %get3A_328 : i32 to index
        %get3A_330 = arith.index_cast %mul3A_322 : i32 to index
        %get3A_331 = tpu.vector_load %arg9[%get3A_329, %get3A_330] {strides = array<i32>} : memref<8x4096xf32, #tpu.memory_space<vmem>>, vector<1x16xf32>,
        %get3A_332 = vector.shape_cast %get3A_331 : vector<1x16xf32> to vector<16xf32>
        %add3A_333 = arith.addf %get3A_327, %get3A_332 : vector<16xf32>
        %swap3A_334 = arith.constant 1 : i32
        %swap3A_335 = arith.index_cast %swap3A_334 : i32 to index
        %swap3A_336 = arith.index_cast %mul3A_322 : i32 to index
        %swap3A_337 = tpu.vector_load %arg8[%swap3A_335, %swap3A_336] {strides = array<i32>} : memref<8x4096xf32, #tpu.memory_space<vmem>>, vector<1x16xf32>,
        %swap3A_338 = vector.shape_cast %swap3A_337 : vector<1x16xf32> to vector<16xf32>
        %swap3A_339 = vector.shape_cast %add3A_333 : vector<16xf32> to vector<1x16xf32>
        tpu.vector_store %arg8[%swap3A_335, %swap3A_336], %swap3A_339 {strides = array<i32>} : memref<8x4096xf32, #tpu.memory_space<vmem>>, vector<1x16xf32>,
        %mul3A_340 = arith.constant 8 : i32
        %mul3A_341 = arith.muli %scan3A_180, %mul3A_340 : i32
        %add3A_342 = arith.constant 7 : i32
        %add3A_343 = arith.addi %mul3A_341, %add3A_342 : i32
        %mul3A_344 = arith.constant 16 : i32
        %mul3A_345 = arith.muli %add3A_343, %mul3A_344 : i32
        %get3A_346 = arith.constant 1 : i32
        %get3A_347 = arith.index_cast %get3A_346 : i32 to index
        %get3A_348 = arith.index_cast %mul3A_345 : i32 to index
        %get3A_349 = tpu.vector_load %arg8[%get3A_347, %get3A_348] {strides = array<i32>} : memref<8x4096xf32, #tpu.memory_space<vmem>>, vector<1x16xf32>,
        %get3A_350 = vector.shape_cast %get3A_349 : vector<1x16xf32> to vector<16xf32>
        %get3A_351 = arith.constant 1 : i32
        %get3A_352 = arith.index_cast %get3A_351 : i32 to index
        %get3A_353 = arith.index_cast %mul3A_345 : i32 to index
        %get3A_354 = tpu.vector_load %arg9[%get3A_352, %get3A_353] {strides = array<i32>} : memref<8x4096xf32, #tpu.memory_space<vmem>>, vector<1x16xf32>,
        %get3A_355 = vector.shape_cast %get3A_354 : vector<1x16xf32> to vector<16xf32>
        %add3A_356 = arith.addf %get3A_350, %get3A_355 : vector<16xf32>
        %swap3A_357 = arith.constant 1 : i32
        %swap3A_358 = arith.index_cast %swap3A_357 : i32 to index
        %swap3A_359 = arith.index_cast %mul3A_345 : i32 to index
        %swap3A_360 = tpu.vector_load %arg8[%swap3A_358, %swap3A_359] {strides = array<i32>} : memref<8x4096xf32, #tpu.memory_space<vmem>>, vector<1x16xf32>,
        %swap3A_361 = vector.shape_cast %swap3A_360 : vector<1x16xf32> to vector<16xf32>
        %swap3A_362 = vector.shape_cast %add3A_356 : vector<16xf32> to vector<1x16xf32>
        tpu.vector_store %arg8[%swap3A_358, %swap3A_359], %swap3A_362 {strides = array<i32>} : memref<8x4096xf32, #tpu.memory_space<vmem>>, vector<1x16xf32>,
      }
      %scan3A_139 = arith.constant 32 : i32
      %scan3A_140 = arith.constant 0 : i32
      %scan3A_141 = arith.constant 0 : i32
      %scan3A_142 = arith.constant 32 : i32
      %scan3A_143 = arith.addi %scan3A_141, %scan3A_142 : i32
      %scan3A_144 = arith.constant 1 : i32
      scf.for %scan3A_180 = %scan3A_141 to %scan3A_143 step %scan3A_144  : i32 {
        %mul3A_181 = arith.constant 8 : i32
        %mul3A_182 = arith.muli %scan3A_180, %mul3A_181 : i32
        %add3A_183 = arith.constant 0 : i32
        %add3A_184 = arith.addi %mul3A_182, %add3A_183 : i32
        %mul3A_185 = arith.constant 16 : i32
        %mul3A_186 = arith.muli %add3A_184, %mul3A_185 : i32
        %get3A = arith.constant 2 : i32
        %get3A_187 = arith.index_cast %get3A : i32 to index
        %get3A_188 = arith.index_cast %mul3A_186 : i32 to index
        %get3A_189 = tpu.vector_load %arg8[%get3A_187, %get3A_188] {strides = array<i32>} : memref<8x4096xf32, #tpu.memory_space<vmem>>, vector<1x16xf32>,
        %get3A_190 = vector.shape_cast %get3A_189 : vector<1x16xf32> to vector<16xf32>
        %get3A_191 = arith.constant 2 : i32
        %get3A_192 = arith.index_cast %get3A_191 : i32 to index
        %get3A_193 = arith.index_cast %mul3A_186 : i32 to index
        %get3A_194 = tpu.vector_load %arg9[%get3A_192, %get3A_193] {strides = array<i32>} : memref<8x4096xf32, #tpu.memory_space<vmem>>, vector<1x16xf32>,
        %get3A_195 = vector.shape_cast %get3A_194 : vector<1x16xf32> to vector<16xf32>
        %add3A_196 = arith.addf %get3A_190, %get3A_195 : vector<16xf32>
        %swap3A = arith.constant 2 : i32
        %swap3A_197 = arith.index_cast %swap3A : i32 to index
        %swap3A_198 = arith.index_cast %mul3A_186 : i32 to index
        %swap3A_199 = tpu.vector_load %arg8[%swap3A_197, %swap3A_198] {strides = array<i32>} : memref<8x4096xf32, #tpu.memory_space<vmem>>, vector<1x16xf32>,
        %swap3A_200 = vector.shape_cast %swap3A_199 : vector<1x16xf32> to vector<16xf32>
        %swap3A_201 = vector.shape_cast %add3A_196 : vector<16xf32> to vector<1x16xf32>
        tpu.vector_store %arg8[%swap3A_197, %swap3A_198], %swap3A_201 {strides = array<i32>} : memref<8x4096xf32, #tpu.memory_space<vmem>>, vector<1x16xf32>,
        %mul3A_202 = arith.constant 8 : i32
        %mul3A_203 = arith.muli %scan3A_180, %mul3A_202 : i32
        %add3A_204 = arith.constant 1 : i32
        %add3A_205 = arith.addi %mul3A_203, %add3A_204 : i32
        %mul3A_206 = arith.constant 16 : i32
        %mul3A_207 = arith.muli %add3A_205, %mul3A_206 : i32
        %get3A_208 = arith.constant 2 : i32
        %get3A_209 = arith.index_cast %get3A_208 : i32 to index
        %get3A_210 = arith.index_cast %mul3A_207 : i32 to index
        %get3A_211 = tpu.vector_load %arg8[%get3A_209, %get3A_210] {strides = array<i32>} : memref<8x4096xf32, #tpu.memory_space<vmem>>, vector<1x16xf32>,
        %get3A_212 = vector.shape_cast %get3A_211 : vector<1x16xf32> to vector<16xf32>
        %get3A_213 = arith.constant 2 : i32
        %get3A_214 = arith.index_cast %get3A_213 : i32 to index
        %get3A_215 = arith.index_cast %mul3A_207 : i32 to index
        %get3A_216 = tpu.vector_load %arg9[%get3A_214, %get3A_215] {strides = array<i32>} : memref<8x4096xf32, #tpu.memory_space<vmem>>, vector<1x16xf32>,
        %get3A_217 = vector.shape_cast %get3A_216 : vector<1x16xf32> to vector<16xf32>
        %add3A_218 = arith.addf %get3A_212, %get3A_217 : vector<16xf32>
        %swap3A_219 = arith.constant 2 : i32
        %swap3A_220 = arith.index_cast %swap3A_219 : i32 to index
        %swap3A_221 = arith.index_cast %mul3A_207 : i32 to index
        %swap3A_222 = tpu.vector_load %arg8[%swap3A_220, %swap3A_221] {strides = array<i32>} : memref<8x4096xf32, #tpu.memory_space<vmem>>, vector<1x16xf32>,
        %swap3A_223 = vector.shape_cast %swap3A_222 : vector<1x16xf32> to vector<16xf32>
        %swap3A_224 = vector.shape_cast %add3A_218 : vector<16xf32> to vector<1x16xf32>
        tpu.vector_store %arg8[%swap3A_220, %swap3A_221], %swap3A_224 {strides = array<i32>} : memref<8x4096xf32, #tpu.memory_space<vmem>>, vector<1x16xf32>,
        %mul3A_225 = arith.constant 8 : i32
        %mul3A_226 = arith.muli %scan3A_180, %mul3A_225 : i32
        %add3A_227 = arith.constant 2 : i32
        %add3A_228 = arith.addi %mul3A_226, %add3A_227 : i32
        %mul3A_229 = arith.constant 16 : i32
        %mul3A_230 = arith.muli %add3A_228, %mul3A_229 : i32
        %get3A_231 = arith.constant 2 : i32
        %get3A_232 = arith.index_cast %get3A_231 : i32 to index
        %get3A_233 = arith.index_cast %mul3A_230 : i32 to index
        %get3A_234 = tpu.vector_load %arg8[%get3A_232, %get3A_233] {strides = array<i32>} : memref<8x4096xf32, #tpu.memory_space<vmem>>, vector<1x16xf32>,
        %get3A_235 = vector.shape_cast %get3A_234 : vector<1x16xf32> to vector<16xf32>
        %get3A_236 = arith.constant 2 : i32
        %get3A_237 = arith.index_cast %get3A_236 : i32 to index
        %get3A_238 = arith.index_cast %mul3A_230 : i32 to index
        %get3A_239 = tpu.vector_load %arg9[%get3A_237, %get3A_238] {strides = array<i32>} : memref<8x4096xf32, #tpu.memory_space<vmem>>, vector<1x16xf32>,
        %get3A_240 = vector.shape_cast %get3A_239 : vector<1x16xf32> to vector<16xf32>
        %add3A_241 = arith.addf %get3A_235, %get3A_240 : vector<16xf32>
        %swap3A_242 = arith.constant 2 : i32
        %swap3A_243 = arith.index_cast %swap3A_242 : i32 to index
        %swap3A_244 = arith.index_cast %mul3A_230 : i32 to index
        %swap3A_245 = tpu.vector_load %arg8[%swap3A_243, %swap3A_244] {strides = array<i32>} : memref<8x4096xf32, #tpu.memory_space<vmem>>, vector<1x16xf32>,
        %swap3A_246 = vector.shape_cast %swap3A_245 : vector<1x16xf32> to vector<16xf32>
        %swap3A_247 = vector.shape_cast %add3A_241 : vector<16xf32> to vector<1x16xf32>
        tpu.vector_store %arg8[%swap3A_243, %swap3A_244], %swap3A_247 {strides = array<i32>} : memref<8x4096xf32, #tpu.memory_space<vmem>>, vector<1x16xf32>,
        %mul3A_248 = arith.constant 8 : i32
        %mul3A_249 = arith.muli %scan3A_180, %mul3A_248 : i32
        %add3A_250 = arith.constant 3 : i32
        %add3A_251 = arith.addi %mul3A_249, %add3A_250 : i32
        %mul3A_252 = arith.constant 16 : i32
        %mul3A_253 = arith.muli %add3A_251, %mul3A_252 : i32
        %get3A_254 = arith.constant 2 : i32
        %get3A_255 = arith.index_cast %get3A_254 : i32 to index
        %get3A_256 = arith.index_cast %mul3A_253 : i32 to index
        %get3A_257 = tpu.vector_load %arg8[%get3A_255, %get3A_256] {strides = array<i32>} : memref<8x4096xf32, #tpu.memory_space<vmem>>, vector<1x16xf32>,
        %get3A_258 = vector.shape_cast %get3A_257 : vector<1x16xf32> to vector<16xf32>
        %get3A_259 = arith.constant 2 : i32
        %get3A_260 = arith.index_cast %get3A_259 : i32 to index
        %get3A_261 = arith.index_cast %mul3A_253 : i32 to index
        %get3A_262 = tpu.vector_load %arg9[%get3A_260, %get3A_261] {strides = array<i32>} : memref<8x4096xf32, #tpu.memory_space<vmem>>, vector<1x16xf32>,
        %get3A_263 = vector.shape_cast %get3A_262 : vector<1x16xf32> to vector<16xf32>
        %add3A_264 = arith.addf %get3A_258, %get3A_263 : vector<16xf32>
        %swap3A_265 = arith.constant 2 : i32
        %swap3A_266 = arith.index_cast %swap3A_265 : i32 to index
        %swap3A_267 = arith.index_cast %mul3A_253 : i32 to index
        %swap3A_268 = tpu.vector_load %arg8[%swap3A_266, %swap3A_267] {strides = array<i32>} : memref<8x4096xf32, #tpu.memory_space<vmem>>, vector<1x16xf32>,
        %swap3A_269 = vector.shape_cast %swap3A_268 : vector<1x16xf32> to vector<16xf32>
        %swap3A_270 = vector.shape_cast %add3A_264 : vector<16xf32> to vector<1x16xf32>
        tpu.vector_store %arg8[%swap3A_266, %swap3A_267], %swap3A_270 {strides = array<i32>} : memref<8x4096xf32, #tpu.memory_space<vmem>>, vector<1x16xf32>,
        %mul3A_271 = arith.constant 8 : i32
        %mul3A_272 = arith.muli %scan3A_180, %mul3A_271 : i32
        %add3A_273 = arith.constant 4 : i32
        %add3A_274 = arith.addi %mul3A_272, %add3A_273 : i32
        %mul3A_275 = arith.constant 16 : i32
        %mul3A_276 = arith.muli %add3A_274, %mul3A_275 : i32
        %get3A_277 = arith.constant 2 : i32
        %get3A_278 = arith.index_cast %get3A_277 : i32 to index
        %get3A_279 = arith.index_cast %mul3A_276 : i32 to index
        %get3A_280 = tpu.vector_load %arg8[%get3A_278, %get3A_279] {strides = array<i32>} : memref<8x4096xf32, #tpu.memory_space<vmem>>, vector<1x16xf32>,
        %get3A_281 = vector.shape_cast %get3A_280 : vector<1x16xf32> to vector<16xf32>
        %get3A_282 = arith.constant 2 : i32
        %get3A_283 = arith.index_cast %get3A_282 : i32 to index
        %get3A_284 = arith.index_cast %mul3A_276 : i32 to index
        %get3A_285 = tpu.vector_load %arg9[%get3A_283, %get3A_284] {strides = array<i32>} : memref<8x4096xf32, #tpu.memory_space<vmem>>, vector<1x16xf32>,
        %get3A_286 = vector.shape_cast %get3A_285 : vector<1x16xf32> to vector<16xf32>
        %add3A_287 = arith.addf %get3A_281, %get3A_286 : vector<16xf32>
        %swap3A_288 = arith.constant 2 : i32
        %swap3A_289 = arith.index_cast %swap3A_288 : i32 to index
        %swap3A_290 = arith.index_cast %mul3A_276 : i32 to index
        %swap3A_291 = tpu.vector_load %arg8[%swap3A_289, %swap3A_290] {strides = array<i32>} : memref<8x4096xf32, #tpu.memory_space<vmem>>, vector<1x16xf32>,
        %swap3A_292 = vector.shape_cast %swap3A_291 : vector<1x16xf32> to vector<16xf32>
        %swap3A_293 = vector.shape_cast %add3A_287 : vector<16xf32> to vector<1x16xf32>
        tpu.vector_store %arg8[%swap3A_289, %swap3A_290], %swap3A_293 {strides = array<i32>} : memref<8x4096xf32, #tpu.memory_space<vmem>>, vector<1x16xf32>,
        %mul3A_294 = arith.constant 8 : i32
        %mul3A_295 = arith.muli %scan3A_180, %mul3A_294 : i32
        %add3A_296 = arith.constant 5 : i32
        %add3A_297 = arith.addi %mul3A_295, %add3A_296 : i32
        %mul3A_298 = arith.constant 16 : i32
        %mul3A_299 = arith.muli %add3A_297, %mul3A_298 : i32
        %get3A_300 = arith.constant 2 : i32
        %get3A_301 = arith.index_cast %get3A_300 : i32 to index
        %get3A_302 = arith.index_cast %mul3A_299 : i32 to index
        %get3A_303 = tpu.vector_load %arg8[%get3A_301, %get3A_302] {strides = array<i32>} : memref<8x4096xf32, #tpu.memory_space<vmem>>, vector<1x16xf32>,
        %get3A_304 = vector.shape_cast %get3A_303 : vector<1x16xf32> to vector<16xf32>
        %get3A_305 = arith.constant 2 : i32
        %get3A_306 = arith.index_cast %get3A_305 : i32 to index
        %get3A_307 = arith.index_cast %mul3A_299 : i32 to index
        %get3A_308 = tpu.vector_load %arg9[%get3A_306, %get3A_307] {strides = array<i32>} : memref<8x4096xf32, #tpu.memory_space<vmem>>, vector<1x16xf32>,
        %get3A_309 = vector.shape_cast %get3A_308 : vector<1x16xf32> to vector<16xf32>
        %add3A_310 = arith.addf %get3A_304, %get3A_309 : vector<16xf32>
        %swap3A_311 = arith.constant 2 : i32
        %swap3A_312 = arith.index_cast %swap3A_311 : i32 to index
        %swap3A_313 = arith.index_cast %mul3A_299 : i32 to index
        %swap3A_314 = tpu.vector_load %arg8[%swap3A_312, %swap3A_313] {strides = array<i32>} : memref<8x4096xf32, #tpu.memory_space<vmem>>, vector<1x16xf32>,
        %swap3A_315 = vector.shape_cast %swap3A_314 : vector<1x16xf32> to vector<16xf32>
        %swap3A_316 = vector.shape_cast %add3A_310 : vector<16xf32> to vector<1x16xf32>
        tpu.vector_store %arg8[%swap3A_312, %swap3A_313], %swap3A_316 {strides = array<i32>} : memref<8x4096xf32, #tpu.memory_space<vmem>>, vector<1x16xf32>,
        %mul3A_317 = arith.constant 8 : i32
        %mul3A_318 = arith.muli %scan3A_180, %mul3A_317 : i32
        %add3A_319 = arith.constant 6 : i32
        %add3A_320 = arith.addi %mul3A_318, %add3A_319 : i32
        %mul3A_321 = arith.constant 16 : i32
        %mul3A_322 = arith.muli %add3A_320, %mul3A_321 : i32
        %get3A_323 = arith.constant 2 : i32
        %get3A_324 = arith.index_cast %get3A_323 : i32 to index
        %get3A_325 = arith.index_cast %mul3A_322 : i32 to index
        %get3A_326 = tpu.vector_load %arg8[%get3A_324, %get3A_325] {strides = array<i32>} : memref<8x4096xf32, #tpu.memory_space<vmem>>, vector<1x16xf32>,
        %get3A_327 = vector.shape_cast %get3A_326 : vector<1x16xf32> to vector<16xf32>
        %get3A_328 = arith.constant 2 : i32
        %get3A_329 = arith.index_cast %get3A_328 : i32 to index
        %get3A_330 = arith.index_cast %mul3A_322 : i32 to index
        %get3A_331 = tpu.vector_load %arg9[%get3A_329, %get3A_330] {strides = array<i32>} : memref<8x4096xf32, #tpu.memory_space<vmem>>, vector<1x16xf32>,
        %get3A_332 = vector.shape_cast %get3A_331 : vector<1x16xf32> to vector<16xf32>
        %add3A_333 = arith.addf %get3A_327, %get3A_332 : vector<16xf32>
        %swap3A_334 = arith.constant 2 : i32
        %swap3A_335 = arith.index_cast %swap3A_334 : i32 to index
        %swap3A_336 = arith.index_cast %mul3A_322 : i32 to index
        %swap3A_337 = tpu.vector_load %arg8[%swap3A_335, %swap3A_336] {strides = array<i32>} : memref<8x4096xf32, #tpu.memory_space<vmem>>, vector<1x16xf32>,
        %swap3A_338 = vector.shape_cast %swap3A_337 : vector<1x16xf32> to vector<16xf32>
        %swap3A_339 = vector.shape_cast %add3A_333 : vector<16xf32> to vector<1x16xf32>
        tpu.vector_store %arg8[%swap3A_335, %swap3A_336], %swap3A_339 {strides = array<i32>} : memref<8x4096xf32, #tpu.memory_space<vmem>>, vector<1x16xf32>,
        %mul3A_340 = arith.constant 8 : i32
        %mul3A_341 = arith.muli %scan3A_180, %mul3A_340 : i32
        %add3A_342 = arith.constant 7 : i32
        %add3A_343 = arith.addi %mul3A_341, %add3A_342 : i32
        %mul3A_344 = arith.constant 16 : i32
        %mul3A_345 = arith.muli %add3A_343, %mul3A_344 : i32
        %get3A_346 = arith.constant 2 : i32
        %get3A_347 = arith.index_cast %get3A_346 : i32 to index
        %get3A_348 = arith.index_cast %mul3A_345 : i32 to index
        %get3A_349 = tpu.vector_load %arg8[%get3A_347, %get3A_348] {strides = array<i32>} : memref<8x4096xf32, #tpu.memory_space<vmem>>, vector<1x16xf32>,
        %get3A_350 = vector.shape_cast %get3A_349 : vector<1x16xf32> to vector<16xf32>
        %get3A_351 = arith.constant 2 : i32
        %get3A_352 = arith.index_cast %get3A_351 : i32 to index
        %get3A_353 = arith.index_cast %mul3A_345 : i32 to index
        %get3A_354 = tpu.vector_load %arg9[%get3A_352, %get3A_353] {strides = array<i32>} : memref<8x4096xf32, #tpu.memory_space<vmem>>, vector<1x16xf32>,
        %get3A_355 = vector.shape_cast %get3A_354 : vector<1x16xf32> to vector<16xf32>
        %add3A_356 = arith.addf %get3A_350, %get3A_355 : vector<16xf32>
        %swap3A_357 = arith.constant 2 : i32
        %swap3A_358 = arith.index_cast %swap3A_357 : i32 to index
        %swap3A_359 = arith.index_cast %mul3A_345 : i32 to index
        %swap3A_360 = tpu.vector_load %arg8[%swap3A_358, %swap3A_359] {strides = array<i32>} : memref<8x4096xf32, #tpu.memory_space<vmem>>, vector<1x16xf32>,
        %swap3A_361 = vector.shape_cast %swap3A_360 : vector<1x16xf32> to vector<16xf32>
        %swap3A_362 = vector.shape_cast %add3A_356 : vector<16xf32> to vector<1x16xf32>
        tpu.vector_store %arg8[%swap3A_358, %swap3A_359], %swap3A_362 {strides = array<i32>} : memref<8x4096xf32, #tpu.memory_space<vmem>>, vector<1x16xf32>,
      }
      %scan3A_145 = arith.constant 32 : i32
      %scan3A_146 = arith.constant 0 : i32
      %scan3A_147 = arith.constant 0 : i32
      %scan3A_148 = arith.constant 32 : i32
      %scan3A_149 = arith.addi %scan3A_147, %scan3A_148 : i32
      %scan3A_150 = arith.constant 1 : i32
      scf.for %scan3A_180 = %scan3A_147 to %scan3A_149 step %scan3A_150  : i32 {
        %mul3A_181 = arith.constant 8 : i32
        %mul3A_182 = arith.muli %scan3A_180, %mul3A_181 : i32
        %add3A_183 = arith.constant 0 : i32
        %add3A_184 = arith.addi %mul3A_182, %add3A_183 : i32
        %mul3A_185 = arith.constant 16 : i32
        %mul3A_186 = arith.muli %add3A_184, %mul3A_185 : i32
        %get3A = arith.constant 3 : i32
        %get3A_187 = arith.index_cast %get3A : i32 to index
        %get3A_188 = arith.index_cast %mul3A_186 : i32 to index
        %get3A_189 = tpu.vector_load %arg8[%get3A_187, %get3A_188] {strides = array<i32>} : memref<8x4096xf32, #tpu.memory_space<vmem>>, vector<1x16xf32>,
        %get3A_190 = vector.shape_cast %get3A_189 : vector<1x16xf32> to vector<16xf32>
        %get3A_191 = arith.constant 3 : i32
        %get3A_192 = arith.index_cast %get3A_191 : i32 to index
        %get3A_193 = arith.index_cast %mul3A_186 : i32 to index
        %get3A_194 = tpu.vector_load %arg9[%get3A_192, %get3A_193] {strides = array<i32>} : memref<8x4096xf32, #tpu.memory_space<vmem>>, vector<1x16xf32>,
        %get3A_195 = vector.shape_cast %get3A_194 : vector<1x16xf32> to vector<16xf32>
        %add3A_196 = arith.addf %get3A_190, %get3A_195 : vector<16xf32>
        %swap3A = arith.constant 3 : i32
        %swap3A_197 = arith.index_cast %swap3A : i32 to index
        %swap3A_198 = arith.index_cast %mul3A_186 : i32 to index
        %swap3A_199 = tpu.vector_load %arg8[%swap3A_197, %swap3A_198] {strides = array<i32>} : memref<8x4096xf32, #tpu.memory_space<vmem>>, vector<1x16xf32>,
        %swap3A_200 = vector.shape_cast %swap3A_199 : vector<1x16xf32> to vector<16xf32>
        %swap3A_201 = vector.shape_cast %add3A_196 : vector<16xf32> to vector<1x16xf32>
        tpu.vector_store %arg8[%swap3A_197, %swap3A_198], %swap3A_201 {strides = array<i32>} : memref<8x4096xf32, #tpu.memory_space<vmem>>, vector<1x16xf32>,
        %mul3A_202 = arith.constant 8 : i32
        %mul3A_203 = arith.muli %scan3A_180, %mul3A_202 : i32
        %add3A_204 = arith.constant 1 : i32
        %add3A_205 = arith.addi %mul3A_203, %add3A_204 : i32
        %mul3A_206 = arith.constant 16 : i32
        %mul3A_207 = arith.muli %add3A_205, %mul3A_206 : i32
        %get3A_208 = arith.constant 3 : i32
        %get3A_209 = arith.index_cast %get3A_208 : i32 to index
        %get3A_210 = arith.index_cast %mul3A_207 : i32 to index
        %get3A_211 = tpu.vector_load %arg8[%get3A_209, %get3A_210] {strides = array<i32>} : memref<8x4096xf32, #tpu.memory_space<vmem>>, vector<1x16xf32>,
        %get3A_212 = vector.shape_cast %get3A_211 : vector<1x16xf32> to vector<16xf32>
        %get3A_213 = arith.constant 3 : i32
        %get3A_214 = arith.index_cast %get3A_213 : i32 to index
        %get3A_215 = arith.index_cast %mul3A_207 : i32 to index
        %get3A_216 = tpu.vector_load %arg9[%get3A_214, %get3A_215] {strides = array<i32>} : memref<8x4096xf32, #tpu.memory_space<vmem>>, vector<1x16xf32>,
        %get3A_217 = vector.shape_cast %get3A_216 : vector<1x16xf32> to vector<16xf32>
        %add3A_218 = arith.addf %get3A_212, %get3A_217 : vector<16xf32>
        %swap3A_219 = arith.constant 3 : i32
        %swap3A_220 = arith.index_cast %swap3A_219 : i32 to index
        %swap3A_221 = arith.index_cast %mul3A_207 : i32 to index
        %swap3A_222 = tpu.vector_load %arg8[%swap3A_220, %swap3A_221] {strides = array<i32>} : memref<8x4096xf32, #tpu.memory_space<vmem>>, vector<1x16xf32>,
        %swap3A_223 = vector.shape_cast %swap3A_222 : vector<1x16xf32> to vector<16xf32>
        %swap3A_224 = vector.shape_cast %add3A_218 : vector<16xf32> to vector<1x16xf32>
        tpu.vector_store %arg8[%swap3A_220, %swap3A_221], %swap3A_224 {strides = array<i32>} : memref<8x4096xf32, #tpu.memory_space<vmem>>, vector<1x16xf32>,
        %mul3A_225 = arith.constant 8 : i32
        %mul3A_226 = arith.muli %scan3A_180, %mul3A_225 : i32
        %add3A_227 = arith.constant 2 : i32
        %add3A_228 = arith.addi %mul3A_226, %add3A_227 : i32
        %mul3A_229 = arith.constant 16 : i32
        %mul3A_230 = arith.muli %add3A_228, %mul3A_229 : i32
        %get3A_231 = arith.constant 3 : i32
        %get3A_232 = arith.index_cast %get3A_231 : i32 to index
        %get3A_233 = arith.index_cast %mul3A_230 : i32 to index
        %get3A_234 = tpu.vector_load %arg8[%get3A_232, %get3A_233] {strides = array<i32>} : memref<8x4096xf32, #tpu.memory_space<vmem>>, vector<1x16xf32>,
        %get3A_235 = vector.shape_cast %get3A_234 : vector<1x16xf32> to vector<16xf32>
        %get3A_236 = arith.constant 3 : i32
        %get3A_237 = arith.index_cast %get3A_236 : i32 to index
        %get3A_238 = arith.index_cast %mul3A_230 : i32 to index
        %get3A_239 = tpu.vector_load %arg9[%get3A_237, %get3A_238] {strides = array<i32>} : memref<8x4096xf32, #tpu.memory_space<vmem>>, vector<1x16xf32>,
        %get3A_240 = vector.shape_cast %get3A_239 : vector<1x16xf32> to vector<16xf32>
        %add3A_241 = arith.addf %get3A_235, %get3A_240 : vector<16xf32>
        %swap3A_242 = arith.constant 3 : i32
        %swap3A_243 = arith.index_cast %swap3A_242 : i32 to index
        %swap3A_244 = arith.index_cast %mul3A_230 : i32 to index
        %swap3A_245 = tpu.vector_load %arg8[%swap3A_243, %swap3A_244] {strides = array<i32>} : memref<8x4096xf32, #tpu.memory_space<vmem>>, vector<1x16xf32>,
        %swap3A_246 = vector.shape_cast %swap3A_245 : vector<1x16xf32> to vector<16xf32>
        %swap3A_247 = vector.shape_cast %add3A_241 : vector<16xf32> to vector<1x16xf32>
        tpu.vector_store %arg8[%swap3A_243, %swap3A_244], %swap3A_247 {strides = array<i32>} : memref<8x4096xf32, #tpu.memory_space<vmem>>, vector<1x16xf32>,
        %mul3A_248 = arith.constant 8 : i32
        %mul3A_249 = arith.muli %scan3A_180, %mul3A_248 : i32
        %add3A_250 = arith.constant 3 : i32
        %add3A_251 = arith.addi %mul3A_249, %add3A_250 : i32
        %mul3A_252 = arith.constant 16 : i32
        %mul3A_253 = arith.muli %add3A_251, %mul3A_252 : i32
        %get3A_254 = arith.constant 3 : i32
        %get3A_255 = arith.index_cast %get3A_254 : i32 to index
        %get3A_256 = arith.index_cast %mul3A_253 : i32 to index
        %get3A_257 = tpu.vector_load %arg8[%get3A_255, %get3A_256] {strides = array<i32>} : memref<8x4096xf32, #tpu.memory_space<vmem>>, vector<1x16xf32>,
        %get3A_258 = vector.shape_cast %get3A_257 : vector<1x16xf32> to vector<16xf32>
        %get3A_259 = arith.constant 3 : i32
        %get3A_260 = arith.index_cast %get3A_259 : i32 to index
        %get3A_261 = arith.index_cast %mul3A_253 : i32 to index
        %get3A_262 = tpu.vector_load %arg9[%get3A_260, %get3A_261] {strides = array<i32>} : memref<8x4096xf32, #tpu.memory_space<vmem>>, vector<1x16xf32>,
        %get3A_263 = vector.shape_cast %get3A_262 : vector<1x16xf32> to vector<16xf32>
        %add3A_264 = arith.addf %get3A_258, %get3A_263 : vector<16xf32>
        %swap3A_265 = arith.constant 3 : i32
        %swap3A_266 = arith.index_cast %swap3A_265 : i32 to index
        %swap3A_267 = arith.index_cast %mul3A_253 : i32 to index
        %swap3A_268 = tpu.vector_load %arg8[%swap3A_266, %swap3A_267] {strides = array<i32>} : memref<8x4096xf32, #tpu.memory_space<vmem>>, vector<1x16xf32>,
        %swap3A_269 = vector.shape_cast %swap3A_268 : vector<1x16xf32> to vector<16xf32>
        %swap3A_270 = vector.shape_cast %add3A_264 : vector<16xf32> to vector<1x16xf32>
        tpu.vector_store %arg8[%swap3A_266, %swap3A_267], %swap3A_270 {strides = array<i32>} : memref<8x4096xf32, #tpu.memory_space<vmem>>, vector<1x16xf32>,
        %mul3A_271 = arith.constant 8 : i32
        %mul3A_272 = arith.muli %scan3A_180, %mul3A_271 : i32
        %add3A_273 = arith.constant 4 : i32
        %add3A_274 = arith.addi %mul3A_272, %add3A_273 : i32
        %mul3A_275 = arith.constant 16 : i32
        %mul3A_276 = arith.muli %add3A_274, %mul3A_275 : i32
        %get3A_277 = arith.constant 3 : i32
        %get3A_278 = arith.index_cast %get3A_277 : i32 to index
        %get3A_279 = arith.index_cast %mul3A_276 : i32 to index
        %get3A_280 = tpu.vector_load %arg8[%get3A_278, %get3A_279] {strides = array<i32>} : memref<8x4096xf32, #tpu.memory_space<vmem>>, vector<1x16xf32>,
        %get3A_281 = vector.shape_cast %get3A_280 : vector<1x16xf32> to vector<16xf32>
        %get3A_282 = arith.constant 3 : i32
        %get3A_283 = arith.index_cast %get3A_282 : i32 to index
        %get3A_284 = arith.index_cast %mul3A_276 : i32 to index
        %get3A_285 = tpu.vector_load %arg9[%get3A_283, %get3A_284] {strides = array<i32>} : memref<8x4096xf32, #tpu.memory_space<vmem>>, vector<1x16xf32>,
        %get3A_286 = vector.shape_cast %get3A_285 : vector<1x16xf32> to vector<16xf32>
        %add3A_287 = arith.addf %get3A_281, %get3A_286 : vector<16xf32>
        %swap3A_288 = arith.constant 3 : i32
        %swap3A_289 = arith.index_cast %swap3A_288 : i32 to index
        %swap3A_290 = arith.index_cast %mul3A_276 : i32 to index
        %swap3A_291 = tpu.vector_load %arg8[%swap3A_289, %swap3A_290] {strides = array<i32>} : memref<8x4096xf32, #tpu.memory_space<vmem>>, vector<1x16xf32>,
        %swap3A_292 = vector.shape_cast %swap3A_291 : vector<1x16xf32> to vector<16xf32>
        %swap3A_293 = vector.shape_cast %add3A_287 : vector<16xf32> to vector<1x16xf32>
        tpu.vector_store %arg8[%swap3A_289, %swap3A_290], %swap3A_293 {strides = array<i32>} : memref<8x4096xf32, #tpu.memory_space<vmem>>, vector<1x16xf32>,
        %mul3A_294 = arith.constant 8 : i32
        %mul3A_295 = arith.muli %scan3A_180, %mul3A_294 : i32
        %add3A_296 = arith.constant 5 : i32
        %add3A_297 = arith.addi %mul3A_295, %add3A_296 : i32
        %mul3A_298 = arith.constant 16 : i32
        %mul3A_299 = arith.muli %add3A_297, %mul3A_298 : i32
        %get3A_300 = arith.constant 3 : i32
        %get3A_301 = arith.index_cast %get3A_300 : i32 to index
        %get3A_302 = arith.index_cast %mul3A_299 : i32 to index
        %get3A_303 = tpu.vector_load %arg8[%get3A_301, %get3A_302] {strides = array<i32>} : memref<8x4096xf32, #tpu.memory_space<vmem>>, vector<1x16xf32>,
        %get3A_304 = vector.shape_cast %get3A_303 : vector<1x16xf32> to vector<16xf32>
        %get3A_305 = arith.constant 3 : i32
        %get3A_306 = arith.index_cast %get3A_305 : i32 to index
        %get3A_307 = arith.index_cast %mul3A_299 : i32 to index
        %get3A_308 = tpu.vector_load %arg9[%get3A_306, %get3A_307] {strides = array<i32>} : memref<8x4096xf32, #tpu.memory_space<vmem>>, vector<1x16xf32>,
        %get3A_309 = vector.shape_cast %get3A_308 : vector<1x16xf32> to vector<16xf32>
        %add3A_310 = arith.addf %get3A_304, %get3A_309 : vector<16xf32>
        %swap3A_311 = arith.constant 3 : i32
        %swap3A_312 = arith.index_cast %swap3A_311 : i32 to index
        %swap3A_313 = arith.index_cast %mul3A_299 : i32 to index
        %swap3A_314 = tpu.vector_load %arg8[%swap3A_312, %swap3A_313] {strides = array<i32>} : memref<8x4096xf32, #tpu.memory_space<vmem>>, vector<1x16xf32>,
        %swap3A_315 = vector.shape_cast %swap3A_314 : vector<1x16xf32> to vector<16xf32>
        %swap3A_316 = vector.shape_cast %add3A_310 : vector<16xf32> to vector<1x16xf32>
        tpu.vector_store %arg8[%swap3A_312, %swap3A_313], %swap3A_316 {strides = array<i32>} : memref<8x4096xf32, #tpu.memory_space<vmem>>, vector<1x16xf32>,
        %mul3A_317 = arith.constant 8 : i32
        %mul3A_318 = arith.muli %scan3A_180, %mul3A_317 : i32
        %add3A_319 = arith.constant 6 : i32
        %add3A_320 = arith.addi %mul3A_318, %add3A_319 : i32
        %mul3A_321 = arith.constant 16 : i32
        %mul3A_322 = arith.muli %add3A_320, %mul3A_321 : i32
        %get3A_323 = arith.constant 3 : i32
        %get3A_324 = arith.index_cast %get3A_323 : i32 to index
        %get3A_325 = arith.index_cast %mul3A_322 : i32 to index
        %get3A_326 = tpu.vector_load %arg8[%get3A_324, %get3A_325] {strides = array<i32>} : memref<8x4096xf32, #tpu.memory_space<vmem>>, vector<1x16xf32>,
        %get3A_327 = vector.shape_cast %get3A_326 : vector<1x16xf32> to vector<16xf32>
        %get3A_328 = arith.constant 3 : i32
        %get3A_329 = arith.index_cast %get3A_328 : i32 to index
        %get3A_330 = arith.index_cast %mul3A_322 : i32 to index
        %get3A_331 = tpu.vector_load %arg9[%get3A_329, %get3A_330] {strides = array<i32>} : memref<8x4096xf32, #tpu.memory_space<vmem>>, vector<1x16xf32>,
        %get3A_332 = vector.shape_cast %get3A_331 : vector<1x16xf32> to vector<16xf32>
        %add3A_333 = arith.addf %get3A_327, %get3A_332 : vector<16xf32>
        %swap3A_334 = arith.constant 3 : i32
        %swap3A_335 = arith.index_cast %swap3A_334 : i32 to index
        %swap3A_336 = arith.index_cast %mul3A_322 : i32 to index
        %swap3A_337 = tpu.vector_load %arg8[%swap3A_335, %swap3A_336] {strides = array<i32>} : memref<8x4096xf32, #tpu.memory_space<vmem>>, vector<1x16xf32>,
        %swap3A_338 = vector.shape_cast %swap3A_337 : vector<1x16xf32> to vector<16xf32>
        %swap3A_339 = vector.shape_cast %add3A_333 : vector<16xf32> to vector<1x16xf32>
        tpu.vector_store %arg8[%swap3A_335, %swap3A_336], %swap3A_339 {strides = array<i32>} : memref<8x4096xf32, #tpu.memory_space<vmem>>, vector<1x16xf32>,
        %mul3A_340 = arith.constant 8 : i32
        %mul3A_341 = arith.muli %scan3A_180, %mul3A_340 : i32
        %add3A_342 = arith.constant 7 : i32
        %add3A_343 = arith.addi %mul3A_341, %add3A_342 : i32
        %mul3A_344 = arith.constant 16 : i32
        %mul3A_345 = arith.muli %add3A_343, %mul3A_344 : i32
        %get3A_346 = arith.constant 3 : i32
        %get3A_347 = arith.index_cast %get3A_346 : i32 to index
        %get3A_348 = arith.index_cast %mul3A_345 : i32 to index
        %get3A_349 = tpu.vector_load %arg8[%get3A_347, %get3A_348] {strides = array<i32>} : memref<8x4096xf32, #tpu.memory_space<vmem>>, vector<1x16xf32>,
        %get3A_350 = vector.shape_cast %get3A_349 : vector<1x16xf32> to vector<16xf32>
        %get3A_351 = arith.constant 3 : i32
        %get3A_352 = arith.index_cast %get3A_351 : i32 to index
        %get3A_353 = arith.index_cast %mul3A_345 : i32 to index
        %get3A_354 = tpu.vector_load %arg9[%get3A_352, %get3A_353] {strides = array<i32>} : memref<8x4096xf32, #tpu.memory_space<vmem>>, vector<1x16xf32>,
        %get3A_355 = vector.shape_cast %get3A_354 : vector<1x16xf32> to vector<16xf32>
        %add3A_356 = arith.addf %get3A_350, %get3A_355 : vector<16xf32>
        %swap3A_357 = arith.constant 3 : i32
        %swap3A_358 = arith.index_cast %swap3A_357 : i32 to index
        %swap3A_359 = arith.index_cast %mul3A_345 : i32 to index
        %swap3A_360 = tpu.vector_load %arg8[%swap3A_358, %swap3A_359] {strides = array<i32>} : memref<8x4096xf32, #tpu.memory_space<vmem>>, vector<1x16xf32>,
        %swap3A_361 = vector.shape_cast %swap3A_360 : vector<1x16xf32> to vector<16xf32>
        %swap3A_362 = vector.shape_cast %add3A_356 : vector<16xf32> to vector<1x16xf32>
        tpu.vector_store %arg8[%swap3A_358, %swap3A_359], %swap3A_362 {strides = array<i32>} : memref<8x4096xf32, #tpu.memory_space<vmem>>, vector<1x16xf32>,
      }
      %scan3A_151 = arith.constant 32 : i32
      %scan3A_152 = arith.constant 0 : i32
      %scan3A_153 = arith.constant 0 : i32
      %scan3A_154 = arith.constant 32 : i32
      %scan3A_155 = arith.addi %scan3A_153, %scan3A_154 : i32
      %scan3A_156 = arith.constant 1 : i32
      scf.for %scan3A_180 = %scan3A_153 to %scan3A_155 step %scan3A_156  : i32 {
        %mul3A_181 = arith.constant 8 : i32
        %mul3A_182 = arith.muli %scan3A_180, %mul3A_181 : i32
        %add3A_183 = arith.constant 0 : i32
        %add3A_184 = arith.addi %mul3A_182, %add3A_183 : i32
        %mul3A_185 = arith.constant 16 : i32
        %mul3A_186 = arith.muli %add3A_184, %mul3A_185 : i32
        %get3A = arith.constant 4 : i32
        %get3A_187 = arith.index_cast %get3A : i32 to index
        %get3A_188 = arith.index_cast %mul3A_186 : i32 to index
        %get3A_189 = tpu.vector_load %arg8[%get3A_187, %get3A_188] {strides = array<i32>} : memref<8x4096xf32, #tpu.memory_space<vmem>>, vector<1x16xf32>,
        %get3A_190 = vector.shape_cast %get3A_189 : vector<1x16xf32> to vector<16xf32>
        %get3A_191 = arith.constant 4 : i32
        %get3A_192 = arith.index_cast %get3A_191 : i32 to index
        %get3A_193 = arith.index_cast %mul3A_186 : i32 to index
        %get3A_194 = tpu.vector_load %arg9[%get3A_192, %get3A_193] {strides = array<i32>} : memref<8x4096xf32, #tpu.memory_space<vmem>>, vector<1x16xf32>,
        %get3A_195 = vector.shape_cast %get3A_194 : vector<1x16xf32> to vector<16xf32>
        %add3A_196 = arith.addf %get3A_190, %get3A_195 : vector<16xf32>
        %swap3A = arith.constant 4 : i32
        %swap3A_197 = arith.index_cast %swap3A : i32 to index
        %swap3A_198 = arith.index_cast %mul3A_186 : i32 to index
        %swap3A_199 = tpu.vector_load %arg8[%swap3A_197, %swap3A_198] {strides = array<i32>} : memref<8x4096xf32, #tpu.memory_space<vmem>>, vector<1x16xf32>,
        %swap3A_200 = vector.shape_cast %swap3A_199 : vector<1x16xf32> to vector<16xf32>
        %swap3A_201 = vector.shape_cast %add3A_196 : vector<16xf32> to vector<1x16xf32>
        tpu.vector_store %arg8[%swap3A_197, %swap3A_198], %swap3A_201 {strides = array<i32>} : memref<8x4096xf32, #tpu.memory_space<vmem>>, vector<1x16xf32>,
        %mul3A_202 = arith.constant 8 : i32
        %mul3A_203 = arith.muli %scan3A_180, %mul3A_202 : i32
        %add3A_204 = arith.constant 1 : i32
        %add3A_205 = arith.addi %mul3A_203, %add3A_204 : i32
        %mul3A_206 = arith.constant 16 : i32
        %mul3A_207 = arith.muli %add3A_205, %mul3A_206 : i32
        %get3A_208 = arith.constant 4 : i32
        %get3A_209 = arith.index_cast %get3A_208 : i32 to index
        %get3A_210 = arith.index_cast %mul3A_207 : i32 to index
        %get3A_211 = tpu.vector_load %arg8[%get3A_209, %get3A_210] {strides = array<i32>} : memref<8x4096xf32, #tpu.memory_space<vmem>>, vector<1x16xf32>,
        %get3A_212 = vector.shape_cast %get3A_211 : vector<1x16xf32> to vector<16xf32>
        %get3A_213 = arith.constant 4 : i32
        %get3A_214 = arith.index_cast %get3A_213 : i32 to index
        %get3A_215 = arith.index_cast %mul3A_207 : i32 to index
        %get3A_216 = tpu.vector_load %arg9[%get3A_214, %get3A_215] {strides = array<i32>} : memref<8x4096xf32, #tpu.memory_space<vmem>>, vector<1x16xf32>,
        %get3A_217 = vector.shape_cast %get3A_216 : vector<1x16xf32> to vector<16xf32>
        %add3A_218 = arith.addf %get3A_212, %get3A_217 : vector<16xf32>
        %swap3A_219 = arith.constant 4 : i32
        %swap3A_220 = arith.index_cast %swap3A_219 : i32 to index
        %swap3A_221 = arith.index_cast %mul3A_207 : i32 to index
        %swap3A_222 = tpu.vector_load %arg8[%swap3A_220, %swap3A_221] {strides = array<i32>} : memref<8x4096xf32, #tpu.memory_space<vmem>>, vector<1x16xf32>,
        %swap3A_223 = vector.shape_cast %swap3A_222 : vector<1x16xf32> to vector<16xf32>
        %swap3A_224 = vector.shape_cast %add3A_218 : vector<16xf32> to vector<1x16xf32>
        tpu.vector_store %arg8[%swap3A_220, %swap3A_221], %swap3A_224 {strides = array<i32>} : memref<8x4096xf32, #tpu.memory_space<vmem>>, vector<1x16xf32>,
        %mul3A_225 = arith.constant 8 : i32
        %mul3A_226 = arith.muli %scan3A_180, %mul3A_225 : i32
        %add3A_227 = arith.constant 2 : i32
        %add3A_228 = arith.addi %mul3A_226, %add3A_227 : i32
        %mul3A_229 = arith.constant 16 : i32
        %mul3A_230 = arith.muli %add3A_228, %mul3A_229 : i32
        %get3A_231 = arith.constant 4 : i32
        %get3A_232 = arith.index_cast %get3A_231 : i32 to index
        %get3A_233 = arith.index_cast %mul3A_230 : i32 to index
        %get3A_234 = tpu.vector_load %arg8[%get3A_232, %get3A_233] {strides = array<i32>} : memref<8x4096xf32, #tpu.memory_space<vmem>>, vector<1x16xf32>,
        %get3A_235 = vector.shape_cast %get3A_234 : vector<1x16xf32> to vector<16xf32>
        %get3A_236 = arith.constant 4 : i32
        %get3A_237 = arith.index_cast %get3A_236 : i32 to index
        %get3A_238 = arith.index_cast %mul3A_230 : i32 to index
        %get3A_239 = tpu.vector_load %arg9[%get3A_237, %get3A_238] {strides = array<i32>} : memref<8x4096xf32, #tpu.memory_space<vmem>>, vector<1x16xf32>,
        %get3A_240 = vector.shape_cast %get3A_239 : vector<1x16xf32> to vector<16xf32>
        %add3A_241 = arith.addf %get3A_235, %get3A_240 : vector<16xf32>
        %swap3A_242 = arith.constant 4 : i32
        %swap3A_243 = arith.index_cast %swap3A_242 : i32 to index
        %swap3A_244 = arith.index_cast %mul3A_230 : i32 to index
        %swap3A_245 = tpu.vector_load %arg8[%swap3A_243, %swap3A_244] {strides = array<i32>} : memref<8x4096xf32, #tpu.memory_space<vmem>>, vector<1x16xf32>,
        %swap3A_246 = vector.shape_cast %swap3A_245 : vector<1x16xf32> to vector<16xf32>
        %swap3A_247 = vector.shape_cast %add3A_241 : vector<16xf32> to vector<1x16xf32>
        tpu.vector_store %arg8[%swap3A_243, %swap3A_244], %swap3A_247 {strides = array<i32>} : memref<8x4096xf32, #tpu.memory_space<vmem>>, vector<1x16xf32>,
        %mul3A_248 = arith.constant 8 : i32
        %mul3A_249 = arith.muli %scan3A_180, %mul3A_248 : i32
        %add3A_250 = arith.constant 3 : i32
        %add3A_251 = arith.addi %mul3A_249, %add3A_250 : i32
        %mul3A_252 = arith.constant 16 : i32
        %mul3A_253 = arith.muli %add3A_251, %mul3A_252 : i32
        %get3A_254 = arith.constant 4 : i32
        %get3A_255 = arith.index_cast %get3A_254 : i32 to index
        %get3A_256 = arith.index_cast %mul3A_253 : i32 to index
        %get3A_257 = tpu.vector_load %arg8[%get3A_255, %get3A_256] {strides = array<i32>} : memref<8x4096xf32, #tpu.memory_space<vmem>>, vector<1x16xf32>,
        %get3A_258 = vector.shape_cast %get3A_257 : vector<1x16xf32> to vector<16xf32>
        %get3A_259 = arith.constant 4 : i32
        %get3A_260 = arith.index_cast %get3A_259 : i32 to index
        %get3A_261 = arith.index_cast %mul3A_253 : i32 to index
        %get3A_262 = tpu.vector_load %arg9[%get3A_260, %get3A_261] {strides = array<i32>} : memref<8x4096xf32, #tpu.memory_space<vmem>>, vector<1x16xf32>,
        %get3A_263 = vector.shape_cast %get3A_262 : vector<1x16xf32> to vector<16xf32>
        %add3A_264 = arith.addf %get3A_258, %get3A_263 : vector<16xf32>
        %swap3A_265 = arith.constant 4 : i32
        %swap3A_266 = arith.index_cast %swap3A_265 : i32 to index
        %swap3A_267 = arith.index_cast %mul3A_253 : i32 to index
        %swap3A_268 = tpu.vector_load %arg8[%swap3A_266, %swap3A_267] {strides = array<i32>} : memref<8x4096xf32, #tpu.memory_space<vmem>>, vector<1x16xf32>,
        %swap3A_269 = vector.shape_cast %swap3A_268 : vector<1x16xf32> to vector<16xf32>
        %swap3A_270 = vector.shape_cast %add3A_264 : vector<16xf32> to vector<1x16xf32>
        tpu.vector_store %arg8[%swap3A_266, %swap3A_267], %swap3A_270 {strides = array<i32>} : memref<8x4096xf32, #tpu.memory_space<vmem>>, vector<1x16xf32>,
        %mul3A_271 = arith.constant 8 : i32
        %mul3A_272 = arith.muli %scan3A_180, %mul3A_271 : i32
        %add3A_273 = arith.constant 4 : i32
        %add3A_274 = arith.addi %mul3A_272, %add3A_273 : i32
        %mul3A_275 = arith.constant 16 : i32
        %mul3A_276 = arith.muli %add3A_274, %mul3A_275 : i32
        %get3A_277 = arith.constant 4 : i32
        %get3A_278 = arith.index_cast %get3A_277 : i32 to index
        %get3A_279 = arith.index_cast %mul3A_276 : i32 to index
        %get3A_280 = tpu.vector_load %arg8[%get3A_278, %get3A_279] {strides = array<i32>} : memref<8x4096xf32, #tpu.memory_space<vmem>>, vector<1x16xf32>,
        %get3A_281 = vector.shape_cast %get3A_280 : vector<1x16xf32> to vector<16xf32>
        %get3A_282 = arith.constant 4 : i32
        %get3A_283 = arith.index_cast %get3A_282 : i32 to index
        %get3A_284 = arith.index_cast %mul3A_276 : i32 to index
        %get3A_285 = tpu.vector_load %arg9[%get3A_283, %get3A_284] {strides = array<i32>} : memref<8x4096xf32, #tpu.memory_space<vmem>>, vector<1x16xf32>,
        %get3A_286 = vector.shape_cast %get3A_285 : vector<1x16xf32> to vector<16xf32>
        %add3A_287 = arith.addf %get3A_281, %get3A_286 : vector<16xf32>
        %swap3A_288 = arith.constant 4 : i32
        %swap3A_289 = arith.index_cast %swap3A_288 : i32 to index
        %swap3A_290 = arith.index_cast %mul3A_276 : i32 to index
        %swap3A_291 = tpu.vector_load %arg8[%swap3A_289, %swap3A_290] {strides = array<i32>} : memref<8x4096xf32, #tpu.memory_space<vmem>>, vector<1x16xf32>,
        %swap3A_292 = vector.shape_cast %swap3A_291 : vector<1x16xf32> to vector<16xf32>
        %swap3A_293 = vector.shape_cast %add3A_287 : vector<16xf32> to vector<1x16xf32>
        tpu.vector_store %arg8[%swap3A_289, %swap3A_290], %swap3A_293 {strides = array<i32>} : memref<8x4096xf32, #tpu.memory_space<vmem>>, vector<1x16xf32>,
        %mul3A_294 = arith.constant 8 : i32
        %mul3A_295 = arith.muli %scan3A_180, %mul3A_294 : i32
        %add3A_296 = arith.constant 5 : i32
        %add3A_297 = arith.addi %mul3A_295, %add3A_296 : i32
        %mul3A_298 = arith.constant 16 : i32
        %mul3A_299 = arith.muli %add3A_297, %mul3A_298 : i32
        %get3A_300 = arith.constant 4 : i32
        %get3A_301 = arith.index_cast %get3A_300 : i32 to index
        %get3A_302 = arith.index_cast %mul3A_299 : i32 to index
        %get3A_303 = tpu.vector_load %arg8[%get3A_301, %get3A_302] {strides = array<i32>} : memref<8x4096xf32, #tpu.memory_space<vmem>>, vector<1x16xf32>,
        %get3A_304 = vector.shape_cast %get3A_303 : vector<1x16xf32> to vector<16xf32>
        %get3A_305 = arith.constant 4 : i32
        %get3A_306 = arith.index_cast %get3A_305 : i32 to index
        %get3A_307 = arith.index_cast %mul3A_299 : i32 to index
        %get3A_308 = tpu.vector_load %arg9[%get3A_306, %get3A_307] {strides = array<i32>} : memref<8x4096xf32, #tpu.memory_space<vmem>>, vector<1x16xf32>,
        %get3A_309 = vector.shape_cast %get3A_308 : vector<1x16xf32> to vector<16xf32>
        %add3A_310 = arith.addf %get3A_304, %get3A_309 : vector<16xf32>
        %swap3A_311 = arith.constant 4 : i32
        %swap3A_312 = arith.index_cast %swap3A_311 : i32 to index
        %swap3A_313 = arith.index_cast %mul3A_299 : i32 to index
        %swap3A_314 = tpu.vector_load %arg8[%swap3A_312, %swap3A_313] {strides = array<i32>} : memref<8x4096xf32, #tpu.memory_space<vmem>>, vector<1x16xf32>,
        %swap3A_315 = vector.shape_cast %swap3A_314 : vector<1x16xf32> to vector<16xf32>
        %swap3A_316 = vector.shape_cast %add3A_310 : vector<16xf32> to vector<1x16xf32>
        tpu.vector_store %arg8[%swap3A_312, %swap3A_313], %swap3A_316 {strides = array<i32>} : memref<8x4096xf32, #tpu.memory_space<vmem>>, vector<1x16xf32>,
        %mul3A_317 = arith.constant 8 : i32
        %mul3A_318 = arith.muli %scan3A_180, %mul3A_317 : i32
        %add3A_319 = arith.constant 6 : i32
        %add3A_320 = arith.addi %mul3A_318, %add3A_319 : i32
        %mul3A_321 = arith.constant 16 : i32
        %mul3A_322 = arith.muli %add3A_320, %mul3A_321 : i32
        %get3A_323 = arith.constant 4 : i32
        %get3A_324 = arith.index_cast %get3A_323 : i32 to index
        %get3A_325 = arith.index_cast %mul3A_322 : i32 to index
        %get3A_326 = tpu.vector_load %arg8[%get3A_324, %get3A_325] {strides = array<i32>} : memref<8x4096xf32, #tpu.memory_space<vmem>>, vector<1x16xf32>,
        %get3A_327 = vector.shape_cast %get3A_326 : vector<1x16xf32> to vector<16xf32>
        %get3A_328 = arith.constant 4 : i32
        %get3A_329 = arith.index_cast %get3A_328 : i32 to index
        %get3A_330 = arith.index_cast %mul3A_322 : i32 to index
        %get3A_331 = tpu.vector_load %arg9[%get3A_329, %get3A_330] {strides = array<i32>} : memref<8x4096xf32, #tpu.memory_space<vmem>>, vector<1x16xf32>,
        %get3A_332 = vector.shape_cast %get3A_331 : vector<1x16xf32> to vector<16xf32>
        %add3A_333 = arith.addf %get3A_327, %get3A_332 : vector<16xf32>
        %swap3A_334 = arith.constant 4 : i32
        %swap3A_335 = arith.index_cast %swap3A_334 : i32 to index
        %swap3A_336 = arith.index_cast %mul3A_322 : i32 to index
        %swap3A_337 = tpu.vector_load %arg8[%swap3A_335, %swap3A_336] {strides = array<i32>} : memref<8x4096xf32, #tpu.memory_space<vmem>>, vector<1x16xf32>,
        %swap3A_338 = vector.shape_cast %swap3A_337 : vector<1x16xf32> to vector<16xf32>
        %swap3A_339 = vector.shape_cast %add3A_333 : vector<16xf32> to vector<1x16xf32>
        tpu.vector_store %arg8[%swap3A_335, %swap3A_336], %swap3A_339 {strides = array<i32>} : memref<8x4096xf32, #tpu.memory_space<vmem>>, vector<1x16xf32>,
        %mul3A_340 = arith.constant 8 : i32
        %mul3A_341 = arith.muli %scan3A_180, %mul3A_340 : i32
        %add3A_342 = arith.constant 7 : i32
        %add3A_343 = arith.addi %mul3A_341, %add3A_342 : i32
        %mul3A_344 = arith.constant 16 : i32
        %mul3A_345 = arith.muli %add3A_343, %mul3A_344 : i32
        %get3A_346 = arith.constant 4 : i32
        %get3A_347 = arith.index_cast %get3A_346 : i32 to index
        %get3A_348 = arith.index_cast %mul3A_345 : i32 to index
        %get3A_349 = tpu.vector_load %arg8[%get3A_347, %get3A_348] {strides = array<i32>} : memref<8x4096xf32, #tpu.memory_space<vmem>>, vector<1x16xf32>,
        %get3A_350 = vector.shape_cast %get3A_349 : vector<1x16xf32> to vector<16xf32>
        %get3A_351 = arith.constant 4 : i32
        %get3A_352 = arith.index_cast %get3A_351 : i32 to index
        %get3A_353 = arith.index_cast %mul3A_345 : i32 to index
        %get3A_354 = tpu.vector_load %arg9[%get3A_352, %get3A_353] {strides = array<i32>} : memref<8x4096xf32, #tpu.memory_space<vmem>>, vector<1x16xf32>,
        %get3A_355 = vector.shape_cast %get3A_354 : vector<1x16xf32> to vector<16xf32>
        %add3A_356 = arith.addf %get3A_350, %get3A_355 : vector<16xf32>
        %swap3A_357 = arith.constant 4 : i32
        %swap3A_358 = arith.index_cast %swap3A_357 : i32 to index
        %swap3A_359 = arith.index_cast %mul3A_345 : i32 to index
        %swap3A_360 = tpu.vector_load %arg8[%swap3A_358, %swap3A_359] {strides = array<i32>} : memref<8x4096xf32, #tpu.memory_space<vmem>>, vector<1x16xf32>,
        %swap3A_361 = vector.shape_cast %swap3A_360 : vector<1x16xf32> to vector<16xf32>
        %swap3A_362 = vector.shape_cast %add3A_356 : vector<16xf32> to vector<1x16xf32>
        tpu.vector_store %arg8[%swap3A_358, %swap3A_359], %swap3A_362 {strides = array<i32>} : memref<8x4096xf32, #tpu.memory_space<vmem>>, vector<1x16xf32>,
      }
      %scan3A_157 = arith.constant 32 : i32
      %scan3A_158 = arith.constant 0 : i32
      %scan3A_159 = arith.constant 0 : i32
      %scan3A_160 = arith.constant 32 : i32
      %scan3A_161 = arith.addi %scan3A_159, %scan3A_160 : i32
      %scan3A_162 = arith.constant 1 : i32
      scf.for %scan3A_180 = %scan3A_159 to %scan3A_161 step %scan3A_162  : i32 {
        %mul3A_181 = arith.constant 8 : i32
        %mul3A_182 = arith.muli %scan3A_180, %mul3A_181 : i32
        %add3A_183 = arith.constant 0 : i32
        %add3A_184 = arith.addi %mul3A_182, %add3A_183 : i32
        %mul3A_185 = arith.constant 16 : i32
        %mul3A_186 = arith.muli %add3A_184, %mul3A_185 : i32
        %get3A = arith.constant 5 : i32
        %get3A_187 = arith.index_cast %get3A : i32 to index
        %get3A_188 = arith.index_cast %mul3A_186 : i32 to index
        %get3A_189 = tpu.vector_load %arg8[%get3A_187, %get3A_188] {strides = array<i32>} : memref<8x4096xf32, #tpu.memory_space<vmem>>, vector<1x16xf32>,
        %get3A_190 = vector.shape_cast %get3A_189 : vector<1x16xf32> to vector<16xf32>
        %get3A_191 = arith.constant 5 : i32
        %get3A_192 = arith.index_cast %get3A_191 : i32 to index
        %get3A_193 = arith.index_cast %mul3A_186 : i32 to index
        %get3A_194 = tpu.vector_load %arg9[%get3A_192, %get3A_193] {strides = array<i32>} : memref<8x4096xf32, #tpu.memory_space<vmem>>, vector<1x16xf32>,
        %get3A_195 = vector.shape_cast %get3A_194 : vector<1x16xf32> to vector<16xf32>
        %add3A_196 = arith.addf %get3A_190, %get3A_195 : vector<16xf32>
        %swap3A = arith.constant 5 : i32
        %swap3A_197 = arith.index_cast %swap3A : i32 to index
        %swap3A_198 = arith.index_cast %mul3A_186 : i32 to index
        %swap3A_199 = tpu.vector_load %arg8[%swap3A_197, %swap3A_198] {strides = array<i32>} : memref<8x4096xf32, #tpu.memory_space<vmem>>, vector<1x16xf32>,
        %swap3A_200 = vector.shape_cast %swap3A_199 : vector<1x16xf32> to vector<16xf32>
        %swap3A_201 = vector.shape_cast %add3A_196 : vector<16xf32> to vector<1x16xf32>
        tpu.vector_store %arg8[%swap3A_197, %swap3A_198], %swap3A_201 {strides = array<i32>} : memref<8x4096xf32, #tpu.memory_space<vmem>>, vector<1x16xf32>,
        %mul3A_202 = arith.constant 8 : i32
        %mul3A_203 = arith.muli %scan3A_180, %mul3A_202 : i32
        %add3A_204 = arith.constant 1 : i32
        %add3A_205 = arith.addi %mul3A_203, %add3A_204 : i32
        %mul3A_206 = arith.constant 16 : i32
        %mul3A_207 = arith.muli %add3A_205, %mul3A_206 : i32
        %get3A_208 = arith.constant 5 : i32
        %get3A_209 = arith.index_cast %get3A_208 : i32 to index
        %get3A_210 = arith.index_cast %mul3A_207 : i32 to index
        %get3A_211 = tpu.vector_load %arg8[%get3A_209, %get3A_210] {strides = array<i32>} : memref<8x4096xf32, #tpu.memory_space<vmem>>, vector<1x16xf32>,
        %get3A_212 = vector.shape_cast %get3A_211 : vector<1x16xf32> to vector<16xf32>
        %get3A_213 = arith.constant 5 : i32
        %get3A_214 = arith.index_cast %get3A_213 : i32 to index
        %get3A_215 = arith.index_cast %mul3A_207 : i32 to index
        %get3A_216 = tpu.vector_load %arg9[%get3A_214, %get3A_215] {strides = array<i32>} : memref<8x4096xf32, #tpu.memory_space<vmem>>, vector<1x16xf32>,
        %get3A_217 = vector.shape_cast %get3A_216 : vector<1x16xf32> to vector<16xf32>
        %add3A_218 = arith.addf %get3A_212, %get3A_217 : vector<16xf32>
        %swap3A_219 = arith.constant 5 : i32
        %swap3A_220 = arith.index_cast %swap3A_219 : i32 to index
        %swap3A_221 = arith.index_cast %mul3A_207 : i32 to index
        %swap3A_222 = tpu.vector_load %arg8[%swap3A_220, %swap3A_221] {strides = array<i32>} : memref<8x4096xf32, #tpu.memory_space<vmem>>, vector<1x16xf32>,
        %swap3A_223 = vector.shape_cast %swap3A_222 : vector<1x16xf32> to vector<16xf32>
        %swap3A_224 = vector.shape_cast %add3A_218 : vector<16xf32> to vector<1x16xf32>
        tpu.vector_store %arg8[%swap3A_220, %swap3A_221], %swap3A_224 {strides = array<i32>} : memref<8x4096xf32, #tpu.memory_space<vmem>>, vector<1x16xf32>,
        %mul3A_225 = arith.constant 8 : i32
        %mul3A_226 = arith.muli %scan3A_180, %mul3A_225 : i32
        %add3A_227 = arith.constant 2 : i32
        %add3A_228 = arith.addi %mul3A_226, %add3A_227 : i32
        %mul3A_229 = arith.constant 16 : i32
        %mul3A_230 = arith.muli %add3A_228, %mul3A_229 : i32
        %get3A_231 = arith.constant 5 : i32
        %get3A_232 = arith.index_cast %get3A_231 : i32 to index
        %get3A_233 = arith.index_cast %mul3A_230 : i32 to index
        %get3A_234 = tpu.vector_load %arg8[%get3A_232, %get3A_233] {strides = array<i32>} : memref<8x4096xf32, #tpu.memory_space<vmem>>, vector<1x16xf32>,
        %get3A_235 = vector.shape_cast %get3A_234 : vector<1x16xf32> to vector<16xf32>
        %get3A_236 = arith.constant 5 : i32
        %get3A_237 = arith.index_cast %get3A_236 : i32 to index
        %get3A_238 = arith.index_cast %mul3A_230 : i32 to index
        %get3A_239 = tpu.vector_load %arg9[%get3A_237, %get3A_238] {strides = array<i32>} : memref<8x4096xf32, #tpu.memory_space<vmem>>, vector<1x16xf32>,
        %get3A_240 = vector.shape_cast %get3A_239 : vector<1x16xf32> to vector<16xf32>
        %add3A_241 = arith.addf %get3A_235, %get3A_240 : vector<16xf32>
        %swap3A_242 = arith.constant 5 : i32
        %swap3A_243 = arith.index_cast %swap3A_242 : i32 to index
        %swap3A_244 = arith.index_cast %mul3A_230 : i32 to index
        %swap3A_245 = tpu.vector_load %arg8[%swap3A_243, %swap3A_244] {strides = array<i32>} : memref<8x4096xf32, #tpu.memory_space<vmem>>, vector<1x16xf32>,
        %swap3A_246 = vector.shape_cast %swap3A_245 : vector<1x16xf32> to vector<16xf32>
        %swap3A_247 = vector.shape_cast %add3A_241 : vector<16xf32> to vector<1x16xf32>
        tpu.vector_store %arg8[%swap3A_243, %swap3A_244], %swap3A_247 {strides = array<i32>} : memref<8x4096xf32, #tpu.memory_space<vmem>>, vector<1x16xf32>,
        %mul3A_248 = arith.constant 8 : i32
        %mul3A_249 = arith.muli %scan3A_180, %mul3A_248 : i32
        %add3A_250 = arith.constant 3 : i32
        %add3A_251 = arith.addi %mul3A_249, %add3A_250 : i32
        %mul3A_252 = arith.constant 16 : i32
        %mul3A_253 = arith.muli %add3A_251, %mul3A_252 : i32
        %get3A_254 = arith.constant 5 : i32
        %get3A_255 = arith.index_cast %get3A_254 : i32 to index
        %get3A_256 = arith.index_cast %mul3A_253 : i32 to index
        %get3A_257 = tpu.vector_load %arg8[%get3A_255, %get3A_256] {strides = array<i32>} : memref<8x4096xf32, #tpu.memory_space<vmem>>, vector<1x16xf32>,
        %get3A_258 = vector.shape_cast %get3A_257 : vector<1x16xf32> to vector<16xf32>
        %get3A_259 = arith.constant 5 : i32
        %get3A_260 = arith.index_cast %get3A_259 : i32 to index
        %get3A_261 = arith.index_cast %mul3A_253 : i32 to index
        %get3A_262 = tpu.vector_load %arg9[%get3A_260, %get3A_261] {strides = array<i32>} : memref<8x4096xf32, #tpu.memory_space<vmem>>, vector<1x16xf32>,
        %get3A_263 = vector.shape_cast %get3A_262 : vector<1x16xf32> to vector<16xf32>
        %add3A_264 = arith.addf %get3A_258, %get3A_263 : vector<16xf32>
        %swap3A_265 = arith.constant 5 : i32
        %swap3A_266 = arith.index_cast %swap3A_265 : i32 to index
        %swap3A_267 = arith.index_cast %mul3A_253 : i32 to index
        %swap3A_268 = tpu.vector_load %arg8[%swap3A_266, %swap3A_267] {strides = array<i32>} : memref<8x4096xf32, #tpu.memory_space<vmem>>, vector<1x16xf32>,
        %swap3A_269 = vector.shape_cast %swap3A_268 : vector<1x16xf32> to vector<16xf32>
        %swap3A_270 = vector.shape_cast %add3A_264 : vector<16xf32> to vector<1x16xf32>
        tpu.vector_store %arg8[%swap3A_266, %swap3A_267], %swap3A_270 {strides = array<i32>} : memref<8x4096xf32, #tpu.memory_space<vmem>>, vector<1x16xf32>,
        %mul3A_271 = arith.constant 8 : i32
        %mul3A_272 = arith.muli %scan3A_180, %mul3A_271 : i32
        %add3A_273 = arith.constant 4 : i32
        %add3A_274 = arith.addi %mul3A_272, %add3A_273 : i32
        %mul3A_275 = arith.constant 16 : i32
        %mul3A_276 = arith.muli %add3A_274, %mul3A_275 : i32
        %get3A_277 = arith.constant 5 : i32
        %get3A_278 = arith.index_cast %get3A_277 : i32 to index
        %get3A_279 = arith.index_cast %mul3A_276 : i32 to index
        %get3A_280 = tpu.vector_load %arg8[%get3A_278, %get3A_279] {strides = array<i32>} : memref<8x4096xf32, #tpu.memory_space<vmem>>, vector<1x16xf32>,
        %get3A_281 = vector.shape_cast %get3A_280 : vector<1x16xf32> to vector<16xf32>
        %get3A_282 = arith.constant 5 : i32
        %get3A_283 = arith.index_cast %get3A_282 : i32 to index
        %get3A_284 = arith.index_cast %mul3A_276 : i32 to index
        %get3A_285 = tpu.vector_load %arg9[%get3A_283, %get3A_284] {strides = array<i32>} : memref<8x4096xf32, #tpu.memory_space<vmem>>, vector<1x16xf32>,
        %get3A_286 = vector.shape_cast %get3A_285 : vector<1x16xf32> to vector<16xf32>
        %add3A_287 = arith.addf %get3A_281, %get3A_286 : vector<16xf32>
        %swap3A_288 = arith.constant 5 : i32
        %swap3A_289 = arith.index_cast %swap3A_288 : i32 to index
        %swap3A_290 = arith.index_cast %mul3A_276 : i32 to index
        %swap3A_291 = tpu.vector_load %arg8[%swap3A_289, %swap3A_290] {strides = array<i32>} : memref<8x4096xf32, #tpu.memory_space<vmem>>, vector<1x16xf32>,
        %swap3A_292 = vector.shape_cast %swap3A_291 : vector<1x16xf32> to vector<16xf32>
        %swap3A_293 = vector.shape_cast %add3A_287 : vector<16xf32> to vector<1x16xf32>
        tpu.vector_store %arg8[%swap3A_289, %swap3A_290], %swap3A_293 {strides = array<i32>} : memref<8x4096xf32, #tpu.memory_space<vmem>>, vector<1x16xf32>,
        %mul3A_294 = arith.constant 8 : i32
        %mul3A_295 = arith.muli %scan3A_180, %mul3A_294 : i32
        %add3A_296 = arith.constant 5 : i32
        %add3A_297 = arith.addi %mul3A_295, %add3A_296 : i32
        %mul3A_298 = arith.constant 16 : i32
        %mul3A_299 = arith.muli %add3A_297, %mul3A_298 : i32
        %get3A_300 = arith.constant 5 : i32
        %get3A_301 = arith.index_cast %get3A_300 : i32 to index
        %get3A_302 = arith.index_cast %mul3A_299 : i32 to index
        %get3A_303 = tpu.vector_load %arg8[%get3A_301, %get3A_302] {strides = array<i32>} : memref<8x4096xf32, #tpu.memory_space<vmem>>, vector<1x16xf32>,
        %get3A_304 = vector.shape_cast %get3A_303 : vector<1x16xf32> to vector<16xf32>
        %get3A_305 = arith.constant 5 : i32
        %get3A_306 = arith.index_cast %get3A_305 : i32 to index
        %get3A_307 = arith.index_cast %mul3A_299 : i32 to index
        %get3A_308 = tpu.vector_load %arg9[%get3A_306, %get3A_307] {strides = array<i32>} : memref<8x4096xf32, #tpu.memory_space<vmem>>, vector<1x16xf32>,
        %get3A_309 = vector.shape_cast %get3A_308 : vector<1x16xf32> to vector<16xf32>
        %add3A_310 = arith.addf %get3A_304, %get3A_309 : vector<16xf32>
        %swap3A_311 = arith.constant 5 : i32
        %swap3A_312 = arith.index_cast %swap3A_311 : i32 to index
        %swap3A_313 = arith.index_cast %mul3A_299 : i32 to index
        %swap3A_314 = tpu.vector_load %arg8[%swap3A_312, %swap3A_313] {strides = array<i32>} : memref<8x4096xf32, #tpu.memory_space<vmem>>, vector<1x16xf32>,
        %swap3A_315 = vector.shape_cast %swap3A_314 : vector<1x16xf32> to vector<16xf32>
        %swap3A_316 = vector.shape_cast %add3A_310 : vector<16xf32> to vector<1x16xf32>
        tpu.vector_store %arg8[%swap3A_312, %swap3A_313], %swap3A_316 {strides = array<i32>} : memref<8x4096xf32, #tpu.memory_space<vmem>>, vector<1x16xf32>,
        %mul3A_317 = arith.constant 8 : i32
        %mul3A_318 = arith.muli %scan3A_180, %mul3A_317 : i32
        %add3A_319 = arith.constant 6 : i32
        %add3A_320 = arith.addi %mul3A_318, %add3A_319 : i32
        %mul3A_321 = arith.constant 16 : i32
        %mul3A_322 = arith.muli %add3A_320, %mul3A_321 : i32
        %get3A_323 = arith.constant 5 : i32
        %get3A_324 = arith.index_cast %get3A_323 : i32 to index
        %get3A_325 = arith.index_cast %mul3A_322 : i32 to index
        %get3A_326 = tpu.vector_load %arg8[%get3A_324, %get3A_325] {strides = array<i32>} : memref<8x4096xf32, #tpu.memory_space<vmem>>, vector<1x16xf32>,
        %get3A_327 = vector.shape_cast %get3A_326 : vector<1x16xf32> to vector<16xf32>
        %get3A_328 = arith.constant 5 : i32
        %get3A_329 = arith.index_cast %get3A_328 : i32 to index
        %get3A_330 = arith.index_cast %mul3A_322 : i32 to index
        %get3A_331 = tpu.vector_load %arg9[%get3A_329, %get3A_330] {strides = array<i32>} : memref<8x4096xf32, #tpu.memory_space<vmem>>, vector<1x16xf32>,
        %get3A_332 = vector.shape_cast %get3A_331 : vector<1x16xf32> to vector<16xf32>
        %add3A_333 = arith.addf %get3A_327, %get3A_332 : vector<16xf32>
        %swap3A_334 = arith.constant 5 : i32
        %swap3A_335 = arith.index_cast %swap3A_334 : i32 to index
        %swap3A_336 = arith.index_cast %mul3A_322 : i32 to index
        %swap3A_337 = tpu.vector_load %arg8[%swap3A_335, %swap3A_336] {strides = array<i32>} : memref<8x4096xf32, #tpu.memory_space<vmem>>, vector<1x16xf32>,
        %swap3A_338 = vector.shape_cast %swap3A_337 : vector<1x16xf32> to vector<16xf32>
        %swap3A_339 = vector.shape_cast %add3A_333 : vector<16xf32> to vector<1x16xf32>
        tpu.vector_store %arg8[%swap3A_335, %swap3A_336], %swap3A_339 {strides = array<i32>} : memref<8x4096xf32, #tpu.memory_space<vmem>>, vector<1x16xf32>,
        %mul3A_340 = arith.constant 8 : i32
        %mul3A_341 = arith.muli %scan3A_180, %mul3A_340 : i32
        %add3A_342 = arith.constant 7 : i32
        %add3A_343 = arith.addi %mul3A_341, %add3A_342 : i32
        %mul3A_344 = arith.constant 16 : i32
        %mul3A_345 = arith.muli %add3A_343, %mul3A_344 : i32
        %get3A_346 = arith.constant 5 : i32
        %get3A_347 = arith.index_cast %get3A_346 : i32 to index
        %get3A_348 = arith.index_cast %mul3A_345 : i32 to index
        %get3A_349 = tpu.vector_load %arg8[%get3A_347, %get3A_348] {strides = array<i32>} : memref<8x4096xf32, #tpu.memory_space<vmem>>, vector<1x16xf32>,
        %get3A_350 = vector.shape_cast %get3A_349 : vector<1x16xf32> to vector<16xf32>
        %get3A_351 = arith.constant 5 : i32
        %get3A_352 = arith.index_cast %get3A_351 : i32 to index
        %get3A_353 = arith.index_cast %mul3A_345 : i32 to index
        %get3A_354 = tpu.vector_load %arg9[%get3A_352, %get3A_353] {strides = array<i32>} : memref<8x4096xf32, #tpu.memory_space<vmem>>, vector<1x16xf32>,
        %get3A_355 = vector.shape_cast %get3A_354 : vector<1x16xf32> to vector<16xf32>
        %add3A_356 = arith.addf %get3A_350, %get3A_355 : vector<16xf32>
        %swap3A_357 = arith.constant 5 : i32
        %swap3A_358 = arith.index_cast %swap3A_357 : i32 to index
        %swap3A_359 = arith.index_cast %mul3A_345 : i32 to index
        %swap3A_360 = tpu.vector_load %arg8[%swap3A_358, %swap3A_359] {strides = array<i32>} : memref<8x4096xf32, #tpu.memory_space<vmem>>, vector<1x16xf32>,
        %swap3A_361 = vector.shape_cast %swap3A_360 : vector<1x16xf32> to vector<16xf32>
        %swap3A_362 = vector.shape_cast %add3A_356 : vector<16xf32> to vector<1x16xf32>
        tpu.vector_store %arg8[%swap3A_358, %swap3A_359], %swap3A_362 {strides = array<i32>} : memref<8x4096xf32, #tpu.memory_space<vmem>>, vector<1x16xf32>,
      }
      %scan3A_163 = arith.constant 32 : i32
      %scan3A_164 = arith.constant 0 : i32
      %scan3A_165 = arith.constant 0 : i32
      %scan3A_166 = arith.constant 32 : i32
      %scan3A_167 = arith.addi %scan3A_165, %scan3A_166 : i32
      %scan3A_168 = arith.constant 1 : i32
      scf.for %scan3A_180 = %scan3A_165 to %scan3A_167 step %scan3A_168  : i32 {
        %mul3A_181 = arith.constant 8 : i32
        %mul3A_182 = arith.muli %scan3A_180, %mul3A_181 : i32
        %add3A_183 = arith.constant 0 : i32
        %add3A_184 = arith.addi %mul3A_182, %add3A_183 : i32
        %mul3A_185 = arith.constant 16 : i32
        %mul3A_186 = arith.muli %add3A_184, %mul3A_185 : i32
        %get3A = arith.constant 6 : i32
        %get3A_187 = arith.index_cast %get3A : i32 to index
        %get3A_188 = arith.index_cast %mul3A_186 : i32 to index
        %get3A_189 = tpu.vector_load %arg8[%get3A_187, %get3A_188] {strides = array<i32>} : memref<8x4096xf32, #tpu.memory_space<vmem>>, vector<1x16xf32>,
        %get3A_190 = vector.shape_cast %get3A_189 : vector<1x16xf32> to vector<16xf32>
        %get3A_191 = arith.constant 6 : i32
        %get3A_192 = arith.index_cast %get3A_191 : i32 to index
        %get3A_193 = arith.index_cast %mul3A_186 : i32 to index
        %get3A_194 = tpu.vector_load %arg9[%get3A_192, %get3A_193] {strides = array<i32>} : memref<8x4096xf32, #tpu.memory_space<vmem>>, vector<1x16xf32>,
        %get3A_195 = vector.shape_cast %get3A_194 : vector<1x16xf32> to vector<16xf32>
        %add3A_196 = arith.addf %get3A_190, %get3A_195 : vector<16xf32>
        %swap3A = arith.constant 6 : i32
        %swap3A_197 = arith.index_cast %swap3A : i32 to index
        %swap3A_198 = arith.index_cast %mul3A_186 : i32 to index
        %swap3A_199 = tpu.vector_load %arg8[%swap3A_197, %swap3A_198] {strides = array<i32>} : memref<8x4096xf32, #tpu.memory_space<vmem>>, vector<1x16xf32>,
        %swap3A_200 = vector.shape_cast %swap3A_199 : vector<1x16xf32> to vector<16xf32>
        %swap3A_201 = vector.shape_cast %add3A_196 : vector<16xf32> to vector<1x16xf32>
        tpu.vector_store %arg8[%swap3A_197, %swap3A_198], %swap3A_201 {strides = array<i32>} : memref<8x4096xf32, #tpu.memory_space<vmem>>, vector<1x16xf32>,
        %mul3A_202 = arith.constant 8 : i32
        %mul3A_203 = arith.muli %scan3A_180, %mul3A_202 : i32
        %add3A_204 = arith.constant 1 : i32
        %add3A_205 = arith.addi %mul3A_203, %add3A_204 : i32
        %mul3A_206 = arith.constant 16 : i32
        %mul3A_207 = arith.muli %add3A_205, %mul3A_206 : i32
        %get3A_208 = arith.constant 6 : i32
        %get3A_209 = arith.index_cast %get3A_208 : i32 to index
        %get3A_210 = arith.index_cast %mul3A_207 : i32 to index
        %get3A_211 = tpu.vector_load %arg8[%get3A_209, %get3A_210] {strides = array<i32>} : memref<8x4096xf32, #tpu.memory_space<vmem>>, vector<1x16xf32>,
        %get3A_212 = vector.shape_cast %get3A_211 : vector<1x16xf32> to vector<16xf32>
        %get3A_213 = arith.constant 6 : i32
        %get3A_214 = arith.index_cast %get3A_213 : i32 to index
        %get3A_215 = arith.index_cast %mul3A_207 : i32 to index
        %get3A_216 = tpu.vector_load %arg9[%get3A_214, %get3A_215] {strides = array<i32>} : memref<8x4096xf32, #tpu.memory_space<vmem>>, vector<1x16xf32>,
        %get3A_217 = vector.shape_cast %get3A_216 : vector<1x16xf32> to vector<16xf32>
        %add3A_218 = arith.addf %get3A_212, %get3A_217 : vector<16xf32>
        %swap3A_219 = arith.constant 6 : i32
        %swap3A_220 = arith.index_cast %swap3A_219 : i32 to index
        %swap3A_221 = arith.index_cast %mul3A_207 : i32 to index
        %swap3A_222 = tpu.vector_load %arg8[%swap3A_220, %swap3A_221] {strides = array<i32>} : memref<8x4096xf32, #tpu.memory_space<vmem>>, vector<1x16xf32>,
        %swap3A_223 = vector.shape_cast %swap3A_222 : vector<1x16xf32> to vector<16xf32>
        %swap3A_224 = vector.shape_cast %add3A_218 : vector<16xf32> to vector<1x16xf32>
        tpu.vector_store %arg8[%swap3A_220, %swap3A_221], %swap3A_224 {strides = array<i32>} : memref<8x4096xf32, #tpu.memory_space<vmem>>, vector<1x16xf32>,
        %mul3A_225 = arith.constant 8 : i32
        %mul3A_226 = arith.muli %scan3A_180, %mul3A_225 : i32
        %add3A_227 = arith.constant 2 : i32
        %add3A_228 = arith.addi %mul3A_226, %add3A_227 : i32
        %mul3A_229 = arith.constant 16 : i32
        %mul3A_230 = arith.muli %add3A_228, %mul3A_229 : i32
        %get3A_231 = arith.constant 6 : i32
        %get3A_232 = arith.index_cast %get3A_231 : i32 to index
        %get3A_233 = arith.index_cast %mul3A_230 : i32 to index
        %get3A_234 = tpu.vector_load %arg8[%get3A_232, %get3A_233] {strides = array<i32>} : memref<8x4096xf32, #tpu.memory_space<vmem>>, vector<1x16xf32>,
        %get3A_235 = vector.shape_cast %get3A_234 : vector<1x16xf32> to vector<16xf32>
        %get3A_236 = arith.constant 6 : i32
        %get3A_237 = arith.index_cast %get3A_236 : i32 to index
        %get3A_238 = arith.index_cast %mul3A_230 : i32 to index
        %get3A_239 = tpu.vector_load %arg9[%get3A_237, %get3A_238] {strides = array<i32>} : memref<8x4096xf32, #tpu.memory_space<vmem>>, vector<1x16xf32>,
        %get3A_240 = vector.shape_cast %get3A_239 : vector<1x16xf32> to vector<16xf32>
        %add3A_241 = arith.addf %get3A_235, %get3A_240 : vector<16xf32>
        %swap3A_242 = arith.constant 6 : i32
        %swap3A_243 = arith.index_cast %swap3A_242 : i32 to index
        %swap3A_244 = arith.index_cast %mul3A_230 : i32 to index
        %swap3A_245 = tpu.vector_load %arg8[%swap3A_243, %swap3A_244] {strides = array<i32>} : memref<8x4096xf32, #tpu.memory_space<vmem>>, vector<1x16xf32>,
        %swap3A_246 = vector.shape_cast %swap3A_245 : vector<1x16xf32> to vector<16xf32>
        %swap3A_247 = vector.shape_cast %add3A_241 : vector<16xf32> to vector<1x16xf32>
        tpu.vector_store %arg8[%swap3A_243, %swap3A_244], %swap3A_247 {strides = array<i32>} : memref<8x4096xf32, #tpu.memory_space<vmem>>, vector<1x16xf32>,
        %mul3A_248 = arith.constant 8 : i32
        %mul3A_249 = arith.muli %scan3A_180, %mul3A_248 : i32
        %add3A_250 = arith.constant 3 : i32
        %add3A_251 = arith.addi %mul3A_249, %add3A_250 : i32
        %mul3A_252 = arith.constant 16 : i32
        %mul3A_253 = arith.muli %add3A_251, %mul3A_252 : i32
        %get3A_254 = arith.constant 6 : i32
        %get3A_255 = arith.index_cast %get3A_254 : i32 to index
        %get3A_256 = arith.index_cast %mul3A_253 : i32 to index
        %get3A_257 = tpu.vector_load %arg8[%get3A_255, %get3A_256] {strides = array<i32>} : memref<8x4096xf32, #tpu.memory_space<vmem>>, vector<1x16xf32>,
        %get3A_258 = vector.shape_cast %get3A_257 : vector<1x16xf32> to vector<16xf32>
        %get3A_259 = arith.constant 6 : i32
        %get3A_260 = arith.index_cast %get3A_259 : i32 to index
        %get3A_261 = arith.index_cast %mul3A_253 : i32 to index
        %get3A_262 = tpu.vector_load %arg9[%get3A_260, %get3A_261] {strides = array<i32>} : memref<8x4096xf32, #tpu.memory_space<vmem>>, vector<1x16xf32>,
        %get3A_263 = vector.shape_cast %get3A_262 : vector<1x16xf32> to vector<16xf32>
        %add3A_264 = arith.addf %get3A_258, %get3A_263 : vector<16xf32>
        %swap3A_265 = arith.constant 6 : i32
        %swap3A_266 = arith.index_cast %swap3A_265 : i32 to index
        %swap3A_267 = arith.index_cast %mul3A_253 : i32 to index
        %swap3A_268 = tpu.vector_load %arg8[%swap3A_266, %swap3A_267] {strides = array<i32>} : memref<8x4096xf32, #tpu.memory_space<vmem>>, vector<1x16xf32>,
        %swap3A_269 = vector.shape_cast %swap3A_268 : vector<1x16xf32> to vector<16xf32>
        %swap3A_270 = vector.shape_cast %add3A_264 : vector<16xf32> to vector<1x16xf32>
        tpu.vector_store %arg8[%swap3A_266, %swap3A_267], %swap3A_270 {strides = array<i32>} : memref<8x4096xf32, #tpu.memory_space<vmem>>, vector<1x16xf32>,
        %mul3A_271 = arith.constant 8 : i32
        %mul3A_272 = arith.muli %scan3A_180, %mul3A_271 : i32
        %add3A_273 = arith.constant 4 : i32
        %add3A_274 = arith.addi %mul3A_272, %add3A_273 : i32
        %mul3A_275 = arith.constant 16 : i32
        %mul3A_276 = arith.muli %add3A_274, %mul3A_275 : i32
        %get3A_277 = arith.constant 6 : i32
        %get3A_278 = arith.index_cast %get3A_277 : i32 to index
        %get3A_279 = arith.index_cast %mul3A_276 : i32 to index
        %get3A_280 = tpu.vector_load %arg8[%get3A_278, %get3A_279] {strides = array<i32>} : memref<8x4096xf32, #tpu.memory_space<vmem>>, vector<1x16xf32>,
        %get3A_281 = vector.shape_cast %get3A_280 : vector<1x16xf32> to vector<16xf32>
        %get3A_282 = arith.constant 6 : i32
        %get3A_283 = arith.index_cast %get3A_282 : i32 to index
        %get3A_284 = arith.index_cast %mul3A_276 : i32 to index
        %get3A_285 = tpu.vector_load %arg9[%get3A_283, %get3A_284] {strides = array<i32>} : memref<8x4096xf32, #tpu.memory_space<vmem>>, vector<1x16xf32>,
        %get3A_286 = vector.shape_cast %get3A_285 : vector<1x16xf32> to vector<16xf32>
        %add3A_287 = arith.addf %get3A_281, %get3A_286 : vector<16xf32>
        %swap3A_288 = arith.constant 6 : i32
        %swap3A_289 = arith.index_cast %swap3A_288 : i32 to index
        %swap3A_290 = arith.index_cast %mul3A_276 : i32 to index
        %swap3A_291 = tpu.vector_load %arg8[%swap3A_289, %swap3A_290] {strides = array<i32>} : memref<8x4096xf32, #tpu.memory_space<vmem>>, vector<1x16xf32>,
        %swap3A_292 = vector.shape_cast %swap3A_291 : vector<1x16xf32> to vector<16xf32>
        %swap3A_293 = vector.shape_cast %add3A_287 : vector<16xf32> to vector<1x16xf32>
        tpu.vector_store %arg8[%swap3A_289, %swap3A_290], %swap3A_293 {strides = array<i32>} : memref<8x4096xf32, #tpu.memory_space<vmem>>, vector<1x16xf32>,
        %mul3A_294 = arith.constant 8 : i32
        %mul3A_295 = arith.muli %scan3A_180, %mul3A_294 : i32
        %add3A_296 = arith.constant 5 : i32
        %add3A_297 = arith.addi %mul3A_295, %add3A_296 : i32
        %mul3A_298 = arith.constant 16 : i32
        %mul3A_299 = arith.muli %add3A_297, %mul3A_298 : i32
        %get3A_300 = arith.constant 6 : i32
        %get3A_301 = arith.index_cast %get3A_300 : i32 to index
        %get3A_302 = arith.index_cast %mul3A_299 : i32 to index
        %get3A_303 = tpu.vector_load %arg8[%get3A_301, %get3A_302] {strides = array<i32>} : memref<8x4096xf32, #tpu.memory_space<vmem>>, vector<1x16xf32>,
        %get3A_304 = vector.shape_cast %get3A_303 : vector<1x16xf32> to vector<16xf32>
        %get3A_305 = arith.constant 6 : i32
        %get3A_306 = arith.index_cast %get3A_305 : i32 to index
        %get3A_307 = arith.index_cast %mul3A_299 : i32 to index
        %get3A_308 = tpu.vector_load %arg9[%get3A_306, %get3A_307] {strides = array<i32>} : memref<8x4096xf32, #tpu.memory_space<vmem>>, vector<1x16xf32>,
        %get3A_309 = vector.shape_cast %get3A_308 : vector<1x16xf32> to vector<16xf32>
        %add3A_310 = arith.addf %get3A_304, %get3A_309 : vector<16xf32>
        %swap3A_311 = arith.constant 6 : i32
        %swap3A_312 = arith.index_cast %swap3A_311 : i32 to index
        %swap3A_313 = arith.index_cast %mul3A_299 : i32 to index
        %swap3A_314 = tpu.vector_load %arg8[%swap3A_312, %swap3A_313] {strides = array<i32>} : memref<8x4096xf32, #tpu.memory_space<vmem>>, vector<1x16xf32>,
        %swap3A_315 = vector.shape_cast %swap3A_314 : vector<1x16xf32> to vector<16xf32>
        %swap3A_316 = vector.shape_cast %add3A_310 : vector<16xf32> to vector<1x16xf32>
        tpu.vector_store %arg8[%swap3A_312, %swap3A_313], %swap3A_316 {strides = array<i32>} : memref<8x4096xf32, #tpu.memory_space<vmem>>, vector<1x16xf32>,
        %mul3A_317 = arith.constant 8 : i32
        %mul3A_318 = arith.muli %scan3A_180, %mul3A_317 : i32
        %add3A_319 = arith.constant 6 : i32
        %add3A_320 = arith.addi %mul3A_318, %add3A_319 : i32
        %mul3A_321 = arith.constant 16 : i32
        %mul3A_322 = arith.muli %add3A_320, %mul3A_321 : i32
        %get3A_323 = arith.constant 6 : i32
        %get3A_324 = arith.index_cast %get3A_323 : i32 to index
        %get3A_325 = arith.index_cast %mul3A_322 : i32 to index
        %get3A_326 = tpu.vector_load %arg8[%get3A_324, %get3A_325] {strides = array<i32>} : memref<8x4096xf32, #tpu.memory_space<vmem>>, vector<1x16xf32>,
        %get3A_327 = vector.shape_cast %get3A_326 : vector<1x16xf32> to vector<16xf32>
        %get3A_328 = arith.constant 6 : i32
        %get3A_329 = arith.index_cast %get3A_328 : i32 to index
        %get3A_330 = arith.index_cast %mul3A_322 : i32 to index
        %get3A_331 = tpu.vector_load %arg9[%get3A_329, %get3A_330] {strides = array<i32>} : memref<8x4096xf32, #tpu.memory_space<vmem>>, vector<1x16xf32>,
        %get3A_332 = vector.shape_cast %get3A_331 : vector<1x16xf32> to vector<16xf32>
        %add3A_333 = arith.addf %get3A_327, %get3A_332 : vector<16xf32>
        %swap3A_334 = arith.constant 6 : i32
        %swap3A_335 = arith.index_cast %swap3A_334 : i32 to index
        %swap3A_336 = arith.index_cast %mul3A_322 : i32 to index
        %swap3A_337 = tpu.vector_load %arg8[%swap3A_335, %swap3A_336] {strides = array<i32>} : memref<8x4096xf32, #tpu.memory_space<vmem>>, vector<1x16xf32>,
        %swap3A_338 = vector.shape_cast %swap3A_337 : vector<1x16xf32> to vector<16xf32>
        %swap3A_339 = vector.shape_cast %add3A_333 : vector<16xf32> to vector<1x16xf32>
        tpu.vector_store %arg8[%swap3A_335, %swap3A_336], %swap3A_339 {strides = array<i32>} : memref<8x4096xf32, #tpu.memory_space<vmem>>, vector<1x16xf32>,
        %mul3A_340 = arith.constant 8 : i32
        %mul3A_341 = arith.muli %scan3A_180, %mul3A_340 : i32
        %add3A_342 = arith.constant 7 : i32
        %add3A_343 = arith.addi %mul3A_341, %add3A_342 : i32
        %mul3A_344 = arith.constant 16 : i32
        %mul3A_345 = arith.muli %add3A_343, %mul3A_344 : i32
        %get3A_346 = arith.constant 6 : i32
        %get3A_347 = arith.index_cast %get3A_346 : i32 to index
        %get3A_348 = arith.index_cast %mul3A_345 : i32 to index
        %get3A_349 = tpu.vector_load %arg8[%get3A_347, %get3A_348] {strides = array<i32>} : memref<8x4096xf32, #tpu.memory_space<vmem>>, vector<1x16xf32>,
        %get3A_350 = vector.shape_cast %get3A_349 : vector<1x16xf32> to vector<16xf32>
        %get3A_351 = arith.constant 6 : i32
        %get3A_352 = arith.index_cast %get3A_351 : i32 to index
        %get3A_353 = arith.index_cast %mul3A_345 : i32 to index
        %get3A_354 = tpu.vector_load %arg9[%get3A_352, %get3A_353] {strides = array<i32>} : memref<8x4096xf32, #tpu.memory_space<vmem>>, vector<1x16xf32>,
        %get3A_355 = vector.shape_cast %get3A_354 : vector<1x16xf32> to vector<16xf32>
        %add3A_356 = arith.addf %get3A_350, %get3A_355 : vector<16xf32>
        %swap3A_357 = arith.constant 6 : i32
        %swap3A_358 = arith.index_cast %swap3A_357 : i32 to index
        %swap3A_359 = arith.index_cast %mul3A_345 : i32 to index
        %swap3A_360 = tpu.vector_load %arg8[%swap3A_358, %swap3A_359] {strides = array<i32>} : memref<8x4096xf32, #tpu.memory_space<vmem>>, vector<1x16xf32>,
        %swap3A_361 = vector.shape_cast %swap3A_360 : vector<1x16xf32> to vector<16xf32>
        %swap3A_362 = vector.shape_cast %add3A_356 : vector<16xf32> to vector<1x16xf32>
        tpu.vector_store %arg8[%swap3A_358, %swap3A_359], %swap3A_362 {strides = array<i32>} : memref<8x4096xf32, #tpu.memory_space<vmem>>, vector<1x16xf32>,
      }
      %scan3A_169 = arith.constant 32 : i32
      %scan3A_170 = arith.constant 0 : i32
      %scan3A_171 = arith.constant 0 : i32
      %scan3A_172 = arith.constant 32 : i32
      %scan3A_173 = arith.addi %scan3A_171, %scan3A_172 : i32
      %scan3A_174 = arith.constant 1 : i32
      scf.for %scan3A_180 = %scan3A_171 to %scan3A_173 step %scan3A_174  : i32 {
        %mul3A_181 = arith.constant 8 : i32
        %mul3A_182 = arith.muli %scan3A_180, %mul3A_181 : i32
        %add3A_183 = arith.constant 0 : i32
        %add3A_184 = arith.addi %mul3A_182, %add3A_183 : i32
        %mul3A_185 = arith.constant 16 : i32
        %mul3A_186 = arith.muli %add3A_184, %mul3A_185 : i32
        %get3A = arith.constant 7 : i32
        %get3A_187 = arith.index_cast %get3A : i32 to index
        %get3A_188 = arith.index_cast %mul3A_186 : i32 to index
        %get3A_189 = tpu.vector_load %arg8[%get3A_187, %get3A_188] {strides = array<i32>} : memref<8x4096xf32, #tpu.memory_space<vmem>>, vector<1x16xf32>,
        %get3A_190 = vector.shape_cast %get3A_189 : vector<1x16xf32> to vector<16xf32>
        %get3A_191 = arith.constant 7 : i32
        %get3A_192 = arith.index_cast %get3A_191 : i32 to index
        %get3A_193 = arith.index_cast %mul3A_186 : i32 to index
        %get3A_194 = tpu.vector_load %arg9[%get3A_192, %get3A_193] {strides = array<i32>} : memref<8x4096xf32, #tpu.memory_space<vmem>>, vector<1x16xf32>,
        %get3A_195 = vector.shape_cast %get3A_194 : vector<1x16xf32> to vector<16xf32>
        %add3A_196 = arith.addf %get3A_190, %get3A_195 : vector<16xf32>
        %swap3A = arith.constant 7 : i32
        %swap3A_197 = arith.index_cast %swap3A : i32 to index
        %swap3A_198 = arith.index_cast %mul3A_186 : i32 to index
        %swap3A_199 = tpu.vector_load %arg8[%swap3A_197, %swap3A_198] {strides = array<i32>} : memref<8x4096xf32, #tpu.memory_space<vmem>>, vector<1x16xf32>,
        %swap3A_200 = vector.shape_cast %swap3A_199 : vector<1x16xf32> to vector<16xf32>
        %swap3A_201 = vector.shape_cast %add3A_196 : vector<16xf32> to vector<1x16xf32>
        tpu.vector_store %arg8[%swap3A_197, %swap3A_198], %swap3A_201 {strides = array<i32>} : memref<8x4096xf32, #tpu.memory_space<vmem>>, vector<1x16xf32>,
        %mul3A_202 = arith.constant 8 : i32
        %mul3A_203 = arith.muli %scan3A_180, %mul3A_202 : i32
        %add3A_204 = arith.constant 1 : i32
        %add3A_205 = arith.addi %mul3A_203, %add3A_204 : i32
        %mul3A_206 = arith.constant 16 : i32
        %mul3A_207 = arith.muli %add3A_205, %mul3A_206 : i32
        %get3A_208 = arith.constant 7 : i32
        %get3A_209 = arith.index_cast %get3A_208 : i32 to index
        %get3A_210 = arith.index_cast %mul3A_207 : i32 to index
        %get3A_211 = tpu.vector_load %arg8[%get3A_209, %get3A_210] {strides = array<i32>} : memref<8x4096xf32, #tpu.memory_space<vmem>>, vector<1x16xf32>,
        %get3A_212 = vector.shape_cast %get3A_211 : vector<1x16xf32> to vector<16xf32>
        %get3A_213 = arith.constant 7 : i32
        %get3A_214 = arith.index_cast %get3A_213 : i32 to index
        %get3A_215 = arith.index_cast %mul3A_207 : i32 to index
        %get3A_216 = tpu.vector_load %arg9[%get3A_214, %get3A_215] {strides = array<i32>} : memref<8x4096xf32, #tpu.memory_space<vmem>>, vector<1x16xf32>,
        %get3A_217 = vector.shape_cast %get3A_216 : vector<1x16xf32> to vector<16xf32>
        %add3A_218 = arith.addf %get3A_212, %get3A_217 : vector<16xf32>
        %swap3A_219 = arith.constant 7 : i32
        %swap3A_220 = arith.index_cast %swap3A_219 : i32 to index
        %swap3A_221 = arith.index_cast %mul3A_207 : i32 to index
        %swap3A_222 = tpu.vector_load %arg8[%swap3A_220, %swap3A_221] {strides = array<i32>} : memref<8x4096xf32, #tpu.memory_space<vmem>>, vector<1x16xf32>,
        %swap3A_223 = vector.shape_cast %swap3A_222 : vector<1x16xf32> to vector<16xf32>
        %swap3A_224 = vector.shape_cast %add3A_218 : vector<16xf32> to vector<1x16xf32>
        tpu.vector_store %arg8[%swap3A_220, %swap3A_221], %swap3A_224 {strides = array<i32>} : memref<8x4096xf32, #tpu.memory_space<vmem>>, vector<1x16xf32>,
        %mul3A_225 = arith.constant 8 : i32
        %mul3A_226 = arith.muli %scan3A_180, %mul3A_225 : i32
        %add3A_227 = arith.constant 2 : i32
        %add3A_228 = arith.addi %mul3A_226, %add3A_227 : i32
        %mul3A_229 = arith.constant 16 : i32
        %mul3A_230 = arith.muli %add3A_228, %mul3A_229 : i32
        %get3A_231 = arith.constant 7 : i32
        %get3A_232 = arith.index_cast %get3A_231 : i32 to index
        %get3A_233 = arith.index_cast %mul3A_230 : i32 to index
        %get3A_234 = tpu.vector_load %arg8[%get3A_232, %get3A_233] {strides = array<i32>} : memref<8x4096xf32, #tpu.memory_space<vmem>>, vector<1x16xf32>,
        %get3A_235 = vector.shape_cast %get3A_234 : vector<1x16xf32> to vector<16xf32>
        %get3A_236 = arith.constant 7 : i32
        %get3A_237 = arith.index_cast %get3A_236 : i32 to index
        %get3A_238 = arith.index_cast %mul3A_230 : i32 to index
        %get3A_239 = tpu.vector_load %arg9[%get3A_237, %get3A_238] {strides = array<i32>} : memref<8x4096xf32, #tpu.memory_space<vmem>>, vector<1x16xf32>,
        %get3A_240 = vector.shape_cast %get3A_239 : vector<1x16xf32> to vector<16xf32>
        %add3A_241 = arith.addf %get3A_235, %get3A_240 : vector<16xf32>
        %swap3A_242 = arith.constant 7 : i32
        %swap3A_243 = arith.index_cast %swap3A_242 : i32 to index
        %swap3A_244 = arith.index_cast %mul3A_230 : i32 to index
        %swap3A_245 = tpu.vector_load %arg8[%swap3A_243, %swap3A_244] {strides = array<i32>} : memref<8x4096xf32, #tpu.memory_space<vmem>>, vector<1x16xf32>,
        %swap3A_246 = vector.shape_cast %swap3A_245 : vector<1x16xf32> to vector<16xf32>
        %swap3A_247 = vector.shape_cast %add3A_241 : vector<16xf32> to vector<1x16xf32>
        tpu.vector_store %arg8[%swap3A_243, %swap3A_244], %swap3A_247 {strides = array<i32>} : memref<8x4096xf32, #tpu.memory_space<vmem>>, vector<1x16xf32>,
        %mul3A_248 = arith.constant 8 : i32
        %mul3A_249 = arith.muli %scan3A_180, %mul3A_248 : i32
        %add3A_250 = arith.constant 3 : i32
        %add3A_251 = arith.addi %mul3A_249, %add3A_250 : i32
        %mul3A_252 = arith.constant 16 : i32
        %mul3A_253 = arith.muli %add3A_251, %mul3A_252 : i32
        %get3A_254 = arith.constant 7 : i32
        %get3A_255 = arith.index_cast %get3A_254 : i32 to index
        %get3A_256 = arith.index_cast %mul3A_253 : i32 to index
        %get3A_257 = tpu.vector_load %arg8[%get3A_255, %get3A_256] {strides = array<i32>} : memref<8x4096xf32, #tpu.memory_space<vmem>>, vector<1x16xf32>,
        %get3A_258 = vector.shape_cast %get3A_257 : vector<1x16xf32> to vector<16xf32>
        %get3A_259 = arith.constant 7 : i32
        %get3A_260 = arith.index_cast %get3A_259 : i32 to index
        %get3A_261 = arith.index_cast %mul3A_253 : i32 to index
        %get3A_262 = tpu.vector_load %arg9[%get3A_260, %get3A_261] {strides = array<i32>} : memref<8x4096xf32, #tpu.memory_space<vmem>>, vector<1x16xf32>,
        %get3A_263 = vector.shape_cast %get3A_262 : vector<1x16xf32> to vector<16xf32>
        %add3A_264 = arith.addf %get3A_258, %get3A_263 : vector<16xf32>
        %swap3A_265 = arith.constant 7 : i32
        %swap3A_266 = arith.index_cast %swap3A_265 : i32 to index
        %swap3A_267 = arith.index_cast %mul3A_253 : i32 to index
        %swap3A_268 = tpu.vector_load %arg8[%swap3A_266, %swap3A_267] {strides = array<i32>} : memref<8x4096xf32, #tpu.memory_space<vmem>>, vector<1x16xf32>,
        %swap3A_269 = vector.shape_cast %swap3A_268 : vector<1x16xf32> to vector<16xf32>
        %swap3A_270 = vector.shape_cast %add3A_264 : vector<16xf32> to vector<1x16xf32>
        tpu.vector_store %arg8[%swap3A_266, %swap3A_267], %swap3A_270 {strides = array<i32>} : memref<8x4096xf32, #tpu.memory_space<vmem>>, vector<1x16xf32>,
        %mul3A_271 = arith.constant 8 : i32
        %mul3A_272 = arith.muli %scan3A_180, %mul3A_271 : i32
        %add3A_273 = arith.constant 4 : i32
        %add3A_274 = arith.addi %mul3A_272, %add3A_273 : i32
        %mul3A_275 = arith.constant 16 : i32
        %mul3A_276 = arith.muli %add3A_274, %mul3A_275 : i32
        %get3A_277 = arith.constant 7 : i32
        %get3A_278 = arith.index_cast %get3A_277 : i32 to index
        %get3A_279 = arith.index_cast %mul3A_276 : i32 to index
        %get3A_280 = tpu.vector_load %arg8[%get3A_278, %get3A_279] {strides = array<i32>} : memref<8x4096xf32, #tpu.memory_space<vmem>>, vector<1x16xf32>,
        %get3A_281 = vector.shape_cast %get3A_280 : vector<1x16xf32> to vector<16xf32>
        %get3A_282 = arith.constant 7 : i32
        %get3A_283 = arith.index_cast %get3A_282 : i32 to index
        %get3A_284 = arith.index_cast %mul3A_276 : i32 to index
        %get3A_285 = tpu.vector_load %arg9[%get3A_283, %get3A_284] {strides = array<i32>} : memref<8x4096xf32, #tpu.memory_space<vmem>>, vector<1x16xf32>,
        %get3A_286 = vector.shape_cast %get3A_285 : vector<1x16xf32> to vector<16xf32>
        %add3A_287 = arith.addf %get3A_281, %get3A_286 : vector<16xf32>
        %swap3A_288 = arith.constant 7 : i32
        %swap3A_289 = arith.index_cast %swap3A_288 : i32 to index
        %swap3A_290 = arith.index_cast %mul3A_276 : i32 to index
        %swap3A_291 = tpu.vector_load %arg8[%swap3A_289, %swap3A_290] {strides = array<i32>} : memref<8x4096xf32, #tpu.memory_space<vmem>>, vector<1x16xf32>,
        %swap3A_292 = vector.shape_cast %swap3A_291 : vector<1x16xf32> to vector<16xf32>
        %swap3A_293 = vector.shape_cast %add3A_287 : vector<16xf32> to vector<1x16xf32>
        tpu.vector_store %arg8[%swap3A_289, %swap3A_290], %swap3A_293 {strides = array<i32>} : memref<8x4096xf32, #tpu.memory_space<vmem>>, vector<1x16xf32>,
        %mul3A_294 = arith.constant 8 : i32
        %mul3A_295 = arith.muli %scan3A_180, %mul3A_294 : i32
        %add3A_296 = arith.constant 5 : i32
        %add3A_297 = arith.addi %mul3A_295, %add3A_296 : i32
        %mul3A_298 = arith.constant 16 : i32
        %mul3A_299 = arith.muli %add3A_297, %mul3A_298 : i32
        %get3A_300 = arith.constant 7 : i32
        %get3A_301 = arith.index_cast %get3A_300 : i32 to index
        %get3A_302 = arith.index_cast %mul3A_299 : i32 to index
        %get3A_303 = tpu.vector_load %arg8[%get3A_301, %get3A_302] {strides = array<i32>} : memref<8x4096xf32, #tpu.memory_space<vmem>>, vector<1x16xf32>,
        %get3A_304 = vector.shape_cast %get3A_303 : vector<1x16xf32> to vector<16xf32>
        %get3A_305 = arith.constant 7 : i32
        %get3A_306 = arith.index_cast %get3A_305 : i32 to index
        %get3A_307 = arith.index_cast %mul3A_299 : i32 to index
        %get3A_308 = tpu.vector_load %arg9[%get3A_306, %get3A_307] {strides = array<i32>} : memref<8x4096xf32, #tpu.memory_space<vmem>>, vector<1x16xf32>,
        %get3A_309 = vector.shape_cast %get3A_308 : vector<1x16xf32> to vector<16xf32>
        %add3A_310 = arith.addf %get3A_304, %get3A_309 : vector<16xf32>
        %swap3A_311 = arith.constant 7 : i32
        %swap3A_312 = arith.index_cast %swap3A_311 : i32 to index
        %swap3A_313 = arith.index_cast %mul3A_299 : i32 to index
        %swap3A_314 = tpu.vector_load %arg8[%swap3A_312, %swap3A_313] {strides = array<i32>} : memref<8x4096xf32, #tpu.memory_space<vmem>>, vector<1x16xf32>,
        %swap3A_315 = vector.shape_cast %swap3A_314 : vector<1x16xf32> to vector<16xf32>
        %swap3A_316 = vector.shape_cast %add3A_310 : vector<16xf32> to vector<1x16xf32>
        tpu.vector_store %arg8[%swap3A_312, %swap3A_313], %swap3A_316 {strides = array<i32>} : memref<8x4096xf32, #tpu.memory_space<vmem>>, vector<1x16xf32>,
        %mul3A_317 = arith.constant 8 : i32
        %mul3A_318 = arith.muli %scan3A_180, %mul3A_317 : i32
        %add3A_319 = arith.constant 6 : i32
        %add3A_320 = arith.addi %mul3A_318, %add3A_319 : i32
        %mul3A_321 = arith.constant 16 : i32
        %mul3A_322 = arith.muli %add3A_320, %mul3A_321 : i32
        %get3A_323 = arith.constant 7 : i32
        %get3A_324 = arith.index_cast %get3A_323 : i32 to index
        %get3A_325 = arith.index_cast %mul3A_322 : i32 to index
        %get3A_326 = tpu.vector_load %arg8[%get3A_324, %get3A_325] {strides = array<i32>} : memref<8x4096xf32, #tpu.memory_space<vmem>>, vector<1x16xf32>,
        %get3A_327 = vector.shape_cast %get3A_326 : vector<1x16xf32> to vector<16xf32>
        %get3A_328 = arith.constant 7 : i32
        %get3A_329 = arith.index_cast %get3A_328 : i32 to index
        %get3A_330 = arith.index_cast %mul3A_322 : i32 to index
        %get3A_331 = tpu.vector_load %arg9[%get3A_329, %get3A_330] {strides = array<i32>} : memref<8x4096xf32, #tpu.memory_space<vmem>>, vector<1x16xf32>,
        %get3A_332 = vector.shape_cast %get3A_331 : vector<1x16xf32> to vector<16xf32>
        %add3A_333 = arith.addf %get3A_327, %get3A_332 : vector<16xf32>
        %swap3A_334 = arith.constant 7 : i32
        %swap3A_335 = arith.index_cast %swap3A_334 : i32 to index
        %swap3A_336 = arith.index_cast %mul3A_322 : i32 to index
        %swap3A_337 = tpu.vector_load %arg8[%swap3A_335, %swap3A_336] {strides = array<i32>} : memref<8x4096xf32, #tpu.memory_space<vmem>>, vector<1x16xf32>,
        %swap3A_338 = vector.shape_cast %swap3A_337 : vector<1x16xf32> to vector<16xf32>
        %swap3A_339 = vector.shape_cast %add3A_333 : vector<16xf32> to vector<1x16xf32>
        tpu.vector_store %arg8[%swap3A_335, %swap3A_336], %swap3A_339 {strides = array<i32>} : memref<8x4096xf32, #tpu.memory_space<vmem>>, vector<1x16xf32>,
        %mul3A_340 = arith.constant 8 : i32
        %mul3A_341 = arith.muli %scan3A_180, %mul3A_340 : i32
        %add3A_342 = arith.constant 7 : i32
        %add3A_343 = arith.addi %mul3A_341, %add3A_342 : i32
        %mul3A_344 = arith.constant 16 : i32
        %mul3A_345 = arith.muli %add3A_343, %mul3A_344 : i32
        %get3A_346 = arith.constant 7 : i32
        %get3A_347 = arith.index_cast %get3A_346 : i32 to index
        %get3A_348 = arith.index_cast %mul3A_345 : i32 to index
        %get3A_349 = tpu.vector_load %arg8[%get3A_347, %get3A_348] {strides = array<i32>} : memref<8x4096xf32, #tpu.memory_space<vmem>>, vector<1x16xf32>,
        %get3A_350 = vector.shape_cast %get3A_349 : vector<1x16xf32> to vector<16xf32>
        %get3A_351 = arith.constant 7 : i32
        %get3A_352 = arith.index_cast %get3A_351 : i32 to index
        %get3A_353 = arith.index_cast %mul3A_345 : i32 to index
        %get3A_354 = tpu.vector_load %arg9[%get3A_352, %get3A_353] {strides = array<i32>} : memref<8x4096xf32, #tpu.memory_space<vmem>>, vector<1x16xf32>,
        %get3A_355 = vector.shape_cast %get3A_354 : vector<1x16xf32> to vector<16xf32>
        %add3A_356 = arith.addf %get3A_350, %get3A_355 : vector<16xf32>
        %swap3A_357 = arith.constant 7 : i32
        %swap3A_358 = arith.index_cast %swap3A_357 : i32 to index
        %swap3A_359 = arith.index_cast %mul3A_345 : i32 to index
        %swap3A_360 = tpu.vector_load %arg8[%swap3A_358, %swap3A_359] {strides = array<i32>} : memref<8x4096xf32, #tpu.memory_space<vmem>>, vector<1x16xf32>,
        %swap3A_361 = vector.shape_cast %swap3A_360 : vector<1x16xf32> to vector<16xf32>
        %swap3A_362 = vector.shape_cast %add3A_356 : vector<16xf32> to vector<1x16xf32>
        tpu.vector_store %arg8[%swap3A_358, %swap3A_359], %swap3A_362 {strides = array<i32>} : memref<8x4096xf32, #tpu.memory_space<vmem>>, vector<1x16xf32>,
      }
      %scan3A_175 = arith.constant 32 : i32
      %dma_start3A_176 = arith.constant 0 : i32
      %dma_start3A_177 = tpu.memref_slice %arg5[%add3A_104, %dma_start3A_176] : memref<16384x4096xf32, #tpu.memory_space<hbm>> -> memref<8x4096xf32, #tpu.memory_space<hbm>>
      %dma_start3A_178 = arith.constant 0 : i32
      %dma_start3A_179 = tpu.memref_slice %arg5[%add3A_104, %dma_start3A_178] : memref<16384x4096xf32, #tpu.memory_space<hbm>> -> memref<8x4096xf32, #tpu.memory_space<hbm>>
      tpu.enqueue_dma source(%arg8 : memref<8x4096xf32, #tpu.memory_space<vmem>>) target(%dma_start3A_179 : memref<8x4096xf32, #tpu.memory_space<hbm>>) target_semaphore(%arg13 : memref<!tpu.dma_semaphore, #tpu.memory_space<semaphore_mem>>)
    }
    %scan3A_7 = arith.constant 32 : i32
    %dma_wait3A = arith.constant 0 : i32
    %dma_wait3A_8 = arith.constant 0 : i32
    %dma_wait3A_9 = tpu.memref_slice %arg4[%dma_wait3A, %dma_wait3A_8] : memref<1000x4096xf32, #tpu.memory_space<hbm>> -> memref<8x4096xf32, #tpu.memory_space<hbm>>
    %dma_wait3A_10 = arith.constant 0 : i32
    %dma_wait3A_11 = arith.constant 0 : i32
    %dma_wait3A_12 = tpu.memref_slice %arg4[%dma_wait3A_10, %dma_wait3A_11] : memref<1000x4096xf32, #tpu.memory_space<hbm>> -> memref<8x4096xf32, #tpu.memory_space<hbm>>
    tpu.wait_dma2 semaphore(%arg12 : memref<!tpu.dma_semaphore, #tpu.memory_space<semaphore_mem>>) src(%dma_wait3A_12 : memref<8x4096xf32, #tpu.memory_space<hbm>>) dst(%arg7 : memref<8x4096xf32, #tpu.memory_space<vmem>>)
    %dma_wait3A_13 = arith.constant 0 : i32
    %dma_wait3A_14 = arith.constant 0 : i32
    %dma_wait3A_15 = tpu.memref_slice %arg4[%dma_wait3A_13, %dma_wait3A_14] : memref<1000x4096xf32, #tpu.memory_space<hbm>> -> memref<8x4096xf32, #tpu.memory_space<hbm>>
    %dma_wait3A_16 = arith.constant 0 : i32
    %dma_wait3A_17 = arith.constant 0 : i32
    %dma_wait3A_18 = tpu.memref_slice %arg4[%dma_wait3A_16, %dma_wait3A_17] : memref<1000x4096xf32, #tpu.memory_space<hbm>> -> memref<8x4096xf32, #tpu.memory_space<hbm>>
    tpu.wait_dma2 semaphore(%arg13 : memref<!tpu.dma_semaphore, #tpu.memory_space<semaphore_mem>>) src(%dma_wait3A_18 : memref<8x4096xf32, #tpu.memory_space<hbm>>) dst(%arg8 : memref<8x4096xf32, #tpu.memory_space<vmem>>)
    return
  }
}

</mosaic_0001>

<sc_bundles>
// kernel: kernel.3.cloned.1.call-start
scs
__scs_entry_jumppad:
0x0: {  	(pc) =	sbr.rel $0x88, $3  }
0x1: {  	(tag) =	ssettag $0x0;
	lr =	simm.s32 $0x1  }
0x2: {  	[smem:$0x3F9E] =	sst lr;
	_ =	strace $0xD0000000  }
0x3: {  	_ = 	snop  }
0x4: {  	_ = 	snop  }
0x5: {  	_ = 	snop  }
0x6: {  	_ = 	snop  }
0x7: {  	_ = 	snop  }
__scs_overlays_trampoline_lowered:
0x8: {  	[smem:$0x3FAD] =	sst s0  }
0x9: {  	[smem:$0x3FAE] =	sst s1  }
0xa: {  	[smem:$0x3FAF] =	sst s2  }
0xb: {  	[smem:$0x3FB0] =	sst s3  }
0xc: {  	[smem:$0x3FB1] =	sst s4  }
0xd: {  	[smem:$0x3FB2] =	sst s5  }
0xe: {  	[smem:$0x3FB3] =	sst s6  }
0xf: {  	[smem:$0x3FB4] =	sst s7  }
0x10: {  	[smem:$0x3FB5] =	sst s8  }
0x11: {  	[smem:$0x3FB6] =	sst s9;
	s0 =	simm.s32 @!p0 $0x0  }
0x12: {  	s1 =	sld [smem:$0x3F9C];
	s0 =	simm.s32 @p0 $0x1  }
0x13: {  	[smem:$0x3FB7] =	sst s0;
	s0 =	simm.s32 @!p1 $0x0  }
0x14: {  	s2 =	sld [smem:$0x3F9B];
	s0 =	simm.s32 @p1 $0x1  }
0x15: {  	[smem:$0x3FB8] =	sst s0;
	s0 =	simm.s32 @!p2 $0x0  }
0x16: {  	s3 =	sld [smem:$0x3FDB];
	s0 =	simm.s32 @p2 $0x1  }
0x17: {  	s4 =	simm.s32 $0x1BF5;
	[smem:$0x3FBA] =	sst s0  }
0x18: {  	s0 =	sld [smem:$0x3F9D];
	_ =	swait.ge [sflag:s4], $0x0  }
0x19: {  	s7 =	sld [smem:$0x3F9E]  }
0x1a: {  	s8 =	sadd.s32 $0xFFFFE003, lr  }
0x1b: {  	s9 =	sadd.s32 $0xFFFFFEF7, lr;
	s5 =	simm.s32 $0xFFFFFFFF;
	p2 =	slt.u32 s8, $0xFFFFF086  }
0x1c: {  	p1 =	slt.u32 s9, $0xF7A;
	s5 =	simm.s32 @!p2 $0x0  }
0x1d: {  	s5 =	simm.s32 @p1 $0x1;
	p0 =	seq.s32 s7, s2  }
0x1e: {  	s7 =	smul.u32 @!p0 $0xF7A, s2;
	p2 =	seq.s32 @!p0 s5, $0x0  }
0x1f: {  	s9 =	smul.u32 $0xF7A, s1;
	s8 =	simm.s32 @!p0 $0x1BF5;
	p2 =	por !p2, p0  }
0x20: {  	[sflag:s8] =	ssyncset.s32 @!p0 $0xFFFFF086;
	s6 =	sadd.s32 @!p0 s3, s7;
	s7 =	simm.s32 @!p0 $0x108  }
0x21: {  	s3 =	sadd.s32 s3, s9;
	s6 =	sadd.s32 @!p0 $0x88, s6;
	s7 =	simm.s32 @p2 $0x1082  }
0x22: {  	[simem:s7], [sflag:s8] =	dma.local @!p0 [hbm:s6], $0xF7A  }
0x23: {  	s9 =	sor.u32 $0xD0000000, s2;
	s6 =	simm.s32 $0x108;
	_ =	swait.ge @!p0 [sflag:s8], $0x0  }
0x24: {  	s3 =	sadd.s32 $0x88, s3;
	s6 =	simm.s32 @!p1 $0x1082;
	[sflag:s4] =	ssyncset.s32 $0xFFFFF086  }
0x25: {  	[simem:s6], [sflag:s4] =	dma.local [hbm:s3], $0xF7A  }
0x26: {  	[smem:$0x3F9E] =	sst s1;
	(tag) =	ssettag s2;
	_ =	strace s9  }
0x27: {  	s1 =	sld [smem:$0x3FAE]  }
0x28: {  	s2 =	sld [smem:$0x3FAF]  }
0x29: {  	s4 =	sld [smem:$0x3FB1]  }
0x2a: {  	p0 =	seq.s32 s5, $0x0;
	s5 =	sld [smem:$0x3FB2]  }
0x2b: {  	s6 =	sld [smem:$0x3FB3]  }
0x2c: {  	s7 =	sld [smem:$0x3FB4]  }
0x2d: {  	s3 =	simm.s32 $0x108;
	s8 =	sld [smem:$0x3FB5]  }
0x2e: {  	s3 =	simm.s32 @!p0 $0x1082;
	s9 =	sld [smem:$0x3FB6]  }
0x2f: {  	lr =	sadd.s32 s0, s3;
	s0 =	sld [smem:$0x3FAD]  }
0x30: {  	s3 =	sld [smem:$0x3FB0]  }
0x31: {  	[smem:$0x3FB9] =	sst s10  }
0x32: {  	s10 =	sld [smem:$0x3FB7];
	_ =	sdelay $0x3  }
0x33: {  	p0 =	seq.s32 s10, $0x1;
	s10 =	sld [smem:$0x3FB9];
	_ =	sdelay $0x3  }
0x34: {  	[smem:$0x3FB9] =	sst s10  }
0x35: {  	s10 =	sld [smem:$0x3FB8];
	_ =	sdelay $0x3  }
0x36: {  	p1 =	seq.s32 s10, $0x1;
	s10 =	sld [smem:$0x3FB9];
	_ =	sdelay $0x3  }
0x37: {  	[smem:$0x3FB9] =	sst s10  }
0x38: {  	s10 =	sld [smem:$0x3FBA]  }
0x39: {  	_ = 	snop;
	(pc) =	sbr.ind lr, $3  }
0x3a: {  	_ = 	snop  }
0x3b: {  	_ = 	snop  }
0x3c: {  	p2 =	seq.s32 s10, $0x1;
	s10 =	sld [smem:$0x3FB9]  }
0x3d: {  	_ =	shalt  }
0x3e: {  	_ =	shalt  }
0x3f: {  	_ =	shalt  }
0x40: {  	_ =	shalt  }
0x41: {  	_ =	shalt  }
0x42: {  	_ =	shalt  }
0x43: {  	_ =	shalt  }
0x44: {  	_ =	shalt  }
0x45: {  	_ =	shalt  }
0x46: {  	_ =	shalt  }
0x47: {  	_ =	shalt  }
0x48: {  	_ =	shalt  }
0x49: {  	_ =	shalt  }
0x4a: {  	_ =	shalt  }
0x4b: {  	_ =	shalt  }
0x4c: {  	_ =	shalt  }
0x4d: {  	_ =	shalt  }
0x4e: {  	_ =	shalt  }
0x4f: {  	_ =	shalt  }
0x50: {  	_ =	shalt  }
0x51: {  	_ =	shalt  }
0x52: {  	_ =	shalt  }
0x53: {  	_ =	shalt  }
0x54: {  	_ =	shalt  }
0x55: {  	_ =	shalt  }
0x56: {  	_ =	shalt  }
0x57: {  	_ =	shalt  }
0x58: {  	_ =	shalt  }
0x59: {  	_ =	shalt  }
0x5a: {  	_ =	shalt  }
0x5b: {  	_ =	shalt  }
0x5c: {  	_ =	shalt  }
0x5d: {  	_ =	shalt  }
0x5e: {  	_ =	shalt  }
0x5f: {  	_ =	shalt  }
0x60: {  	_ =	shalt  }
0x61: {  	_ =	shalt  }
0x62: {  	_ =	shalt  }
0x63: {  	_ =	shalt  }
0x64: {  	_ =	shalt  }
0x65: {  	_ =	shalt  }
0x66: {  	_ =	shalt  }
0x67: {  	_ =	shalt  }
0x68: {  	_ =	shalt  }
0x69: {  	_ =	shalt  }
0x6a: {  	_ =	shalt  }
0x6b: {  	_ =	shalt  }
0x6c: {  	_ =	shalt  }
0x6d: {  	_ =	shalt  }
0x6e: {  	_ =	shalt  }
0x6f: {  	_ =	shalt  }
0x70: {  	_ =	shalt  }
0x71: {  	_ =	shalt  }
0x72: {  	_ =	shalt  }
0x73: {  	_ =	shalt  }
0x74: {  	_ =	shalt  }
0x75: {  	_ =	shalt  }
0x76: {  	_ =	shalt  }
0x77: {  	_ =	shalt  }
0x78: {  	_ =	shalt  }
0x79: {  	_ =	shalt  }
0x7a: {  	_ =	shalt  }
0x7b: {  	_ =	shalt  }
0x7c: {  	_ =	shalt  }
0x7d: {  	_ =	shalt  }
0x7e: {  	_ =	shalt  }
0x7f: {  	_ =	shalt  }
0x80: {  	_ =	shalt  }
0x81: {  	_ =	shalt  }
0x82: {  	_ =	shalt  }
0x83: {  	_ =	shalt  }
0x84: {  	_ =	shalt  }
0x85: {  	_ =	shalt  }
0x86: {  	_ =	shalt  }
0x87: {  	_ =	shalt  }
.Lfunc_end0:
.L_simem_size_0:
called_computation_lowered:
.L_overlay_start_0:
0x88: {  	s2 =	sld [smem:$0x3FD9]  }
0x89: {  	s3 =	sld [smem:$0x3FFE];
	_ =	sdelay $0x1  }
0x8a: {  	s1 =	srdreg.scid  }
0x8b: {  	s0 =	sand.u32 $0x1, s1  }
0x8c: {  	s18 =	sshll.u32 s0, $0xA;
	s2 =	sadd.s32 s3, s2  }
0x8d: {  	s2 =	sadd.s32 s2, s18  }
0x8e: {  	[smem:$0x3FC5] =	sst s2  }
0x8f: {  	_ = 	snop  }
0x90: {  	s2 =	sld [smem:$0x3FC9]  }
0x91: {  	s19 =	sld [smem:$0x3FC8]  }
0x92: {  	s4 =	sld [smem:$0x3FC7]  }
0x93: {  	s5 =	sld [smem:$0x3FD0];
	(tm) =	ssettm $0x1  }
0x94: {  	s6 =	sld [smem:$0x3FFB];
	_ =	sdelay $0x3  }
0x95: {  	_ =	strace s6  }
0x96: {  	s6 =	sld [smem:$0x3FFC];
	_ =	sdelay $0x3  }
0x97: {  	_ =	strace s6  }
0x98: {  	s6 =	sld [smem:$0x3FFD];
	_ =	sdelay $0x3  }
0x99: {  	_ =	strace s6  }
0x9a: {  	_ =	strace $0x8FFFFFFF  }
0x9b: {  	s20 =	sld [smem:$0x3FDB];
	_ =	sdelay $0x1  }
0x9c: {  	s7 =	simm.s32 $_scs_section_size  }
0x9d: {  	s8 =	simm.s32 $_size__tile_overlayer_lowered;
	s9 =	simm.s32 $_tile_overlayer_lowered  }
0x9e: {  	s23 =	simm.s32 $0x1BFF;
	s22 =	sshll.u32 s9, $0x1;
	s6 =	sadd.s32 s7, s20  }
0x9f: {  	s10 =	simm.s32 $0x0;
	s21 =	sshll.u32 s8, $0x1;
	s8 =	sadd.s32 s22, s6  }
0xa0: {  	[timem:s10], [sflag:s23] =	dma.local [hbm:s8], s21  }
0xa1: {  	_ =	swait.ge [sflag:s23], s21  }
0xa2: {  	s7 =	ssub.s32 $0x0, s21;
	[sflag:s23] =	ssyncset.done $0x0  }
0xa3: {  	[sflag:s23] =	ssyncadd.s32 s7;
	_ =	sdelay $0x1  }
0xa4: {  	s24 =	simm.s32 $0x1B8B  }
0xa5: {  	_ =	swait.ge [sflag:s24], $0x1  }
0xa6: {  	[sflag:s24] =	ssyncset.done $0x0  }
0xa7: {  	s25 =	simm.s32 $0x1B8E;
	[sflag:s24] =	ssyncadd.s32 $0xFFFFFFFF  }
0xa8: {  	s26 =	simm.s32 $execute0_lowered;
	[smem:$0x3FD2] =	sst s25  }
0xa9: {  	s7 =	sshll.u32 s26, $0x1;
	_ =	strace $0x80000046;
	[dreg:$0x1] =	wrdreg $0xFFFFFFFF  }
0xaa: {  	s28 =	simm.s32 $_size_execute0_lowered;
	s6 =	sadd.s32 s6, s7;
	[dreg:$0x0] =	wrdreg $0x0  }
0xab: {  	s7 =	sshll.u32 s28, $0x1;
	[dreg:$0x2] =	wrdreg s6  }
0xac: {  	[dreg:$0x3] =	wrdreg s7  }
0xad: {  	[dreg:$0x4] =	wrdreg $0xC0  }
0xae: {  	_ =	task [dreg:s10], $0x5FFFF  }
0xaf: {  	[dreg:$0x1] =	wrdreg $0xFFFFFFFF  }
0xb0: {  	[dreg:$0x0] =	wrdreg $0x60  }
0xb1: {  	[dreg:$0x2] =	wrdreg s2  }
0xb2: {  	[dreg:$0x3] =	wrdreg s19  }
0xb3: {  	[dreg:$0x4] =	wrdreg s4  }
0xb4: {  	[dreg:$0x5] =	wrdreg s5  }
0xb5: {  	[dreg:$0x6] =	wrdreg $0x9  }
0xb6: {  	_ =	task.clear_ibuf [dreg:s10], $0x7FFFF;
	_ =	strace $0x90000046  }
0xb7: {  	s29 =	simm.s32 $0x9;
	_ =	strace $0x80000048  }
0xb8: {  	_ =	swait.ge [sflag:s29], $0x1  }
0xb9: {  	[sflag:s29] =	ssyncadd.s32 $0xFFFFFFFF  }
0xba: {  	_ =	strace $0x90000048  }
0xbb: {  	_ =	sfence  }
0xbc: {  	s30 =	sld [smem:$0x0];
	_ =	sdelay $0x2  }
0xbd: {  	s31 =	sshll.u32 s1, $0xD;
	s1 =	sshrl.u32 s1, $0x2  }
0xbe: {  	s3 =	sand.u32 $0x4000, s31;
	s1 =	sadd.s32 s1, s30  }
0xbf: {  	s0 =	sor.u32 s3, s0;
	s1 =	sshll.u32 s1, $0x11  }
0xc0: {  	s0 =	sor.u32 s1, s0  }
0xc1: {  	s0 =	sadd.s32 $0x8F2B, s0  }
0xc2: {  	[sflag:s0] =	ssyncadd.remote.s32 $0x1  }
0xc3: {  	_ =	sfence.sel $0xFFFF  }
0xc4: {  	[dreg:$0x0] =	wrdreg $0xFFFFFFFF;
	(pc) =	sbr.abs _section_cstart, $3  }
0xc5: {  	[dreg:$0x1] =	wrdreg $0xFFFFFFFF  }
0xc6: {  	_ =	task.clear_ibuf [dreg:s10], $0x2FFFF;
	_ =	strace $0x9FFFFFFF  }
0xc7: {  	(tm) =	ssettm $0x7FFFFFFF  }
tec
execute0_lowered:
.L_overlay_start_1:
0x0: {  	(tag) =	ssettag $0x1  }
0x1: {  	s0 =	rddreg [dreg:$0x0]  }
0x2: {  	s3 =	rddreg [dreg:$0x2]  }
0x3: {  	s4 =	rddreg [dreg:$0x3]  }
0x4: {  	s2 =	srdreg.scid;
	s1 =	stileid.u32  }
0x5: {  	s5 =	simm.s32 $0x0;
	s25 =	simm.s32 $0x200;
	s23 =	simm.s32 $0x8200  }
0x6: {  	s26 =	simm.s32 $0x0;
	s2 =	sand.u32 $0x1, s2;
	s6 =	sshll.u32 s1, $0xA  }
0x7: {  	[smem:$0x7FF] =	sst s5;
	s9 =	sadd.s32 $0x200, s3;
	s10 =	sadd.s32 $0x300, s3  }
0x8: {  	s11 =	sadd.s32 $0x400, s3;
	s12 =	sadd.s32 $0x500, s3;
	s13 =	sadd.s32 $0x600, s3  }
0x9: {  	s14 =	sadd.s32 $0x700, s3;
	s15 =	sadd.s32 $0x800, s3;
	s16 =	sadd.s32 $0x900, s3  }
0xa: {  	s17 =	sadd.s32 $0xA00, s3;
	s18 =	sadd.s32 $0xB00, s3;
	s19 =	sadd.s32 $0xC00, s3  }
0xb: {  	s20 =	sadd.s32 $0xD00, s3;
	s21 =	sadd.s32 $0xE00, s3;
	s7 =	sshll.u32 s2, $0x9  }
0xc: {  	s22 =	sadd.s32 $0xF00, s3;
	s2 =	ssub.s32 $0x2, s2;
	s6 =	sor.u32 s7, s6  }
0xd: {  	_ =	strace $0x80000047;
	s30 =	sshrl.u32 s2, $0x1;
	s8 =	sshrl.u32 s6, $0x3  }
0xe: {  	v0 =	vlaneseq.u32;
	s7 =	simm.s32 $0x2;
	s2 =	ssub.s32 s2, s30;
	s0 =	sadd.s32 s0, s8  }
0xf: {  	v1 =	vshrl.u32 v0, $0x3;
	s8 =	sadd.s32 $0x100, s3;
	s31 =	smax.u32 s2, $0x1;
	[dreg:$0x5] =	wrdreg s0  }
0x10: {  	vm0 =	vmmov $0xffff;
	v0 =	vand.u32 $0x7, v0;
	v1 =	vmul.u32 $0x8, v1;
	s2 =	simm.s32 $0x1;
	[dreg:$0x6] =	wrdreg s31;
	s0 =	simm.s32 $0x10200  }
.LBB2_1:
0x11: {  	[dreg:$0x7] =	wrdreg s26  }
0x12: {  	s1 =	rddreg [dreg:$0x5];
	s31 =	simm.s32 $0x5  }
0x13: {  	[tilespmem:s5], [sflag:$0x5] =	stream.linear.gather [hbm4b:s1+s5], $0x200, $0x38;
	[tilespmem:$0x18200] =	vst v63  }
0x14: {  	_ =	swait.ge [sflag:s31], $0x200  }
0x15: {  	[sflag:s31] =	ssyncset.done $0x0  }
0x16: {  	s29 =	simm.s32 $0x0;
	[sflag:s31] =	ssyncadd.s32 $0xFFFFFE00  }
.LBB2_2:
0x17: {  	p0 =	seq.s32 s29, $0x0  }
0x18: {  	s24 =	simm.s32 @!p0 $0x3  }
0x19: {  	_ =	swait.ge @!p0 [sflag:s24], $0x8000  }
0x1a: {  	[sflag:s24] =	ssyncset.done @!p0 $0x0  }
0x1b: {  	s30 =	sshll.u32 s29, $0x4;
	[sflag:s24] =	ssyncadd.s32 @!p0 $0xFFFF8000  }
0x1c: {  	v2 =	vld.msk [tilespmem:s30+$0x0], $0xff;
	_ =	sdelay $0x4  }
0x1d: {  	v3 =	vshll.u32 v2, $0x5  }
0x1e: {  	v2 =	vand.u32 $0x7, v2;
	v3 =	vand.u32 $0xFFFFFF00, v3  }
0x1f: {  	v2 =	vor.u32 v2, v3  }
0x20: {  	v2 =	vperm.xlane v2, v0;
	_ =	sdelay $0x1  }
0x21: {  	v2 =	vadd.s32 v1, v2;
	_ =	sdelay $0x3  }
0x22: {  	s24 =	simm.s32 $0x0  }
0x23: {  	[tilespmem:s25], [sflag:$0x1] =	stream.indirect_vreg.gather [hbm4b:s3+s24], $0x80, v2, vm0, $0xb8;
	[tilespmem:$0x18200] =	vst v63  }
0x24: {  	s1 =	simm.s32 $0xA00  }
0x25: {  	[tilespmem:s1], [sflag:$0x1] =	stream.indirect_vreg.gather [hbm4b:s8+s24], $0x80, v2, vm0, $0xb8;
	[tilespmem:$0x18200] =	vst v63  }
0x26: {  	s26 =	simm.s32 $0x1200  }
0x27: {  	[tilespmem:s26], [sflag:$0x1] =	stream.indirect_vreg.gather [hbm4b:s9+s24], $0x80, v2, vm0, $0xb8;
	[tilespmem:$0x18200] =	vst v63  }
0x28: {  	s26 =	simm.s32 $0x1A00  }
0x29: {  	[tilespmem:s26], [sflag:$0x1] =	stream.indirect_vreg.gather [hbm4b:s10+s24], $0x80, v2, vm0, $0xb8;
	[tilespmem:$0x18200] =	vst v63  }
0x2a: {  	s26 =	simm.s32 $0x2200  }
0x2b: {  	[tilespmem:s26], [sflag:$0x1] =	stream.indirect_vreg.gather [hbm4b:s11+s24], $0x80, v2, vm0, $0xb8;
	[tilespmem:$0x18200] =	vst v63  }
0x2c: {  	s26 =	simm.s32 $0x2A00  }
0x2d: {  	[tilespmem:s26], [sflag:$0x1] =	stream.indirect_vreg.gather [hbm4b:s12+s24], $0x80, v2, vm0, $0xb8;
	[tilespmem:$0x18200] =	vst v63  }
0x2e: {  	s26 =	simm.s32 $0x3200  }
0x2f: {  	[tilespmem:s26], [sflag:$0x1] =	stream.indirect_vreg.gather [hbm4b:s13+s24], $0x80, v2, vm0, $0xb8;
	[tilespmem:$0x18200] =	vst v63  }
0x30: {  	s26 =	simm.s32 $0x3A00  }
0x31: {  	[tilespmem:s26], [sflag:$0x1] =	stream.indirect_vreg.gather [hbm4b:s14+s24], $0x80, v2, vm0, $0xb8;
	[tilespmem:$0x18200] =	vst v63  }
0x32: {  	s26 =	simm.s32 $0x4200  }
0x33: {  	[tilespmem:s26], [sflag:$0x1] =	stream.indirect_vreg.gather [hbm4b:s15+s24], $0x80, v2, vm0, $0xb8;
	[tilespmem:$0x18200] =	vst v63  }
0x34: {  	s26 =	simm.s32 $0x4A00  }
0x35: {  	[tilespmem:s26], [sflag:$0x1] =	stream.indirect_vreg.gather [hbm4b:s16+s24], $0x80, v2, vm0, $0xb8;
	[tilespmem:$0x18200] =	vst v63  }
0x36: {  	s26 =	simm.s32 $0x5200  }
0x37: {  	[tilespmem:s26], [sflag:$0x1] =	stream.indirect_vreg.gather [hbm4b:s17+s24], $0x80, v2, vm0, $0xb8;
	[tilespmem:$0x18200] =	vst v63  }
0x38: {  	s26 =	simm.s32 $0x5A00  }
0x39: {  	[tilespmem:s26], [sflag:$0x1] =	stream.indirect_vreg.gather [hbm4b:s18+s24], $0x80, v2, vm0, $0xb8;
	[tilespmem:$0x18200] =	vst v63  }
0x3a: {  	s26 =	simm.s32 $0x6200  }
0x3b: {  	[tilespmem:s26], [sflag:$0x1] =	stream.indirect_vreg.gather [hbm4b:s19+s24], $0x80, v2, vm0, $0xb8;
	[tilespmem:$0x18200] =	vst v63  }
0x3c: {  	s26 =	simm.s32 $0x6A00  }
0x3d: {  	[tilespmem:s26], [sflag:$0x1] =	stream.indirect_vreg.gather [hbm4b:s20+s24], $0x80, v2, vm0, $0xb8;
	[tilespmem:$0x18200] =	vst v63  }
0x3e: {  	s26 =	simm.s32 $0x7200  }
0x3f: {  	[tilespmem:s26], [sflag:$0x1] =	stream.indirect_vreg.gather [hbm4b:s21+s24], $0x80, v2, vm0, $0xb8;
	[tilespmem:$0x18200] =	vst v63  }
0x40: {  	s26 =	sor.u32 s6, s30  }
0x41: {  	s1 =	simm.s32 $0x7A00;
	s31 =	sshll.u32 s26, $0x9;
	s26 =	rddreg [dreg:$0x1]  }
0x42: {  	[tilespmem:s1], [sflag:$0x1] =	stream.indirect_vreg.gather [hbm4b:s22+s24], $0x80, v2, vm0, $0xb8;
	[tilespmem:$0x18200] =	vst v63  }
0x43: {  	s26 =	sadd.s32 s26, s31  }
0x44: {  	[tilespmem:s0], [sflag:$0x2] =	stream.linear.gather [hbm4b:s26+s24], $0x8000, $0x38;
	[tilespmem:$0x18200] =	vst v63  }
0x45: {  	_ =	swait.ge [sflag:s2], $0x8000  }
0x46: {  	[sflag:s2] =	ssyncset.done $0x0  }
0x47: {  	[sflag:s2] =	ssyncadd.s32 $0xFFFF8000  }
0x48: {  	_ =	swait.ge [sflag:s7], $0x8000  }
0x49: {  	[sflag:s7] =	ssyncset.done $0x0  }
0x4a: {  	s24 =	simm.s32 $0x0;
	[sflag:s7] =	ssyncadd.s32 $0xFFFF8000  }
0x4b: {  	v9 =	vld [tilespmem:s24+$0x10200]  }
0x4c: {  	v13 =	vld [tilespmem:s24+$0x10210]  }
0x4d: {  	v7 =	vld [tilespmem:s24+$0x10220]  }
0x4e: {  	v6 =	vld [tilespmem:s24+$0x10230]  }
0x4f: {  	v5 =	vld [tilespmem:s24+$0x10240]  }
0x50: {  	v4 =	vld [tilespmem:s24+$0x10250]  }
0x51: {  	v3 =	vld [tilespmem:s24+$0x10260]  }
0x52: {  	v2 =	vld [tilespmem:s24+$0x10270]  }
0x53: {  	v14 =	vld [tilespmem:s24+$0x200]  }
0x54: {  	v15 =	vld [tilespmem:s24+$0x210]  }
0x55: {  	v12 =	vld [tilespmem:s24+$0x220]  }
0x56: {  	v11 =	vld [tilespmem:s24+$0x230]  }
0x57: {  	v10 =	vld [tilespmem:s24+$0x240]  }
0x58: {  	v8 =	vld [tilespmem:s24+$0x250];
	v14 =	vadd.f32 v9, v14  }
0x59: {  	s28 =	simm.s32 $0x1000;
	s26 =	simm.s32 $0x0;
	v13 =	vadd.f32 v13, v15;
	v9 =	vld [tilespmem:s24+$0x260]  }
.LBB2_3:
0x5a: {  	s1 =	sshra.s32 s28, $0x2;
	p1 =	sne.s32 s28, $0x1F000;
	[tilespmem:s26+$0x200] =	vst v14;
	v7 =	vadd.f32 v7, v12;
	v12 =	vld [tilespmem:s26+$0x270]  }
0x5b: {  	v14 =	vld [tilespmem:s1+$0x10200];
	[tilespmem:s26+$0x210] =	vst v13;
	v6 =	vadd.f32 v6, v11  }
0x5c: {  	v13 =	vld [tilespmem:s1+$0x10210];
	[tilespmem:s26+$0x220] =	vst v7;
	v5 =	vadd.f32 v5, v10  }
0x5d: {  	v7 =	vld [tilespmem:s1+$0x10220];
	[tilespmem:s26+$0x230] =	vst v6;
	v4 =	vadd.f32 v4, v8  }
0x5e: {  	v6 =	vld [tilespmem:s1+$0x10230];
	[tilespmem:s26+$0x240] =	vst v5;
	v3 =	vadd.f32 v3, v9  }
0x5f: {  	v5 =	vld [tilespmem:s1+$0x10240];
	[tilespmem:s26+$0x250] =	vst v4;
	v2 =	vadd.f32 v2, v12  }
0x60: {  	v4 =	vld [tilespmem:s1+$0x10250];
	[tilespmem:s26+$0x260] =	vst v3  }
0x61: {  	v3 =	vld [tilespmem:s1+$0x10260];
	[tilespmem:s26+$0x270] =	vst v2;
	s26 =	smov.u32 s1  }
0x62: {  	v2 =	vld [tilespmem:s26+$0x10270]  }
0x63: {  	v8 =	vld [tilespmem:s26+$0x200]  }
0x64: {  	v9 =	vld [tilespmem:s26+$0x210]  }
.Ltmp0:
0x65: {  	v12 =	vld [tilespmem:s26+$0x220];
	(pc) =	sbr.rel @p1 .LBB2_3-.Ltmp0, $4  }
0x66: {  	v11 =	vld [tilespmem:s26+$0x230]  }
0x67: {  	v10 =	vld [tilespmem:s26+$0x240]  }
0x68: {  	v14 =	vadd.f32 v14, v8;
	v8 =	vld [tilespmem:s26+$0x250]  }
0x69: {  	s28 =	sadd.s32 $0x1000, s28;
	v13 =	vadd.f32 v13, v9;
	v9 =	vld [tilespmem:s26+$0x260]  }
0x6a: {  	[tilespmem:s26+$0x200] =	vst v14;
	v7 =	vadd.f32 v7, v12;
	v12 =	vld [tilespmem:s26+$0x270]  }
0x6b: {  	[tilespmem:s26+$0x210] =	vst v13;
	v6 =	vadd.f32 v6, v11  }
0x6c: {  	[tilespmem:s26+$0x220] =	vst v7;
	v5 =	vadd.f32 v5, v10  }
0x6d: {  	[tilespmem:s26+$0x230] =	vst v6;
	v4 =	vadd.f32 v4, v8  }
0x6e: {  	[tilespmem:s26+$0x240] =	vst v5;
	v3 =	vadd.f32 v3, v9  }
0x6f: {  	[tilespmem:s26+$0x250] =	vst v4;
	v2 =	vadd.f32 v2, v12  }
0x70: {  	[tilespmem:s26+$0x260] =	vst v3  }
0x71: {  	[tilespmem:s26+$0x270] =	vst v2  }
0x72: {  	v9 =	vld [tilespmem:s24+$0x10280]  }
0x73: {  	v13 =	vld [tilespmem:s24+$0x10290]  }
0x74: {  	v7 =	vld [tilespmem:s24+$0x102A0]  }
0x75: {  	v6 =	vld [tilespmem:s24+$0x102B0]  }
0x76: {  	v5 =	vld [tilespmem:s24+$0x102C0]  }
0x77: {  	v4 =	vld [tilespmem:s24+$0x102D0]  }
0x78: {  	v3 =	vld [tilespmem:s24+$0x102E0]  }
0x79: {  	v2 =	vld [tilespmem:s24+$0x102F0]  }
0x7a: {  	v14 =	vld [tilespmem:s24+$0x280]  }
0x7b: {  	v15 =	vld [tilespmem:s24+$0x290]  }
0x7c: {  	v12 =	vld [tilespmem:s24+$0x2A0]  }
0x7d: {  	v11 =	vld [tilespmem:s24+$0x2B0]  }
0x7e: {  	v10 =	vld [tilespmem:s24+$0x2C0]  }
0x7f: {  	v8 =	vld [tilespmem:s24+$0x2D0];
	v14 =	vadd.f32 v9, v14  }
0x80: {  	s26 =	simm.s32 $0x1000;
	v13 =	vadd.f32 v13, v15;
	v9 =	vld [tilespmem:s24+$0x2E0]  }
.LBB2_5:
0x81: {  	s1 =	sshra.s32 s26, $0x2;
	p1 =	sne.s32 s26, $0x1F000;
	[tilespmem:s24+$0x280] =	vst v14;
	v7 =	vadd.f32 v7, v12;
	v12 =	vld [tilespmem:s24+$0x2F0]  }
0x82: {  	v14 =	vld [tilespmem:s1+$0x10280];
	[tilespmem:s24+$0x290] =	vst v13;
	v6 =	vadd.f32 v6, v11  }
0x83: {  	v13 =	vld [tilespmem:s1+$0x10290];
	[tilespmem:s24+$0x2A0] =	vst v7;
	v5 =	vadd.f32 v5, v10  }
0x84: {  	v7 =	vld [tilespmem:s1+$0x102A0];
	[tilespmem:s24+$0x2B0] =	vst v6;
	v4 =	vadd.f32 v4, v8  }
0x85: {  	v6 =	vld [tilespmem:s1+$0x102B0];
	[tilespmem:s24+$0x2C0] =	vst v5;
	v3 =	vadd.f32 v3, v9  }
0x86: {  	v5 =	vld [tilespmem:s1+$0x102C0];
	[tilespmem:s24+$0x2D0] =	vst v4;
	v2 =	vadd.f32 v2, v12  }
0x87: {  	v4 =	vld [tilespmem:s1+$0x102D0];
	[tilespmem:s24+$0x2E0] =	vst v3  }
0x88: {  	v3 =	vld [tilespmem:s1+$0x102E0];
	[tilespmem:s24+$0x2F0] =	vst v2;
	s24 =	smov.u32 s1  }
0x89: {  	v2 =	vld [tilespmem:s24+$0x102F0]  }
0x8a: {  	v8 =	vld [tilespmem:s24+$0x280]  }
0x8b: {  	v9 =	vld [tilespmem:s24+$0x290]  }
.Ltmp1:
0x8c: {  	v12 =	vld [tilespmem:s24+$0x2A0];
	(pc) =	sbr.rel @p1 .LBB2_5-.Ltmp1, $4  }
0x8d: {  	v11 =	vld [tilespmem:s24+$0x2B0]  }
0x8e: {  	v10 =	vld [tilespmem:s24+$0x2C0]  }
0x8f: {  	v14 =	vadd.f32 v14, v8;
	v8 =	vld [tilespmem:s24+$0x2D0]  }
0x90: {  	s26 =	sadd.s32 $0x1000, s26;
	v13 =	vadd.f32 v13, v9;
	v9 =	vld [tilespmem:s24+$0x2E0]  }
0x91: {  	[tilespmem:s24+$0x280] =	vst v14;
	v7 =	vadd.f32 v7, v12;
	v12 =	vld [tilespmem:s24+$0x2F0]  }
0x92: {  	[tilespmem:s24+$0x290] =	vst v13;
	v6 =	vadd.f32 v6, v11  }
0x93: {  	[tilespmem:s24+$0x2A0] =	vst v7;
	v5 =	vadd.f32 v5, v10  }
0x94: {  	[tilespmem:s24+$0x2B0] =	vst v6;
	v4 =	vadd.f32 v4, v8  }
0x95: {  	[tilespmem:s24+$0x2C0] =	vst v5;
	v3 =	vadd.f32 v3, v9  }
0x96: {  	[tilespmem:s24+$0x2D0] =	vst v4;
	v2 =	vadd.f32 v2, v12  }
0x97: {  	[tilespmem:s24+$0x2E0] =	vst v3  }
0x98: {  	[tilespmem:s24+$0x2F0] =	vst v2;
	s24 =	simm.s32 $0x0  }
0x99: {  	v9 =	vld [tilespmem:s24+$0x10300]  }
0x9a: {  	v13 =	vld [tilespmem:s24+$0x10310]  }
0x9b: {  	v7 =	vld [tilespmem:s24+$0x10320]  }
0x9c: {  	v6 =	vld [tilespmem:s24+$0x10330]  }
0x9d: {  	v5 =	vld [tilespmem:s24+$0x10340]  }
0x9e: {  	v4 =	vld [tilespmem:s24+$0x10350]  }
0x9f: {  	v3 =	vld [tilespmem:s24+$0x10360]  }
0xa0: {  	v2 =	vld [tilespmem:s24+$0x10370]  }
0xa1: {  	v14 =	vld [tilespmem:s24+$0x300]  }
0xa2: {  	v15 =	vld [tilespmem:s24+$0x310]  }
0xa3: {  	v12 =	vld [tilespmem:s24+$0x320]  }
0xa4: {  	v11 =	vld [tilespmem:s24+$0x330]  }
0xa5: {  	v10 =	vld [tilespmem:s24+$0x340]  }
0xa6: {  	v8 =	vld [tilespmem:s24+$0x350];
	v14 =	vadd.f32 v9, v14  }
0xa7: {  	s28 =	simm.s32 $0x1000;
	s26 =	simm.s32 $0x0;
	v13 =	vadd.f32 v13, v15;
	v9 =	vld [tilespmem:s24+$0x360]  }
.LBB2_7:
0xa8: {  	s1 =	sshra.s32 s28, $0x2;
	p1 =	sne.s32 s28, $0x1F000;
	[tilespmem:s26+$0x300] =	vst v14;
	v7 =	vadd.f32 v7, v12;
	v12 =	vld [tilespmem:s26+$0x370]  }
0xa9: {  	v14 =	vld [tilespmem:s1+$0x10300];
	[tilespmem:s26+$0x310] =	vst v13;
	v6 =	vadd.f32 v6, v11  }
0xaa: {  	v13 =	vld [tilespmem:s1+$0x10310];
	[tilespmem:s26+$0x320] =	vst v7;
	v5 =	vadd.f32 v5, v10  }
0xab: {  	v7 =	vld [tilespmem:s1+$0x10320];
	[tilespmem:s26+$0x330] =	vst v6;
	v4 =	vadd.f32 v4, v8  }
0xac: {  	v6 =	vld [tilespmem:s1+$0x10330];
	[tilespmem:s26+$0x340] =	vst v5;
	v3 =	vadd.f32 v3, v9  }
0xad: {  	v5 =	vld [tilespmem:s1+$0x10340];
	[tilespmem:s26+$0x350] =	vst v4;
	v2 =	vadd.f32 v2, v12  }
0xae: {  	v4 =	vld [tilespmem:s1+$0x10350];
	[tilespmem:s26+$0x360] =	vst v3  }
0xaf: {  	v3 =	vld [tilespmem:s1+$0x10360];
	[tilespmem:s26+$0x370] =	vst v2;
	s26 =	smov.u32 s1  }
0xb0: {  	v2 =	vld [tilespmem:s26+$0x10370]  }
0xb1: {  	v8 =	vld [tilespmem:s26+$0x300]  }
0xb2: {  	v9 =	vld [tilespmem:s26+$0x310]  }
.Ltmp2:
0xb3: {  	v12 =	vld [tilespmem:s26+$0x320];
	(pc) =	sbr.rel @p1 .LBB2_7-.Ltmp2, $4  }
0xb4: {  	v11 =	vld [tilespmem:s26+$0x330]  }
0xb5: {  	v10 =	vld [tilespmem:s26+$0x340]  }
0xb6: {  	v14 =	vadd.f32 v14, v8;
	v8 =	vld [tilespmem:s26+$0x350]  }
0xb7: {  	s28 =	sadd.s32 $0x1000, s28;
	v13 =	vadd.f32 v13, v9;
	v9 =	vld [tilespmem:s26+$0x360]  }
0xb8: {  	[tilespmem:s26+$0x300] =	vst v14;
	v7 =	vadd.f32 v7, v12;
	v12 =	vld [tilespmem:s26+$0x370]  }
0xb9: {  	[tilespmem:s26+$0x310] =	vst v13;
	v6 =	vadd.f32 v6, v11  }
0xba: {  	[tilespmem:s26+$0x320] =	vst v7;
	v5 =	vadd.f32 v5, v10  }
0xbb: {  	[tilespmem:s26+$0x330] =	vst v6;
	v4 =	vadd.f32 v4, v8  }
0xbc: {  	[tilespmem:s26+$0x340] =	vst v5;
	v3 =	vadd.f32 v3, v9  }
0xbd: {  	[tilespmem:s26+$0x350] =	vst v4;
	v2 =	vadd.f32 v2, v12  }
0xbe: {  	[tilespmem:s26+$0x360] =	vst v3  }
0xbf: {  	[tilespmem:s26+$0x370] =	vst v2  }
0xc0: {  	v9 =	vld [tilespmem:s24+$0x10380]  }
0xc1: {  	v13 =	vld [tilespmem:s24+$0x10390]  }
0xc2: {  	v7 =	vld [tilespmem:s24+$0x103A0]  }
0xc3: {  	v6 =	vld [tilespmem:s24+$0x103B0]  }
0xc4: {  	v5 =	vld [tilespmem:s24+$0x103C0]  }
0xc5: {  	v4 =	vld [tilespmem:s24+$0x103D0]  }
0xc6: {  	v3 =	vld [tilespmem:s24+$0x103E0]  }
0xc7: {  	v2 =	vld [tilespmem:s24+$0x103F0]  }
0xc8: {  	v14 =	vld [tilespmem:s24+$0x380]  }
0xc9: {  	v15 =	vld [tilespmem:s24+$0x390]  }
0xca: {  	v12 =	vld [tilespmem:s24+$0x3A0]  }
0xcb: {  	v11 =	vld [tilespmem:s24+$0x3B0]  }
0xcc: {  	v10 =	vld [tilespmem:s24+$0x3C0]  }
0xcd: {  	v8 =	vld [tilespmem:s24+$0x3D0];
	v14 =	vadd.f32 v9, v14  }
0xce: {  	s26 =	simm.s32 $0x1000;
	v13 =	vadd.f32 v13, v15;
	v9 =	vld [tilespmem:s24+$0x3E0]  }
.LBB2_9:
0xcf: {  	s1 =	sshra.s32 s26, $0x2;
	p1 =	sne.s32 s26, $0x1F000;
	[tilespmem:s24+$0x380] =	vst v14;
	v7 =	vadd.f32 v7, v12;
	v12 =	vld [tilespmem:s24+$0x3F0]  }
0xd0: {  	v14 =	vld [tilespmem:s1+$0x10380];
	[tilespmem:s24+$0x390] =	vst v13;
	v6 =	vadd.f32 v6, v11  }
0xd1: {  	v13 =	vld [tilespmem:s1+$0x10390];
	[tilespmem:s24+$0x3A0] =	vst v7;
	v5 =	vadd.f32 v5, v10  }
0xd2: {  	v7 =	vld [tilespmem:s1+$0x103A0];
	[tilespmem:s24+$0x3B0] =	vst v6;
	v4 =	vadd.f32 v4, v8  }
0xd3: {  	v6 =	vld [tilespmem:s1+$0x103B0];
	[tilespmem:s24+$0x3C0] =	vst v5;
	v3 =	vadd.f32 v3, v9  }
0xd4: {  	v5 =	vld [tilespmem:s1+$0x103C0];
	[tilespmem:s24+$0x3D0] =	vst v4;
	v2 =	vadd.f32 v2, v12  }
0xd5: {  	v4 =	vld [tilespmem:s1+$0x103D0];
	[tilespmem:s24+$0x3E0] =	vst v3  }
0xd6: {  	v3 =	vld [tilespmem:s1+$0x103E0];
	[tilespmem:s24+$0x3F0] =	vst v2;
	s24 =	smov.u32 s1  }
0xd7: {  	v2 =	vld [tilespmem:s24+$0x103F0]  }
0xd8: {  	v8 =	vld [tilespmem:s24+$0x380]  }
0xd9: {  	v9 =	vld [tilespmem:s24+$0x390]  }
.Ltmp3:
0xda: {  	v12 =	vld [tilespmem:s24+$0x3A0];
	(pc) =	sbr.rel @p1 .LBB2_9-.Ltmp3, $4  }
0xdb: {  	v11 =	vld [tilespmem:s24+$0x3B0]  }
0xdc: {  	v10 =	vld [tilespmem:s24+$0x3C0]  }
0xdd: {  	v14 =	vadd.f32 v14, v8;
	v8 =	vld [tilespmem:s24+$0x3D0]  }
0xde: {  	s26 =	sadd.s32 $0x1000, s26;
	v13 =	vadd.f32 v13, v9;
	v9 =	vld [tilespmem:s24+$0x3E0]  }
0xdf: {  	[tilespmem:s24+$0x380] =	vst v14;
	v7 =	vadd.f32 v7, v12;
	v12 =	vld [tilespmem:s24+$0x3F0]  }
0xe0: {  	[tilespmem:s24+$0x390] =	vst v13;
	v6 =	vadd.f32 v6, v11  }
0xe1: {  	[tilespmem:s24+$0x3A0] =	vst v7;
	v5 =	vadd.f32 v5, v10  }
0xe2: {  	[tilespmem:s24+$0x3B0] =	vst v6;
	v4 =	vadd.f32 v4, v8  }
0xe3: {  	[tilespmem:s24+$0x3C0] =	vst v5;
	v3 =	vadd.f32 v3, v9  }
0xe4: {  	[tilespmem:s24+$0x3D0] =	vst v4;
	v2 =	vadd.f32 v2, v12  }
0xe5: {  	[tilespmem:s24+$0x3E0] =	vst v3  }
0xe6: {  	[tilespmem:s24+$0x3F0] =	vst v2;
	s24 =	simm.s32 $0x0  }
0xe7: {  	v9 =	vld [tilespmem:s24+$0x10400]  }
0xe8: {  	v13 =	vld [tilespmem:s24+$0x10410]  }
0xe9: {  	v7 =	vld [tilespmem:s24+$0x10420]  }
0xea: {  	v6 =	vld [tilespmem:s24+$0x10430]  }
0xeb: {  	v5 =	vld [tilespmem:s24+$0x10440]  }
0xec: {  	v4 =	vld [tilespmem:s24+$0x10450]  }
0xed: {  	v3 =	vld [tilespmem:s24+$0x10460]  }
0xee: {  	v2 =	vld [tilespmem:s24+$0x10470]  }
0xef: {  	v14 =	vld [tilespmem:s24+$0x400]  }
0xf0: {  	v15 =	vld [tilespmem:s24+$0x410]  }
0xf1: {  	v12 =	vld [tilespmem:s24+$0x420]  }
0xf2: {  	v11 =	vld [tilespmem:s24+$0x430]  }
0xf3: {  	v10 =	vld [tilespmem:s24+$0x440]  }
0xf4: {  	v8 =	vld [tilespmem:s24+$0x450];
	v14 =	vadd.f32 v9, v14  }
0xf5: {  	s28 =	simm.s32 $0x1000;
	s26 =	simm.s32 $0x0;
	v13 =	vadd.f32 v13, v15;
	v9 =	vld [tilespmem:s24+$0x460]  }
.LBB2_11:
0xf6: {  	s1 =	sshra.s32 s28, $0x2;
	p1 =	sne.s32 s28, $0x1F000;
	[tilespmem:s26+$0x400] =	vst v14;
	v7 =	vadd.f32 v7, v12;
	v12 =	vld [tilespmem:s26+$0x470]  }
0xf7: {  	v14 =	vld [tilespmem:s1+$0x10400];
	[tilespmem:s26+$0x410] =	vst v13;
	v6 =	vadd.f32 v6, v11  }
0xf8: {  	v13 =	vld [tilespmem:s1+$0x10410];
	[tilespmem:s26+$0x420] =	vst v7;
	v5 =	vadd.f32 v5, v10  }
0xf9: {  	v7 =	vld [tilespmem:s1+$0x10420];
	[tilespmem:s26+$0x430] =	vst v6;
	v4 =	vadd.f32 v4, v8  }
0xfa: {  	v6 =	vld [tilespmem:s1+$0x10430];
	[tilespmem:s26+$0x440] =	vst v5;
	v3 =	vadd.f32 v3, v9  }
0xfb: {  	v5 =	vld [tilespmem:s1+$0x10440];
	[tilespmem:s26+$0x450] =	vst v4;
	v2 =	vadd.f32 v2, v12  }
0xfc: {  	v4 =	vld [tilespmem:s1+$0x10450];
	[tilespmem:s26+$0x460] =	vst v3  }
0xfd: {  	v3 =	vld [tilespmem:s1+$0x10460];
	[tilespmem:s26+$0x470] =	vst v2;
	s26 =	smov.u32 s1  }
0xfe: {  	v2 =	vld [tilespmem:s26+$0x10470]  }
0xff: {  	v8 =	vld [tilespmem:s26+$0x400]  }
0x100: {  	v9 =	vld [tilespmem:s26+$0x410]  }
.Ltmp4:
0x101: {  	v12 =	vld [tilespmem:s26+$0x420];
	(pc) =	sbr.rel @p1 .LBB2_11-.Ltmp4, $4  }
0x102: {  	v11 =	vld [tilespmem:s26+$0x430]  }
0x103: {  	v10 =	vld [tilespmem:s26+$0x440]  }
0x104: {  	v14 =	vadd.f32 v14, v8;
	v8 =	vld [tilespmem:s26+$0x450]  }
0x105: {  	s28 =	sadd.s32 $0x1000, s28;
	v13 =	vadd.f32 v13, v9;
	v9 =	vld [tilespmem:s26+$0x460]  }
0x106: {  	[tilespmem:s26+$0x400] =	vst v14;
	v7 =	vadd.f32 v7, v12;
	v12 =	vld [tilespmem:s26+$0x470]  }
0x107: {  	[tilespmem:s26+$0x410] =	vst v13;
	v6 =	vadd.f32 v6, v11  }
0x108: {  	[tilespmem:s26+$0x420] =	vst v7;
	v5 =	vadd.f32 v5, v10  }
0x109: {  	[tilespmem:s26+$0x430] =	vst v6;
	v4 =	vadd.f32 v4, v8  }
0x10a: {  	[tilespmem:s26+$0x440] =	vst v5;
	v3 =	vadd.f32 v3, v9  }
0x10b: {  	[tilespmem:s26+$0x450] =	vst v4;
	v2 =	vadd.f32 v2, v12  }
0x10c: {  	[tilespmem:s26+$0x460] =	vst v3  }
0x10d: {  	[tilespmem:s26+$0x470] =	vst v2  }
0x10e: {  	v9 =	vld [tilespmem:s24+$0x10480]  }
0x10f: {  	v13 =	vld [tilespmem:s24+$0x10490]  }
0x110: {  	v7 =	vld [tilespmem:s24+$0x104A0]  }
0x111: {  	v6 =	vld [tilespmem:s24+$0x104B0]  }
0x112: {  	v5 =	vld [tilespmem:s24+$0x104C0]  }
0x113: {  	v4 =	vld [tilespmem:s24+$0x104D0]  }
0x114: {  	v3 =	vld [tilespmem:s24+$0x104E0]  }
0x115: {  	v2 =	vld [tilespmem:s24+$0x104F0]  }
0x116: {  	v14 =	vld [tilespmem:s24+$0x480]  }
0x117: {  	v15 =	vld [tilespmem:s24+$0x490]  }
0x118: {  	v12 =	vld [tilespmem:s24+$0x4A0]  }
0x119: {  	v11 =	vld [tilespmem:s24+$0x4B0]  }
0x11a: {  	v10 =	vld [tilespmem:s24+$0x4C0]  }
0x11b: {  	v8 =	vld [tilespmem:s24+$0x4D0];
	v14 =	vadd.f32 v9, v14  }
0x11c: {  	s26 =	simm.s32 $0x1000;
	v13 =	vadd.f32 v13, v15;
	v9 =	vld [tilespmem:s24+$0x4E0]  }
.LBB2_13:
0x11d: {  	s1 =	sshra.s32 s26, $0x2;
	p1 =	sne.s32 s26, $0x1F000;
	[tilespmem:s24+$0x480] =	vst v14;
	v7 =	vadd.f32 v7, v12;
	v12 =	vld [tilespmem:s24+$0x4F0]  }
0x11e: {  	v14 =	vld [tilespmem:s1+$0x10480];
	[tilespmem:s24+$0x490] =	vst v13;
	v6 =	vadd.f32 v6, v11  }
0x11f: {  	v13 =	vld [tilespmem:s1+$0x10490];
	[tilespmem:s24+$0x4A0] =	vst v7;
	v5 =	vadd.f32 v5, v10  }
0x120: {  	v7 =	vld [tilespmem:s1+$0x104A0];
	[tilespmem:s24+$0x4B0] =	vst v6;
	v4 =	vadd.f32 v4, v8  }
0x121: {  	v6 =	vld [tilespmem:s1+$0x104B0];
	[tilespmem:s24+$0x4C0] =	vst v5;
	v3 =	vadd.f32 v3, v9  }
0x122: {  	v5 =	vld [tilespmem:s1+$0x104C0];
	[tilespmem:s24+$0x4D0] =	vst v4;
	v2 =	vadd.f32 v2, v12  }
0x123: {  	v4 =	vld [tilespmem:s1+$0x104D0];
	[tilespmem:s24+$0x4E0] =	vst v3  }
0x124: {  	v3 =	vld [tilespmem:s1+$0x104E0];
	[tilespmem:s24+$0x4F0] =	vst v2;
	s24 =	smov.u32 s1  }
0x125: {  	v2 =	vld [tilespmem:s24+$0x104F0]  }
0x126: {  	v8 =	vld [tilespmem:s24+$0x480]  }
0x127: {  	v9 =	vld [tilespmem:s24+$0x490]  }
.Ltmp5:
0x128: {  	v12 =	vld [tilespmem:s24+$0x4A0];
	(pc) =	sbr.rel @p1 .LBB2_13-.Ltmp5, $4  }
0x129: {  	v11 =	vld [tilespmem:s24+$0x4B0]  }
0x12a: {  	v10 =	vld [tilespmem:s24+$0x4C0]  }
0x12b: {  	v14 =	vadd.f32 v14, v8;
	v8 =	vld [tilespmem:s24+$0x4D0]  }
0x12c: {  	s26 =	sadd.s32 $0x1000, s26;
	v13 =	vadd.f32 v13, v9;
	v9 =	vld [tilespmem:s24+$0x4E0]  }
0x12d: {  	[tilespmem:s24+$0x480] =	vst v14;
	v7 =	vadd.f32 v7, v12;
	v12 =	vld [tilespmem:s24+$0x4F0]  }
0x12e: {  	[tilespmem:s24+$0x490] =	vst v13;
	v6 =	vadd.f32 v6, v11  }
0x12f: {  	[tilespmem:s24+$0x4A0] =	vst v7;
	v5 =	vadd.f32 v5, v10  }
0x130: {  	[tilespmem:s24+$0x4B0] =	vst v6;
	v4 =	vadd.f32 v4, v8  }
0x131: {  	[tilespmem:s24+$0x4C0] =	vst v5;
	v3 =	vadd.f32 v3, v9  }
0x132: {  	[tilespmem:s24+$0x4D0] =	vst v4;
	v2 =	vadd.f32 v2, v12  }
0x133: {  	[tilespmem:s24+$0x4E0] =	vst v3  }
0x134: {  	[tilespmem:s24+$0x4F0] =	vst v2;
	s24 =	simm.s32 $0x0  }
0x135: {  	v9 =	vld [tilespmem:s24+$0x10500]  }
0x136: {  	v13 =	vld [tilespmem:s24+$0x10510]  }
0x137: {  	v7 =	vld [tilespmem:s24+$0x10520]  }
0x138: {  	v6 =	vld [tilespmem:s24+$0x10530]  }
0x139: {  	v5 =	vld [tilespmem:s24+$0x10540]  }
0x13a: {  	v4 =	vld [tilespmem:s24+$0x10550]  }
0x13b: {  	v3 =	vld [tilespmem:s24+$0x10560]  }
0x13c: {  	v2 =	vld [tilespmem:s24+$0x10570]  }
0x13d: {  	v14 =	vld [tilespmem:s24+$0x500]  }
0x13e: {  	v15 =	vld [tilespmem:s24+$0x510]  }
0x13f: {  	v12 =	vld [tilespmem:s24+$0x520]  }
0x140: {  	v11 =	vld [tilespmem:s24+$0x530]  }
0x141: {  	v10 =	vld [tilespmem:s24+$0x540]  }
0x142: {  	v8 =	vld [tilespmem:s24+$0x550];
	v14 =	vadd.f32 v9, v14  }
0x143: {  	s28 =	simm.s32 $0x1000;
	s26 =	simm.s32 $0x0;
	v13 =	vadd.f32 v13, v15;
	v9 =	vld [tilespmem:s24+$0x560]  }
.LBB2_15:
0x144: {  	s1 =	sshra.s32 s28, $0x2;
	p1 =	sne.s32 s28, $0x1F000;
	[tilespmem:s26+$0x500] =	vst v14;
	v7 =	vadd.f32 v7, v12;
	v12 =	vld [tilespmem:s26+$0x570]  }
0x145: {  	v14 =	vld [tilespmem:s1+$0x10500];
	[tilespmem:s26+$0x510] =	vst v13;
	v6 =	vadd.f32 v6, v11  }
0x146: {  	v13 =	vld [tilespmem:s1+$0x10510];
	[tilespmem:s26+$0x520] =	vst v7;
	v5 =	vadd.f32 v5, v10  }
0x147: {  	v7 =	vld [tilespmem:s1+$0x10520];
	[tilespmem:s26+$0x530] =	vst v6;
	v4 =	vadd.f32 v4, v8  }
0x148: {  	v6 =	vld [tilespmem:s1+$0x10530];
	[tilespmem:s26+$0x540] =	vst v5;
	v3 =	vadd.f32 v3, v9  }
0x149: {  	v5 =	vld [tilespmem:s1+$0x10540];
	[tilespmem:s26+$0x550] =	vst v4;
	v2 =	vadd.f32 v2, v12  }
0x14a: {  	v4 =	vld [tilespmem:s1+$0x10550];
	[tilespmem:s26+$0x560] =	vst v3  }
0x14b: {  	v3 =	vld [tilespmem:s1+$0x10560];
	[tilespmem:s26+$0x570] =	vst v2;
	s26 =	smov.u32 s1  }
0x14c: {  	v2 =	vld [tilespmem:s26+$0x10570]  }
0x14d: {  	v8 =	vld [tilespmem:s26+$0x500]  }
0x14e: {  	v9 =	vld [tilespmem:s26+$0x510]  }
.Ltmp6:
0x14f: {  	v12 =	vld [tilespmem:s26+$0x520];
	(pc) =	sbr.rel @p1 .LBB2_15-.Ltmp6, $4  }
0x150: {  	v11 =	vld [tilespmem:s26+$0x530]  }
0x151: {  	v10 =	vld [tilespmem:s26+$0x540]  }
0x152: {  	v14 =	vadd.f32 v14, v8;
	v8 =	vld [tilespmem:s26+$0x550]  }
0x153: {  	s28 =	sadd.s32 $0x1000, s28;
	v13 =	vadd.f32 v13, v9;
	v9 =	vld [tilespmem:s26+$0x560]  }
0x154: {  	[tilespmem:s26+$0x500] =	vst v14;
	v7 =	vadd.f32 v7, v12;
	v12 =	vld [tilespmem:s26+$0x570]  }
0x155: {  	[tilespmem:s26+$0x510] =	vst v13;
	v6 =	vadd.f32 v6, v11  }
0x156: {  	[tilespmem:s26+$0x520] =	vst v7;
	v5 =	vadd.f32 v5, v10  }
0x157: {  	[tilespmem:s26+$0x530] =	vst v6;
	v4 =	vadd.f32 v4, v8  }
0x158: {  	[tilespmem:s26+$0x540] =	vst v5;
	v3 =	vadd.f32 v3, v9  }
0x159: {  	[tilespmem:s26+$0x550] =	vst v4;
	v2 =	vadd.f32 v2, v12  }
0x15a: {  	[tilespmem:s26+$0x560] =	vst v3  }
0x15b: {  	[tilespmem:s26+$0x570] =	vst v2  }
0x15c: {  	v9 =	vld [tilespmem:s24+$0x10580]  }
0x15d: {  	v13 =	vld [tilespmem:s24+$0x10590]  }
0x15e: {  	v7 =	vld [tilespmem:s24+$0x105A0]  }
0x15f: {  	v6 =	vld [tilespmem:s24+$0x105B0]  }
0x160: {  	v5 =	vld [tilespmem:s24+$0x105C0]  }
0x161: {  	v4 =	vld [tilespmem:s24+$0x105D0]  }
0x162: {  	v3 =	vld [tilespmem:s24+$0x105E0]  }
0x163: {  	v2 =	vld [tilespmem:s24+$0x105F0]  }
0x164: {  	v14 =	vld [tilespmem:s24+$0x580]  }
0x165: {  	v15 =	vld [tilespmem:s24+$0x590]  }
0x166: {  	v12 =	vld [tilespmem:s24+$0x5A0]  }
0x167: {  	v11 =	vld [tilespmem:s24+$0x5B0]  }
0x168: {  	v10 =	vld [tilespmem:s24+$0x5C0]  }
0x169: {  	v8 =	vld [tilespmem:s24+$0x5D0];
	v14 =	vadd.f32 v9, v14  }
0x16a: {  	s26 =	simm.s32 $0x1000;
	v13 =	vadd.f32 v13, v15;
	v9 =	vld [tilespmem:s24+$0x5E0]  }
.LBB2_17:
0x16b: {  	s1 =	sshra.s32 s26, $0x2;
	p1 =	sne.s32 s26, $0x1F000;
	[tilespmem:s24+$0x580] =	vst v14;
	v7 =	vadd.f32 v7, v12;
	v12 =	vld [tilespmem:s24+$0x5F0]  }
0x16c: {  	v14 =	vld [tilespmem:s1+$0x10580];
	[tilespmem:s24+$0x590] =	vst v13;
	v6 =	vadd.f32 v6, v11  }
0x16d: {  	v13 =	vld [tilespmem:s1+$0x10590];
	[tilespmem:s24+$0x5A0] =	vst v7;
	v5 =	vadd.f32 v5, v10  }
0x16e: {  	v7 =	vld [tilespmem:s1+$0x105A0];
	[tilespmem:s24+$0x5B0] =	vst v6;
	v4 =	vadd.f32 v4, v8  }
0x16f: {  	v6 =	vld [tilespmem:s1+$0x105B0];
	[tilespmem:s24+$0x5C0] =	vst v5;
	v3 =	vadd.f32 v3, v9  }
0x170: {  	v5 =	vld [tilespmem:s1+$0x105C0];
	[tilespmem:s24+$0x5D0] =	vst v4;
	v2 =	vadd.f32 v2, v12  }
0x171: {  	v4 =	vld [tilespmem:s1+$0x105D0];
	[tilespmem:s24+$0x5E0] =	vst v3  }
0x172: {  	v3 =	vld [tilespmem:s1+$0x105E0];
	[tilespmem:s24+$0x5F0] =	vst v2;
	s24 =	smov.u32 s1  }
0x173: {  	v2 =	vld [tilespmem:s24+$0x105F0]  }
0x174: {  	v8 =	vld [tilespmem:s24+$0x580]  }
0x175: {  	v9 =	vld [tilespmem:s24+$0x590]  }
.Ltmp7:
0x176: {  	v12 =	vld [tilespmem:s24+$0x5A0];
	(pc) =	sbr.rel @p1 .LBB2_17-.Ltmp7, $4  }
0x177: {  	v11 =	vld [tilespmem:s24+$0x5B0]  }
0x178: {  	v10 =	vld [tilespmem:s24+$0x5C0]  }
0x179: {  	v14 =	vadd.f32 v14, v8;
	v8 =	vld [tilespmem:s24+$0x5D0]  }
0x17a: {  	s26 =	sadd.s32 $0x1000, s26;
	v13 =	vadd.f32 v13, v9;
	v9 =	vld [tilespmem:s24+$0x5E0]  }
0x17b: {  	[tilespmem:s24+$0x580] =	vst v14;
	v7 =	vadd.f32 v7, v12;
	v12 =	vld [tilespmem:s24+$0x5F0]  }
0x17c: {  	[tilespmem:s24+$0x590] =	vst v13;
	v6 =	vadd.f32 v6, v11  }
0x17d: {  	[tilespmem:s24+$0x5A0] =	vst v7;
	v5 =	vadd.f32 v5, v10  }
0x17e: {  	[tilespmem:s24+$0x5B0] =	vst v6;
	v4 =	vadd.f32 v4, v8  }
0x17f: {  	[tilespmem:s24+$0x5C0] =	vst v5;
	v3 =	vadd.f32 v3, v9  }
0x180: {  	[tilespmem:s24+$0x5D0] =	vst v4;
	v2 =	vadd.f32 v2, v12  }
0x181: {  	[tilespmem:s24+$0x5E0] =	vst v3  }
0x182: {  	s1 =	sadd.s32 s4, s31;
	[tilespmem:s24+$0x5F0] =	vst v2  }
0x183: {  	[hbm4b:s1+s5] =	stream.linear.scatter [tilespmem:s25], [sflag:$0x3], $0x8000, $0x38;
	[tilespmem:$0x18200] =	vst v63  }
0x184: {  	s1 =	simm.s32 @!p0 $0x4  }
0x185: {  	_ =	swait.ge @!p0 [sflag:s1], $0x8000  }
0x186: {  	[sflag:s1] =	ssyncset.done @!p0 $0x0  }
0x187: {  	s24 =	sor.u32 $0x8, s30;
	[sflag:s1] =	ssyncadd.s32 @!p0 $0xFFFF8000  }
0x188: {  	v2 =	vld.msk [tilespmem:s24+$0x0], $0xff;
	_ =	sdelay $0x4  }
0x189: {  	v3 =	vshll.u32 v2, $0x5  }
0x18a: {  	v2 =	vand.u32 $0x7, v2;
	v3 =	vand.u32 $0xFFFFFF00, v3  }
0x18b: {  	v2 =	vor.u32 v2, v3  }
0x18c: {  	v2 =	vperm.xlane v2, v0;
	_ =	sdelay $0x1  }
0x18d: {  	v2 =	vadd.s32 v1, v2;
	_ =	sdelay $0x3  }
0x18e: {  	s1 =	simm.s32 $0x0  }
0x18f: {  	[tilespmem:s23], [sflag:$0x1] =	stream.indirect_vreg.gather [hbm4b:s3+s1], $0x80, v2, vm0, $0xb8;
	[tilespmem:$0x18200] =	vst v63  }
0x190: {  	s26 =	simm.s32 $0x8A00  }
0x191: {  	[tilespmem:s26], [sflag:$0x1] =	stream.indirect_vreg.gather [hbm4b:s8+s1], $0x80, v2, vm0, $0xb8;
	[tilespmem:$0x18200] =	vst v63  }
0x192: {  	s31 =	simm.s32 $0x9200  }
0x193: {  	[tilespmem:s31], [sflag:$0x1] =	stream.indirect_vreg.gather [hbm4b:s9+s1], $0x80, v2, vm0, $0xb8;
	[tilespmem:$0x18200] =	vst v63  }
0x194: {  	s31 =	simm.s32 $0x9A00  }
0x195: {  	[tilespmem:s31], [sflag:$0x1] =	stream.indirect_vreg.gather [hbm4b:s10+s1], $0x80, v2, vm0, $0xb8;
	[tilespmem:$0x18200] =	vst v63  }
0x196: {  	s31 =	simm.s32 $0xA200  }
0x197: {  	[tilespmem:s31], [sflag:$0x1] =	stream.indirect_vreg.gather [hbm4b:s11+s1], $0x80, v2, vm0, $0xb8;
	[tilespmem:$0x18200] =	vst v63  }
0x198: {  	s31 =	simm.s32 $0xAA00  }
0x199: {  	[tilespmem:s31], [sflag:$0x1] =	stream.indirect_vreg.gather [hbm4b:s12+s1], $0x80, v2, vm0, $0xb8;
	[tilespmem:$0x18200] =	vst v63  }
0x19a: {  	s31 =	simm.s32 $0xB200  }
0x19b: {  	[tilespmem:s31], [sflag:$0x1] =	stream.indirect_vreg.gather [hbm4b:s13+s1], $0x80, v2, vm0, $0xb8;
	[tilespmem:$0x18200] =	vst v63  }
0x19c: {  	s31 =	simm.s32 $0xBA00  }
0x19d: {  	[tilespmem:s31], [sflag:$0x1] =	stream.indirect_vreg.gather [hbm4b:s14+s1], $0x80, v2, vm0, $0xb8;
	[tilespmem:$0x18200] =	vst v63  }
0x19e: {  	s31 =	simm.s32 $0xC200  }
0x19f: {  	[tilespmem:s31], [sflag:$0x1] =	stream.indirect_vreg.gather [hbm4b:s15+s1], $0x80, v2, vm0, $0xb8;
	[tilespmem:$0x18200] =	vst v63  }
0x1a0: {  	s31 =	simm.s32 $0xCA00  }
0x1a1: {  	[tilespmem:s31], [sflag:$0x1] =	stream.indirect_vreg.gather [hbm4b:s16+s1], $0x80, v2, vm0, $0xb8;
	[tilespmem:$0x18200] =	vst v63  }
0x1a2: {  	s31 =	simm.s32 $0xD200  }
0x1a3: {  	[tilespmem:s31], [sflag:$0x1] =	stream.indirect_vreg.gather [hbm4b:s17+s1], $0x80, v2, vm0, $0xb8;
	[tilespmem:$0x18200] =	vst v63  }
0x1a4: {  	s31 =	simm.s32 $0xDA00  }
0x1a5: {  	[tilespmem:s31], [sflag:$0x1] =	stream.indirect_vreg.gather [hbm4b:s18+s1], $0x80, v2, vm0, $0xb8;
	[tilespmem:$0x18200] =	vst v63  }
0x1a6: {  	s31 =	simm.s32 $0xE200  }
0x1a7: {  	[tilespmem:s31], [sflag:$0x1] =	stream.indirect_vreg.gather [hbm4b:s19+s1], $0x80, v2, vm0, $0xb8;
	[tilespmem:$0x18200] =	vst v63  }
0x1a8: {  	s31 =	simm.s32 $0xEA00  }
0x1a9: {  	[tilespmem:s31], [sflag:$0x1] =	stream.indirect_vreg.gather [hbm4b:s20+s1], $0x80, v2, vm0, $0xb8;
	[tilespmem:$0x18200] =	vst v63  }
0x1aa: {  	s31 =	simm.s32 $0xF200  }
0x1ab: {  	[tilespmem:s31], [sflag:$0x1] =	stream.indirect_vreg.gather [hbm4b:s21+s1], $0x80, v2, vm0, $0xb8;
	[tilespmem:$0x18200] =	vst v63  }
0x1ac: {  	s24 =	sor.u32 s6, s24;
	s31 =	simm.s32 $0xFA00  }
0x1ad: {  	[tilespmem:s31], [sflag:$0x1] =	stream.indirect_vreg.gather [hbm4b:s22+s1], $0x80, v2, vm0, $0xb8;
	[tilespmem:$0x18200] =	vst v63  }
0x1ae: {  	s30 =	sshll.u32 s24, $0x9;
	s31 =	rddreg [dreg:$0x1]  }
0x1af: {  	s24 =	sadd.s32 s31, s30  }
0x1b0: {  	[tilespmem:s0], [sflag:$0x2] =	stream.linear.gather [hbm4b:s24+s1], $0x8000, $0x38;
	[tilespmem:$0x18200] =	vst v63  }
0x1b1: {  	_ =	swait.ge [sflag:s2], $0x8000  }
0x1b2: {  	[sflag:s2] =	ssyncset.done $0x0  }
0x1b3: {  	[sflag:s2] =	ssyncadd.s32 $0xFFFF8000  }
0x1b4: {  	_ =	swait.ge [sflag:s7], $0x8000  }
0x1b5: {  	[sflag:s7] =	ssyncset.done $0x0  }
0x1b6: {  	s24 =	simm.s32 $0x0;
	[sflag:s7] =	ssyncadd.s32 $0xFFFF8000  }
0x1b7: {  	v9 =	vld [tilespmem:s24+$0x10200]  }
0x1b8: {  	v13 =	vld [tilespmem:s24+$0x10210]  }
0x1b9: {  	v7 =	vld [tilespmem:s24+$0x10220]  }
0x1ba: {  	v6 =	vld [tilespmem:s24+$0x10230]  }
0x1bb: {  	v5 =	vld [tilespmem:s24+$0x10240]  }
0x1bc: {  	v4 =	vld [tilespmem:s24+$0x10250]  }
0x1bd: {  	v3 =	vld [tilespmem:s24+$0x10260]  }
0x1be: {  	v2 =	vld [tilespmem:s24+$0x10270]  }
0x1bf: {  	v14 =	vld [tilespmem:s24+$0x8200]  }
0x1c0: {  	v15 =	vld [tilespmem:s24+$0x8210]  }
0x1c1: {  	v12 =	vld [tilespmem:s24+$0x8220]  }
0x1c2: {  	v11 =	vld [tilespmem:s24+$0x8230]  }
0x1c3: {  	v10 =	vld [tilespmem:s24+$0x8240]  }
0x1c4: {  	v8 =	vld [tilespmem:s24+$0x8250];
	v14 =	vadd.f32 v9, v14  }
0x1c5: {  	s28 =	simm.s32 $0x1000;
	s26 =	simm.s32 $0x0;
	v13 =	vadd.f32 v13, v15;
	v9 =	vld [tilespmem:s24+$0x8260]  }
.LBB2_19:
0x1c6: {  	s1 =	sshra.s32 s28, $0x2;
	p0 =	sne.s32 s28, $0x1F000;
	[tilespmem:s26+$0x8200] =	vst v14;
	v7 =	vadd.f32 v7, v12;
	v12 =	vld [tilespmem:s26+$0x8270]  }
0x1c7: {  	v14 =	vld [tilespmem:s1+$0x10200];
	[tilespmem:s26+$0x8210] =	vst v13;
	v6 =	vadd.f32 v6, v11  }
0x1c8: {  	v13 =	vld [tilespmem:s1+$0x10210];
	[tilespmem:s26+$0x8220] =	vst v7;
	v5 =	vadd.f32 v5, v10  }
0x1c9: {  	v7 =	vld [tilespmem:s1+$0x10220];
	[tilespmem:s26+$0x8230] =	vst v6;
	v4 =	vadd.f32 v4, v8  }
0x1ca: {  	v6 =	vld [tilespmem:s1+$0x10230];
	[tilespmem:s26+$0x8240] =	vst v5;
	v3 =	vadd.f32 v3, v9  }
0x1cb: {  	v5 =	vld [tilespmem:s1+$0x10240];
	[tilespmem:s26+$0x8250] =	vst v4;
	v2 =	vadd.f32 v2, v12  }
0x1cc: {  	v4 =	vld [tilespmem:s1+$0x10250];
	[tilespmem:s26+$0x8260] =	vst v3  }
0x1cd: {  	v3 =	vld [tilespmem:s1+$0x10260];
	[tilespmem:s26+$0x8270] =	vst v2;
	s26 =	smov.u32 s1  }
0x1ce: {  	v2 =	vld [tilespmem:s26+$0x10270]  }
0x1cf: {  	v8 =	vld [tilespmem:s26+$0x8200]  }
0x1d0: {  	v9 =	vld [tilespmem:s26+$0x8210]  }
.Ltmp8:
0x1d1: {  	v12 =	vld [tilespmem:s26+$0x8220];
	(pc) =	sbr.rel @p0 .LBB2_19-.Ltmp8, $4  }
0x1d2: {  	v11 =	vld [tilespmem:s26+$0x8230]  }
0x1d3: {  	v10 =	vld [tilespmem:s26+$0x8240]  }
0x1d4: {  	v14 =	vadd.f32 v14, v8;
	v8 =	vld [tilespmem:s26+$0x8250]  }
0x1d5: {  	s28 =	sadd.s32 $0x1000, s28;
	v13 =	vadd.f32 v13, v9;
	v9 =	vld [tilespmem:s26+$0x8260]  }
0x1d6: {  	[tilespmem:s26+$0x8200] =	vst v14;
	v7 =	vadd.f32 v7, v12;
	v12 =	vld [tilespmem:s26+$0x8270]  }
0x1d7: {  	[tilespmem:s26+$0x8210] =	vst v13;
	v6 =	vadd.f32 v6, v11  }
0x1d8: {  	[tilespmem:s26+$0x8220] =	vst v7;
	v5 =	vadd.f32 v5, v10  }
0x1d9: {  	[tilespmem:s26+$0x8230] =	vst v6;
	v4 =	vadd.f32 v4, v8  }
0x1da: {  	[tilespmem:s26+$0x8240] =	vst v5;
	v3 =	vadd.f32 v3, v9  }
0x1db: {  	[tilespmem:s26+$0x8250] =	vst v4;
	v2 =	vadd.f32 v2, v12  }
0x1dc: {  	[tilespmem:s26+$0x8260] =	vst v3  }
0x1dd: {  	[tilespmem:s26+$0x8270] =	vst v2  }
0x1de: {  	v9 =	vld [tilespmem:s24+$0x10280]  }
0x1df: {  	v13 =	vld [tilespmem:s24+$0x10290]  }
0x1e0: {  	v7 =	vld [tilespmem:s24+$0x102A0]  }
0x1e1: {  	v6 =	vld [tilespmem:s24+$0x102B0]  }
0x1e2: {  	v5 =	vld [tilespmem:s24+$0x102C0]  }
0x1e3: {  	v4 =	vld [tilespmem:s24+$0x102D0]  }
0x1e4: {  	v3 =	vld [tilespmem:s24+$0x102E0]  }
0x1e5: {  	v2 =	vld [tilespmem:s24+$0x102F0]  }
0x1e6: {  	v14 =	vld [tilespmem:s24+$0x8280]  }
0x1e7: {  	v15 =	vld [tilespmem:s24+$0x8290]  }
0x1e8: {  	v12 =	vld [tilespmem:s24+$0x82A0]  }
0x1e9: {  	v11 =	vld [tilespmem:s24+$0x82B0]  }
0x1ea: {  	v10 =	vld [tilespmem:s24+$0x82C0]  }
0x1eb: {  	v8 =	vld [tilespmem:s24+$0x82D0];
	v14 =	vadd.f32 v9, v14  }
0x1ec: {  	s26 =	simm.s32 $0x1000;
	v13 =	vadd.f32 v13, v15;
	v9 =	vld [tilespmem:s24+$0x82E0]  }
.LBB2_21:
0x1ed: {  	s1 =	sshra.s32 s26, $0x2;
	p0 =	sne.s32 s26, $0x1F000;
	[tilespmem:s24+$0x8280] =	vst v14;
	v7 =	vadd.f32 v7, v12;
	v12 =	vld [tilespmem:s24+$0x82F0]  }
0x1ee: {  	v14 =	vld [tilespmem:s1+$0x10280];
	[tilespmem:s24+$0x8290] =	vst v13;
	v6 =	vadd.f32 v6, v11  }
0x1ef: {  	v13 =	vld [tilespmem:s1+$0x10290];
	[tilespmem:s24+$0x82A0] =	vst v7;
	v5 =	vadd.f32 v5, v10  }
0x1f0: {  	v7 =	vld [tilespmem:s1+$0x102A0];
	[tilespmem:s24+$0x82B0] =	vst v6;
	v4 =	vadd.f32 v4, v8  }
0x1f1: {  	v6 =	vld [tilespmem:s1+$0x102B0];
	[tilespmem:s24+$0x82C0] =	vst v5;
	v3 =	vadd.f32 v3, v9  }
0x1f2: {  	v5 =	vld [tilespmem:s1+$0x102C0];
	[tilespmem:s24+$0x82D0] =	vst v4;
	v2 =	vadd.f32 v2, v12  }
0x1f3: {  	v4 =	vld [tilespmem:s1+$0x102D0];
	[tilespmem:s24+$0x82E0] =	vst v3  }
0x1f4: {  	v3 =	vld [tilespmem:s1+$0x102E0];
	[tilespmem:s24+$0x82F0] =	vst v2;
	s24 =	smov.u32 s1  }
0x1f5: {  	v2 =	vld [tilespmem:s24+$0x102F0]  }
0x1f6: {  	v8 =	vld [tilespmem:s24+$0x8280]  }
0x1f7: {  	v9 =	vld [tilespmem:s24+$0x8290]  }
.Ltmp9:
0x1f8: {  	v12 =	vld [tilespmem:s24+$0x82A0];
	(pc) =	sbr.rel @p0 .LBB2_21-.Ltmp9, $4  }
0x1f9: {  	v11 =	vld [tilespmem:s24+$0x82B0]  }
0x1fa: {  	v10 =	vld [tilespmem:s24+$0x82C0]  }
0x1fb: {  	v14 =	vadd.f32 v14, v8;
	v8 =	vld [tilespmem:s24+$0x82D0]  }
0x1fc: {  	s26 =	sadd.s32 $0x1000, s26;
	v13 =	vadd.f32 v13, v9;
	v9 =	vld [tilespmem:s24+$0x82E0]  }
0x1fd: {  	[tilespmem:s24+$0x8280] =	vst v14;
	v7 =	vadd.f32 v7, v12;
	v12 =	vld [tilespmem:s24+$0x82F0]  }
0x1fe: {  	[tilespmem:s24+$0x8290] =	vst v13;
	v6 =	vadd.f32 v6, v11  }
0x1ff: {  	[tilespmem:s24+$0x82A0] =	vst v7;
	v5 =	vadd.f32 v5, v10  }
0x200: {  	[tilespmem:s24+$0x82B0] =	vst v6;
	v4 =	vadd.f32 v4, v8  }
0x201: {  	[tilespmem:s24+$0x82C0] =	vst v5;
	v3 =	vadd.f32 v3, v9  }
0x202: {  	[tilespmem:s24+$0x82D0] =	vst v4;
	v2 =	vadd.f32 v2, v12  }
0x203: {  	[tilespmem:s24+$0x82E0] =	vst v3  }
0x204: {  	[tilespmem:s24+$0x82F0] =	vst v2;
	s24 =	simm.s32 $0x0  }
0x205: {  	v9 =	vld [tilespmem:s24+$0x10300]  }
0x206: {  	v13 =	vld [tilespmem:s24+$0x10310]  }
0x207: {  	v7 =	vld [tilespmem:s24+$0x10320]  }
0x208: {  	v6 =	vld [tilespmem:s24+$0x10330]  }
0x209: {  	v5 =	vld [tilespmem:s24+$0x10340]  }
0x20a: {  	v4 =	vld [tilespmem:s24+$0x10350]  }
0x20b: {  	v3 =	vld [tilespmem:s24+$0x10360]  }
0x20c: {  	v2 =	vld [tilespmem:s24+$0x10370]  }
0x20d: {  	v14 =	vld [tilespmem:s24+$0x8300]  }
0x20e: {  	v15 =	vld [tilespmem:s24+$0x8310]  }
0x20f: {  	v12 =	vld [tilespmem:s24+$0x8320]  }
0x210: {  	v11 =	vld [tilespmem:s24+$0x8330]  }
0x211: {  	v10 =	vld [tilespmem:s24+$0x8340]  }
0x212: {  	v8 =	vld [tilespmem:s24+$0x8350];
	v14 =	vadd.f32 v9, v14  }
0x213: {  	s28 =	simm.s32 $0x1000;
	s26 =	simm.s32 $0x0;
	v13 =	vadd.f32 v13, v15;
	v9 =	vld [tilespmem:s24+$0x8360]  }
.LBB2_23:
0x214: {  	s1 =	sshra.s32 s28, $0x2;
	p0 =	sne.s32 s28, $0x1F000;
	[tilespmem:s26+$0x8300] =	vst v14;
	v7 =	vadd.f32 v7, v12;
	v12 =	vld [tilespmem:s26+$0x8370]  }
0x215: {  	v14 =	vld [tilespmem:s1+$0x10300];
	[tilespmem:s26+$0x8310] =	vst v13;
	v6 =	vadd.f32 v6, v11  }
0x216: {  	v13 =	vld [tilespmem:s1+$0x10310];
	[tilespmem:s26+$0x8320] =	vst v7;
	v5 =	vadd.f32 v5, v10  }
0x217: {  	v7 =	vld [tilespmem:s1+$0x10320];
	[tilespmem:s26+$0x8330] =	vst v6;
	v4 =	vadd.f32 v4, v8  }
0x218: {  	v6 =	vld [tilespmem:s1+$0x10330];
	[tilespmem:s26+$0x8340] =	vst v5;
	v3 =	vadd.f32 v3, v9  }
0x219: {  	v5 =	vld [tilespmem:s1+$0x10340];
	[tilespmem:s26+$0x8350] =	vst v4;
	v2 =	vadd.f32 v2, v12  }
0x21a: {  	v4 =	vld [tilespmem:s1+$0x10350];
	[tilespmem:s26+$0x8360] =	vst v3  }
0x21b: {  	v3 =	vld [tilespmem:s1+$0x10360];
	[tilespmem:s26+$0x8370] =	vst v2;
	s26 =	smov.u32 s1  }
0x21c: {  	v2 =	vld [tilespmem:s26+$0x10370]  }
0x21d: {  	v8 =	vld [tilespmem:s26+$0x8300]  }
0x21e: {  	v9 =	vld [tilespmem:s26+$0x8310]  }
.Ltmp10:
0x21f: {  	v12 =	vld [tilespmem:s26+$0x8320];
	(pc) =	sbr.rel @p0 .LBB2_23-.Ltmp10, $4  }
0x220: {  	v11 =	vld [tilespmem:s26+$0x8330]  }
0x221: {  	v10 =	vld [tilespmem:s26+$0x8340]  }
0x222: {  	v14 =	vadd.f32 v14, v8;
	v8 =	vld [tilespmem:s26+$0x8350]  }
0x223: {  	s28 =	sadd.s32 $0x1000, s28;
	v13 =	vadd.f32 v13, v9;
	v9 =	vld [tilespmem:s26+$0x8360]  }
0x224: {  	[tilespmem:s26+$0x8300] =	vst v14;
	v7 =	vadd.f32 v7, v12;
	v12 =	vld [tilespmem:s26+$0x8370]  }
0x225: {  	[tilespmem:s26+$0x8310] =	vst v13;
	v6 =	vadd.f32 v6, v11  }
0x226: {  	[tilespmem:s26+$0x8320] =	vst v7;
	v5 =	vadd.f32 v5, v10  }
0x227: {  	[tilespmem:s26+$0x8330] =	vst v6;
	v4 =	vadd.f32 v4, v8  }
0x228: {  	[tilespmem:s26+$0x8340] =	vst v5;
	v3 =	vadd.f32 v3, v9  }
0x229: {  	[tilespmem:s26+$0x8350] =	vst v4;
	v2 =	vadd.f32 v2, v12  }
0x22a: {  	[tilespmem:s26+$0x8360] =	vst v3  }
0x22b: {  	[tilespmem:s26+$0x8370] =	vst v2  }
0x22c: {  	v9 =	vld [tilespmem:s24+$0x10380]  }
0x22d: {  	v13 =	vld [tilespmem:s24+$0x10390]  }
0x22e: {  	v7 =	vld [tilespmem:s24+$0x103A0]  }
0x22f: {  	v6 =	vld [tilespmem:s24+$0x103B0]  }
0x230: {  	v5 =	vld [tilespmem:s24+$0x103C0]  }
0x231: {  	v4 =	vld [tilespmem:s24+$0x103D0]  }
0x232: {  	v3 =	vld [tilespmem:s24+$0x103E0]  }
0x233: {  	v2 =	vld [tilespmem:s24+$0x103F0]  }
0x234: {  	v14 =	vld [tilespmem:s24+$0x8380]  }
0x235: {  	v15 =	vld [tilespmem:s24+$0x8390]  }
0x236: {  	v12 =	vld [tilespmem:s24+$0x83A0]  }
0x237: {  	v11 =	vld [tilespmem:s24+$0x83B0]  }
0x238: {  	v10 =	vld [tilespmem:s24+$0x83C0]  }
0x239: {  	v8 =	vld [tilespmem:s24+$0x83D0];
	v14 =	vadd.f32 v9, v14  }
0x23a: {  	s26 =	simm.s32 $0x1000;
	v13 =	vadd.f32 v13, v15;
	v9 =	vld [tilespmem:s24+$0x83E0]  }
.LBB2_25:
0x23b: {  	s1 =	sshra.s32 s26, $0x2;
	p0 =	sne.s32 s26, $0x1F000;
	[tilespmem:s24+$0x8380] =	vst v14;
	v7 =	vadd.f32 v7, v12;
	v12 =	vld [tilespmem:s24+$0x83F0]  }
0x23c: {  	v14 =	vld [tilespmem:s1+$0x10380];
	[tilespmem:s24+$0x8390] =	vst v13;
	v6 =	vadd.f32 v6, v11  }
0x23d: {  	v13 =	vld [tilespmem:s1+$0x10390];
	[tilespmem:s24+$0x83A0] =	vst v7;
	v5 =	vadd.f32 v5, v10  }
0x23e: {  	v7 =	vld [tilespmem:s1+$0x103A0];
	[tilespmem:s24+$0x83B0] =	vst v6;
	v4 =	vadd.f32 v4, v8  }
0x23f: {  	v6 =	vld [tilespmem:s1+$0x103B0];
	[tilespmem:s24+$0x83C0] =	vst v5;
	v3 =	vadd.f32 v3, v9  }
0x240: {  	v5 =	vld [tilespmem:s1+$0x103C0];
	[tilespmem:s24+$0x83D0] =	vst v4;
	v2 =	vadd.f32 v2, v12  }
0x241: {  	v4 =	vld [tilespmem:s1+$0x103D0];
	[tilespmem:s24+$0x83E0] =	vst v3  }
0x242: {  	v3 =	vld [tilespmem:s1+$0x103E0];
	[tilespmem:s24+$0x83F0] =	vst v2;
	s24 =	smov.u32 s1  }
0x243: {  	v2 =	vld [tilespmem:s24+$0x103F0]  }
0x244: {  	v8 =	vld [tilespmem:s24+$0x8380]  }
0x245: {  	v9 =	vld [tilespmem:s24+$0x8390]  }
.Ltmp11:
0x246: {  	v12 =	vld [tilespmem:s24+$0x83A0];
	(pc) =	sbr.rel @p0 .LBB2_25-.Ltmp11, $4  }
0x247: {  	v11 =	vld [tilespmem:s24+$0x83B0]  }
0x248: {  	v10 =	vld [tilespmem:s24+$0x83C0]  }
0x249: {  	v14 =	vadd.f32 v14, v8;
	v8 =	vld [tilespmem:s24+$0x83D0]  }
0x24a: {  	s26 =	sadd.s32 $0x1000, s26;
	v13 =	vadd.f32 v13, v9;
	v9 =	vld [tilespmem:s24+$0x83E0]  }
0x24b: {  	[tilespmem:s24+$0x8380] =	vst v14;
	v7 =	vadd.f32 v7, v12;
	v12 =	vld [tilespmem:s24+$0x83F0]  }
0x24c: {  	[tilespmem:s24+$0x8390] =	vst v13;
	v6 =	vadd.f32 v6, v11  }
0x24d: {  	[tilespmem:s24+$0x83A0] =	vst v7;
	v5 =	vadd.f32 v5, v10  }
0x24e: {  	[tilespmem:s24+$0x83B0] =	vst v6;
	v4 =	vadd.f32 v4, v8  }
0x24f: {  	[tilespmem:s24+$0x83C0] =	vst v5;
	v3 =	vadd.f32 v3, v9  }
0x250: {  	[tilespmem:s24+$0x83D0] =	vst v4;
	v2 =	vadd.f32 v2, v12  }
0x251: {  	[tilespmem:s24+$0x83E0] =	vst v3  }
0x252: {  	[tilespmem:s24+$0x83F0] =	vst v2;
	s24 =	simm.s32 $0x0  }
0x253: {  	v9 =	vld [tilespmem:s24+$0x10400]  }
0x254: {  	v13 =	vld [tilespmem:s24+$0x10410]  }
0x255: {  	v7 =	vld [tilespmem:s24+$0x10420]  }
0x256: {  	v6 =	vld [tilespmem:s24+$0x10430]  }
0x257: {  	v5 =	vld [tilespmem:s24+$0x10440]  }
0x258: {  	v4 =	vld [tilespmem:s24+$0x10450]  }
0x259: {  	v3 =	vld [tilespmem:s24+$0x10460]  }
0x25a: {  	v2 =	vld [tilespmem:s24+$0x10470]  }
0x25b: {  	v14 =	vld [tilespmem:s24+$0x8400]  }
0x25c: {  	v15 =	vld [tilespmem:s24+$0x8410]  }
0x25d: {  	v12 =	vld [tilespmem:s24+$0x8420]  }
0x25e: {  	v11 =	vld [tilespmem:s24+$0x8430]  }
0x25f: {  	v10 =	vld [tilespmem:s24+$0x8440]  }
0x260: {  	v8 =	vld [tilespmem:s24+$0x8450];
	v14 =	vadd.f32 v9, v14  }
0x261: {  	s28 =	simm.s32 $0x1000;
	s26 =	simm.s32 $0x0;
	v13 =	vadd.f32 v13, v15;
	v9 =	vld [tilespmem:s24+$0x8460]  }
.LBB2_27:
0x262: {  	s1 =	sshra.s32 s28, $0x2;
	p0 =	sne.s32 s28, $0x1F000;
	[tilespmem:s26+$0x8400] =	vst v14;
	v7 =	vadd.f32 v7, v12;
	v12 =	vld [tilespmem:s26+$0x8470]  }
0x263: {  	v14 =	vld [tilespmem:s1+$0x10400];
	[tilespmem:s26+$0x8410] =	vst v13;
	v6 =	vadd.f32 v6, v11  }
0x264: {  	v13 =	vld [tilespmem:s1+$0x10410];
	[tilespmem:s26+$0x8420] =	vst v7;
	v5 =	vadd.f32 v5, v10  }
0x265: {  	v7 =	vld [tilespmem:s1+$0x10420];
	[tilespmem:s26+$0x8430] =	vst v6;
	v4 =	vadd.f32 v4, v8  }
0x266: {  	v6 =	vld [tilespmem:s1+$0x10430];
	[tilespmem:s26+$0x8440] =	vst v5;
	v3 =	vadd.f32 v3, v9  }
0x267: {  	v5 =	vld [tilespmem:s1+$0x10440];
	[tilespmem:s26+$0x8450] =	vst v4;
	v2 =	vadd.f32 v2, v12  }
0x268: {  	v4 =	vld [tilespmem:s1+$0x10450];
	[tilespmem:s26+$0x8460] =	vst v3  }
0x269: {  	v3 =	vld [tilespmem:s1+$0x10460];
	[tilespmem:s26+$0x8470] =	vst v2;
	s26 =	smov.u32 s1  }
0x26a: {  	v2 =	vld [tilespmem:s26+$0x10470]  }
0x26b: {  	v8 =	vld [tilespmem:s26+$0x8400]  }
0x26c: {  	v9 =	vld [tilespmem:s26+$0x8410]  }
.Ltmp12:
0x26d: {  	v12 =	vld [tilespmem:s26+$0x8420];
	(pc) =	sbr.rel @p0 .LBB2_27-.Ltmp12, $4  }
0x26e: {  	v11 =	vld [tilespmem:s26+$0x8430]  }
0x26f: {  	v10 =	vld [tilespmem:s26+$0x8440]  }
0x270: {  	v14 =	vadd.f32 v14, v8;
	v8 =	vld [tilespmem:s26+$0x8450]  }
0x271: {  	s28 =	sadd.s32 $0x1000, s28;
	v13 =	vadd.f32 v13, v9;
	v9 =	vld [tilespmem:s26+$0x8460]  }
0x272: {  	[tilespmem:s26+$0x8400] =	vst v14;
	v7 =	vadd.f32 v7, v12;
	v12 =	vld [tilespmem:s26+$0x8470]  }
0x273: {  	[tilespmem:s26+$0x8410] =	vst v13;
	v6 =	vadd.f32 v6, v11  }
0x274: {  	[tilespmem:s26+$0x8420] =	vst v7;
	v5 =	vadd.f32 v5, v10  }
0x275: {  	[tilespmem:s26+$0x8430] =	vst v6;
	v4 =	vadd.f32 v4, v8  }
0x276: {  	[tilespmem:s26+$0x8440] =	vst v5;
	v3 =	vadd.f32 v3, v9  }
0x277: {  	[tilespmem:s26+$0x8450] =	vst v4;
	v2 =	vadd.f32 v2, v12  }
0x278: {  	[tilespmem:s26+$0x8460] =	vst v3  }
0x279: {  	[tilespmem:s26+$0x8470] =	vst v2  }
0x27a: {  	v9 =	vld [tilespmem:s24+$0x10480]  }
0x27b: {  	v13 =	vld [tilespmem:s24+$0x10490]  }
0x27c: {  	v7 =	vld [tilespmem:s24+$0x104A0]  }
0x27d: {  	v6 =	vld [tilespmem:s24+$0x104B0]  }
0x27e: {  	v5 =	vld [tilespmem:s24+$0x104C0]  }
0x27f: {  	v4 =	vld [tilespmem:s24+$0x104D0]  }
0x280: {  	v3 =	vld [tilespmem:s24+$0x104E0]  }
0x281: {  	v2 =	vld [tilespmem:s24+$0x104F0]  }
0x282: {  	v14 =	vld [tilespmem:s24+$0x8480]  }
0x283: {  	v15 =	vld [tilespmem:s24+$0x8490]  }
0x284: {  	v12 =	vld [tilespmem:s24+$0x84A0]  }
0x285: {  	v11 =	vld [tilespmem:s24+$0x84B0]  }
0x286: {  	v10 =	vld [tilespmem:s24+$0x84C0]  }
0x287: {  	v8 =	vld [tilespmem:s24+$0x84D0];
	v14 =	vadd.f32 v9, v14  }
0x288: {  	s26 =	simm.s32 $0x1000;
	v13 =	vadd.f32 v13, v15;
	v9 =	vld [tilespmem:s24+$0x84E0]  }
.LBB2_29:
0x289: {  	s1 =	sshra.s32 s26, $0x2;
	p0 =	sne.s32 s26, $0x1F000;
	[tilespmem:s24+$0x8480] =	vst v14;
	v7 =	vadd.f32 v7, v12;
	v12 =	vld [tilespmem:s24+$0x84F0]  }
0x28a: {  	v14 =	vld [tilespmem:s1+$0x10480];
	[tilespmem:s24+$0x8490] =	vst v13;
	v6 =	vadd.f32 v6, v11  }
0x28b: {  	v13 =	vld [tilespmem:s1+$0x10490];
	[tilespmem:s24+$0x84A0] =	vst v7;
	v5 =	vadd.f32 v5, v10  }
0x28c: {  	v7 =	vld [tilespmem:s1+$0x104A0];
	[tilespmem:s24+$0x84B0] =	vst v6;
	v4 =	vadd.f32 v4, v8  }
0x28d: {  	v6 =	vld [tilespmem:s1+$0x104B0];
	[tilespmem:s24+$0x84C0] =	vst v5;
	v3 =	vadd.f32 v3, v9  }
0x28e: {  	v5 =	vld [tilespmem:s1+$0x104C0];
	[tilespmem:s24+$0x84D0] =	vst v4;
	v2 =	vadd.f32 v2, v12  }
0x28f: {  	v4 =	vld [tilespmem:s1+$0x104D0];
	[tilespmem:s24+$0x84E0] =	vst v3  }
0x290: {  	v3 =	vld [tilespmem:s1+$0x104E0];
	[tilespmem:s24+$0x84F0] =	vst v2;
	s24 =	smov.u32 s1  }
0x291: {  	v2 =	vld [tilespmem:s24+$0x104F0]  }
0x292: {  	v8 =	vld [tilespmem:s24+$0x8480]  }
0x293: {  	v9 =	vld [tilespmem:s24+$0x8490]  }
.Ltmp13:
0x294: {  	v12 =	vld [tilespmem:s24+$0x84A0];
	(pc) =	sbr.rel @p0 .LBB2_29-.Ltmp13, $4  }
0x295: {  	v11 =	vld [tilespmem:s24+$0x84B0]  }
0x296: {  	v10 =	vld [tilespmem:s24+$0x84C0]  }
0x297: {  	v14 =	vadd.f32 v14, v8;
	v8 =	vld [tilespmem:s24+$0x84D0]  }
0x298: {  	s26 =	sadd.s32 $0x1000, s26;
	v13 =	vadd.f32 v13, v9;
	v9 =	vld [tilespmem:s24+$0x84E0]  }
0x299: {  	[tilespmem:s24+$0x8480] =	vst v14;
	v7 =	vadd.f32 v7, v12;
	v12 =	vld [tilespmem:s24+$0x84F0]  }
0x29a: {  	[tilespmem:s24+$0x8490] =	vst v13;
	v6 =	vadd.f32 v6, v11  }
0x29b: {  	[tilespmem:s24+$0x84A0] =	vst v7;
	v5 =	vadd.f32 v5, v10  }
0x29c: {  	[tilespmem:s24+$0x84B0] =	vst v6;
	v4 =	vadd.f32 v4, v8  }
0x29d: {  	[tilespmem:s24+$0x84C0] =	vst v5;
	v3 =	vadd.f32 v3, v9  }
0x29e: {  	[tilespmem:s24+$0x84D0] =	vst v4;
	v2 =	vadd.f32 v2, v12  }
0x29f: {  	[tilespmem:s24+$0x84E0] =	vst v3  }
0x2a0: {  	[tilespmem:s24+$0x84F0] =	vst v2;
	s24 =	simm.s32 $0x0  }
0x2a1: {  	v9 =	vld [tilespmem:s24+$0x10500]  }
0x2a2: {  	v13 =	vld [tilespmem:s24+$0x10510]  }
0x2a3: {  	v7 =	vld [tilespmem:s24+$0x10520]  }
0x2a4: {  	v6 =	vld [tilespmem:s24+$0x10530]  }
0x2a5: {  	v5 =	vld [tilespmem:s24+$0x10540]  }
0x2a6: {  	v4 =	vld [tilespmem:s24+$0x10550]  }
0x2a7: {  	v3 =	vld [tilespmem:s24+$0x10560]  }
0x2a8: {  	v2 =	vld [tilespmem:s24+$0x10570]  }
0x2a9: {  	v14 =	vld [tilespmem:s24+$0x8500]  }
0x2aa: {  	v15 =	vld [tilespmem:s24+$0x8510]  }
0x2ab: {  	v12 =	vld [tilespmem:s24+$0x8520]  }
0x2ac: {  	v11 =	vld [tilespmem:s24+$0x8530]  }
0x2ad: {  	v10 =	vld [tilespmem:s24+$0x8540]  }
0x2ae: {  	v8 =	vld [tilespmem:s24+$0x8550];
	v14 =	vadd.f32 v9, v14  }
0x2af: {  	s28 =	simm.s32 $0x1000;
	s26 =	simm.s32 $0x0;
	v13 =	vadd.f32 v13, v15;
	v9 =	vld [tilespmem:s24+$0x8560]  }
.LBB2_31:
0x2b0: {  	s1 =	sshra.s32 s28, $0x2;
	p0 =	sne.s32 s28, $0x1F000;
	[tilespmem:s26+$0x8500] =	vst v14;
	v7 =	vadd.f32 v7, v12;
	v12 =	vld [tilespmem:s26+$0x8570]  }
0x2b1: {  	v14 =	vld [tilespmem:s1+$0x10500];
	[tilespmem:s26+$0x8510] =	vst v13;
	v6 =	vadd.f32 v6, v11  }
0x2b2: {  	v13 =	vld [tilespmem:s1+$0x10510];
	[tilespmem:s26+$0x8520] =	vst v7;
	v5 =	vadd.f32 v5, v10  }
0x2b3: {  	v7 =	vld [tilespmem:s1+$0x10520];
	[tilespmem:s26+$0x8530] =	vst v6;
	v4 =	vadd.f32 v4, v8  }
0x2b4: {  	v6 =	vld [tilespmem:s1+$0x10530];
	[tilespmem:s26+$0x8540] =	vst v5;
	v3 =	vadd.f32 v3, v9  }
0x2b5: {  	v5 =	vld [tilespmem:s1+$0x10540];
	[tilespmem:s26+$0x8550] =	vst v4;
	v2 =	vadd.f32 v2, v12  }
0x2b6: {  	v4 =	vld [tilespmem:s1+$0x10550];
	[tilespmem:s26+$0x8560] =	vst v3  }
0x2b7: {  	v3 =	vld [tilespmem:s1+$0x10560];
	[tilespmem:s26+$0x8570] =	vst v2;
	s26 =	smov.u32 s1  }
0x2b8: {  	v2 =	vld [tilespmem:s26+$0x10570]  }
0x2b9: {  	v8 =	vld [tilespmem:s26+$0x8500]  }
0x2ba: {  	v9 =	vld [tilespmem:s26+$0x8510]  }
.Ltmp14:
0x2bb: {  	v12 =	vld [tilespmem:s26+$0x8520];
	(pc) =	sbr.rel @p0 .LBB2_31-.Ltmp14, $4  }
0x2bc: {  	v11 =	vld [tilespmem:s26+$0x8530]  }
0x2bd: {  	v10 =	vld [tilespmem:s26+$0x8540]  }
0x2be: {  	v14 =	vadd.f32 v14, v8;
	v8 =	vld [tilespmem:s26+$0x8550]  }
0x2bf: {  	s28 =	sadd.s32 $0x1000, s28;
	v13 =	vadd.f32 v13, v9;
	v9 =	vld [tilespmem:s26+$0x8560]  }
0x2c0: {  	[tilespmem:s26+$0x8500] =	vst v14;
	v7 =	vadd.f32 v7, v12;
	v12 =	vld [tilespmem:s26+$0x8570]  }
0x2c1: {  	[tilespmem:s26+$0x8510] =	vst v13;
	v6 =	vadd.f32 v6, v11  }
0x2c2: {  	[tilespmem:s26+$0x8520] =	vst v7;
	v5 =	vadd.f32 v5, v10  }
0x2c3: {  	[tilespmem:s26+$0x8530] =	vst v6;
	v4 =	vadd.f32 v4, v8  }
0x2c4: {  	[tilespmem:s26+$0x8540] =	vst v5;
	v3 =	vadd.f32 v3, v9  }
0x2c5: {  	[tilespmem:s26+$0x8550] =	vst v4;
	v2 =	vadd.f32 v2, v12  }
0x2c6: {  	[tilespmem:s26+$0x8560] =	vst v3  }
0x2c7: {  	[tilespmem:s26+$0x8570] =	vst v2  }
0x2c8: {  	v9 =	vld [tilespmem:s24+$0x10580]  }
0x2c9: {  	v13 =	vld [tilespmem:s24+$0x10590]  }
0x2ca: {  	v7 =	vld [tilespmem:s24+$0x105A0]  }
0x2cb: {  	v6 =	vld [tilespmem:s24+$0x105B0]  }
0x2cc: {  	v5 =	vld [tilespmem:s24+$0x105C0]  }
0x2cd: {  	v4 =	vld [tilespmem:s24+$0x105D0]  }
0x2ce: {  	v3 =	vld [tilespmem:s24+$0x105E0]  }
0x2cf: {  	v2 =	vld [tilespmem:s24+$0x105F0]  }
0x2d0: {  	v14 =	vld [tilespmem:s24+$0x8580]  }
0x2d1: {  	v15 =	vld [tilespmem:s24+$0x8590]  }
0x2d2: {  	v12 =	vld [tilespmem:s24+$0x85A0]  }
0x2d3: {  	v11 =	vld [tilespmem:s24+$0x85B0]  }
0x2d4: {  	v10 =	vld [tilespmem:s24+$0x85C0]  }
0x2d5: {  	v8 =	vld [tilespmem:s24+$0x85D0];
	v14 =	vadd.f32 v9, v14  }
0x2d6: {  	s26 =	simm.s32 $0x1000;
	v13 =	vadd.f32 v13, v15;
	v9 =	vld [tilespmem:s24+$0x85E0]  }
.LBB2_33:
0x2d7: {  	s1 =	sshra.s32 s26, $0x2;
	p0 =	sne.s32 s26, $0x1F000;
	[tilespmem:s24+$0x8580] =	vst v14;
	v7 =	vadd.f32 v7, v12;
	v12 =	vld [tilespmem:s24+$0x85F0]  }
0x2d8: {  	v14 =	vld [tilespmem:s1+$0x10580];
	[tilespmem:s24+$0x8590] =	vst v13;
	v6 =	vadd.f32 v6, v11  }
0x2d9: {  	v13 =	vld [tilespmem:s1+$0x10590];
	[tilespmem:s24+$0x85A0] =	vst v7;
	v5 =	vadd.f32 v5, v10  }
0x2da: {  	v7 =	vld [tilespmem:s1+$0x105A0];
	[tilespmem:s24+$0x85B0] =	vst v6;
	v4 =	vadd.f32 v4, v8  }
0x2db: {  	v6 =	vld [tilespmem:s1+$0x105B0];
	[tilespmem:s24+$0x85C0] =	vst v5;
	v3 =	vadd.f32 v3, v9  }
0x2dc: {  	v5 =	vld [tilespmem:s1+$0x105C0];
	[tilespmem:s24+$0x85D0] =	vst v4;
	v2 =	vadd.f32 v2, v12  }
0x2dd: {  	v4 =	vld [tilespmem:s1+$0x105D0];
	[tilespmem:s24+$0x85E0] =	vst v3  }
0x2de: {  	v3 =	vld [tilespmem:s1+$0x105E0];
	[tilespmem:s24+$0x85F0] =	vst v2;
	s24 =	smov.u32 s1  }
0x2df: {  	v2 =	vld [tilespmem:s24+$0x105F0]  }
0x2e0: {  	v8 =	vld [tilespmem:s24+$0x8580]  }
0x2e1: {  	v9 =	vld [tilespmem:s24+$0x8590]  }
.Ltmp15:
0x2e2: {  	v12 =	vld [tilespmem:s24+$0x85A0];
	(pc) =	sbr.rel @p0 .LBB2_33-.Ltmp15, $4  }
0x2e3: {  	v11 =	vld [tilespmem:s24+$0x85B0]  }
0x2e4: {  	v10 =	vld [tilespmem:s24+$0x85C0]  }
0x2e5: {  	v14 =	vadd.f32 v14, v8;
	v8 =	vld [tilespmem:s24+$0x85D0]  }
0x2e6: {  	s26 =	sadd.s32 $0x1000, s26;
	v13 =	vadd.f32 v13, v9;
	v9 =	vld [tilespmem:s24+$0x85E0]  }
0x2e7: {  	[tilespmem:s24+$0x8580] =	vst v14;
	v7 =	vadd.f32 v7, v12;
	v63 =	vld [tilespmem:s24+$0x85F0]  }
0x2e8: {  	[tilespmem:s24+$0x8590] =	vst v13;
	v6 =	vadd.f32 v6, v11  }
0x2e9: {  	s29 =	sadd.s32 $0x1, s29;
	[tilespmem:s24+$0x85A0] =	vst v7;
	v5 =	vadd.f32 v5, v10  }
0x2ea: {  	p0 =	sne.s32 s29, $0x20;
	[tilespmem:s24+$0x85B0] =	vst v6;
	v4 =	vadd.f32 v4, v8  }
.Ltmp16:
0x2eb: {  	[tilespmem:s24+$0x85C0] =	vst v5;
	v3 =	vadd.f32 v3, v9;
	(pc) =	sbr.rel @p0 .LBB2_2-.Ltmp16, $4  }
0x2ec: {  	[tilespmem:s24+$0x85D0] =	vst v4;
	v2 =	vadd.f32 v2, v63  }
0x2ed: {  	[tilespmem:s24+$0x85E0] =	vst v3  }
0x2ee: {  	s1 =	sadd.s32 s4, s30;
	[tilespmem:s24+$0x85F0] =	vst v2  }
0x2ef: {  	[hbm4b:s1+s5] =	stream.linear.scatter [tilespmem:s23], [sflag:$0x4], $0x8000, $0x38;
	[tilespmem:$0x18200] =	vst v63  }
0x2f0: {  	s1 =	simm.s32 $0x3  }
0x2f1: {  	_ =	swait.ge [sflag:s1], $0x8000  }
0x2f2: {  	[sflag:s1] =	ssyncset.done $0x0  }
0x2f3: {  	s24 =	simm.s32 $0x4;
	[sflag:s1] =	ssyncadd.s32 $0xFFFF8000  }
0x2f4: {  	_ =	swait.ge [sflag:s24], $0x8000  }
0x2f5: {  	s26 =	rddreg [dreg:$0x7]  }
0x2f6: {  	s31 =	rddreg [dreg:$0x6];
	s26 =	sadd.s32 $0x1, s26  }
0x2f7: {  	p0 =	sne.s32 s26, s31  }
.Ltmp17:
0x2f8: {  	_ = 	snop;
	(pc) =	sbr.rel @p0 .LBB2_1-.Ltmp17, $3  }
0x2f9: {  	_ =	sdelay $0x1  }
0x2fa: {  	[sflag:s24] =	ssyncset.done $0x0  }
0x2fb: {  	[sflag:s24] =	ssyncadd.s32 $0xFFFF8000  }
0x2fc: {  	_ =	sfence.sel $0x180000  }
0x2fd: {  	[bflag:$0x0] =	sbarrier.arrive $0xFFFF  }
0x2fe: {  	_ =	strace $0x90000047  }
0x2ff: {  	s0 =	stileid.u32;
	[bflag:$0x2] =	sbarrier.arrive $0xFFFF  }
0x300: {  	p0 =	sne.s32 s0, $0x0;
	s0 =	rddreg [dreg:$0x4]  }
0x301: {  	s0 =	sadd.s32 @!p0 $0x100000, s0  }
0x302: {  	[sflag:s0] =	ssyncadd.tile.s32 @!p0 $0x1;
	_ =	shalt  }
.Lfunc_end2:
_tile_overlayer_lowered:
.L_overlay_start_2:
0x303: {  	(tag) =	ssettag $0x2  }
0x304: {  	s0 =	rddreg [dreg:$0x0];
	s2 =	stileid.u32  }
0x305: {  	s1 =	rddreg [dreg:$0x1];
	p0 =	sne.s32 s2, $0x0  }
0x306: {  	s3 =	rddreg [dreg:$0x2];
	[bflag:$0x3] =	sbarrier.arrive $0xFFFF;
	s2 =	simm.s32 @!p0 $0x1C05  }
0x307: {  	[timem:s3], [sflag:s2] =	dma.local @!p0 [hbm:s0], s1  }
0x308: {  	s0 =	simm.s32 @!p0 $0x5  }
0x309: {  	_ =	swait.ge @!p0 [sflag:s0], s1  }
0x30a: {  	s1 =	ssub.s32 @!p0 $0x0, s1;
	[sflag:s0] =	ssyncset.done @!p0 $0x0  }
0x30b: {  	[sflag:s0] =	ssyncadd.s32 @!p0 s1  }
0x30c: {  	[bflag:$0x3] =	sbarrier.arrive $0xFFFF  }
0x30d: {  	_ =	shalt  }

</sc_bundles>
